<compile_context>
chip_gen: v7x
topology: tpu7x:2x2x1
jax: 0.10.2.dev20260603
libtpu: 0.0.44.dev20260713+nightly
codegen_flags: <defaults>
</compile_context>

<pallas_src>
import functools

import jax
import jax.numpy as jnp
from jax import lax
from jax.experimental import pallas as pl
from jax.experimental.pallas import tpu as pltpu
from jax.experimental.pallas import tpu_sc as plsc

NC = 2
NS = 16
NW = NC * NS
LANES = 16

D = 8
AUG = 16
SUB = 128
NSUB = 13
CHUNK = SUB * NSUB

S_BLK = 256


def _ceil_to(x, m):
    return (x + m - 1) // m * m


def _vsqrt(x):
    x = jnp.maximum(x, 1e-24)
    i = plsc.bitcast(x, jnp.int32)
    i = jnp.int32(0x5F3759DF) - lax.shift_right_logical(i, 1)
    r = plsc.bitcast(i, jnp.float32)
    r = r * (1.5 - 0.5 * x * r * r)
    r = r * (1.5 - 0.5 * x * r * r)
    r = r * (1.5 - 0.5 * x * r * r)
    return x * r


def _wid():
    return lax.axis_index("s") * NC + lax.axis_index("c")


def _link_kernel_body(e_per_tile, aug_i, aug_j, idx_i, idx_j, out,
                      idx_iv0, idx_jv0, rows_iv0, rows_jv0,
                      idx_iv1, idx_jv1, rows_iv1, rows_jv1,
                      acc_v, sem_i0, sem_j0, sem_i1, sem_j1):
    wid = _wid()
    base_e = wid * e_per_tile
    iota = lax.iota(jnp.int32, LANES)
    n_full = e_per_tile // CHUNK
    tail = e_per_tile - n_full * CHUNK
    tail_subs, off = [], 0
    while off < tail:
        sz = min(SUB, tail - off)
        tail_subs.append((off, sz))
        off += sz
    full_subs = [(k * SUB, SUB) for k in range(NSUB)]
    bufs = ((idx_iv0, idx_jv0, rows_iv0, rows_jv0, sem_i0, sem_j0),
            (idx_iv1, idx_jv1, rows_iv1, rows_jv1, sem_i1, sem_j1))

    def fire(eb, count, subs, buf):
        idx_iv, idx_jv, rows_iv, rows_jv, sem_i, sem_j = bufs[buf]
        pltpu.sync_copy(idx_i.at[pl.ds(eb, count)],
                        idx_iv.at[pl.ds(0, count)])
        pltpu.sync_copy(idx_j.at[pl.ds(eb, count)],
                        idx_jv.at[pl.ds(0, count)])
        cps = []
        for o, sz in subs:
            cps.append(pltpu.async_copy(
                aug_i.at[idx_iv.at[pl.ds(o, sz)]],
                rows_iv.at[pl.ds(o, sz)], sem_i))
            cps.append(pltpu.async_copy(
                aug_j.at[idx_jv.at[pl.ds(o, sz)]],
                rows_jv.at[pl.ds(o, sz)], sem_j))
        return cps

    def compute(n_groups, buf, acc):
        rows_iv, rows_jv = bufs[buf][2], bufs[buf][3]

        def group_body(g, acc):
            r = g * LANES + iota
            sq = []
            for d in range(D):
                col = jnp.full((LANES,), d, jnp.int32)
                a = plsc.load_gather(rows_iv, [r, col])
                b = plsc.load_gather(rows_jv, [r, col])
                diff = a - b + 1e-6
                sq.append(diff * diff)
            d2 = (((sq[0] + sq[1]) + (sq[2] + sq[3]))
                  + ((sq[4] + sq[5]) + (sq[6] + sq[7])))
            colb = jnp.full((LANES,), D, jnp.int32)
            beta_v = plsc.load_gather(rows_iv, [r, colb])
            gamma_v = plsc.load_gather(rows_jv, [r, colb])
            return acc + (beta_v + gamma_v - _vsqrt(d2))

        return lax.fori_loop(0, n_groups, group_body, acc)

    def drain(buf):
        idx_iv, idx_jv, rows_iv, rows_jv, sem_i, sem_j = bufs[buf]
        for o, sz in full_subs:
            pltpu.make_async_copy(
                aug_i.at[idx_iv.at[pl.ds(o, sz)]],
                rows_iv.at[pl.ds(o, sz)], sem_i).wait()
            pltpu.make_async_copy(
                aug_j.at[idx_jv.at[pl.ds(o, sz)]],
                rows_jv.at[pl.ds(o, sz)], sem_j).wait()

    n_pairs = n_full // 2
    fire(base_e, CHUNK, full_subs, 0)

    def outer(t, acc):
        for b in (0, 1):
            c = 2 * t + b

            @pl.when(c + 1 < n_full)
            def _():
                fire(base_e + (c + 1) * CHUNK, CHUNK, full_subs, 1 - b)

            drain(b)
            acc = compute(CHUNK // LANES, b, acc)
        return acc

    acc = lax.fori_loop(0, n_pairs, outer, jnp.zeros((LANES,), jnp.float32))
    if tail:
        for cp in fire(base_e + n_full * CHUNK, tail, tail_subs, 0):
            cp.wait()
        acc = compute(tail // LANES, 0, acc)
    acc_v[...] = acc
    pltpu.sync_copy(acc_v, out.at[wid])


def _sample_kernel_body(s_per_tile, aug_i, aug_j, idx_i, idx_j, out_i, out_j,
                        idx_v, rows_v, sem):
    wid = _wid()
    base = wid * s_per_tile
    pltpu.sync_copy(idx_i.at[pl.ds(base, s_per_tile)], idx_v)
    pltpu.async_copy(aug_i.at[idx_v], rows_v, sem).wait()
    pltpu.sync_copy(rows_v, out_i.at[pl.ds(base, s_per_tile)])
    pltpu.sync_copy(idx_j.at[pl.ds(base, s_per_tile)], idx_v)
    pltpu.async_copy(aug_j.at[idx_v], rows_v, sem).wait()
    pltpu.sync_copy(rows_v, out_j.at[pl.ds(base, s_per_tile)])


def _dense_body(s_i, s_j, a_ref, b_ref, o_ref):
    i = pl.program_id(0)
    a = a_ref[...]
    b = b_ref[...]
    az = a[:, :D] + 1e-6
    bz = b[:, :D]
    a2 = jnp.sum(az * az, axis=1, keepdims=True)
    b2 = jnp.sum(bz * bz, axis=1)[None, :]
    cross = lax.dot_general(az, bz, (((1,), (1,)), ((), ())),
                            preferred_element_type=jnp.float32)
    d2 = jnp.maximum(a2 + b2 - 2.0 * cross, 0.0)
    lam = a[:, D][:, None] + b[:, D][None, :] - jnp.sqrt(d2)
    n_pad = b.shape[0]
    rows = i * S_BLK + lax.broadcasted_iota(jnp.int32, (S_BLK, n_pad), 0)
    cols = lax.broadcasted_iota(jnp.int32, (S_BLK, n_pad), 1)
    val = jnp.sum(jnp.where((rows < s_i) & (cols < s_j), jnp.exp(lam), 0.0))

    @pl.when(i == 0)
    def _():
        o_ref[...] = jnp.zeros((1, 1), jnp.float32)

    o_ref[...] = o_ref[...] + val


def kernel(beta, gamma, latent_zi, latent_zj, sample_i_idx, sample_j_idx,
           sparse_i_sample, sparse_j_sample):
    n_i, d = latent_zi.shape
    n_j, _ = latent_zj.shape
    s_i = sample_i_idx.shape[0]
    s_j = sample_j_idx.shape[0]
    e = sparse_i_sample.shape[0]
    f32 = jnp.float32

    aug_i = jnp.concatenate(
        [latent_zi, beta[:, None], jnp.zeros((n_i, AUG - d - 1), f32)], axis=1)
    aug_j = jnp.concatenate(
        [latent_zj, gamma[:, None], jnp.zeros((n_j, AUG - d - 1), f32)], axis=1)

    e_per_tile = e // NW

    sc_params = pltpu.CompilerParams(use_tc_tiling_on_sc=False,
                                     needs_layout_passes=False)
    mesh = plsc.VectorSubcoreMesh(core_axis_name="c", subcore_axis_name="s",
                                  num_cores=NC, num_subcores=NS)
    link_fn = pl.kernel(
        functools.partial(_link_kernel_body, e_per_tile),
        out_type=jax.ShapeDtypeStruct((NW, LANES), f32),
        mesh=mesh,
        compiler_params=sc_params,
        scratch_types=[
            pltpu.VMEM((CHUNK,), jnp.int32),
            pltpu.VMEM((CHUNK,), jnp.int32),
            pltpu.VMEM((CHUNK, AUG), f32),
            pltpu.VMEM((CHUNK, AUG), f32),
            pltpu.VMEM((CHUNK,), jnp.int32),
            pltpu.VMEM((CHUNK,), jnp.int32),
            pltpu.VMEM((CHUNK, AUG), f32),
            pltpu.VMEM((CHUNK, AUG), f32),
            pltpu.VMEM((LANES,), f32),
            pltpu.SemaphoreType.DMA,
            pltpu.SemaphoreType.DMA,
            pltpu.SemaphoreType.DMA,
            pltpu.SemaphoreType.DMA,
        ],
    )
    s_pad = _ceil_to(max(s_i, s_j), NW * 8)
    s_per_tile = s_pad // NW
    sidx_i = jnp.pad(sample_i_idx.astype(jnp.int32), (0, s_pad - s_i))
    sidx_j = jnp.pad(sample_j_idx.astype(jnp.int32), (0, s_pad - s_j))
    sample_fn = pl.kernel(
        functools.partial(_sample_kernel_body, s_per_tile),
        out_type=(jax.ShapeDtypeStruct((s_pad, AUG), f32),
                  jax.ShapeDtypeStruct((s_pad, AUG), f32)),
        mesh=plsc.VectorSubcoreMesh(core_axis_name="c", subcore_axis_name="s",
                                    num_cores=NC, num_subcores=NS),
        compiler_params=sc_params,
        scratch_types=[
            pltpu.VMEM((s_per_tile,), jnp.int32),
            pltpu.VMEM((s_per_tile, AUG), f32),
            pltpu.SemaphoreType.DMA,
        ],
    )
    rows_i_s, rows_j_s = sample_fn(aug_i, aug_j, sidx_i, sidx_j)

    link_partials = link_fn(aug_i, aug_j, sparse_i_sample, sparse_j_sample)

    exp_sum = pl.pallas_call(
        functools.partial(_dense_body, s_i, s_j),
        grid=(s_pad // S_BLK,),
        in_specs=[
            pl.BlockSpec((S_BLK, AUG), lambda i: (i, 0)),
            pl.BlockSpec((s_pad, AUG), lambda i: (0, 0)),
        ],
        out_specs=pl.BlockSpec((1, 1), lambda i: (0, 0)),
        out_shape=jax.ShapeDtypeStruct((1, 1), f32),
    )(rows_i_s, rows_j_s)

    return jnp.sum(link_partials) - exp_sum[0, 0]

# --- scband reference (transcript-rebuilt; emitter-appended) ---
"""Pipeline reference for scband-lsm-30176440221725 (READ-ONLY COPY).

The authoritative reference and input builder live on the scoring server;
editing this copy changes nothing except your own understanding.
"""

import jax, jax.numpy as jnp
import numpy as np

N_I = 100000
N_J = 100000
D = 8
S_I = 3000
S_J = 3000
E = 1600000


def setup_inputs(seed: int = 0) -> dict:
    key = jax.random.key(seed)
    ks = jax.random.split(key, 8)
    return {
        "beta": jax.random.normal(ks[0], (N_I,), dtype=jnp.float32),
        "gamma": jax.random.normal(ks[1], (N_J,), dtype=jnp.float32),
        "latent_zi": jax.random.normal(ks[2], (N_I, D), dtype=jnp.float32),
        "latent_zj": jax.random.normal(ks[3], (N_J, D), dtype=jnp.float32),
        "sample_i_idx": jax.random.randint(ks[4], (S_I,), 0, N_I, dtype=jnp.int64 if jax.config.jax_enable_x64 else jnp.int32),
        "sample_j_idx": jax.random.randint(ks[5], (S_J,), 0, N_J, dtype=jnp.int64 if jax.config.jax_enable_x64 else jnp.int32),
        "sparse_i_sample": jax.random.randint(ks[6], (E,), 0, N_I, dtype=jnp.int64 if jax.config.jax_enable_x64 else jnp.int32),
        "sparse_j_sample": jax.random.randint(ks[7], (E,), 0, N_J, dtype=jnp.int64 if jax.config.jax_enable_x64 else jnp.int32),
    }


def reference(beta, gamma, latent_zi, latent_zj, sample_i_idx, sample_j_idx, sparse_i_sample, sparse_j_sample):
    # Case-control (non-link / all-pairs within sampled block) term
    zi = jnp.take(latent_zi, sample_i_idx, axis=0)          # [S_I, D]
    zj = jnp.take(latent_zj, sample_j_idx, axis=0)          # [S_J, D]
    z_dist = ((zi[:, None, :] - zj[None, :, :] + 1e-06) ** 2).sum(-1) ** 0.5  # [S_I, S_J]
    bias_matrix = jnp.take(beta, sample_i_idx)[:, None] + jnp.take(gamma, sample_j_idx)[None, :]
    Lambda = bias_matrix - z_dist
    # Link term over sampled edges
    zi_l = jnp.take(latent_zi, sparse_i_sample, axis=0)     # [E, D]
    zj_l = jnp.take(latent_zj, sparse_j_sample, axis=0)     # [E, D]
    z_dist_links = ((zi_l - zj_l + 1e-06) ** 2).sum(-1) ** 0.5
    bias_links = jnp.take(beta, sparse_i_sample) + jnp.take(gamma, sparse_j_sample)
    Lambda_links = bias_links - z_dist_links
    LL = Lambda_links.sum() - jnp.sum(jnp.exp(Lambda))
    return LL

if __name__ == "__main__":
    import jax
    _d = setup_inputs()
    print(jax.jit(kernel)(*tuple(_d.values())))

</pallas_src>

<mosaic_0001>
#map = affine_map<(d0, d1) -> (0, 0)>
#map1 = affine_map<(d0, d1) -> (0)>
module attributes {stable_mosaic.version = 14 : i64} {
  func.func @_sample_kernel_body(%arg0: i32, %arg1: i32, %arg2: memref<100000x16xf32, #tpu.memory_space<hbm>>, %arg3: memref<100000x16xf32, #tpu.memory_space<hbm>>, %arg4: memref<3072xi32, #tpu.memory_space<hbm>>, %arg5: memref<3072xi32, #tpu.memory_space<hbm>>, %arg6: memref<3072x16xf32, #tpu.memory_space<hbm>>, %arg7: memref<3072x16xf32, #tpu.memory_space<hbm>>, %arg8: memref<96xi32, #tpu.memory_space<vmem>>, %arg9: memref<96x16xf32, #tpu.memory_space<vmem>>, %arg10: memref<!tpu.dma_semaphore, #tpu.memory_space<semaphore_mem>>) attributes {dimension_semantics = [#tpu.dimension_semantics<core_parallel>, #tpu.dimension_semantics<subcore_parallel>], iteration_bounds = array<i64: 2, 16>, scalar_prefetch = 0 : i64, scratch_operands = 3 : i64, tpu.core_type = #tpu.core_type<sc_vector_subcore>, window_params = [{transform_indices = #map}, {transform_indices = #map}, {transform_indices = #map1}, {transform_indices = #map1}, {transform_indices = #map}, {transform_indices = #map}]} {
    %mul3A = arith.constant 2 : i32
    %mul3A_0 = arith.muli %arg1, %mul3A : i32
    %add3A = arith.addi %mul3A_0, %arg0 : i32
    %mul3A_1 = arith.constant 96 : i32
    %mul3A_2 = arith.muli %add3A, %mul3A_1 : i32
    "tpu.region"() ({
      %run_scoped3A = tpu.sem_alloc : memref<!tpu.dma_semaphore, #tpu.memory_space<semaphore_mem>>
      %dma_start3A_13 = tpu.memref_slice %arg4[%mul3A_2] : memref<3072xi32, #tpu.memory_space<hbm>> -> memref<96xi32, #tpu.memory_space<hbm>>
      %dma_start3A_14 = tpu.memref_slice %arg4[%mul3A_2] : memref<3072xi32, #tpu.memory_space<hbm>> -> memref<96xi32, #tpu.memory_space<hbm>>
      tpu.enqueue_dma source(%dma_start3A_14 : memref<96xi32, #tpu.memory_space<hbm>>) target(%arg8 : memref<96xi32, #tpu.memory_space<vmem>>) target_semaphore(%run_scoped3A : memref<!tpu.dma_semaphore, #tpu.memory_space<semaphore_mem>>)
      %dma_wait3A_15 = tpu.memref_slice %arg4[%mul3A_2] : memref<3072xi32, #tpu.memory_space<hbm>> -> memref<96xi32, #tpu.memory_space<hbm>>
      %dma_wait3A_16 = tpu.memref_slice %arg4[%mul3A_2] : memref<3072xi32, #tpu.memory_space<hbm>> -> memref<96xi32, #tpu.memory_space<hbm>>
      tpu.wait_dma2 semaphore(%run_scoped3A : memref<!tpu.dma_semaphore, #tpu.memory_space<semaphore_mem>>) src(%dma_wait3A_16 : memref<96xi32, #tpu.memory_space<hbm>>) dst(%arg8 : memref<96xi32, #tpu.memory_space<vmem>>)
      tpu.yield
    }) : () -> ()
    %dma_start3A = arith.constant 0 : i32
    %dma_start3A_3 = arith.constant 0 : i32
    %dma_start3A_4 = tpu.memref_slice %arg2[%dma_start3A, %dma_start3A_3] : memref<100000x16xf32, #tpu.memory_space<hbm>> -> memref<100000x16xf32, #tpu.memory_space<hbm>>
    tpu.enqueue_indirect_dma source(%dma_start3A_4 : memref<100000x16xf32, #tpu.memory_space<hbm>>) target(%arg9 : memref<96x16xf32, #tpu.memory_space<vmem>>) offsets(%arg8 : memref<96xi32, #tpu.memory_space<vmem>>) semaphore(%arg10 : memref<!tpu.dma_semaphore, #tpu.memory_space<semaphore_mem>>)
    %dma_wait3A = arith.constant 0 : i32
    %dma_wait3A_5 = arith.constant 0 : i32
    %dma_wait3A_6 = tpu.memref_slice %arg2[%dma_wait3A, %dma_wait3A_5] : memref<100000x16xf32, #tpu.memory_space<hbm>> -> memref<100000x16xf32, #tpu.memory_space<hbm>>
    tpu.wait_indirect_dma semaphore(%arg10 : memref<!tpu.dma_semaphore, #tpu.memory_space<semaphore_mem>>) src(%dma_wait3A_6 : memref<100000x16xf32, #tpu.memory_space<hbm>>) dst(%arg9 : memref<96x16xf32, #tpu.memory_space<vmem>>)
    "tpu.region"() ({
      %run_scoped3A = tpu.sem_alloc : memref<!tpu.dma_semaphore, #tpu.memory_space<semaphore_mem>>
      %dma_start3A_13 = arith.constant 0 : i32
      %dma_start3A_14 = tpu.memref_slice %arg6[%mul3A_2, %dma_start3A_13] : memref<3072x16xf32, #tpu.memory_space<hbm>> -> memref<96x16xf32, #tpu.memory_space<hbm>>
      %dma_start3A_15 = arith.constant 0 : i32
      %dma_start3A_16 = tpu.memref_slice %arg6[%mul3A_2, %dma_start3A_15] : memref<3072x16xf32, #tpu.memory_space<hbm>> -> memref<96x16xf32, #tpu.memory_space<hbm>>
      tpu.enqueue_dma source(%arg9 : memref<96x16xf32, #tpu.memory_space<vmem>>) target(%dma_start3A_16 : memref<96x16xf32, #tpu.memory_space<hbm>>) target_semaphore(%run_scoped3A : memref<!tpu.dma_semaphore, #tpu.memory_space<semaphore_mem>>)
      %dma_wait3A_17 = arith.constant 0 : i32
      %dma_wait3A_18 = tpu.memref_slice %arg6[%mul3A_2, %dma_wait3A_17] : memref<3072x16xf32, #tpu.memory_space<hbm>> -> memref<96x16xf32, #tpu.memory_space<hbm>>
      %dma_wait3A_19 = arith.constant 0 : i32
      %dma_wait3A_20 = tpu.memref_slice %arg6[%mul3A_2, %dma_wait3A_19] : memref<3072x16xf32, #tpu.memory_space<hbm>> -> memref<96x16xf32, #tpu.memory_space<hbm>>
      tpu.wait_dma2 semaphore(%run_scoped3A : memref<!tpu.dma_semaphore, #tpu.memory_space<semaphore_mem>>) src(%arg9 : memref<96x16xf32, #tpu.memory_space<vmem>>) dst(%dma_wait3A_20 : memref<96x16xf32, #tpu.memory_space<hbm>>)
      tpu.yield
    }) : () -> ()
    "tpu.region"() ({
      %run_scoped3A = tpu.sem_alloc : memref<!tpu.dma_semaphore, #tpu.memory_space<semaphore_mem>>
      %dma_start3A_13 = tpu.memref_slice %arg5[%mul3A_2] : memref<3072xi32, #tpu.memory_space<hbm>> -> memref<96xi32, #tpu.memory_space<hbm>>
      %dma_start3A_14 = tpu.memref_slice %arg5[%mul3A_2] : memref<3072xi32, #tpu.memory_space<hbm>> -> memref<96xi32, #tpu.memory_space<hbm>>
      tpu.enqueue_dma source(%dma_start3A_14 : memref<96xi32, #tpu.memory_space<hbm>>) target(%arg8 : memref<96xi32, #tpu.memory_space<vmem>>) target_semaphore(%run_scoped3A : memref<!tpu.dma_semaphore, #tpu.memory_space<semaphore_mem>>)
      %dma_wait3A_15 = tpu.memref_slice %arg5[%mul3A_2] : memref<3072xi32, #tpu.memory_space<hbm>> -> memref<96xi32, #tpu.memory_space<hbm>>
      %dma_wait3A_16 = tpu.memref_slice %arg5[%mul3A_2] : memref<3072xi32, #tpu.memory_space<hbm>> -> memref<96xi32, #tpu.memory_space<hbm>>
      tpu.wait_dma2 semaphore(%run_scoped3A : memref<!tpu.dma_semaphore, #tpu.memory_space<semaphore_mem>>) src(%dma_wait3A_16 : memref<96xi32, #tpu.memory_space<hbm>>) dst(%arg8 : memref<96xi32, #tpu.memory_space<vmem>>)
      tpu.yield
    }) : () -> ()
    %dma_start3A_7 = arith.constant 0 : i32
    %dma_start3A_8 = arith.constant 0 : i32
    %dma_start3A_9 = tpu.memref_slice %arg3[%dma_start3A_7, %dma_start3A_8] : memref<100000x16xf32, #tpu.memory_space<hbm>> -> memref<100000x16xf32, #tpu.memory_space<hbm>>
    tpu.enqueue_indirect_dma source(%dma_start3A_9 : memref<100000x16xf32, #tpu.memory_space<hbm>>) target(%arg9 : memref<96x16xf32, #tpu.memory_space<vmem>>) offsets(%arg8 : memref<96xi32, #tpu.memory_space<vmem>>) semaphore(%arg10 : memref<!tpu.dma_semaphore, #tpu.memory_space<semaphore_mem>>)
    %dma_wait3A_10 = arith.constant 0 : i32
    %dma_wait3A_11 = arith.constant 0 : i32
    %dma_wait3A_12 = tpu.memref_slice %arg3[%dma_wait3A_10, %dma_wait3A_11] : memref<100000x16xf32, #tpu.memory_space<hbm>> -> memref<100000x16xf32, #tpu.memory_space<hbm>>
    tpu.wait_indirect_dma semaphore(%arg10 : memref<!tpu.dma_semaphore, #tpu.memory_space<semaphore_mem>>) src(%dma_wait3A_12 : memref<100000x16xf32, #tpu.memory_space<hbm>>) dst(%arg9 : memref<96x16xf32, #tpu.memory_space<vmem>>)
    "tpu.region"() ({
      %run_scoped3A = tpu.sem_alloc : memref<!tpu.dma_semaphore, #tpu.memory_space<semaphore_mem>>
      %dma_start3A_13 = arith.constant 0 : i32
      %dma_start3A_14 = tpu.memref_slice %arg7[%mul3A_2, %dma_start3A_13] : memref<3072x16xf32, #tpu.memory_space<hbm>> -> memref<96x16xf32, #tpu.memory_space<hbm>>
      %dma_start3A_15 = arith.constant 0 : i32
      %dma_start3A_16 = tpu.memref_slice %arg7[%mul3A_2, %dma_start3A_15] : memref<3072x16xf32, #tpu.memory_space<hbm>> -> memref<96x16xf32, #tpu.memory_space<hbm>>
      tpu.enqueue_dma source(%arg9 : memref<96x16xf32, #tpu.memory_space<vmem>>) target(%dma_start3A_16 : memref<96x16xf32, #tpu.memory_space<hbm>>) target_semaphore(%run_scoped3A : memref<!tpu.dma_semaphore, #tpu.memory_space<semaphore_mem>>)
      %dma_wait3A_17 = arith.constant 0 : i32
      %dma_wait3A_18 = tpu.memref_slice %arg7[%mul3A_2, %dma_wait3A_17] : memref<3072x16xf32, #tpu.memory_space<hbm>> -> memref<96x16xf32, #tpu.memory_space<hbm>>
      %dma_wait3A_19 = arith.constant 0 : i32
      %dma_wait3A_20 = tpu.memref_slice %arg7[%mul3A_2, %dma_wait3A_19] : memref<3072x16xf32, #tpu.memory_space<hbm>> -> memref<96x16xf32, #tpu.memory_space<hbm>>
      tpu.wait_dma2 semaphore(%run_scoped3A : memref<!tpu.dma_semaphore, #tpu.memory_space<semaphore_mem>>) src(%arg9 : memref<96x16xf32, #tpu.memory_space<vmem>>) dst(%dma_wait3A_20 : memref<96x16xf32, #tpu.memory_space<hbm>>)
      tpu.yield
    }) : () -> ()
    return
  }
}

#map = affine_map<(d0, d1) -> (0, 0)>
#map1 = affine_map<(d0, d1) -> (0)>
module attributes {stable_mosaic.version = 14 : i64} {
  func.func @_link_kernel_body(%arg0: i32, %arg1: i32, %arg2: memref<100000x16xf32, #tpu.memory_space<hbm>>, %arg3: memref<100000x16xf32, #tpu.memory_space<hbm>>, %arg4: memref<1600000xi32, #tpu.memory_space<hbm>>, %arg5: memref<1600000xi32, #tpu.memory_space<hbm>>, %arg6: memref<32x16xf32, #tpu.memory_space<hbm>>, %arg7: memref<1664xi32, #tpu.memory_space<vmem>>, %arg8: memref<1664xi32, #tpu.memory_space<vmem>>, %arg9: memref<1664x16xf32, #tpu.memory_space<vmem>>, %arg10: memref<1664x16xf32, #tpu.memory_space<vmem>>, %arg11: memref<1664xi32, #tpu.memory_space<vmem>>, %arg12: memref<1664xi32, #tpu.memory_space<vmem>>, %arg13: memref<1664x16xf32, #tpu.memory_space<vmem>>, %arg14: memref<1664x16xf32, #tpu.memory_space<vmem>>, %arg15: memref<16xf32, #tpu.memory_space<vmem>>, %arg16: memref<!tpu.dma_semaphore, #tpu.memory_space<semaphore_mem>>, %arg17: memref<!tpu.dma_semaphore, #tpu.memory_space<semaphore_mem>>, %arg18: memref<!tpu.dma_semaphore, #tpu.memory_space<semaphore_mem>>, %arg19: memref<!tpu.dma_semaphore, #tpu.memory_space<semaphore_mem>>) attributes {dimension_semantics = [#tpu.dimension_semantics<core_parallel>, #tpu.dimension_semantics<subcore_parallel>], iteration_bounds = array<i64: 2, 16>, scalar_prefetch = 0 : i64, scratch_operands = 13 : i64, tpu.core_type = #tpu.core_type<sc_vector_subcore>, window_params = [{transform_indices = #map}, {transform_indices = #map}, {transform_indices = #map1}, {transform_indices = #map1}, {transform_indices = #map}]} {
    %mul3A = arith.constant 2 : i32
    %mul3A_0 = arith.muli %arg1, %mul3A : i32
    %add3A = arith.addi %mul3A_0, %arg0 : i32
    %mul3A_1 = arith.constant 50000 : i32
    %mul3A_2 = arith.muli %add3A, %mul3A_1 : i32
    %iota3A = tpu.iota {dimensions = array<i32: 0>} : vector<16xi32>
    "tpu.region"() ({
      %run_scoped3A = tpu.sem_alloc : memref<!tpu.dma_semaphore, #tpu.memory_space<semaphore_mem>>
      %dma_start3A_256 = arith.constant 0 : i32
      %dma_start3A_257 = tpu.memref_slice %arg7[%dma_start3A_256] : memref<1664xi32, #tpu.memory_space<vmem>> -> memref<1664xi32, #tpu.memory_space<vmem>>
      %dma_start3A_258 = tpu.memref_slice %arg4[%mul3A_2] : memref<1600000xi32, #tpu.memory_space<hbm>> -> memref<1664xi32, #tpu.memory_space<hbm>>
      %dma_start3A_259 = arith.constant 0 : i32
      %dma_start3A_260 = tpu.memref_slice %arg7[%dma_start3A_259] : memref<1664xi32, #tpu.memory_space<vmem>> -> memref<1664xi32, #tpu.memory_space<vmem>>
      %dma_start3A_261 = tpu.memref_slice %arg4[%mul3A_2] : memref<1600000xi32, #tpu.memory_space<hbm>> -> memref<1664xi32, #tpu.memory_space<hbm>>
      tpu.enqueue_dma source(%dma_start3A_261 : memref<1664xi32, #tpu.memory_space<hbm>>) target(%dma_start3A_260 : memref<1664xi32, #tpu.memory_space<vmem>>) target_semaphore(%run_scoped3A : memref<!tpu.dma_semaphore, #tpu.memory_space<semaphore_mem>>)
      %dma_wait3A_262 = arith.constant 0 : i32
      %dma_wait3A_263 = tpu.memref_slice %arg7[%dma_wait3A_262] : memref<1664xi32, #tpu.memory_space<vmem>> -> memref<1664xi32, #tpu.memory_space<vmem>>
      %dma_wait3A_264 = tpu.memref_slice %arg4[%mul3A_2] : memref<1600000xi32, #tpu.memory_space<hbm>> -> memref<1664xi32, #tpu.memory_space<hbm>>
      %dma_wait3A_265 = arith.constant 0 : i32
      %dma_wait3A_266 = tpu.memref_slice %arg7[%dma_wait3A_265] : memref<1664xi32, #tpu.memory_space<vmem>> -> memref<1664xi32, #tpu.memory_space<vmem>>
      %dma_wait3A_267 = tpu.memref_slice %arg4[%mul3A_2] : memref<1600000xi32, #tpu.memory_space<hbm>> -> memref<1664xi32, #tpu.memory_space<hbm>>
      tpu.wait_dma2 semaphore(%run_scoped3A : memref<!tpu.dma_semaphore, #tpu.memory_space<semaphore_mem>>) src(%dma_wait3A_267 : memref<1664xi32, #tpu.memory_space<hbm>>) dst(%dma_wait3A_266 : memref<1664xi32, #tpu.memory_space<vmem>>)
      tpu.yield
    }) : () -> ()
    "tpu.region"() ({
      %run_scoped3A = tpu.sem_alloc : memref<!tpu.dma_semaphore, #tpu.memory_space<semaphore_mem>>
      %dma_start3A_256 = arith.constant 0 : i32
      %dma_start3A_257 = tpu.memref_slice %arg8[%dma_start3A_256] : memref<1664xi32, #tpu.memory_space<vmem>> -> memref<1664xi32, #tpu.memory_space<vmem>>
      %dma_start3A_258 = tpu.memref_slice %arg5[%mul3A_2] : memref<1600000xi32, #tpu.memory_space<hbm>> -> memref<1664xi32, #tpu.memory_space<hbm>>
      %dma_start3A_259 = arith.constant 0 : i32
      %dma_start3A_260 = tpu.memref_slice %arg8[%dma_start3A_259] : memref<1664xi32, #tpu.memory_space<vmem>> -> memref<1664xi32, #tpu.memory_space<vmem>>
      %dma_start3A_261 = tpu.memref_slice %arg5[%mul3A_2] : memref<1600000xi32, #tpu.memory_space<hbm>> -> memref<1664xi32, #tpu.memory_space<hbm>>
      tpu.enqueue_dma source(%dma_start3A_261 : memref<1664xi32, #tpu.memory_space<hbm>>) target(%dma_start3A_260 : memref<1664xi32, #tpu.memory_space<vmem>>) target_semaphore(%run_scoped3A : memref<!tpu.dma_semaphore, #tpu.memory_space<semaphore_mem>>)
      %dma_wait3A_262 = arith.constant 0 : i32
      %dma_wait3A_263 = tpu.memref_slice %arg8[%dma_wait3A_262] : memref<1664xi32, #tpu.memory_space<vmem>> -> memref<1664xi32, #tpu.memory_space<vmem>>
      %dma_wait3A_264 = tpu.memref_slice %arg5[%mul3A_2] : memref<1600000xi32, #tpu.memory_space<hbm>> -> memref<1664xi32, #tpu.memory_space<hbm>>
      %dma_wait3A_265 = arith.constant 0 : i32
      %dma_wait3A_266 = tpu.memref_slice %arg8[%dma_wait3A_265] : memref<1664xi32, #tpu.memory_space<vmem>> -> memref<1664xi32, #tpu.memory_space<vmem>>
      %dma_wait3A_267 = tpu.memref_slice %arg5[%mul3A_2] : memref<1600000xi32, #tpu.memory_space<hbm>> -> memref<1664xi32, #tpu.memory_space<hbm>>
      tpu.wait_dma2 semaphore(%run_scoped3A : memref<!tpu.dma_semaphore, #tpu.memory_space<semaphore_mem>>) src(%dma_wait3A_267 : memref<1664xi32, #tpu.memory_space<hbm>>) dst(%dma_wait3A_266 : memref<1664xi32, #tpu.memory_space<vmem>>)
      tpu.yield
    }) : () -> ()
    %dma_start3A = arith.constant 0 : i32
    %dma_start3A_3 = arith.constant 0 : i32
    %dma_start3A_4 = tpu.memref_slice %arg9[%dma_start3A, %dma_start3A_3] : memref<1664x16xf32, #tpu.memory_space<vmem>> -> memref<128x16xf32, #tpu.memory_space<vmem>>
    %dma_start3A_5 = arith.constant 0 : i32
    %dma_start3A_6 = tpu.memref_slice %arg7[%dma_start3A_5] : memref<1664xi32, #tpu.memory_space<vmem>> -> memref<128xi32, #tpu.memory_space<vmem>>
    %dma_start3A_7 = arith.constant 0 : i32
    %dma_start3A_8 = arith.constant 0 : i32
    %dma_start3A_9 = tpu.memref_slice %arg2[%dma_start3A_7, %dma_start3A_8] : memref<100000x16xf32, #tpu.memory_space<hbm>> -> memref<100000x16xf32, #tpu.memory_space<hbm>>
    tpu.enqueue_indirect_dma source(%dma_start3A_9 : memref<100000x16xf32, #tpu.memory_space<hbm>>) target(%dma_start3A_4 : memref<128x16xf32, #tpu.memory_space<vmem>>) offsets(%dma_start3A_6 : memref<128xi32, #tpu.memory_space<vmem>>) semaphore(%arg16 : memref<!tpu.dma_semaphore, #tpu.memory_space<semaphore_mem>>)
    %dma_start3A_10 = arith.constant 0 : i32
    %dma_start3A_11 = arith.constant 0 : i32
    %dma_start3A_12 = tpu.memref_slice %arg10[%dma_start3A_10, %dma_start3A_11] : memref<1664x16xf32, #tpu.memory_space<vmem>> -> memref<128x16xf32, #tpu.memory_space<vmem>>
    %dma_start3A_13 = arith.constant 0 : i32
    %dma_start3A_14 = tpu.memref_slice %arg8[%dma_start3A_13] : memref<1664xi32, #tpu.memory_space<vmem>> -> memref<128xi32, #tpu.memory_space<vmem>>
    %dma_start3A_15 = arith.constant 0 : i32
    %dma_start3A_16 = arith.constant 0 : i32
    %dma_start3A_17 = tpu.memref_slice %arg3[%dma_start3A_15, %dma_start3A_16] : memref<100000x16xf32, #tpu.memory_space<hbm>> -> memref<100000x16xf32, #tpu.memory_space<hbm>>
    tpu.enqueue_indirect_dma source(%dma_start3A_17 : memref<100000x16xf32, #tpu.memory_space<hbm>>) target(%dma_start3A_12 : memref<128x16xf32, #tpu.memory_space<vmem>>) offsets(%dma_start3A_14 : memref<128xi32, #tpu.memory_space<vmem>>) semaphore(%arg17 : memref<!tpu.dma_semaphore, #tpu.memory_space<semaphore_mem>>)
    %dma_start3A_18 = arith.constant 128 : i32
    %dma_start3A_19 = arith.constant 0 : i32
    %dma_start3A_20 = tpu.memref_slice %arg9[%dma_start3A_18, %dma_start3A_19] : memref<1664x16xf32, #tpu.memory_space<vmem>> -> memref<128x16xf32, #tpu.memory_space<vmem>>
    %dma_start3A_21 = arith.constant 128 : i32
    %dma_start3A_22 = tpu.memref_slice %arg7[%dma_start3A_21] : memref<1664xi32, #tpu.memory_space<vmem>> -> memref<128xi32, #tpu.memory_space<vmem>>
    %dma_start3A_23 = arith.constant 0 : i32
    %dma_start3A_24 = arith.constant 0 : i32
    %dma_start3A_25 = tpu.memref_slice %arg2[%dma_start3A_23, %dma_start3A_24] : memref<100000x16xf32, #tpu.memory_space<hbm>> -> memref<100000x16xf32, #tpu.memory_space<hbm>>
    tpu.enqueue_indirect_dma source(%dma_start3A_25 : memref<100000x16xf32, #tpu.memory_space<hbm>>) target(%dma_start3A_20 : memref<128x16xf32, #tpu.memory_space<vmem>>) offsets(%dma_start3A_22 : memref<128xi32, #tpu.memory_space<vmem>>) semaphore(%arg16 : memref<!tpu.dma_semaphore, #tpu.memory_space<semaphore_mem>>)
    %dma_start3A_26 = arith.constant 128 : i32
    %dma_start3A_27 = arith.constant 0 : i32
    %dma_start3A_28 = tpu.memref_slice %arg10[%dma_start3A_26, %dma_start3A_27] : memref<1664x16xf32, #tpu.memory_space<vmem>> -> memref<128x16xf32, #tpu.memory_space<vmem>>
    %dma_start3A_29 = arith.constant 128 : i32
    %dma_start3A_30 = tpu.memref_slice %arg8[%dma_start3A_29] : memref<1664xi32, #tpu.memory_space<vmem>> -> memref<128xi32, #tpu.memory_space<vmem>>
    %dma_start3A_31 = arith.constant 0 : i32
    %dma_start3A_32 = arith.constant 0 : i32
    %dma_start3A_33 = tpu.memref_slice %arg3[%dma_start3A_31, %dma_start3A_32] : memref<100000x16xf32, #tpu.memory_space<hbm>> -> memref<100000x16xf32, #tpu.memory_space<hbm>>
    tpu.enqueue_indirect_dma source(%dma_start3A_33 : memref<100000x16xf32, #tpu.memory_space<hbm>>) target(%dma_start3A_28 : memref<128x16xf32, #tpu.memory_space<vmem>>) offsets(%dma_start3A_30 : memref<128xi32, #tpu.memory_space<vmem>>) semaphore(%arg17 : memref<!tpu.dma_semaphore, #tpu.memory_space<semaphore_mem>>)
    %dma_start3A_34 = arith.constant 256 : i32
    %dma_start3A_35 = arith.constant 0 : i32
    %dma_start3A_36 = tpu.memref_slice %arg9[%dma_start3A_34, %dma_start3A_35] : memref<1664x16xf32, #tpu.memory_space<vmem>> -> memref<128x16xf32, #tpu.memory_space<vmem>>
    %dma_start3A_37 = arith.constant 256 : i32
    %dma_start3A_38 = tpu.memref_slice %arg7[%dma_start3A_37] : memref<1664xi32, #tpu.memory_space<vmem>> -> memref<128xi32, #tpu.memory_space<vmem>>
    %dma_start3A_39 = arith.constant 0 : i32
    %dma_start3A_40 = arith.constant 0 : i32
    %dma_start3A_41 = tpu.memref_slice %arg2[%dma_start3A_39, %dma_start3A_40] : memref<100000x16xf32, #tpu.memory_space<hbm>> -> memref<100000x16xf32, #tpu.memory_space<hbm>>
    tpu.enqueue_indirect_dma source(%dma_start3A_41 : memref<100000x16xf32, #tpu.memory_space<hbm>>) target(%dma_start3A_36 : memref<128x16xf32, #tpu.memory_space<vmem>>) offsets(%dma_start3A_38 : memref<128xi32, #tpu.memory_space<vmem>>) semaphore(%arg16 : memref<!tpu.dma_semaphore, #tpu.memory_space<semaphore_mem>>)
    %dma_start3A_42 = arith.constant 256 : i32
    %dma_start3A_43 = arith.constant 0 : i32
    %dma_start3A_44 = tpu.memref_slice %arg10[%dma_start3A_42, %dma_start3A_43] : memref<1664x16xf32, #tpu.memory_space<vmem>> -> memref<128x16xf32, #tpu.memory_space<vmem>>
    %dma_start3A_45 = arith.constant 256 : i32
    %dma_start3A_46 = tpu.memref_slice %arg8[%dma_start3A_45] : memref<1664xi32, #tpu.memory_space<vmem>> -> memref<128xi32, #tpu.memory_space<vmem>>
    %dma_start3A_47 = arith.constant 0 : i32
    %dma_start3A_48 = arith.constant 0 : i32
    %dma_start3A_49 = tpu.memref_slice %arg3[%dma_start3A_47, %dma_start3A_48] : memref<100000x16xf32, #tpu.memory_space<hbm>> -> memref<100000x16xf32, #tpu.memory_space<hbm>>
    tpu.enqueue_indirect_dma source(%dma_start3A_49 : memref<100000x16xf32, #tpu.memory_space<hbm>>) target(%dma_start3A_44 : memref<128x16xf32, #tpu.memory_space<vmem>>) offsets(%dma_start3A_46 : memref<128xi32, #tpu.memory_space<vmem>>) semaphore(%arg17 : memref<!tpu.dma_semaphore, #tpu.memory_space<semaphore_mem>>)
    %dma_start3A_50 = arith.constant 384 : i32
    %dma_start3A_51 = arith.constant 0 : i32
    %dma_start3A_52 = tpu.memref_slice %arg9[%dma_start3A_50, %dma_start3A_51] : memref<1664x16xf32, #tpu.memory_space<vmem>> -> memref<128x16xf32, #tpu.memory_space<vmem>>
    %dma_start3A_53 = arith.constant 384 : i32
    %dma_start3A_54 = tpu.memref_slice %arg7[%dma_start3A_53] : memref<1664xi32, #tpu.memory_space<vmem>> -> memref<128xi32, #tpu.memory_space<vmem>>
    %dma_start3A_55 = arith.constant 0 : i32
    %dma_start3A_56 = arith.constant 0 : i32
    %dma_start3A_57 = tpu.memref_slice %arg2[%dma_start3A_55, %dma_start3A_56] : memref<100000x16xf32, #tpu.memory_space<hbm>> -> memref<100000x16xf32, #tpu.memory_space<hbm>>
    tpu.enqueue_indirect_dma source(%dma_start3A_57 : memref<100000x16xf32, #tpu.memory_space<hbm>>) target(%dma_start3A_52 : memref<128x16xf32, #tpu.memory_space<vmem>>) offsets(%dma_start3A_54 : memref<128xi32, #tpu.memory_space<vmem>>) semaphore(%arg16 : memref<!tpu.dma_semaphore, #tpu.memory_space<semaphore_mem>>)
    %dma_start3A_58 = arith.constant 384 : i32
    %dma_start3A_59 = arith.constant 0 : i32
    %dma_start3A_60 = tpu.memref_slice %arg10[%dma_start3A_58, %dma_start3A_59] : memref<1664x16xf32, #tpu.memory_space<vmem>> -> memref<128x16xf32, #tpu.memory_space<vmem>>
    %dma_start3A_61 = arith.constant 384 : i32
    %dma_start3A_62 = tpu.memref_slice %arg8[%dma_start3A_61] : memref<1664xi32, #tpu.memory_space<vmem>> -> memref<128xi32, #tpu.memory_space<vmem>>
    %dma_start3A_63 = arith.constant 0 : i32
    %dma_start3A_64 = arith.constant 0 : i32
    %dma_start3A_65 = tpu.memref_slice %arg3[%dma_start3A_63, %dma_start3A_64] : memref<100000x16xf32, #tpu.memory_space<hbm>> -> memref<100000x16xf32, #tpu.memory_space<hbm>>
    tpu.enqueue_indirect_dma source(%dma_start3A_65 : memref<100000x16xf32, #tpu.memory_space<hbm>>) target(%dma_start3A_60 : memref<128x16xf32, #tpu.memory_space<vmem>>) offsets(%dma_start3A_62 : memref<128xi32, #tpu.memory_space<vmem>>) semaphore(%arg17 : memref<!tpu.dma_semaphore, #tpu.memory_space<semaphore_mem>>)
    %dma_start3A_66 = arith.constant 512 : i32
    %dma_start3A_67 = arith.constant 0 : i32
    %dma_start3A_68 = tpu.memref_slice %arg9[%dma_start3A_66, %dma_start3A_67] : memref<1664x16xf32, #tpu.memory_space<vmem>> -> memref<128x16xf32, #tpu.memory_space<vmem>>
    %dma_start3A_69 = arith.constant 512 : i32
    %dma_start3A_70 = tpu.memref_slice %arg7[%dma_start3A_69] : memref<1664xi32, #tpu.memory_space<vmem>> -> memref<128xi32, #tpu.memory_space<vmem>>
    %dma_start3A_71 = arith.constant 0 : i32
    %dma_start3A_72 = arith.constant 0 : i32
    %dma_start3A_73 = tpu.memref_slice %arg2[%dma_start3A_71, %dma_start3A_72] : memref<100000x16xf32, #tpu.memory_space<hbm>> -> memref<100000x16xf32, #tpu.memory_space<hbm>>
    tpu.enqueue_indirect_dma source(%dma_start3A_73 : memref<100000x16xf32, #tpu.memory_space<hbm>>) target(%dma_start3A_68 : memref<128x16xf32, #tpu.memory_space<vmem>>) offsets(%dma_start3A_70 : memref<128xi32, #tpu.memory_space<vmem>>) semaphore(%arg16 : memref<!tpu.dma_semaphore, #tpu.memory_space<semaphore_mem>>)
    %dma_start3A_74 = arith.constant 512 : i32
    %dma_start3A_75 = arith.constant 0 : i32
    %dma_start3A_76 = tpu.memref_slice %arg10[%dma_start3A_74, %dma_start3A_75] : memref<1664x16xf32, #tpu.memory_space<vmem>> -> memref<128x16xf32, #tpu.memory_space<vmem>>
    %dma_start3A_77 = arith.constant 512 : i32
    %dma_start3A_78 = tpu.memref_slice %arg8[%dma_start3A_77] : memref<1664xi32, #tpu.memory_space<vmem>> -> memref<128xi32, #tpu.memory_space<vmem>>
    %dma_start3A_79 = arith.constant 0 : i32
    %dma_start3A_80 = arith.constant 0 : i32
    %dma_start3A_81 = tpu.memref_slice %arg3[%dma_start3A_79, %dma_start3A_80] : memref<100000x16xf32, #tpu.memory_space<hbm>> -> memref<100000x16xf32, #tpu.memory_space<hbm>>
    tpu.enqueue_indirect_dma source(%dma_start3A_81 : memref<100000x16xf32, #tpu.memory_space<hbm>>) target(%dma_start3A_76 : memref<128x16xf32, #tpu.memory_space<vmem>>) offsets(%dma_start3A_78 : memref<128xi32, #tpu.memory_space<vmem>>) semaphore(%arg17 : memref<!tpu.dma_semaphore, #tpu.memory_space<semaphore_mem>>)
    %dma_start3A_82 = arith.constant 640 : i32
    %dma_start3A_83 = arith.constant 0 : i32
    %dma_start3A_84 = tpu.memref_slice %arg9[%dma_start3A_82, %dma_start3A_83] : memref<1664x16xf32, #tpu.memory_space<vmem>> -> memref<128x16xf32, #tpu.memory_space<vmem>>
    %dma_start3A_85 = arith.constant 640 : i32
    %dma_start3A_86 = tpu.memref_slice %arg7[%dma_start3A_85] : memref<1664xi32, #tpu.memory_space<vmem>> -> memref<128xi32, #tpu.memory_space<vmem>>
    %dma_start3A_87 = arith.constant 0 : i32
    %dma_start3A_88 = arith.constant 0 : i32
    %dma_start3A_89 = tpu.memref_slice %arg2[%dma_start3A_87, %dma_start3A_88] : memref<100000x16xf32, #tpu.memory_space<hbm>> -> memref<100000x16xf32, #tpu.memory_space<hbm>>
    tpu.enqueue_indirect_dma source(%dma_start3A_89 : memref<100000x16xf32, #tpu.memory_space<hbm>>) target(%dma_start3A_84 : memref<128x16xf32, #tpu.memory_space<vmem>>) offsets(%dma_start3A_86 : memref<128xi32, #tpu.memory_space<vmem>>) semaphore(%arg16 : memref<!tpu.dma_semaphore, #tpu.memory_space<semaphore_mem>>)
    %dma_start3A_90 = arith.constant 640 : i32
    %dma_start3A_91 = arith.constant 0 : i32
    %dma_start3A_92 = tpu.memref_slice %arg10[%dma_start3A_90, %dma_start3A_91] : memref<1664x16xf32, #tpu.memory_space<vmem>> -> memref<128x16xf32, #tpu.memory_space<vmem>>
    %dma_start3A_93 = arith.constant 640 : i32
    %dma_start3A_94 = tpu.memref_slice %arg8[%dma_start3A_93] : memref<1664xi32, #tpu.memory_space<vmem>> -> memref<128xi32, #tpu.memory_space<vmem>>
    %dma_start3A_95 = arith.constant 0 : i32
    %dma_start3A_96 = arith.constant 0 : i32
    %dma_start3A_97 = tpu.memref_slice %arg3[%dma_start3A_95, %dma_start3A_96] : memref<100000x16xf32, #tpu.memory_space<hbm>> -> memref<100000x16xf32, #tpu.memory_space<hbm>>
    tpu.enqueue_indirect_dma source(%dma_start3A_97 : memref<100000x16xf32, #tpu.memory_space<hbm>>) target(%dma_start3A_92 : memref<128x16xf32, #tpu.memory_space<vmem>>) offsets(%dma_start3A_94 : memref<128xi32, #tpu.memory_space<vmem>>) semaphore(%arg17 : memref<!tpu.dma_semaphore, #tpu.memory_space<semaphore_mem>>)
    %dma_start3A_98 = arith.constant 768 : i32
    %dma_start3A_99 = arith.constant 0 : i32
    %dma_start3A_100 = tpu.memref_slice %arg9[%dma_start3A_98, %dma_start3A_99] : memref<1664x16xf32, #tpu.memory_space<vmem>> -> memref<128x16xf32, #tpu.memory_space<vmem>>
    %dma_start3A_101 = arith.constant 768 : i32
    %dma_start3A_102 = tpu.memref_slice %arg7[%dma_start3A_101] : memref<1664xi32, #tpu.memory_space<vmem>> -> memref<128xi32, #tpu.memory_space<vmem>>
    %dma_start3A_103 = arith.constant 0 : i32
    %dma_start3A_104 = arith.constant 0 : i32
    %dma_start3A_105 = tpu.memref_slice %arg2[%dma_start3A_103, %dma_start3A_104] : memref<100000x16xf32, #tpu.memory_space<hbm>> -> memref<100000x16xf32, #tpu.memory_space<hbm>>
    tpu.enqueue_indirect_dma source(%dma_start3A_105 : memref<100000x16xf32, #tpu.memory_space<hbm>>) target(%dma_start3A_100 : memref<128x16xf32, #tpu.memory_space<vmem>>) offsets(%dma_start3A_102 : memref<128xi32, #tpu.memory_space<vmem>>) semaphore(%arg16 : memref<!tpu.dma_semaphore, #tpu.memory_space<semaphore_mem>>)
    %dma_start3A_106 = arith.constant 768 : i32
    %dma_start3A_107 = arith.constant 0 : i32
    %dma_start3A_108 = tpu.memref_slice %arg10[%dma_start3A_106, %dma_start3A_107] : memref<1664x16xf32, #tpu.memory_space<vmem>> -> memref<128x16xf32, #tpu.memory_space<vmem>>
    %dma_start3A_109 = arith.constant 768 : i32
    %dma_start3A_110 = tpu.memref_slice %arg8[%dma_start3A_109] : memref<1664xi32, #tpu.memory_space<vmem>> -> memref<128xi32, #tpu.memory_space<vmem>>
    %dma_start3A_111 = arith.constant 0 : i32
    %dma_start3A_112 = arith.constant 0 : i32
    %dma_start3A_113 = tpu.memref_slice %arg3[%dma_start3A_111, %dma_start3A_112] : memref<100000x16xf32, #tpu.memory_space<hbm>> -> memref<100000x16xf32, #tpu.memory_space<hbm>>
    tpu.enqueue_indirect_dma source(%dma_start3A_113 : memref<100000x16xf32, #tpu.memory_space<hbm>>) target(%dma_start3A_108 : memref<128x16xf32, #tpu.memory_space<vmem>>) offsets(%dma_start3A_110 : memref<128xi32, #tpu.memory_space<vmem>>) semaphore(%arg17 : memref<!tpu.dma_semaphore, #tpu.memory_space<semaphore_mem>>)
    %dma_start3A_114 = arith.constant 896 : i32
    %dma_start3A_115 = arith.constant 0 : i32
    %dma_start3A_116 = tpu.memref_slice %arg9[%dma_start3A_114, %dma_start3A_115] : memref<1664x16xf32, #tpu.memory_space<vmem>> -> memref<128x16xf32, #tpu.memory_space<vmem>>
    %dma_start3A_117 = arith.constant 896 : i32
    %dma_start3A_118 = tpu.memref_slice %arg7[%dma_start3A_117] : memref<1664xi32, #tpu.memory_space<vmem>> -> memref<128xi32, #tpu.memory_space<vmem>>
    %dma_start3A_119 = arith.constant 0 : i32
    %dma_start3A_120 = arith.constant 0 : i32
    %dma_start3A_121 = tpu.memref_slice %arg2[%dma_start3A_119, %dma_start3A_120] : memref<100000x16xf32, #tpu.memory_space<hbm>> -> memref<100000x16xf32, #tpu.memory_space<hbm>>
    tpu.enqueue_indirect_dma source(%dma_start3A_121 : memref<100000x16xf32, #tpu.memory_space<hbm>>) target(%dma_start3A_116 : memref<128x16xf32, #tpu.memory_space<vmem>>) offsets(%dma_start3A_118 : memref<128xi32, #tpu.memory_space<vmem>>) semaphore(%arg16 : memref<!tpu.dma_semaphore, #tpu.memory_space<semaphore_mem>>)
    %dma_start3A_122 = arith.constant 896 : i32
    %dma_start3A_123 = arith.constant 0 : i32
    %dma_start3A_124 = tpu.memref_slice %arg10[%dma_start3A_122, %dma_start3A_123] : memref<1664x16xf32, #tpu.memory_space<vmem>> -> memref<128x16xf32, #tpu.memory_space<vmem>>
    %dma_start3A_125 = arith.constant 896 : i32
    %dma_start3A_126 = tpu.memref_slice %arg8[%dma_start3A_125] : memref<1664xi32, #tpu.memory_space<vmem>> -> memref<128xi32, #tpu.memory_space<vmem>>
    %dma_start3A_127 = arith.constant 0 : i32
    %dma_start3A_128 = arith.constant 0 : i32
    %dma_start3A_129 = tpu.memref_slice %arg3[%dma_start3A_127, %dma_start3A_128] : memref<100000x16xf32, #tpu.memory_space<hbm>> -> memref<100000x16xf32, #tpu.memory_space<hbm>>
    tpu.enqueue_indirect_dma source(%dma_start3A_129 : memref<100000x16xf32, #tpu.memory_space<hbm>>) target(%dma_start3A_124 : memref<128x16xf32, #tpu.memory_space<vmem>>) offsets(%dma_start3A_126 : memref<128xi32, #tpu.memory_space<vmem>>) semaphore(%arg17 : memref<!tpu.dma_semaphore, #tpu.memory_space<semaphore_mem>>)
    %dma_start3A_130 = arith.constant 1024 : i32
    %dma_start3A_131 = arith.constant 0 : i32
    %dma_start3A_132 = tpu.memref_slice %arg9[%dma_start3A_130, %dma_start3A_131] : memref<1664x16xf32, #tpu.memory_space<vmem>> -> memref<128x16xf32, #tpu.memory_space<vmem>>
    %dma_start3A_133 = arith.constant 1024 : i32
    %dma_start3A_134 = tpu.memref_slice %arg7[%dma_start3A_133] : memref<1664xi32, #tpu.memory_space<vmem>> -> memref<128xi32, #tpu.memory_space<vmem>>
    %dma_start3A_135 = arith.constant 0 : i32
    %dma_start3A_136 = arith.constant 0 : i32
    %dma_start3A_137 = tpu.memref_slice %arg2[%dma_start3A_135, %dma_start3A_136] : memref<100000x16xf32, #tpu.memory_space<hbm>> -> memref<100000x16xf32, #tpu.memory_space<hbm>>
    tpu.enqueue_indirect_dma source(%dma_start3A_137 : memref<100000x16xf32, #tpu.memory_space<hbm>>) target(%dma_start3A_132 : memref<128x16xf32, #tpu.memory_space<vmem>>) offsets(%dma_start3A_134 : memref<128xi32, #tpu.memory_space<vmem>>) semaphore(%arg16 : memref<!tpu.dma_semaphore, #tpu.memory_space<semaphore_mem>>)
    %dma_start3A_138 = arith.constant 1024 : i32
    %dma_start3A_139 = arith.constant 0 : i32
    %dma_start3A_140 = tpu.memref_slice %arg10[%dma_start3A_138, %dma_start3A_139] : memref<1664x16xf32, #tpu.memory_space<vmem>> -> memref<128x16xf32, #tpu.memory_space<vmem>>
    %dma_start3A_141 = arith.constant 1024 : i32
    %dma_start3A_142 = tpu.memref_slice %arg8[%dma_start3A_141] : memref<1664xi32, #tpu.memory_space<vmem>> -> memref<128xi32, #tpu.memory_space<vmem>>
    %dma_start3A_143 = arith.constant 0 : i32
    %dma_start3A_144 = arith.constant 0 : i32
    %dma_start3A_145 = tpu.memref_slice %arg3[%dma_start3A_143, %dma_start3A_144] : memref<100000x16xf32, #tpu.memory_space<hbm>> -> memref<100000x16xf32, #tpu.memory_space<hbm>>
    tpu.enqueue_indirect_dma source(%dma_start3A_145 : memref<100000x16xf32, #tpu.memory_space<hbm>>) target(%dma_start3A_140 : memref<128x16xf32, #tpu.memory_space<vmem>>) offsets(%dma_start3A_142 : memref<128xi32, #tpu.memory_space<vmem>>) semaphore(%arg17 : memref<!tpu.dma_semaphore, #tpu.memory_space<semaphore_mem>>)
    %dma_start3A_146 = arith.constant 1152 : i32
    %dma_start3A_147 = arith.constant 0 : i32
    %dma_start3A_148 = tpu.memref_slice %arg9[%dma_start3A_146, %dma_start3A_147] : memref<1664x16xf32, #tpu.memory_space<vmem>> -> memref<128x16xf32, #tpu.memory_space<vmem>>
    %dma_start3A_149 = arith.constant 1152 : i32
    %dma_start3A_150 = tpu.memref_slice %arg7[%dma_start3A_149] : memref<1664xi32, #tpu.memory_space<vmem>> -> memref<128xi32, #tpu.memory_space<vmem>>
    %dma_start3A_151 = arith.constant 0 : i32
    %dma_start3A_152 = arith.constant 0 : i32
    %dma_start3A_153 = tpu.memref_slice %arg2[%dma_start3A_151, %dma_start3A_152] : memref<100000x16xf32, #tpu.memory_space<hbm>> -> memref<100000x16xf32, #tpu.memory_space<hbm>>
    tpu.enqueue_indirect_dma source(%dma_start3A_153 : memref<100000x16xf32, #tpu.memory_space<hbm>>) target(%dma_start3A_148 : memref<128x16xf32, #tpu.memory_space<vmem>>) offsets(%dma_start3A_150 : memref<128xi32, #tpu.memory_space<vmem>>) semaphore(%arg16 : memref<!tpu.dma_semaphore, #tpu.memory_space<semaphore_mem>>)
    %dma_start3A_154 = arith.constant 1152 : i32
    %dma_start3A_155 = arith.constant 0 : i32
    %dma_start3A_156 = tpu.memref_slice %arg10[%dma_start3A_154, %dma_start3A_155] : memref<1664x16xf32, #tpu.memory_space<vmem>> -> memref<128x16xf32, #tpu.memory_space<vmem>>
    %dma_start3A_157 = arith.constant 1152 : i32
    %dma_start3A_158 = tpu.memref_slice %arg8[%dma_start3A_157] : memref<1664xi32, #tpu.memory_space<vmem>> -> memref<128xi32, #tpu.memory_space<vmem>>
    %dma_start3A_159 = arith.constant 0 : i32
    %dma_start3A_160 = arith.constant 0 : i32
    %dma_start3A_161 = tpu.memref_slice %arg3[%dma_start3A_159, %dma_start3A_160] : memref<100000x16xf32, #tpu.memory_space<hbm>> -> memref<100000x16xf32, #tpu.memory_space<hbm>>
    tpu.enqueue_indirect_dma source(%dma_start3A_161 : memref<100000x16xf32, #tpu.memory_space<hbm>>) target(%dma_start3A_156 : memref<128x16xf32, #tpu.memory_space<vmem>>) offsets(%dma_start3A_158 : memref<128xi32, #tpu.memory_space<vmem>>) semaphore(%arg17 : memref<!tpu.dma_semaphore, #tpu.memory_space<semaphore_mem>>)
    %dma_start3A_162 = arith.constant 1280 : i32
    %dma_start3A_163 = arith.constant 0 : i32
    %dma_start3A_164 = tpu.memref_slice %arg9[%dma_start3A_162, %dma_start3A_163] : memref<1664x16xf32, #tpu.memory_space<vmem>> -> memref<128x16xf32, #tpu.memory_space<vmem>>
    %dma_start3A_165 = arith.constant 1280 : i32
    %dma_start3A_166 = tpu.memref_slice %arg7[%dma_start3A_165] : memref<1664xi32, #tpu.memory_space<vmem>> -> memref<128xi32, #tpu.memory_space<vmem>>
    %dma_start3A_167 = arith.constant 0 : i32
    %dma_start3A_168 = arith.constant 0 : i32
    %dma_start3A_169 = tpu.memref_slice %arg2[%dma_start3A_167, %dma_start3A_168] : memref<100000x16xf32, #tpu.memory_space<hbm>> -> memref<100000x16xf32, #tpu.memory_space<hbm>>
    tpu.enqueue_indirect_dma source(%dma_start3A_169 : memref<100000x16xf32, #tpu.memory_space<hbm>>) target(%dma_start3A_164 : memref<128x16xf32, #tpu.memory_space<vmem>>) offsets(%dma_start3A_166 : memref<128xi32, #tpu.memory_space<vmem>>) semaphore(%arg16 : memref<!tpu.dma_semaphore, #tpu.memory_space<semaphore_mem>>)
    %dma_start3A_170 = arith.constant 1280 : i32
    %dma_start3A_171 = arith.constant 0 : i32
    %dma_start3A_172 = tpu.memref_slice %arg10[%dma_start3A_170, %dma_start3A_171] : memref<1664x16xf32, #tpu.memory_space<vmem>> -> memref<128x16xf32, #tpu.memory_space<vmem>>
    %dma_start3A_173 = arith.constant 1280 : i32
    %dma_start3A_174 = tpu.memref_slice %arg8[%dma_start3A_173] : memref<1664xi32, #tpu.memory_space<vmem>> -> memref<128xi32, #tpu.memory_space<vmem>>
    %dma_start3A_175 = arith.constant 0 : i32
    %dma_start3A_176 = arith.constant 0 : i32
    %dma_start3A_177 = tpu.memref_slice %arg3[%dma_start3A_175, %dma_start3A_176] : memref<100000x16xf32, #tpu.memory_space<hbm>> -> memref<100000x16xf32, #tpu.memory_space<hbm>>
    tpu.enqueue_indirect_dma source(%dma_start3A_177 : memref<100000x16xf32, #tpu.memory_space<hbm>>) target(%dma_start3A_172 : memref<128x16xf32, #tpu.memory_space<vmem>>) offsets(%dma_start3A_174 : memref<128xi32, #tpu.memory_space<vmem>>) semaphore(%arg17 : memref<!tpu.dma_semaphore, #tpu.memory_space<semaphore_mem>>)
    %dma_start3A_178 = arith.constant 1408 : i32
    %dma_start3A_179 = arith.constant 0 : i32
    %dma_start3A_180 = tpu.memref_slice %arg9[%dma_start3A_178, %dma_start3A_179] : memref<1664x16xf32, #tpu.memory_space<vmem>> -> memref<128x16xf32, #tpu.memory_space<vmem>>
    %dma_start3A_181 = arith.constant 1408 : i32
    %dma_start3A_182 = tpu.memref_slice %arg7[%dma_start3A_181] : memref<1664xi32, #tpu.memory_space<vmem>> -> memref<128xi32, #tpu.memory_space<vmem>>
    %dma_start3A_183 = arith.constant 0 : i32
    %dma_start3A_184 = arith.constant 0 : i32
    %dma_start3A_185 = tpu.memref_slice %arg2[%dma_start3A_183, %dma_start3A_184] : memref<100000x16xf32, #tpu.memory_space<hbm>> -> memref<100000x16xf32, #tpu.memory_space<hbm>>
    tpu.enqueue_indirect_dma source(%dma_start3A_185 : memref<100000x16xf32, #tpu.memory_space<hbm>>) target(%dma_start3A_180 : memref<128x16xf32, #tpu.memory_space<vmem>>) offsets(%dma_start3A_182 : memref<128xi32, #tpu.memory_space<vmem>>) semaphore(%arg16 : memref<!tpu.dma_semaphore, #tpu.memory_space<semaphore_mem>>)
    %dma_start3A_186 = arith.constant 1408 : i32
    %dma_start3A_187 = arith.constant 0 : i32
    %dma_start3A_188 = tpu.memref_slice %arg10[%dma_start3A_186, %dma_start3A_187] : memref<1664x16xf32, #tpu.memory_space<vmem>> -> memref<128x16xf32, #tpu.memory_space<vmem>>
    %dma_start3A_189 = arith.constant 1408 : i32
    %dma_start3A_190 = tpu.memref_slice %arg8[%dma_start3A_189] : memref<1664xi32, #tpu.memory_space<vmem>> -> memref<128xi32, #tpu.memory_space<vmem>>
    %dma_start3A_191 = arith.constant 0 : i32
    %dma_start3A_192 = arith.constant 0 : i32
    %dma_start3A_193 = tpu.memref_slice %arg3[%dma_start3A_191, %dma_start3A_192] : memref<100000x16xf32, #tpu.memory_space<hbm>> -> memref<100000x16xf32, #tpu.memory_space<hbm>>
    tpu.enqueue_indirect_dma source(%dma_start3A_193 : memref<100000x16xf32, #tpu.memory_space<hbm>>) target(%dma_start3A_188 : memref<128x16xf32, #tpu.memory_space<vmem>>) offsets(%dma_start3A_190 : memref<128xi32, #tpu.memory_space<vmem>>) semaphore(%arg17 : memref<!tpu.dma_semaphore, #tpu.memory_space<semaphore_mem>>)
    %dma_start3A_194 = arith.constant 1536 : i32
    %dma_start3A_195 = arith.constant 0 : i32
    %dma_start3A_196 = tpu.memref_slice %arg9[%dma_start3A_194, %dma_start3A_195] : memref<1664x16xf32, #tpu.memory_space<vmem>> -> memref<128x16xf32, #tpu.memory_space<vmem>>
    %dma_start3A_197 = arith.constant 1536 : i32
    %dma_start3A_198 = tpu.memref_slice %arg7[%dma_start3A_197] : memref<1664xi32, #tpu.memory_space<vmem>> -> memref<128xi32, #tpu.memory_space<vmem>>
    %dma_start3A_199 = arith.constant 0 : i32
    %dma_start3A_200 = arith.constant 0 : i32
    %dma_start3A_201 = tpu.memref_slice %arg2[%dma_start3A_199, %dma_start3A_200] : memref<100000x16xf32, #tpu.memory_space<hbm>> -> memref<100000x16xf32, #tpu.memory_space<hbm>>
    tpu.enqueue_indirect_dma source(%dma_start3A_201 : memref<100000x16xf32, #tpu.memory_space<hbm>>) target(%dma_start3A_196 : memref<128x16xf32, #tpu.memory_space<vmem>>) offsets(%dma_start3A_198 : memref<128xi32, #tpu.memory_space<vmem>>) semaphore(%arg16 : memref<!tpu.dma_semaphore, #tpu.memory_space<semaphore_mem>>)
    %dma_start3A_202 = arith.constant 1536 : i32
    %dma_start3A_203 = arith.constant 0 : i32
    %dma_start3A_204 = tpu.memref_slice %arg10[%dma_start3A_202, %dma_start3A_203] : memref<1664x16xf32, #tpu.memory_space<vmem>> -> memref<128x16xf32, #tpu.memory_space<vmem>>
    %dma_start3A_205 = arith.constant 1536 : i32
    %dma_start3A_206 = tpu.memref_slice %arg8[%dma_start3A_205] : memref<1664xi32, #tpu.memory_space<vmem>> -> memref<128xi32, #tpu.memory_space<vmem>>
    %dma_start3A_207 = arith.constant 0 : i32
    %dma_start3A_208 = arith.constant 0 : i32
    %dma_start3A_209 = tpu.memref_slice %arg3[%dma_start3A_207, %dma_start3A_208] : memref<100000x16xf32, #tpu.memory_space<hbm>> -> memref<100000x16xf32, #tpu.memory_space<hbm>>
    tpu.enqueue_indirect_dma source(%dma_start3A_209 : memref<100000x16xf32, #tpu.memory_space<hbm>>) target(%dma_start3A_204 : memref<128x16xf32, #tpu.memory_space<vmem>>) offsets(%dma_start3A_206 : memref<128xi32, #tpu.memory_space<vmem>>) semaphore(%arg17 : memref<!tpu.dma_semaphore, #tpu.memory_space<semaphore_mem>>)
    %broadcast_in_dim3A = arith.constant 0.000000e+00 : f32
    %broadcast_in_dim3A_210 = vector.broadcast %broadcast_in_dim3A : f32 to vector<16xf32>
    %scan3A = arith.constant 0 : i32
    %scan3A_211 = arith.constant 15 : i32
    %scan3A_212 = arith.addi %scan3A, %scan3A_211 : i32
    %scan3A_213 = arith.constant 1 : i32
    %scan3A_214 = scf.for %scan3A_256 = %scan3A to %scan3A_212 step %scan3A_213 iter_args(%scan3A_257 = %broadcast_in_dim3A_210) -> (vector<16xf32>)  : i32 {
      %mul3A_258 = arith.constant 2 : i32
      %mul3A_259 = arith.muli %mul3A_258, %scan3A_256 : i32
      %add3A_260 = arith.constant 0 : i32
      %add3A_261 = arith.addi %mul3A_259, %add3A_260 : i32
      %add3A_262 = arith.constant 1 : i32
      %add3A_263 = arith.addi %add3A_261, %add3A_262 : i32
      %lt3A = arith.constant 30 : i32
      %lt3A_264 = arith.cmpi slt, %add3A_263, %lt3A : i32
      %convert_element_type3A = arith.extui %lt3A_264 : i1 to i32
      %cond3A = arith.constant 0 : i32
      %cond3A_265 = arith.cmpi ne, %convert_element_type3A, %cond3A : i32
      scf.if %cond3A_265 {
        %add3A_705 = arith.constant 1 : i32
        %add3A_706 = arith.addi %add3A_261, %add3A_705 : i32
        %mul3A_707 = arith.constant 1664 : i32
        %mul3A_708 = arith.muli %add3A_706, %mul3A_707 : i32
        %add3A_709 = arith.addi %mul3A_2, %mul3A_708 : i32
        "tpu.region"() ({
          %run_scoped3A = tpu.sem_alloc : memref<!tpu.dma_semaphore, #tpu.memory_space<semaphore_mem>>
          %dma_start3A_918 = arith.constant 0 : i32
          %dma_start3A_919 = tpu.memref_slice %arg11[%dma_start3A_918] : memref<1664xi32, #tpu.memory_space<vmem>> -> memref<1664xi32, #tpu.memory_space<vmem>>
          %dma_start3A_920 = tpu.memref_slice %arg4[%add3A_709] : memref<1600000xi32, #tpu.memory_space<hbm>> -> memref<1664xi32, #tpu.memory_space<hbm>>
          %dma_start3A_921 = arith.constant 0 : i32
          %dma_start3A_922 = tpu.memref_slice %arg11[%dma_start3A_921] : memref<1664xi32, #tpu.memory_space<vmem>> -> memref<1664xi32, #tpu.memory_space<vmem>>
          %dma_start3A_923 = tpu.memref_slice %arg4[%add3A_709] : memref<1600000xi32, #tpu.memory_space<hbm>> -> memref<1664xi32, #tpu.memory_space<hbm>>
          tpu.enqueue_dma source(%dma_start3A_923 : memref<1664xi32, #tpu.memory_space<hbm>>) target(%dma_start3A_922 : memref<1664xi32, #tpu.memory_space<vmem>>) target_semaphore(%run_scoped3A : memref<!tpu.dma_semaphore, #tpu.memory_space<semaphore_mem>>)
          %dma_wait3A_924 = arith.constant 0 : i32
          %dma_wait3A_925 = tpu.memref_slice %arg11[%dma_wait3A_924] : memref<1664xi32, #tpu.memory_space<vmem>> -> memref<1664xi32, #tpu.memory_space<vmem>>
          %dma_wait3A_926 = tpu.memref_slice %arg4[%add3A_709] : memref<1600000xi32, #tpu.memory_space<hbm>> -> memref<1664xi32, #tpu.memory_space<hbm>>
          %dma_wait3A_927 = arith.constant 0 : i32
          %dma_wait3A_928 = tpu.memref_slice %arg11[%dma_wait3A_927] : memref<1664xi32, #tpu.memory_space<vmem>> -> memref<1664xi32, #tpu.memory_space<vmem>>
          %dma_wait3A_929 = tpu.memref_slice %arg4[%add3A_709] : memref<1600000xi32, #tpu.memory_space<hbm>> -> memref<1664xi32, #tpu.memory_space<hbm>>
          tpu.wait_dma2 semaphore(%run_scoped3A : memref<!tpu.dma_semaphore, #tpu.memory_space<semaphore_mem>>) src(%dma_wait3A_929 : memref<1664xi32, #tpu.memory_space<hbm>>) dst(%dma_wait3A_928 : memref<1664xi32, #tpu.memory_space<vmem>>)
          tpu.yield
        }) : () -> ()
        "tpu.region"() ({
          %run_scoped3A = tpu.sem_alloc : memref<!tpu.dma_semaphore, #tpu.memory_space<semaphore_mem>>
          %dma_start3A_918 = arith.constant 0 : i32
          %dma_start3A_919 = tpu.memref_slice %arg12[%dma_start3A_918] : memref<1664xi32, #tpu.memory_space<vmem>> -> memref<1664xi32, #tpu.memory_space<vmem>>
          %dma_start3A_920 = tpu.memref_slice %arg5[%add3A_709] : memref<1600000xi32, #tpu.memory_space<hbm>> -> memref<1664xi32, #tpu.memory_space<hbm>>
          %dma_start3A_921 = arith.constant 0 : i32
          %dma_start3A_922 = tpu.memref_slice %arg12[%dma_start3A_921] : memref<1664xi32, #tpu.memory_space<vmem>> -> memref<1664xi32, #tpu.memory_space<vmem>>
          %dma_start3A_923 = tpu.memref_slice %arg5[%add3A_709] : memref<1600000xi32, #tpu.memory_space<hbm>> -> memref<1664xi32, #tpu.memory_space<hbm>>
          tpu.enqueue_dma source(%dma_start3A_923 : memref<1664xi32, #tpu.memory_space<hbm>>) target(%dma_start3A_922 : memref<1664xi32, #tpu.memory_space<vmem>>) target_semaphore(%run_scoped3A : memref<!tpu.dma_semaphore, #tpu.memory_space<semaphore_mem>>)
          %dma_wait3A_924 = arith.constant 0 : i32
          %dma_wait3A_925 = tpu.memref_slice %arg12[%dma_wait3A_924] : memref<1664xi32, #tpu.memory_space<vmem>> -> memref<1664xi32, #tpu.memory_space<vmem>>
          %dma_wait3A_926 = tpu.memref_slice %arg5[%add3A_709] : memref<1600000xi32, #tpu.memory_space<hbm>> -> memref<1664xi32, #tpu.memory_space<hbm>>
          %dma_wait3A_927 = arith.constant 0 : i32
          %dma_wait3A_928 = tpu.memref_slice %arg12[%dma_wait3A_927] : memref<1664xi32, #tpu.memory_space<vmem>> -> memref<1664xi32, #tpu.memory_space<vmem>>
          %dma_wait3A_929 = tpu.memref_slice %arg5[%add3A_709] : memref<1600000xi32, #tpu.memory_space<hbm>> -> memref<1664xi32, #tpu.memory_space<hbm>>
          tpu.wait_dma2 semaphore(%run_scoped3A : memref<!tpu.dma_semaphore, #tpu.memory_space<semaphore_mem>>) src(%dma_wait3A_929 : memref<1664xi32, #tpu.memory_space<hbm>>) dst(%dma_wait3A_928 : memref<1664xi32, #tpu.memory_space<vmem>>)
          tpu.yield
        }) : () -> ()
        %dma_start3A_710 = arith.constant 0 : i32
        %dma_start3A_711 = arith.constant 0 : i32
        %dma_start3A_712 = tpu.memref_slice %arg13[%dma_start3A_710, %dma_start3A_711] : memref<1664x16xf32, #tpu.memory_space<vmem>> -> memref<128x16xf32, #tpu.memory_space<vmem>>
        %dma_start3A_713 = arith.constant 0 : i32
        %dma_start3A_714 = tpu.memref_slice %arg11[%dma_start3A_713] : memref<1664xi32, #tpu.memory_space<vmem>> -> memref<128xi32, #tpu.memory_space<vmem>>
        %dma_start3A_715 = arith.constant 0 : i32
        %dma_start3A_716 = arith.constant 0 : i32
        %dma_start3A_717 = tpu.memref_slice %arg2[%dma_start3A_715, %dma_start3A_716] : memref<100000x16xf32, #tpu.memory_space<hbm>> -> memref<100000x16xf32, #tpu.memory_space<hbm>>
        tpu.enqueue_indirect_dma source(%dma_start3A_717 : memref<100000x16xf32, #tpu.memory_space<hbm>>) target(%dma_start3A_712 : memref<128x16xf32, #tpu.memory_space<vmem>>) offsets(%dma_start3A_714 : memref<128xi32, #tpu.memory_space<vmem>>) semaphore(%arg18 : memref<!tpu.dma_semaphore, #tpu.memory_space<semaphore_mem>>)
        %dma_start3A_718 = arith.constant 0 : i32
        %dma_start3A_719 = arith.constant 0 : i32
        %dma_start3A_720 = tpu.memref_slice %arg14[%dma_start3A_718, %dma_start3A_719] : memref<1664x16xf32, #tpu.memory_space<vmem>> -> memref<128x16xf32, #tpu.memory_space<vmem>>
        %dma_start3A_721 = arith.constant 0 : i32
        %dma_start3A_722 = tpu.memref_slice %arg12[%dma_start3A_721] : memref<1664xi32, #tpu.memory_space<vmem>> -> memref<128xi32, #tpu.memory_space<vmem>>
        %dma_start3A_723 = arith.constant 0 : i32
        %dma_start3A_724 = arith.constant 0 : i32
        %dma_start3A_725 = tpu.memref_slice %arg3[%dma_start3A_723, %dma_start3A_724] : memref<100000x16xf32, #tpu.memory_space<hbm>> -> memref<100000x16xf32, #tpu.memory_space<hbm>>
        tpu.enqueue_indirect_dma source(%dma_start3A_725 : memref<100000x16xf32, #tpu.memory_space<hbm>>) target(%dma_start3A_720 : memref<128x16xf32, #tpu.memory_space<vmem>>) offsets(%dma_start3A_722 : memref<128xi32, #tpu.memory_space<vmem>>) semaphore(%arg19 : memref<!tpu.dma_semaphore, #tpu.memory_space<semaphore_mem>>)
        %dma_start3A_726 = arith.constant 128 : i32
        %dma_start3A_727 = arith.constant 0 : i32
        %dma_start3A_728 = tpu.memref_slice %arg13[%dma_start3A_726, %dma_start3A_727] : memref<1664x16xf32, #tpu.memory_space<vmem>> -> memref<128x16xf32, #tpu.memory_space<vmem>>
        %dma_start3A_729 = arith.constant 128 : i32
        %dma_start3A_730 = tpu.memref_slice %arg11[%dma_start3A_729] : memref<1664xi32, #tpu.memory_space<vmem>> -> memref<128xi32, #tpu.memory_space<vmem>>
        %dma_start3A_731 = arith.constant 0 : i32
        %dma_start3A_732 = arith.constant 0 : i32
        %dma_start3A_733 = tpu.memref_slice %arg2[%dma_start3A_731, %dma_start3A_732] : memref<100000x16xf32, #tpu.memory_space<hbm>> -> memref<100000x16xf32, #tpu.memory_space<hbm>>
        tpu.enqueue_indirect_dma source(%dma_start3A_733 : memref<100000x16xf32, #tpu.memory_space<hbm>>) target(%dma_start3A_728 : memref<128x16xf32, #tpu.memory_space<vmem>>) offsets(%dma_start3A_730 : memref<128xi32, #tpu.memory_space<vmem>>) semaphore(%arg18 : memref<!tpu.dma_semaphore, #tpu.memory_space<semaphore_mem>>)
        %dma_start3A_734 = arith.constant 128 : i32
        %dma_start3A_735 = arith.constant 0 : i32
        %dma_start3A_736 = tpu.memref_slice %arg14[%dma_start3A_734, %dma_start3A_735] : memref<1664x16xf32, #tpu.memory_space<vmem>> -> memref<128x16xf32, #tpu.memory_space<vmem>>
        %dma_start3A_737 = arith.constant 128 : i32
        %dma_start3A_738 = tpu.memref_slice %arg12[%dma_start3A_737] : memref<1664xi32, #tpu.memory_space<vmem>> -> memref<128xi32, #tpu.memory_space<vmem>>
        %dma_start3A_739 = arith.constant 0 : i32
        %dma_start3A_740 = arith.constant 0 : i32
        %dma_start3A_741 = tpu.memref_slice %arg3[%dma_start3A_739, %dma_start3A_740] : memref<100000x16xf32, #tpu.memory_space<hbm>> -> memref<100000x16xf32, #tpu.memory_space<hbm>>
        tpu.enqueue_indirect_dma source(%dma_start3A_741 : memref<100000x16xf32, #tpu.memory_space<hbm>>) target(%dma_start3A_736 : memref<128x16xf32, #tpu.memory_space<vmem>>) offsets(%dma_start3A_738 : memref<128xi32, #tpu.memory_space<vmem>>) semaphore(%arg19 : memref<!tpu.dma_semaphore, #tpu.memory_space<semaphore_mem>>)
        %dma_start3A_742 = arith.constant 256 : i32
        %dma_start3A_743 = arith.constant 0 : i32
        %dma_start3A_744 = tpu.memref_slice %arg13[%dma_start3A_742, %dma_start3A_743] : memref<1664x16xf32, #tpu.memory_space<vmem>> -> memref<128x16xf32, #tpu.memory_space<vmem>>
        %dma_start3A_745 = arith.constant 256 : i32
        %dma_start3A_746 = tpu.memref_slice %arg11[%dma_start3A_745] : memref<1664xi32, #tpu.memory_space<vmem>> -> memref<128xi32, #tpu.memory_space<vmem>>
        %dma_start3A_747 = arith.constant 0 : i32
        %dma_start3A_748 = arith.constant 0 : i32
        %dma_start3A_749 = tpu.memref_slice %arg2[%dma_start3A_747, %dma_start3A_748] : memref<100000x16xf32, #tpu.memory_space<hbm>> -> memref<100000x16xf32, #tpu.memory_space<hbm>>
        tpu.enqueue_indirect_dma source(%dma_start3A_749 : memref<100000x16xf32, #tpu.memory_space<hbm>>) target(%dma_start3A_744 : memref<128x16xf32, #tpu.memory_space<vmem>>) offsets(%dma_start3A_746 : memref<128xi32, #tpu.memory_space<vmem>>) semaphore(%arg18 : memref<!tpu.dma_semaphore, #tpu.memory_space<semaphore_mem>>)
        %dma_start3A_750 = arith.constant 256 : i32
        %dma_start3A_751 = arith.constant 0 : i32
        %dma_start3A_752 = tpu.memref_slice %arg14[%dma_start3A_750, %dma_start3A_751] : memref<1664x16xf32, #tpu.memory_space<vmem>> -> memref<128x16xf32, #tpu.memory_space<vmem>>
        %dma_start3A_753 = arith.constant 256 : i32
        %dma_start3A_754 = tpu.memref_slice %arg12[%dma_start3A_753] : memref<1664xi32, #tpu.memory_space<vmem>> -> memref<128xi32, #tpu.memory_space<vmem>>
        %dma_start3A_755 = arith.constant 0 : i32
        %dma_start3A_756 = arith.constant 0 : i32
        %dma_start3A_757 = tpu.memref_slice %arg3[%dma_start3A_755, %dma_start3A_756] : memref<100000x16xf32, #tpu.memory_space<hbm>> -> memref<100000x16xf32, #tpu.memory_space<hbm>>
        tpu.enqueue_indirect_dma source(%dma_start3A_757 : memref<100000x16xf32, #tpu.memory_space<hbm>>) target(%dma_start3A_752 : memref<128x16xf32, #tpu.memory_space<vmem>>) offsets(%dma_start3A_754 : memref<128xi32, #tpu.memory_space<vmem>>) semaphore(%arg19 : memref<!tpu.dma_semaphore, #tpu.memory_space<semaphore_mem>>)
        %dma_start3A_758 = arith.constant 384 : i32
        %dma_start3A_759 = arith.constant 0 : i32
        %dma_start3A_760 = tpu.memref_slice %arg13[%dma_start3A_758, %dma_start3A_759] : memref<1664x16xf32, #tpu.memory_space<vmem>> -> memref<128x16xf32, #tpu.memory_space<vmem>>
        %dma_start3A_761 = arith.constant 384 : i32
        %dma_start3A_762 = tpu.memref_slice %arg11[%dma_start3A_761] : memref<1664xi32, #tpu.memory_space<vmem>> -> memref<128xi32, #tpu.memory_space<vmem>>
        %dma_start3A_763 = arith.constant 0 : i32
        %dma_start3A_764 = arith.constant 0 : i32
        %dma_start3A_765 = tpu.memref_slice %arg2[%dma_start3A_763, %dma_start3A_764] : memref<100000x16xf32, #tpu.memory_space<hbm>> -> memref<100000x16xf32, #tpu.memory_space<hbm>>
        tpu.enqueue_indirect_dma source(%dma_start3A_765 : memref<100000x16xf32, #tpu.memory_space<hbm>>) target(%dma_start3A_760 : memref<128x16xf32, #tpu.memory_space<vmem>>) offsets(%dma_start3A_762 : memref<128xi32, #tpu.memory_space<vmem>>) semaphore(%arg18 : memref<!tpu.dma_semaphore, #tpu.memory_space<semaphore_mem>>)
        %dma_start3A_766 = arith.constant 384 : i32
        %dma_start3A_767 = arith.constant 0 : i32
        %dma_start3A_768 = tpu.memref_slice %arg14[%dma_start3A_766, %dma_start3A_767] : memref<1664x16xf32, #tpu.memory_space<vmem>> -> memref<128x16xf32, #tpu.memory_space<vmem>>
        %dma_start3A_769 = arith.constant 384 : i32
        %dma_start3A_770 = tpu.memref_slice %arg12[%dma_start3A_769] : memref<1664xi32, #tpu.memory_space<vmem>> -> memref<128xi32, #tpu.memory_space<vmem>>
        %dma_start3A_771 = arith.constant 0 : i32
        %dma_start3A_772 = arith.constant 0 : i32
        %dma_start3A_773 = tpu.memref_slice %arg3[%dma_start3A_771, %dma_start3A_772] : memref<100000x16xf32, #tpu.memory_space<hbm>> -> memref<100000x16xf32, #tpu.memory_space<hbm>>
        tpu.enqueue_indirect_dma source(%dma_start3A_773 : memref<100000x16xf32, #tpu.memory_space<hbm>>) target(%dma_start3A_768 : memref<128x16xf32, #tpu.memory_space<vmem>>) offsets(%dma_start3A_770 : memref<128xi32, #tpu.memory_space<vmem>>) semaphore(%arg19 : memref<!tpu.dma_semaphore, #tpu.memory_space<semaphore_mem>>)
        %dma_start3A_774 = arith.constant 512 : i32
        %dma_start3A_775 = arith.constant 0 : i32
        %dma_start3A_776 = tpu.memref_slice %arg13[%dma_start3A_774, %dma_start3A_775] : memref<1664x16xf32, #tpu.memory_space<vmem>> -> memref<128x16xf32, #tpu.memory_space<vmem>>
        %dma_start3A_777 = arith.constant 512 : i32
        %dma_start3A_778 = tpu.memref_slice %arg11[%dma_start3A_777] : memref<1664xi32, #tpu.memory_space<vmem>> -> memref<128xi32, #tpu.memory_space<vmem>>
        %dma_start3A_779 = arith.constant 0 : i32
        %dma_start3A_780 = arith.constant 0 : i32
        %dma_start3A_781 = tpu.memref_slice %arg2[%dma_start3A_779, %dma_start3A_780] : memref<100000x16xf32, #tpu.memory_space<hbm>> -> memref<100000x16xf32, #tpu.memory_space<hbm>>
        tpu.enqueue_indirect_dma source(%dma_start3A_781 : memref<100000x16xf32, #tpu.memory_space<hbm>>) target(%dma_start3A_776 : memref<128x16xf32, #tpu.memory_space<vmem>>) offsets(%dma_start3A_778 : memref<128xi32, #tpu.memory_space<vmem>>) semaphore(%arg18 : memref<!tpu.dma_semaphore, #tpu.memory_space<semaphore_mem>>)
        %dma_start3A_782 = arith.constant 512 : i32
        %dma_start3A_783 = arith.constant 0 : i32
        %dma_start3A_784 = tpu.memref_slice %arg14[%dma_start3A_782, %dma_start3A_783] : memref<1664x16xf32, #tpu.memory_space<vmem>> -> memref<128x16xf32, #tpu.memory_space<vmem>>
        %dma_start3A_785 = arith.constant 512 : i32
        %dma_start3A_786 = tpu.memref_slice %arg12[%dma_start3A_785] : memref<1664xi32, #tpu.memory_space<vmem>> -> memref<128xi32, #tpu.memory_space<vmem>>
        %dma_start3A_787 = arith.constant 0 : i32
        %dma_start3A_788 = arith.constant 0 : i32
        %dma_start3A_789 = tpu.memref_slice %arg3[%dma_start3A_787, %dma_start3A_788] : memref<100000x16xf32, #tpu.memory_space<hbm>> -> memref<100000x16xf32, #tpu.memory_space<hbm>>
        tpu.enqueue_indirect_dma source(%dma_start3A_789 : memref<100000x16xf32, #tpu.memory_space<hbm>>) target(%dma_start3A_784 : memref<128x16xf32, #tpu.memory_space<vmem>>) offsets(%dma_start3A_786 : memref<128xi32, #tpu.memory_space<vmem>>) semaphore(%arg19 : memref<!tpu.dma_semaphore, #tpu.memory_space<semaphore_mem>>)
        %dma_start3A_790 = arith.constant 640 : i32
        %dma_start3A_791 = arith.constant 0 : i32
        %dma_start3A_792 = tpu.memref_slice %arg13[%dma_start3A_790, %dma_start3A_791] : memref<1664x16xf32, #tpu.memory_space<vmem>> -> memref<128x16xf32, #tpu.memory_space<vmem>>
        %dma_start3A_793 = arith.constant 640 : i32
        %dma_start3A_794 = tpu.memref_slice %arg11[%dma_start3A_793] : memref<1664xi32, #tpu.memory_space<vmem>> -> memref<128xi32, #tpu.memory_space<vmem>>
        %dma_start3A_795 = arith.constant 0 : i32
        %dma_start3A_796 = arith.constant 0 : i32
        %dma_start3A_797 = tpu.memref_slice %arg2[%dma_start3A_795, %dma_start3A_796] : memref<100000x16xf32, #tpu.memory_space<hbm>> -> memref<100000x16xf32, #tpu.memory_space<hbm>>
        tpu.enqueue_indirect_dma source(%dma_start3A_797 : memref<100000x16xf32, #tpu.memory_space<hbm>>) target(%dma_start3A_792 : memref<128x16xf32, #tpu.memory_space<vmem>>) offsets(%dma_start3A_794 : memref<128xi32, #tpu.memory_space<vmem>>) semaphore(%arg18 : memref<!tpu.dma_semaphore, #tpu.memory_space<semaphore_mem>>)
        %dma_start3A_798 = arith.constant 640 : i32
        %dma_start3A_799 = arith.constant 0 : i32
        %dma_start3A_800 = tpu.memref_slice %arg14[%dma_start3A_798, %dma_start3A_799] : memref<1664x16xf32, #tpu.memory_space<vmem>> -> memref<128x16xf32, #tpu.memory_space<vmem>>
        %dma_start3A_801 = arith.constant 640 : i32
        %dma_start3A_802 = tpu.memref_slice %arg12[%dma_start3A_801] : memref<1664xi32, #tpu.memory_space<vmem>> -> memref<128xi32, #tpu.memory_space<vmem>>
        %dma_start3A_803 = arith.constant 0 : i32
        %dma_start3A_804 = arith.constant 0 : i32
        %dma_start3A_805 = tpu.memref_slice %arg3[%dma_start3A_803, %dma_start3A_804] : memref<100000x16xf32, #tpu.memory_space<hbm>> -> memref<100000x16xf32, #tpu.memory_space<hbm>>
        tpu.enqueue_indirect_dma source(%dma_start3A_805 : memref<100000x16xf32, #tpu.memory_space<hbm>>) target(%dma_start3A_800 : memref<128x16xf32, #tpu.memory_space<vmem>>) offsets(%dma_start3A_802 : memref<128xi32, #tpu.memory_space<vmem>>) semaphore(%arg19 : memref<!tpu.dma_semaphore, #tpu.memory_space<semaphore_mem>>)
        %dma_start3A_806 = arith.constant 768 : i32
        %dma_start3A_807 = arith.constant 0 : i32
        %dma_start3A_808 = tpu.memref_slice %arg13[%dma_start3A_806, %dma_start3A_807] : memref<1664x16xf32, #tpu.memory_space<vmem>> -> memref<128x16xf32, #tpu.memory_space<vmem>>
        %dma_start3A_809 = arith.constant 768 : i32
        %dma_start3A_810 = tpu.memref_slice %arg11[%dma_start3A_809] : memref<1664xi32, #tpu.memory_space<vmem>> -> memref<128xi32, #tpu.memory_space<vmem>>
        %dma_start3A_811 = arith.constant 0 : i32
        %dma_start3A_812 = arith.constant 0 : i32
        %dma_start3A_813 = tpu.memref_slice %arg2[%dma_start3A_811, %dma_start3A_812] : memref<100000x16xf32, #tpu.memory_space<hbm>> -> memref<100000x16xf32, #tpu.memory_space<hbm>>
        tpu.enqueue_indirect_dma source(%dma_start3A_813 : memref<100000x16xf32, #tpu.memory_space<hbm>>) target(%dma_start3A_808 : memref<128x16xf32, #tpu.memory_space<vmem>>) offsets(%dma_start3A_810 : memref<128xi32, #tpu.memory_space<vmem>>) semaphore(%arg18 : memref<!tpu.dma_semaphore, #tpu.memory_space<semaphore_mem>>)
        %dma_start3A_814 = arith.constant 768 : i32
        %dma_start3A_815 = arith.constant 0 : i32
        %dma_start3A_816 = tpu.memref_slice %arg14[%dma_start3A_814, %dma_start3A_815] : memref<1664x16xf32, #tpu.memory_space<vmem>> -> memref<128x16xf32, #tpu.memory_space<vmem>>
        %dma_start3A_817 = arith.constant 768 : i32
        %dma_start3A_818 = tpu.memref_slice %arg12[%dma_start3A_817] : memref<1664xi32, #tpu.memory_space<vmem>> -> memref<128xi32, #tpu.memory_space<vmem>>
        %dma_start3A_819 = arith.constant 0 : i32
        %dma_start3A_820 = arith.constant 0 : i32
        %dma_start3A_821 = tpu.memref_slice %arg3[%dma_start3A_819, %dma_start3A_820] : memref<100000x16xf32, #tpu.memory_space<hbm>> -> memref<100000x16xf32, #tpu.memory_space<hbm>>
        tpu.enqueue_indirect_dma source(%dma_start3A_821 : memref<100000x16xf32, #tpu.memory_space<hbm>>) target(%dma_start3A_816 : memref<128x16xf32, #tpu.memory_space<vmem>>) offsets(%dma_start3A_818 : memref<128xi32, #tpu.memory_space<vmem>>) semaphore(%arg19 : memref<!tpu.dma_semaphore, #tpu.memory_space<semaphore_mem>>)
        %dma_start3A_822 = arith.constant 896 : i32
        %dma_start3A_823 = arith.constant 0 : i32
        %dma_start3A_824 = tpu.memref_slice %arg13[%dma_start3A_822, %dma_start3A_823] : memref<1664x16xf32, #tpu.memory_space<vmem>> -> memref<128x16xf32, #tpu.memory_space<vmem>>
        %dma_start3A_825 = arith.constant 896 : i32
        %dma_start3A_826 = tpu.memref_slice %arg11[%dma_start3A_825] : memref<1664xi32, #tpu.memory_space<vmem>> -> memref<128xi32, #tpu.memory_space<vmem>>
        %dma_start3A_827 = arith.constant 0 : i32
        %dma_start3A_828 = arith.constant 0 : i32
        %dma_start3A_829 = tpu.memref_slice %arg2[%dma_start3A_827, %dma_start3A_828] : memref<100000x16xf32, #tpu.memory_space<hbm>> -> memref<100000x16xf32, #tpu.memory_space<hbm>>
        tpu.enqueue_indirect_dma source(%dma_start3A_829 : memref<100000x16xf32, #tpu.memory_space<hbm>>) target(%dma_start3A_824 : memref<128x16xf32, #tpu.memory_space<vmem>>) offsets(%dma_start3A_826 : memref<128xi32, #tpu.memory_space<vmem>>) semaphore(%arg18 : memref<!tpu.dma_semaphore, #tpu.memory_space<semaphore_mem>>)
        %dma_start3A_830 = arith.constant 896 : i32
        %dma_start3A_831 = arith.constant 0 : i32
        %dma_start3A_832 = tpu.memref_slice %arg14[%dma_start3A_830, %dma_start3A_831] : memref<1664x16xf32, #tpu.memory_space<vmem>> -> memref<128x16xf32, #tpu.memory_space<vmem>>
        %dma_start3A_833 = arith.constant 896 : i32
        %dma_start3A_834 = tpu.memref_slice %arg12[%dma_start3A_833] : memref<1664xi32, #tpu.memory_space<vmem>> -> memref<128xi32, #tpu.memory_space<vmem>>
        %dma_start3A_835 = arith.constant 0 : i32
        %dma_start3A_836 = arith.constant 0 : i32
        %dma_start3A_837 = tpu.memref_slice %arg3[%dma_start3A_835, %dma_start3A_836] : memref<100000x16xf32, #tpu.memory_space<hbm>> -> memref<100000x16xf32, #tpu.memory_space<hbm>>
        tpu.enqueue_indirect_dma source(%dma_start3A_837 : memref<100000x16xf32, #tpu.memory_space<hbm>>) target(%dma_start3A_832 : memref<128x16xf32, #tpu.memory_space<vmem>>) offsets(%dma_start3A_834 : memref<128xi32, #tpu.memory_space<vmem>>) semaphore(%arg19 : memref<!tpu.dma_semaphore, #tpu.memory_space<semaphore_mem>>)
        %dma_start3A_838 = arith.constant 1024 : i32
        %dma_start3A_839 = arith.constant 0 : i32
        %dma_start3A_840 = tpu.memref_slice %arg13[%dma_start3A_838, %dma_start3A_839] : memref<1664x16xf32, #tpu.memory_space<vmem>> -> memref<128x16xf32, #tpu.memory_space<vmem>>
        %dma_start3A_841 = arith.constant 1024 : i32
        %dma_start3A_842 = tpu.memref_slice %arg11[%dma_start3A_841] : memref<1664xi32, #tpu.memory_space<vmem>> -> memref<128xi32, #tpu.memory_space<vmem>>
        %dma_start3A_843 = arith.constant 0 : i32
        %dma_start3A_844 = arith.constant 0 : i32
        %dma_start3A_845 = tpu.memref_slice %arg2[%dma_start3A_843, %dma_start3A_844] : memref<100000x16xf32, #tpu.memory_space<hbm>> -> memref<100000x16xf32, #tpu.memory_space<hbm>>
        tpu.enqueue_indirect_dma source(%dma_start3A_845 : memref<100000x16xf32, #tpu.memory_space<hbm>>) target(%dma_start3A_840 : memref<128x16xf32, #tpu.memory_space<vmem>>) offsets(%dma_start3A_842 : memref<128xi32, #tpu.memory_space<vmem>>) semaphore(%arg18 : memref<!tpu.dma_semaphore, #tpu.memory_space<semaphore_mem>>)
        %dma_start3A_846 = arith.constant 1024 : i32
        %dma_start3A_847 = arith.constant 0 : i32
        %dma_start3A_848 = tpu.memref_slice %arg14[%dma_start3A_846, %dma_start3A_847] : memref<1664x16xf32, #tpu.memory_space<vmem>> -> memref<128x16xf32, #tpu.memory_space<vmem>>
        %dma_start3A_849 = arith.constant 1024 : i32
        %dma_start3A_850 = tpu.memref_slice %arg12[%dma_start3A_849] : memref<1664xi32, #tpu.memory_space<vmem>> -> memref<128xi32, #tpu.memory_space<vmem>>
        %dma_start3A_851 = arith.constant 0 : i32
        %dma_start3A_852 = arith.constant 0 : i32
        %dma_start3A_853 = tpu.memref_slice %arg3[%dma_start3A_851, %dma_start3A_852] : memref<100000x16xf32, #tpu.memory_space<hbm>> -> memref<100000x16xf32, #tpu.memory_space<hbm>>
        tpu.enqueue_indirect_dma source(%dma_start3A_853 : memref<100000x16xf32, #tpu.memory_space<hbm>>) target(%dma_start3A_848 : memref<128x16xf32, #tpu.memory_space<vmem>>) offsets(%dma_start3A_850 : memref<128xi32, #tpu.memory_space<vmem>>) semaphore(%arg19 : memref<!tpu.dma_semaphore, #tpu.memory_space<semaphore_mem>>)
        %dma_start3A_854 = arith.constant 1152 : i32
        %dma_start3A_855 = arith.constant 0 : i32
        %dma_start3A_856 = tpu.memref_slice %arg13[%dma_start3A_854, %dma_start3A_855] : memref<1664x16xf32, #tpu.memory_space<vmem>> -> memref<128x16xf32, #tpu.memory_space<vmem>>
        %dma_start3A_857 = arith.constant 1152 : i32
        %dma_start3A_858 = tpu.memref_slice %arg11[%dma_start3A_857] : memref<1664xi32, #tpu.memory_space<vmem>> -> memref<128xi32, #tpu.memory_space<vmem>>
        %dma_start3A_859 = arith.constant 0 : i32
        %dma_start3A_860 = arith.constant 0 : i32
        %dma_start3A_861 = tpu.memref_slice %arg2[%dma_start3A_859, %dma_start3A_860] : memref<100000x16xf32, #tpu.memory_space<hbm>> -> memref<100000x16xf32, #tpu.memory_space<hbm>>
        tpu.enqueue_indirect_dma source(%dma_start3A_861 : memref<100000x16xf32, #tpu.memory_space<hbm>>) target(%dma_start3A_856 : memref<128x16xf32, #tpu.memory_space<vmem>>) offsets(%dma_start3A_858 : memref<128xi32, #tpu.memory_space<vmem>>) semaphore(%arg18 : memref<!tpu.dma_semaphore, #tpu.memory_space<semaphore_mem>>)
        %dma_start3A_862 = arith.constant 1152 : i32
        %dma_start3A_863 = arith.constant 0 : i32
        %dma_start3A_864 = tpu.memref_slice %arg14[%dma_start3A_862, %dma_start3A_863] : memref<1664x16xf32, #tpu.memory_space<vmem>> -> memref<128x16xf32, #tpu.memory_space<vmem>>
        %dma_start3A_865 = arith.constant 1152 : i32
        %dma_start3A_866 = tpu.memref_slice %arg12[%dma_start3A_865] : memref<1664xi32, #tpu.memory_space<vmem>> -> memref<128xi32, #tpu.memory_space<vmem>>
        %dma_start3A_867 = arith.constant 0 : i32
        %dma_start3A_868 = arith.constant 0 : i32
        %dma_start3A_869 = tpu.memref_slice %arg3[%dma_start3A_867, %dma_start3A_868] : memref<100000x16xf32, #tpu.memory_space<hbm>> -> memref<100000x16xf32, #tpu.memory_space<hbm>>
        tpu.enqueue_indirect_dma source(%dma_start3A_869 : memref<100000x16xf32, #tpu.memory_space<hbm>>) target(%dma_start3A_864 : memref<128x16xf32, #tpu.memory_space<vmem>>) offsets(%dma_start3A_866 : memref<128xi32, #tpu.memory_space<vmem>>) semaphore(%arg19 : memref<!tpu.dma_semaphore, #tpu.memory_space<semaphore_mem>>)
        %dma_start3A_870 = arith.constant 1280 : i32
        %dma_start3A_871 = arith.constant 0 : i32
        %dma_start3A_872 = tpu.memref_slice %arg13[%dma_start3A_870, %dma_start3A_871] : memref<1664x16xf32, #tpu.memory_space<vmem>> -> memref<128x16xf32, #tpu.memory_space<vmem>>
        %dma_start3A_873 = arith.constant 1280 : i32
        %dma_start3A_874 = tpu.memref_slice %arg11[%dma_start3A_873] : memref<1664xi32, #tpu.memory_space<vmem>> -> memref<128xi32, #tpu.memory_space<vmem>>
        %dma_start3A_875 = arith.constant 0 : i32
        %dma_start3A_876 = arith.constant 0 : i32
        %dma_start3A_877 = tpu.memref_slice %arg2[%dma_start3A_875, %dma_start3A_876] : memref<100000x16xf32, #tpu.memory_space<hbm>> -> memref<100000x16xf32, #tpu.memory_space<hbm>>
        tpu.enqueue_indirect_dma source(%dma_start3A_877 : memref<100000x16xf32, #tpu.memory_space<hbm>>) target(%dma_start3A_872 : memref<128x16xf32, #tpu.memory_space<vmem>>) offsets(%dma_start3A_874 : memref<128xi32, #tpu.memory_space<vmem>>) semaphore(%arg18 : memref<!tpu.dma_semaphore, #tpu.memory_space<semaphore_mem>>)
        %dma_start3A_878 = arith.constant 1280 : i32
        %dma_start3A_879 = arith.constant 0 : i32
        %dma_start3A_880 = tpu.memref_slice %arg14[%dma_start3A_878, %dma_start3A_879] : memref<1664x16xf32, #tpu.memory_space<vmem>> -> memref<128x16xf32, #tpu.memory_space<vmem>>
        %dma_start3A_881 = arith.constant 1280 : i32
        %dma_start3A_882 = tpu.memref_slice %arg12[%dma_start3A_881] : memref<1664xi32, #tpu.memory_space<vmem>> -> memref<128xi32, #tpu.memory_space<vmem>>
        %dma_start3A_883 = arith.constant 0 : i32
        %dma_start3A_884 = arith.constant 0 : i32
        %dma_start3A_885 = tpu.memref_slice %arg3[%dma_start3A_883, %dma_start3A_884] : memref<100000x16xf32, #tpu.memory_space<hbm>> -> memref<100000x16xf32, #tpu.memory_space<hbm>>
        tpu.enqueue_indirect_dma source(%dma_start3A_885 : memref<100000x16xf32, #tpu.memory_space<hbm>>) target(%dma_start3A_880 : memref<128x16xf32, #tpu.memory_space<vmem>>) offsets(%dma_start3A_882 : memref<128xi32, #tpu.memory_space<vmem>>) semaphore(%arg19 : memref<!tpu.dma_semaphore, #tpu.memory_space<semaphore_mem>>)
        %dma_start3A_886 = arith.constant 1408 : i32
        %dma_start3A_887 = arith.constant 0 : i32
        %dma_start3A_888 = tpu.memref_slice %arg13[%dma_start3A_886, %dma_start3A_887] : memref<1664x16xf32, #tpu.memory_space<vmem>> -> memref<128x16xf32, #tpu.memory_space<vmem>>
        %dma_start3A_889 = arith.constant 1408 : i32
        %dma_start3A_890 = tpu.memref_slice %arg11[%dma_start3A_889] : memref<1664xi32, #tpu.memory_space<vmem>> -> memref<128xi32, #tpu.memory_space<vmem>>
        %dma_start3A_891 = arith.constant 0 : i32
        %dma_start3A_892 = arith.constant 0 : i32
        %dma_start3A_893 = tpu.memref_slice %arg2[%dma_start3A_891, %dma_start3A_892] : memref<100000x16xf32, #tpu.memory_space<hbm>> -> memref<100000x16xf32, #tpu.memory_space<hbm>>
        tpu.enqueue_indirect_dma source(%dma_start3A_893 : memref<100000x16xf32, #tpu.memory_space<hbm>>) target(%dma_start3A_888 : memref<128x16xf32, #tpu.memory_space<vmem>>) offsets(%dma_start3A_890 : memref<128xi32, #tpu.memory_space<vmem>>) semaphore(%arg18 : memref<!tpu.dma_semaphore, #tpu.memory_space<semaphore_mem>>)
        %dma_start3A_894 = arith.constant 1408 : i32
        %dma_start3A_895 = arith.constant 0 : i32
        %dma_start3A_896 = tpu.memref_slice %arg14[%dma_start3A_894, %dma_start3A_895] : memref<1664x16xf32, #tpu.memory_space<vmem>> -> memref<128x16xf32, #tpu.memory_space<vmem>>
        %dma_start3A_897 = arith.constant 1408 : i32
        %dma_start3A_898 = tpu.memref_slice %arg12[%dma_start3A_897] : memref<1664xi32, #tpu.memory_space<vmem>> -> memref<128xi32, #tpu.memory_space<vmem>>
        %dma_start3A_899 = arith.constant 0 : i32
        %dma_start3A_900 = arith.constant 0 : i32
        %dma_start3A_901 = tpu.memref_slice %arg3[%dma_start3A_899, %dma_start3A_900] : memref<100000x16xf32, #tpu.memory_space<hbm>> -> memref<100000x16xf32, #tpu.memory_space<hbm>>
        tpu.enqueue_indirect_dma source(%dma_start3A_901 : memref<100000x16xf32, #tpu.memory_space<hbm>>) target(%dma_start3A_896 : memref<128x16xf32, #tpu.memory_space<vmem>>) offsets(%dma_start3A_898 : memref<128xi32, #tpu.memory_space<vmem>>) semaphore(%arg19 : memref<!tpu.dma_semaphore, #tpu.memory_space<semaphore_mem>>)
        %dma_start3A_902 = arith.constant 1536 : i32
        %dma_start3A_903 = arith.constant 0 : i32
        %dma_start3A_904 = tpu.memref_slice %arg13[%dma_start3A_902, %dma_start3A_903] : memref<1664x16xf32, #tpu.memory_space<vmem>> -> memref<128x16xf32, #tpu.memory_space<vmem>>
        %dma_start3A_905 = arith.constant 1536 : i32
        %dma_start3A_906 = tpu.memref_slice %arg11[%dma_start3A_905] : memref<1664xi32, #tpu.memory_space<vmem>> -> memref<128xi32, #tpu.memory_space<vmem>>
        %dma_start3A_907 = arith.constant 0 : i32
        %dma_start3A_908 = arith.constant 0 : i32
        %dma_start3A_909 = tpu.memref_slice %arg2[%dma_start3A_907, %dma_start3A_908] : memref<100000x16xf32, #tpu.memory_space<hbm>> -> memref<100000x16xf32, #tpu.memory_space<hbm>>
        tpu.enqueue_indirect_dma source(%dma_start3A_909 : memref<100000x16xf32, #tpu.memory_space<hbm>>) target(%dma_start3A_904 : memref<128x16xf32, #tpu.memory_space<vmem>>) offsets(%dma_start3A_906 : memref<128xi32, #tpu.memory_space<vmem>>) semaphore(%arg18 : memref<!tpu.dma_semaphore, #tpu.memory_space<semaphore_mem>>)
        %dma_start3A_910 = arith.constant 1536 : i32
        %dma_start3A_911 = arith.constant 0 : i32
        %dma_start3A_912 = tpu.memref_slice %arg14[%dma_start3A_910, %dma_start3A_911] : memref<1664x16xf32, #tpu.memory_space<vmem>> -> memref<128x16xf32, #tpu.memory_space<vmem>>
        %dma_start3A_913 = arith.constant 1536 : i32
        %dma_start3A_914 = tpu.memref_slice %arg12[%dma_start3A_913] : memref<1664xi32, #tpu.memory_space<vmem>> -> memref<128xi32, #tpu.memory_space<vmem>>
        %dma_start3A_915 = arith.constant 0 : i32
        %dma_start3A_916 = arith.constant 0 : i32
        %dma_start3A_917 = tpu.memref_slice %arg3[%dma_start3A_915, %dma_start3A_916] : memref<100000x16xf32, #tpu.memory_space<hbm>> -> memref<100000x16xf32, #tpu.memory_space<hbm>>
        tpu.enqueue_indirect_dma source(%dma_start3A_917 : memref<100000x16xf32, #tpu.memory_space<hbm>>) target(%dma_start3A_912 : memref<128x16xf32, #tpu.memory_space<vmem>>) offsets(%dma_start3A_914 : memref<128xi32, #tpu.memory_space<vmem>>) semaphore(%arg19 : memref<!tpu.dma_semaphore, #tpu.memory_space<semaphore_mem>>)
      } else {
      }
      %dma_wait3A_266 = arith.constant 0 : i32
      %dma_wait3A_267 = arith.constant 0 : i32
      %dma_wait3A_268 = tpu.memref_slice %arg9[%dma_wait3A_266, %dma_wait3A_267] : memref<1664x16xf32, #tpu.memory_space<vmem>> -> memref<128x16xf32, #tpu.memory_space<vmem>>
      %dma_wait3A_269 = arith.constant 0 : i32
      %dma_wait3A_270 = tpu.memref_slice %arg7[%dma_wait3A_269] : memref<1664xi32, #tpu.memory_space<vmem>> -> memref<128xi32, #tpu.memory_space<vmem>>
      %dma_wait3A_271 = arith.constant 0 : i32
      %dma_wait3A_272 = arith.constant 0 : i32
      %dma_wait3A_273 = tpu.memref_slice %arg2[%dma_wait3A_271, %dma_wait3A_272] : memref<100000x16xf32, #tpu.memory_space<hbm>> -> memref<100000x16xf32, #tpu.memory_space<hbm>>
      tpu.wait_indirect_dma semaphore(%arg16 : memref<!tpu.dma_semaphore, #tpu.memory_space<semaphore_mem>>) src(%dma_wait3A_273 : memref<100000x16xf32, #tpu.memory_space<hbm>>) dst(%dma_wait3A_268 : memref<128x16xf32, #tpu.memory_space<vmem>>)
      %dma_wait3A_274 = arith.constant 0 : i32
      %dma_wait3A_275 = arith.constant 0 : i32
      %dma_wait3A_276 = tpu.memref_slice %arg10[%dma_wait3A_274, %dma_wait3A_275] : memref<1664x16xf32, #tpu.memory_space<vmem>> -> memref<128x16xf32, #tpu.memory_space<vmem>>
      %dma_wait3A_277 = arith.constant 0 : i32
      %dma_wait3A_278 = tpu.memref_slice %arg8[%dma_wait3A_277] : memref<1664xi32, #tpu.memory_space<vmem>> -> memref<128xi32, #tpu.memory_space<vmem>>
      %dma_wait3A_279 = arith.constant 0 : i32
      %dma_wait3A_280 = arith.constant 0 : i32
      %dma_wait3A_281 = tpu.memref_slice %arg3[%dma_wait3A_279, %dma_wait3A_280] : memref<100000x16xf32, #tpu.memory_space<hbm>> -> memref<100000x16xf32, #tpu.memory_space<hbm>>
      tpu.wait_indirect_dma semaphore(%arg17 : memref<!tpu.dma_semaphore, #tpu.memory_space<semaphore_mem>>) src(%dma_wait3A_281 : memref<100000x16xf32, #tpu.memory_space<hbm>>) dst(%dma_wait3A_276 : memref<128x16xf32, #tpu.memory_space<vmem>>)
      %dma_wait3A_282 = arith.constant 128 : i32
      %dma_wait3A_283 = arith.constant 0 : i32
      %dma_wait3A_284 = tpu.memref_slice %arg9[%dma_wait3A_282, %dma_wait3A_283] : memref<1664x16xf32, #tpu.memory_space<vmem>> -> memref<128x16xf32, #tpu.memory_space<vmem>>
      %dma_wait3A_285 = arith.constant 128 : i32
      %dma_wait3A_286 = tpu.memref_slice %arg7[%dma_wait3A_285] : memref<1664xi32, #tpu.memory_space<vmem>> -> memref<128xi32, #tpu.memory_space<vmem>>
      %dma_wait3A_287 = arith.constant 0 : i32
      %dma_wait3A_288 = arith.constant 0 : i32
      %dma_wait3A_289 = tpu.memref_slice %arg2[%dma_wait3A_287, %dma_wait3A_288] : memref<100000x16xf32, #tpu.memory_space<hbm>> -> memref<100000x16xf32, #tpu.memory_space<hbm>>
      tpu.wait_indirect_dma semaphore(%arg16 : memref<!tpu.dma_semaphore, #tpu.memory_space<semaphore_mem>>) src(%dma_wait3A_289 : memref<100000x16xf32, #tpu.memory_space<hbm>>) dst(%dma_wait3A_284 : memref<128x16xf32, #tpu.memory_space<vmem>>)
      %dma_wait3A_290 = arith.constant 128 : i32
      %dma_wait3A_291 = arith.constant 0 : i32
      %dma_wait3A_292 = tpu.memref_slice %arg10[%dma_wait3A_290, %dma_wait3A_291] : memref<1664x16xf32, #tpu.memory_space<vmem>> -> memref<128x16xf32, #tpu.memory_space<vmem>>
      %dma_wait3A_293 = arith.constant 128 : i32
      %dma_wait3A_294 = tpu.memref_slice %arg8[%dma_wait3A_293] : memref<1664xi32, #tpu.memory_space<vmem>> -> memref<128xi32, #tpu.memory_space<vmem>>
      %dma_wait3A_295 = arith.constant 0 : i32
      %dma_wait3A_296 = arith.constant 0 : i32
      %dma_wait3A_297 = tpu.memref_slice %arg3[%dma_wait3A_295, %dma_wait3A_296] : memref<100000x16xf32, #tpu.memory_space<hbm>> -> memref<100000x16xf32, #tpu.memory_space<hbm>>
      tpu.wait_indirect_dma semaphore(%arg17 : memref<!tpu.dma_semaphore, #tpu.memory_space<semaphore_mem>>) src(%dma_wait3A_297 : memref<100000x16xf32, #tpu.memory_space<hbm>>) dst(%dma_wait3A_292 : memref<128x16xf32, #tpu.memory_space<vmem>>)
      %dma_wait3A_298 = arith.constant 256 : i32
      %dma_wait3A_299 = arith.constant 0 : i32
      %dma_wait3A_300 = tpu.memref_slice %arg9[%dma_wait3A_298, %dma_wait3A_299] : memref<1664x16xf32, #tpu.memory_space<vmem>> -> memref<128x16xf32, #tpu.memory_space<vmem>>
      %dma_wait3A_301 = arith.constant 256 : i32
      %dma_wait3A_302 = tpu.memref_slice %arg7[%dma_wait3A_301] : memref<1664xi32, #tpu.memory_space<vmem>> -> memref<128xi32, #tpu.memory_space<vmem>>
      %dma_wait3A_303 = arith.constant 0 : i32
      %dma_wait3A_304 = arith.constant 0 : i32
      %dma_wait3A_305 = tpu.memref_slice %arg2[%dma_wait3A_303, %dma_wait3A_304] : memref<100000x16xf32, #tpu.memory_space<hbm>> -> memref<100000x16xf32, #tpu.memory_space<hbm>>
      tpu.wait_indirect_dma semaphore(%arg16 : memref<!tpu.dma_semaphore, #tpu.memory_space<semaphore_mem>>) src(%dma_wait3A_305 : memref<100000x16xf32, #tpu.memory_space<hbm>>) dst(%dma_wait3A_300 : memref<128x16xf32, #tpu.memory_space<vmem>>)
      %dma_wait3A_306 = arith.constant 256 : i32
      %dma_wait3A_307 = arith.constant 0 : i32
      %dma_wait3A_308 = tpu.memref_slice %arg10[%dma_wait3A_306, %dma_wait3A_307] : memref<1664x16xf32, #tpu.memory_space<vmem>> -> memref<128x16xf32, #tpu.memory_space<vmem>>
      %dma_wait3A_309 = arith.constant 256 : i32
      %dma_wait3A_310 = tpu.memref_slice %arg8[%dma_wait3A_309] : memref<1664xi32, #tpu.memory_space<vmem>> -> memref<128xi32, #tpu.memory_space<vmem>>
      %dma_wait3A_311 = arith.constant 0 : i32
      %dma_wait3A_312 = arith.constant 0 : i32
      %dma_wait3A_313 = tpu.memref_slice %arg3[%dma_wait3A_311, %dma_wait3A_312] : memref<100000x16xf32, #tpu.memory_space<hbm>> -> memref<100000x16xf32, #tpu.memory_space<hbm>>
      tpu.wait_indirect_dma semaphore(%arg17 : memref<!tpu.dma_semaphore, #tpu.memory_space<semaphore_mem>>) src(%dma_wait3A_313 : memref<100000x16xf32, #tpu.memory_space<hbm>>) dst(%dma_wait3A_308 : memref<128x16xf32, #tpu.memory_space<vmem>>)
      %dma_wait3A_314 = arith.constant 384 : i32
      %dma_wait3A_315 = arith.constant 0 : i32
      %dma_wait3A_316 = tpu.memref_slice %arg9[%dma_wait3A_314, %dma_wait3A_315] : memref<1664x16xf32, #tpu.memory_space<vmem>> -> memref<128x16xf32, #tpu.memory_space<vmem>>
      %dma_wait3A_317 = arith.constant 384 : i32
      %dma_wait3A_318 = tpu.memref_slice %arg7[%dma_wait3A_317] : memref<1664xi32, #tpu.memory_space<vmem>> -> memref<128xi32, #tpu.memory_space<vmem>>
      %dma_wait3A_319 = arith.constant 0 : i32
      %dma_wait3A_320 = arith.constant 0 : i32
      %dma_wait3A_321 = tpu.memref_slice %arg2[%dma_wait3A_319, %dma_wait3A_320] : memref<100000x16xf32, #tpu.memory_space<hbm>> -> memref<100000x16xf32, #tpu.memory_space<hbm>>
      tpu.wait_indirect_dma semaphore(%arg16 : memref<!tpu.dma_semaphore, #tpu.memory_space<semaphore_mem>>) src(%dma_wait3A_321 : memref<100000x16xf32, #tpu.memory_space<hbm>>) dst(%dma_wait3A_316 : memref<128x16xf32, #tpu.memory_space<vmem>>)
      %dma_wait3A_322 = arith.constant 384 : i32
      %dma_wait3A_323 = arith.constant 0 : i32
      %dma_wait3A_324 = tpu.memref_slice %arg10[%dma_wait3A_322, %dma_wait3A_323] : memref<1664x16xf32, #tpu.memory_space<vmem>> -> memref<128x16xf32, #tpu.memory_space<vmem>>
      %dma_wait3A_325 = arith.constant 384 : i32
      %dma_wait3A_326 = tpu.memref_slice %arg8[%dma_wait3A_325] : memref<1664xi32, #tpu.memory_space<vmem>> -> memref<128xi32, #tpu.memory_space<vmem>>
      %dma_wait3A_327 = arith.constant 0 : i32
      %dma_wait3A_328 = arith.constant 0 : i32
      %dma_wait3A_329 = tpu.memref_slice %arg3[%dma_wait3A_327, %dma_wait3A_328] : memref<100000x16xf32, #tpu.memory_space<hbm>> -> memref<100000x16xf32, #tpu.memory_space<hbm>>
      tpu.wait_indirect_dma semaphore(%arg17 : memref<!tpu.dma_semaphore, #tpu.memory_space<semaphore_mem>>) src(%dma_wait3A_329 : memref<100000x16xf32, #tpu.memory_space<hbm>>) dst(%dma_wait3A_324 : memref<128x16xf32, #tpu.memory_space<vmem>>)
      %dma_wait3A_330 = arith.constant 512 : i32
      %dma_wait3A_331 = arith.constant 0 : i32
      %dma_wait3A_332 = tpu.memref_slice %arg9[%dma_wait3A_330, %dma_wait3A_331] : memref<1664x16xf32, #tpu.memory_space<vmem>> -> memref<128x16xf32, #tpu.memory_space<vmem>>
      %dma_wait3A_333 = arith.constant 512 : i32
      %dma_wait3A_334 = tpu.memref_slice %arg7[%dma_wait3A_333] : memref<1664xi32, #tpu.memory_space<vmem>> -> memref<128xi32, #tpu.memory_space<vmem>>
      %dma_wait3A_335 = arith.constant 0 : i32
      %dma_wait3A_336 = arith.constant 0 : i32
      %dma_wait3A_337 = tpu.memref_slice %arg2[%dma_wait3A_335, %dma_wait3A_336] : memref<100000x16xf32, #tpu.memory_space<hbm>> -> memref<100000x16xf32, #tpu.memory_space<hbm>>
      tpu.wait_indirect_dma semaphore(%arg16 : memref<!tpu.dma_semaphore, #tpu.memory_space<semaphore_mem>>) src(%dma_wait3A_337 : memref<100000x16xf32, #tpu.memory_space<hbm>>) dst(%dma_wait3A_332 : memref<128x16xf32, #tpu.memory_space<vmem>>)
      %dma_wait3A_338 = arith.constant 512 : i32
      %dma_wait3A_339 = arith.constant 0 : i32
      %dma_wait3A_340 = tpu.memref_slice %arg10[%dma_wait3A_338, %dma_wait3A_339] : memref<1664x16xf32, #tpu.memory_space<vmem>> -> memref<128x16xf32, #tpu.memory_space<vmem>>
      %dma_wait3A_341 = arith.constant 512 : i32
      %dma_wait3A_342 = tpu.memref_slice %arg8[%dma_wait3A_341] : memref<1664xi32, #tpu.memory_space<vmem>> -> memref<128xi32, #tpu.memory_space<vmem>>
      %dma_wait3A_343 = arith.constant 0 : i32
      %dma_wait3A_344 = arith.constant 0 : i32
      %dma_wait3A_345 = tpu.memref_slice %arg3[%dma_wait3A_343, %dma_wait3A_344] : memref<100000x16xf32, #tpu.memory_space<hbm>> -> memref<100000x16xf32, #tpu.memory_space<hbm>>
      tpu.wait_indirect_dma semaphore(%arg17 : memref<!tpu.dma_semaphore, #tpu.memory_space<semaphore_mem>>) src(%dma_wait3A_345 : memref<100000x16xf32, #tpu.memory_space<hbm>>) dst(%dma_wait3A_340 : memref<128x16xf32, #tpu.memory_space<vmem>>)
      %dma_wait3A_346 = arith.constant 640 : i32
      %dma_wait3A_347 = arith.constant 0 : i32
      %dma_wait3A_348 = tpu.memref_slice %arg9[%dma_wait3A_346, %dma_wait3A_347] : memref<1664x16xf32, #tpu.memory_space<vmem>> -> memref<128x16xf32, #tpu.memory_space<vmem>>
      %dma_wait3A_349 = arith.constant 640 : i32
      %dma_wait3A_350 = tpu.memref_slice %arg7[%dma_wait3A_349] : memref<1664xi32, #tpu.memory_space<vmem>> -> memref<128xi32, #tpu.memory_space<vmem>>
      %dma_wait3A_351 = arith.constant 0 : i32
      %dma_wait3A_352 = arith.constant 0 : i32
      %dma_wait3A_353 = tpu.memref_slice %arg2[%dma_wait3A_351, %dma_wait3A_352] : memref<100000x16xf32, #tpu.memory_space<hbm>> -> memref<100000x16xf32, #tpu.memory_space<hbm>>
      tpu.wait_indirect_dma semaphore(%arg16 : memref<!tpu.dma_semaphore, #tpu.memory_space<semaphore_mem>>) src(%dma_wait3A_353 : memref<100000x16xf32, #tpu.memory_space<hbm>>) dst(%dma_wait3A_348 : memref<128x16xf32, #tpu.memory_space<vmem>>)
      %dma_wait3A_354 = arith.constant 640 : i32
      %dma_wait3A_355 = arith.constant 0 : i32
      %dma_wait3A_356 = tpu.memref_slice %arg10[%dma_wait3A_354, %dma_wait3A_355] : memref<1664x16xf32, #tpu.memory_space<vmem>> -> memref<128x16xf32, #tpu.memory_space<vmem>>
      %dma_wait3A_357 = arith.constant 640 : i32
      %dma_wait3A_358 = tpu.memref_slice %arg8[%dma_wait3A_357] : memref<1664xi32, #tpu.memory_space<vmem>> -> memref<128xi32, #tpu.memory_space<vmem>>
      %dma_wait3A_359 = arith.constant 0 : i32
      %dma_wait3A_360 = arith.constant 0 : i32
      %dma_wait3A_361 = tpu.memref_slice %arg3[%dma_wait3A_359, %dma_wait3A_360] : memref<100000x16xf32, #tpu.memory_space<hbm>> -> memref<100000x16xf32, #tpu.memory_space<hbm>>
      tpu.wait_indirect_dma semaphore(%arg17 : memref<!tpu.dma_semaphore, #tpu.memory_space<semaphore_mem>>) src(%dma_wait3A_361 : memref<100000x16xf32, #tpu.memory_space<hbm>>) dst(%dma_wait3A_356 : memref<128x16xf32, #tpu.memory_space<vmem>>)
      %dma_wait3A_362 = arith.constant 768 : i32
      %dma_wait3A_363 = arith.constant 0 : i32
      %dma_wait3A_364 = tpu.memref_slice %arg9[%dma_wait3A_362, %dma_wait3A_363] : memref<1664x16xf32, #tpu.memory_space<vmem>> -> memref<128x16xf32, #tpu.memory_space<vmem>>
      %dma_wait3A_365 = arith.constant 768 : i32
      %dma_wait3A_366 = tpu.memref_slice %arg7[%dma_wait3A_365] : memref<1664xi32, #tpu.memory_space<vmem>> -> memref<128xi32, #tpu.memory_space<vmem>>
      %dma_wait3A_367 = arith.constant 0 : i32
      %dma_wait3A_368 = arith.constant 0 : i32
      %dma_wait3A_369 = tpu.memref_slice %arg2[%dma_wait3A_367, %dma_wait3A_368] : memref<100000x16xf32, #tpu.memory_space<hbm>> -> memref<100000x16xf32, #tpu.memory_space<hbm>>
      tpu.wait_indirect_dma semaphore(%arg16 : memref<!tpu.dma_semaphore, #tpu.memory_space<semaphore_mem>>) src(%dma_wait3A_369 : memref<100000x16xf32, #tpu.memory_space<hbm>>) dst(%dma_wait3A_364 : memref<128x16xf32, #tpu.memory_space<vmem>>)
      %dma_wait3A_370 = arith.constant 768 : i32
      %dma_wait3A_371 = arith.constant 0 : i32
      %dma_wait3A_372 = tpu.memref_slice %arg10[%dma_wait3A_370, %dma_wait3A_371] : memref<1664x16xf32, #tpu.memory_space<vmem>> -> memref<128x16xf32, #tpu.memory_space<vmem>>
      %dma_wait3A_373 = arith.constant 768 : i32
      %dma_wait3A_374 = tpu.memref_slice %arg8[%dma_wait3A_373] : memref<1664xi32, #tpu.memory_space<vmem>> -> memref<128xi32, #tpu.memory_space<vmem>>
      %dma_wait3A_375 = arith.constant 0 : i32
      %dma_wait3A_376 = arith.constant 0 : i32
      %dma_wait3A_377 = tpu.memref_slice %arg3[%dma_wait3A_375, %dma_wait3A_376] : memref<100000x16xf32, #tpu.memory_space<hbm>> -> memref<100000x16xf32, #tpu.memory_space<hbm>>
      tpu.wait_indirect_dma semaphore(%arg17 : memref<!tpu.dma_semaphore, #tpu.memory_space<semaphore_mem>>) src(%dma_wait3A_377 : memref<100000x16xf32, #tpu.memory_space<hbm>>) dst(%dma_wait3A_372 : memref<128x16xf32, #tpu.memory_space<vmem>>)
      %dma_wait3A_378 = arith.constant 896 : i32
      %dma_wait3A_379 = arith.constant 0 : i32
      %dma_wait3A_380 = tpu.memref_slice %arg9[%dma_wait3A_378, %dma_wait3A_379] : memref<1664x16xf32, #tpu.memory_space<vmem>> -> memref<128x16xf32, #tpu.memory_space<vmem>>
      %dma_wait3A_381 = arith.constant 896 : i32
      %dma_wait3A_382 = tpu.memref_slice %arg7[%dma_wait3A_381] : memref<1664xi32, #tpu.memory_space<vmem>> -> memref<128xi32, #tpu.memory_space<vmem>>
      %dma_wait3A_383 = arith.constant 0 : i32
      %dma_wait3A_384 = arith.constant 0 : i32
      %dma_wait3A_385 = tpu.memref_slice %arg2[%dma_wait3A_383, %dma_wait3A_384] : memref<100000x16xf32, #tpu.memory_space<hbm>> -> memref<100000x16xf32, #tpu.memory_space<hbm>>
      tpu.wait_indirect_dma semaphore(%arg16 : memref<!tpu.dma_semaphore, #tpu.memory_space<semaphore_mem>>) src(%dma_wait3A_385 : memref<100000x16xf32, #tpu.memory_space<hbm>>) dst(%dma_wait3A_380 : memref<128x16xf32, #tpu.memory_space<vmem>>)
      %dma_wait3A_386 = arith.constant 896 : i32
      %dma_wait3A_387 = arith.constant 0 : i32
      %dma_wait3A_388 = tpu.memref_slice %arg10[%dma_wait3A_386, %dma_wait3A_387] : memref<1664x16xf32, #tpu.memory_space<vmem>> -> memref<128x16xf32, #tpu.memory_space<vmem>>
      %dma_wait3A_389 = arith.constant 896 : i32
      %dma_wait3A_390 = tpu.memref_slice %arg8[%dma_wait3A_389] : memref<1664xi32, #tpu.memory_space<vmem>> -> memref<128xi32, #tpu.memory_space<vmem>>
      %dma_wait3A_391 = arith.constant 0 : i32
      %dma_wait3A_392 = arith.constant 0 : i32
      %dma_wait3A_393 = tpu.memref_slice %arg3[%dma_wait3A_391, %dma_wait3A_392] : memref<100000x16xf32, #tpu.memory_space<hbm>> -> memref<100000x16xf32, #tpu.memory_space<hbm>>
      tpu.wait_indirect_dma semaphore(%arg17 : memref<!tpu.dma_semaphore, #tpu.memory_space<semaphore_mem>>) src(%dma_wait3A_393 : memref<100000x16xf32, #tpu.memory_space<hbm>>) dst(%dma_wait3A_388 : memref<128x16xf32, #tpu.memory_space<vmem>>)
      %dma_wait3A_394 = arith.constant 1024 : i32
      %dma_wait3A_395 = arith.constant 0 : i32
      %dma_wait3A_396 = tpu.memref_slice %arg9[%dma_wait3A_394, %dma_wait3A_395] : memref<1664x16xf32, #tpu.memory_space<vmem>> -> memref<128x16xf32, #tpu.memory_space<vmem>>
      %dma_wait3A_397 = arith.constant 1024 : i32
      %dma_wait3A_398 = tpu.memref_slice %arg7[%dma_wait3A_397] : memref<1664xi32, #tpu.memory_space<vmem>> -> memref<128xi32, #tpu.memory_space<vmem>>
      %dma_wait3A_399 = arith.constant 0 : i32
      %dma_wait3A_400 = arith.constant 0 : i32
      %dma_wait3A_401 = tpu.memref_slice %arg2[%dma_wait3A_399, %dma_wait3A_400] : memref<100000x16xf32, #tpu.memory_space<hbm>> -> memref<100000x16xf32, #tpu.memory_space<hbm>>
      tpu.wait_indirect_dma semaphore(%arg16 : memref<!tpu.dma_semaphore, #tpu.memory_space<semaphore_mem>>) src(%dma_wait3A_401 : memref<100000x16xf32, #tpu.memory_space<hbm>>) dst(%dma_wait3A_396 : memref<128x16xf32, #tpu.memory_space<vmem>>)
      %dma_wait3A_402 = arith.constant 1024 : i32
      %dma_wait3A_403 = arith.constant 0 : i32
      %dma_wait3A_404 = tpu.memref_slice %arg10[%dma_wait3A_402, %dma_wait3A_403] : memref<1664x16xf32, #tpu.memory_space<vmem>> -> memref<128x16xf32, #tpu.memory_space<vmem>>
      %dma_wait3A_405 = arith.constant 1024 : i32
      %dma_wait3A_406 = tpu.memref_slice %arg8[%dma_wait3A_405] : memref<1664xi32, #tpu.memory_space<vmem>> -> memref<128xi32, #tpu.memory_space<vmem>>
      %dma_wait3A_407 = arith.constant 0 : i32
      %dma_wait3A_408 = arith.constant 0 : i32
      %dma_wait3A_409 = tpu.memref_slice %arg3[%dma_wait3A_407, %dma_wait3A_408] : memref<100000x16xf32, #tpu.memory_space<hbm>> -> memref<100000x16xf32, #tpu.memory_space<hbm>>
      tpu.wait_indirect_dma semaphore(%arg17 : memref<!tpu.dma_semaphore, #tpu.memory_space<semaphore_mem>>) src(%dma_wait3A_409 : memref<100000x16xf32, #tpu.memory_space<hbm>>) dst(%dma_wait3A_404 : memref<128x16xf32, #tpu.memory_space<vmem>>)
      %dma_wait3A_410 = arith.constant 1152 : i32
      %dma_wait3A_411 = arith.constant 0 : i32
      %dma_wait3A_412 = tpu.memref_slice %arg9[%dma_wait3A_410, %dma_wait3A_411] : memref<1664x16xf32, #tpu.memory_space<vmem>> -> memref<128x16xf32, #tpu.memory_space<vmem>>
      %dma_wait3A_413 = arith.constant 1152 : i32
      %dma_wait3A_414 = tpu.memref_slice %arg7[%dma_wait3A_413] : memref<1664xi32, #tpu.memory_space<vmem>> -> memref<128xi32, #tpu.memory_space<vmem>>
      %dma_wait3A_415 = arith.constant 0 : i32
      %dma_wait3A_416 = arith.constant 0 : i32
      %dma_wait3A_417 = tpu.memref_slice %arg2[%dma_wait3A_415, %dma_wait3A_416] : memref<100000x16xf32, #tpu.memory_space<hbm>> -> memref<100000x16xf32, #tpu.memory_space<hbm>>
      tpu.wait_indirect_dma semaphore(%arg16 : memref<!tpu.dma_semaphore, #tpu.memory_space<semaphore_mem>>) src(%dma_wait3A_417 : memref<100000x16xf32, #tpu.memory_space<hbm>>) dst(%dma_wait3A_412 : memref<128x16xf32, #tpu.memory_space<vmem>>)
      %dma_wait3A_418 = arith.constant 1152 : i32
      %dma_wait3A_419 = arith.constant 0 : i32
      %dma_wait3A_420 = tpu.memref_slice %arg10[%dma_wait3A_418, %dma_wait3A_419] : memref<1664x16xf32, #tpu.memory_space<vmem>> -> memref<128x16xf32, #tpu.memory_space<vmem>>
      %dma_wait3A_421 = arith.constant 1152 : i32
      %dma_wait3A_422 = tpu.memref_slice %arg8[%dma_wait3A_421] : memref<1664xi32, #tpu.memory_space<vmem>> -> memref<128xi32, #tpu.memory_space<vmem>>
      %dma_wait3A_423 = arith.constant 0 : i32
      %dma_wait3A_424 = arith.constant 0 : i32
      %dma_wait3A_425 = tpu.memref_slice %arg3[%dma_wait3A_423, %dma_wait3A_424] : memref<100000x16xf32, #tpu.memory_space<hbm>> -> memref<100000x16xf32, #tpu.memory_space<hbm>>
      tpu.wait_indirect_dma semaphore(%arg17 : memref<!tpu.dma_semaphore, #tpu.memory_space<semaphore_mem>>) src(%dma_wait3A_425 : memref<100000x16xf32, #tpu.memory_space<hbm>>) dst(%dma_wait3A_420 : memref<128x16xf32, #tpu.memory_space<vmem>>)
      %dma_wait3A_426 = arith.constant 1280 : i32
      %dma_wait3A_427 = arith.constant 0 : i32
      %dma_wait3A_428 = tpu.memref_slice %arg9[%dma_wait3A_426, %dma_wait3A_427] : memref<1664x16xf32, #tpu.memory_space<vmem>> -> memref<128x16xf32, #tpu.memory_space<vmem>>
      %dma_wait3A_429 = arith.constant 1280 : i32
      %dma_wait3A_430 = tpu.memref_slice %arg7[%dma_wait3A_429] : memref<1664xi32, #tpu.memory_space<vmem>> -> memref<128xi32, #tpu.memory_space<vmem>>
      %dma_wait3A_431 = arith.constant 0 : i32
      %dma_wait3A_432 = arith.constant 0 : i32
      %dma_wait3A_433 = tpu.memref_slice %arg2[%dma_wait3A_431, %dma_wait3A_432] : memref<100000x16xf32, #tpu.memory_space<hbm>> -> memref<100000x16xf32, #tpu.memory_space<hbm>>
      tpu.wait_indirect_dma semaphore(%arg16 : memref<!tpu.dma_semaphore, #tpu.memory_space<semaphore_mem>>) src(%dma_wait3A_433 : memref<100000x16xf32, #tpu.memory_space<hbm>>) dst(%dma_wait3A_428 : memref<128x16xf32, #tpu.memory_space<vmem>>)
      %dma_wait3A_434 = arith.constant 1280 : i32
      %dma_wait3A_435 = arith.constant 0 : i32
      %dma_wait3A_436 = tpu.memref_slice %arg10[%dma_wait3A_434, %dma_wait3A_435] : memref<1664x16xf32, #tpu.memory_space<vmem>> -> memref<128x16xf32, #tpu.memory_space<vmem>>
      %dma_wait3A_437 = arith.constant 1280 : i32
      %dma_wait3A_438 = tpu.memref_slice %arg8[%dma_wait3A_437] : memref<1664xi32, #tpu.memory_space<vmem>> -> memref<128xi32, #tpu.memory_space<vmem>>
      %dma_wait3A_439 = arith.constant 0 : i32
      %dma_wait3A_440 = arith.constant 0 : i32
      %dma_wait3A_441 = tpu.memref_slice %arg3[%dma_wait3A_439, %dma_wait3A_440] : memref<100000x16xf32, #tpu.memory_space<hbm>> -> memref<100000x16xf32, #tpu.memory_space<hbm>>
      tpu.wait_indirect_dma semaphore(%arg17 : memref<!tpu.dma_semaphore, #tpu.memory_space<semaphore_mem>>) src(%dma_wait3A_441 : memref<100000x16xf32, #tpu.memory_space<hbm>>) dst(%dma_wait3A_436 : memref<128x16xf32, #tpu.memory_space<vmem>>)
      %dma_wait3A_442 = arith.constant 1408 : i32
      %dma_wait3A_443 = arith.constant 0 : i32
      %dma_wait3A_444 = tpu.memref_slice %arg9[%dma_wait3A_442, %dma_wait3A_443] : memref<1664x16xf32, #tpu.memory_space<vmem>> -> memref<128x16xf32, #tpu.memory_space<vmem>>
      %dma_wait3A_445 = arith.constant 1408 : i32
      %dma_wait3A_446 = tpu.memref_slice %arg7[%dma_wait3A_445] : memref<1664xi32, #tpu.memory_space<vmem>> -> memref<128xi32, #tpu.memory_space<vmem>>
      %dma_wait3A_447 = arith.constant 0 : i32
      %dma_wait3A_448 = arith.constant 0 : i32
      %dma_wait3A_449 = tpu.memref_slice %arg2[%dma_wait3A_447, %dma_wait3A_448] : memref<100000x16xf32, #tpu.memory_space<hbm>> -> memref<100000x16xf32, #tpu.memory_space<hbm>>
      tpu.wait_indirect_dma semaphore(%arg16 : memref<!tpu.dma_semaphore, #tpu.memory_space<semaphore_mem>>) src(%dma_wait3A_449 : memref<100000x16xf32, #tpu.memory_space<hbm>>) dst(%dma_wait3A_444 : memref<128x16xf32, #tpu.memory_space<vmem>>)
      %dma_wait3A_450 = arith.constant 1408 : i32
      %dma_wait3A_451 = arith.constant 0 : i32
      %dma_wait3A_452 = tpu.memref_slice %arg10[%dma_wait3A_450, %dma_wait3A_451] : memref<1664x16xf32, #tpu.memory_space<vmem>> -> memref<128x16xf32, #tpu.memory_space<vmem>>
      %dma_wait3A_453 = arith.constant 1408 : i32
      %dma_wait3A_454 = tpu.memref_slice %arg8[%dma_wait3A_453] : memref<1664xi32, #tpu.memory_space<vmem>> -> memref<128xi32, #tpu.memory_space<vmem>>
      %dma_wait3A_455 = arith.constant 0 : i32
      %dma_wait3A_456 = arith.constant 0 : i32
      %dma_wait3A_457 = tpu.memref_slice %arg3[%dma_wait3A_455, %dma_wait3A_456] : memref<100000x16xf32, #tpu.memory_space<hbm>> -> memref<100000x16xf32, #tpu.memory_space<hbm>>
      tpu.wait_indirect_dma semaphore(%arg17 : memref<!tpu.dma_semaphore, #tpu.memory_space<semaphore_mem>>) src(%dma_wait3A_457 : memref<100000x16xf32, #tpu.memory_space<hbm>>) dst(%dma_wait3A_452 : memref<128x16xf32, #tpu.memory_space<vmem>>)
      %dma_wait3A_458 = arith.constant 1536 : i32
      %dma_wait3A_459 = arith.constant 0 : i32
      %dma_wait3A_460 = tpu.memref_slice %arg9[%dma_wait3A_458, %dma_wait3A_459] : memref<1664x16xf32, #tpu.memory_space<vmem>> -> memref<128x16xf32, #tpu.memory_space<vmem>>
      %dma_wait3A_461 = arith.constant 1536 : i32
      %dma_wait3A_462 = tpu.memref_slice %arg7[%dma_wait3A_461] : memref<1664xi32, #tpu.memory_space<vmem>> -> memref<128xi32, #tpu.memory_space<vmem>>
      %dma_wait3A_463 = arith.constant 0 : i32
      %dma_wait3A_464 = arith.constant 0 : i32
      %dma_wait3A_465 = tpu.memref_slice %arg2[%dma_wait3A_463, %dma_wait3A_464] : memref<100000x16xf32, #tpu.memory_space<hbm>> -> memref<100000x16xf32, #tpu.memory_space<hbm>>
      tpu.wait_indirect_dma semaphore(%arg16 : memref<!tpu.dma_semaphore, #tpu.memory_space<semaphore_mem>>) src(%dma_wait3A_465 : memref<100000x16xf32, #tpu.memory_space<hbm>>) dst(%dma_wait3A_460 : memref<128x16xf32, #tpu.memory_space<vmem>>)
      %dma_wait3A_466 = arith.constant 1536 : i32
      %dma_wait3A_467 = arith.constant 0 : i32
      %dma_wait3A_468 = tpu.memref_slice %arg10[%dma_wait3A_466, %dma_wait3A_467] : memref<1664x16xf32, #tpu.memory_space<vmem>> -> memref<128x16xf32, #tpu.memory_space<vmem>>
      %dma_wait3A_469 = arith.constant 1536 : i32
      %dma_wait3A_470 = tpu.memref_slice %arg8[%dma_wait3A_469] : memref<1664xi32, #tpu.memory_space<vmem>> -> memref<128xi32, #tpu.memory_space<vmem>>
      %dma_wait3A_471 = arith.constant 0 : i32
      %dma_wait3A_472 = arith.constant 0 : i32
      %dma_wait3A_473 = tpu.memref_slice %arg3[%dma_wait3A_471, %dma_wait3A_472] : memref<100000x16xf32, #tpu.memory_space<hbm>> -> memref<100000x16xf32, #tpu.memory_space<hbm>>
      tpu.wait_indirect_dma semaphore(%arg17 : memref<!tpu.dma_semaphore, #tpu.memory_space<semaphore_mem>>) src(%dma_wait3A_473 : memref<100000x16xf32, #tpu.memory_space<hbm>>) dst(%dma_wait3A_468 : memref<128x16xf32, #tpu.memory_space<vmem>>)
      %scan3A_474 = arith.constant 0 : i32
      %scan3A_475 = arith.constant 104 : i32
      %scan3A_476 = arith.addi %scan3A_474, %scan3A_475 : i32
      %scan3A_477 = arith.constant 1 : i32
      %scan3A_478 = scf.for %scan3A_705 = %scan3A_474 to %scan3A_476 step %scan3A_477 iter_args(%scan3A_706 = %scan3A_257) -> (vector<16xf32>)  : i32 {
        %mul3A_707 = arith.constant 16 : i32
        %mul3A_708 = arith.muli %scan3A_705, %mul3A_707 : i32
        %add3A_709 = vector.broadcast %mul3A_708 : i32 to vector<16xi32>
        %add3A_710 = arith.addi %add3A_709, %iota3A : vector<16xi32>
        %broadcast_in_dim3A_711 = arith.constant 0 : i32
        %broadcast_in_dim3A_712 = vector.broadcast %broadcast_in_dim3A_711 : i32 to vector<16xi32>
        %gather3A = tpu.vector_load_idx %arg9[%add3A_710, %broadcast_in_dim3A_712] : memref<1664x16xf32, #tpu.memory_space<vmem>>[vector<16xi32>, vector<16xi32>], vector<16xf32>,
        %gather3A_713 = tpu.vector_load_idx %arg10[%add3A_710, %broadcast_in_dim3A_712] : memref<1664x16xf32, #tpu.memory_space<vmem>>[vector<16xi32>, vector<16xi32>], vector<16xf32>,
        %sub3A = arith.subf %gather3A, %gather3A_713 : vector<16xf32>
        %add3A_714 = arith.constant 9.99999997E-7 : f32
        %add3A_715 = vector.broadcast %add3A_714 : f32 to vector<16xf32>
        %add3A_716 = arith.addf %sub3A, %add3A_715 : vector<16xf32>
        %mul3A_717 = arith.mulf %add3A_716, %add3A_716 : vector<16xf32>
        %broadcast_in_dim3A_718 = arith.constant 1 : i32
        %broadcast_in_dim3A_719 = vector.broadcast %broadcast_in_dim3A_718 : i32 to vector<16xi32>
        %gather3A_720 = tpu.vector_load_idx %arg9[%add3A_710, %broadcast_in_dim3A_719] : memref<1664x16xf32, #tpu.memory_space<vmem>>[vector<16xi32>, vector<16xi32>], vector<16xf32>,
        %gather3A_721 = tpu.vector_load_idx %arg10[%add3A_710, %broadcast_in_dim3A_719] : memref<1664x16xf32, #tpu.memory_space<vmem>>[vector<16xi32>, vector<16xi32>], vector<16xf32>,
        %sub3A_722 = arith.subf %gather3A_720, %gather3A_721 : vector<16xf32>
        %add3A_723 = arith.constant 9.99999997E-7 : f32
        %add3A_724 = vector.broadcast %add3A_723 : f32 to vector<16xf32>
        %add3A_725 = arith.addf %sub3A_722, %add3A_724 : vector<16xf32>
        %mul3A_726 = arith.mulf %add3A_725, %add3A_725 : vector<16xf32>
        %broadcast_in_dim3A_727 = arith.constant 2 : i32
        %broadcast_in_dim3A_728 = vector.broadcast %broadcast_in_dim3A_727 : i32 to vector<16xi32>
        %gather3A_729 = tpu.vector_load_idx %arg9[%add3A_710, %broadcast_in_dim3A_728] : memref<1664x16xf32, #tpu.memory_space<vmem>>[vector<16xi32>, vector<16xi32>], vector<16xf32>,
        %gather3A_730 = tpu.vector_load_idx %arg10[%add3A_710, %broadcast_in_dim3A_728] : memref<1664x16xf32, #tpu.memory_space<vmem>>[vector<16xi32>, vector<16xi32>], vector<16xf32>,
        %sub3A_731 = arith.subf %gather3A_729, %gather3A_730 : vector<16xf32>
        %add3A_732 = arith.constant 9.99999997E-7 : f32
        %add3A_733 = vector.broadcast %add3A_732 : f32 to vector<16xf32>
        %add3A_734 = arith.addf %sub3A_731, %add3A_733 : vector<16xf32>
        %mul3A_735 = arith.mulf %add3A_734, %add3A_734 : vector<16xf32>
        %broadcast_in_dim3A_736 = arith.constant 3 : i32
        %broadcast_in_dim3A_737 = vector.broadcast %broadcast_in_dim3A_736 : i32 to vector<16xi32>
        %gather3A_738 = tpu.vector_load_idx %arg9[%add3A_710, %broadcast_in_dim3A_737] : memref<1664x16xf32, #tpu.memory_space<vmem>>[vector<16xi32>, vector<16xi32>], vector<16xf32>,
        %gather3A_739 = tpu.vector_load_idx %arg10[%add3A_710, %broadcast_in_dim3A_737] : memref<1664x16xf32, #tpu.memory_space<vmem>>[vector<16xi32>, vector<16xi32>], vector<16xf32>,
        %sub3A_740 = arith.subf %gather3A_738, %gather3A_739 : vector<16xf32>
        %add3A_741 = arith.constant 9.99999997E-7 : f32
        %add3A_742 = vector.broadcast %add3A_741 : f32 to vector<16xf32>
        %add3A_743 = arith.addf %sub3A_740, %add3A_742 : vector<16xf32>
        %mul3A_744 = arith.mulf %add3A_743, %add3A_743 : vector<16xf32>
        %broadcast_in_dim3A_745 = arith.constant 4 : i32
        %broadcast_in_dim3A_746 = vector.broadcast %broadcast_in_dim3A_745 : i32 to vector<16xi32>
        %gather3A_747 = tpu.vector_load_idx %arg9[%add3A_710, %broadcast_in_dim3A_746] : memref<1664x16xf32, #tpu.memory_space<vmem>>[vector<16xi32>, vector<16xi32>], vector<16xf32>,
        %gather3A_748 = tpu.vector_load_idx %arg10[%add3A_710, %broadcast_in_dim3A_746] : memref<1664x16xf32, #tpu.memory_space<vmem>>[vector<16xi32>, vector<16xi32>], vector<16xf32>,
        %sub3A_749 = arith.subf %gather3A_747, %gather3A_748 : vector<16xf32>
        %add3A_750 = arith.constant 9.99999997E-7 : f32
        %add3A_751 = vector.broadcast %add3A_750 : f32 to vector<16xf32>
        %add3A_752 = arith.addf %sub3A_749, %add3A_751 : vector<16xf32>
        %mul3A_753 = arith.mulf %add3A_752, %add3A_752 : vector<16xf32>
        %broadcast_in_dim3A_754 = arith.constant 5 : i32
        %broadcast_in_dim3A_755 = vector.broadcast %broadcast_in_dim3A_754 : i32 to vector<16xi32>
        %gather3A_756 = tpu.vector_load_idx %arg9[%add3A_710, %broadcast_in_dim3A_755] : memref<1664x16xf32, #tpu.memory_space<vmem>>[vector<16xi32>, vector<16xi32>], vector<16xf32>,
        %gather3A_757 = tpu.vector_load_idx %arg10[%add3A_710, %broadcast_in_dim3A_755] : memref<1664x16xf32, #tpu.memory_space<vmem>>[vector<16xi32>, vector<16xi32>], vector<16xf32>,
        %sub3A_758 = arith.subf %gather3A_756, %gather3A_757 : vector<16xf32>
        %add3A_759 = arith.constant 9.99999997E-7 : f32
        %add3A_760 = vector.broadcast %add3A_759 : f32 to vector<16xf32>
        %add3A_761 = arith.addf %sub3A_758, %add3A_760 : vector<16xf32>
        %mul3A_762 = arith.mulf %add3A_761, %add3A_761 : vector<16xf32>
        %broadcast_in_dim3A_763 = arith.constant 6 : i32
        %broadcast_in_dim3A_764 = vector.broadcast %broadcast_in_dim3A_763 : i32 to vector<16xi32>
        %gather3A_765 = tpu.vector_load_idx %arg9[%add3A_710, %broadcast_in_dim3A_764] : memref<1664x16xf32, #tpu.memory_space<vmem>>[vector<16xi32>, vector<16xi32>], vector<16xf32>,
        %gather3A_766 = tpu.vector_load_idx %arg10[%add3A_710, %broadcast_in_dim3A_764] : memref<1664x16xf32, #tpu.memory_space<vmem>>[vector<16xi32>, vector<16xi32>], vector<16xf32>,
        %sub3A_767 = arith.subf %gather3A_765, %gather3A_766 : vector<16xf32>
        %add3A_768 = arith.constant 9.99999997E-7 : f32
        %add3A_769 = vector.broadcast %add3A_768 : f32 to vector<16xf32>
        %add3A_770 = arith.addf %sub3A_767, %add3A_769 : vector<16xf32>
        %mul3A_771 = arith.mulf %add3A_770, %add3A_770 : vector<16xf32>
        %broadcast_in_dim3A_772 = arith.constant 7 : i32
        %broadcast_in_dim3A_773 = vector.broadcast %broadcast_in_dim3A_772 : i32 to vector<16xi32>
        %gather3A_774 = tpu.vector_load_idx %arg9[%add3A_710, %broadcast_in_dim3A_773] : memref<1664x16xf32, #tpu.memory_space<vmem>>[vector<16xi32>, vector<16xi32>], vector<16xf32>,
        %gather3A_775 = tpu.vector_load_idx %arg10[%add3A_710, %broadcast_in_dim3A_773] : memref<1664x16xf32, #tpu.memory_space<vmem>>[vector<16xi32>, vector<16xi32>], vector<16xf32>,
        %sub3A_776 = arith.subf %gather3A_774, %gather3A_775 : vector<16xf32>
        %add3A_777 = arith.constant 9.99999997E-7 : f32
        %add3A_778 = vector.broadcast %add3A_777 : f32 to vector<16xf32>
        %add3A_779 = arith.addf %sub3A_776, %add3A_778 : vector<16xf32>
        %mul3A_780 = arith.mulf %add3A_779, %add3A_779 : vector<16xf32>
        %add3A_781 = arith.addf %mul3A_717, %mul3A_726 : vector<16xf32>
        %add3A_782 = arith.addf %mul3A_735, %mul3A_744 : vector<16xf32>
        %add3A_783 = arith.addf %add3A_781, %add3A_782 : vector<16xf32>
        %add3A_784 = arith.addf %mul3A_753, %mul3A_762 : vector<16xf32>
        %add3A_785 = arith.addf %mul3A_771, %mul3A_780 : vector<16xf32>
        %add3A_786 = arith.addf %add3A_784, %add3A_785 : vector<16xf32>
        %add3A_787 = arith.addf %add3A_783, %add3A_786 : vector<16xf32>
        %broadcast_in_dim3A_788 = arith.constant 8 : i32
        %broadcast_in_dim3A_789 = vector.broadcast %broadcast_in_dim3A_788 : i32 to vector<16xi32>
        %gather3A_790 = tpu.vector_load_idx %arg9[%add3A_710, %broadcast_in_dim3A_789] : memref<1664x16xf32, #tpu.memory_space<vmem>>[vector<16xi32>, vector<16xi32>], vector<16xf32>,
        %gather3A_791 = tpu.vector_load_idx %arg10[%add3A_710, %broadcast_in_dim3A_789] : memref<1664x16xf32, #tpu.memory_space<vmem>>[vector<16xi32>, vector<16xi32>], vector<16xf32>,
        %add3A_792 = arith.addf %gather3A_790, %gather3A_791 : vector<16xf32>
        %max3A = arith.constant 1.000000e-24 : f32
        %max3A_793 = vector.broadcast %max3A : f32 to vector<16xf32>
        %max3A_794 = arith.maximumf %add3A_787, %max3A_793 : vector<16xf32>
        %bitcast3A = vector.bitcast %max3A_794 : vector<16xf32> to vector<16xi32>
        %shift_right_logical3A = arith.constant 1 : i32
        %shift_right_logical3A_795 = vector.broadcast %shift_right_logical3A : i32 to vector<16xi32>
        %shift_right_logical3A_796 = arith.shrui %bitcast3A, %shift_right_logical3A_795 : vector<16xi32>
        %sub3A_797 = arith.constant 1597463007 : i32
        %sub3A_798 = vector.broadcast %sub3A_797 : i32 to vector<16xi32>
        %sub3A_799 = arith.subi %sub3A_798, %shift_right_logical3A_796 : vector<16xi32>
        %bitcast3A_800 = vector.bitcast %sub3A_799 : vector<16xi32> to vector<16xf32>
        %mul3A_801 = arith.constant 5.000000e-01 : f32
        %mul3A_802 = vector.broadcast %mul3A_801 : f32 to vector<16xf32>
        %mul3A_803 = arith.mulf %mul3A_802, %max3A_794 : vector<16xf32>
        %mul3A_804 = arith.mulf %mul3A_803, %bitcast3A_800 : vector<16xf32>
        %mul3A_805 = arith.mulf %mul3A_804, %bitcast3A_800 : vector<16xf32>
        %sub3A_806 = arith.constant 1.500000e+00 : f32
        %sub3A_807 = vector.broadcast %sub3A_806 : f32 to vector<16xf32>
        %sub3A_808 = arith.subf %sub3A_807, %mul3A_805 : vector<16xf32>
        %mul3A_809 = arith.mulf %bitcast3A_800, %sub3A_808 : vector<16xf32>
        %mul3A_810 = arith.constant 5.000000e-01 : f32
        %mul3A_811 = vector.broadcast %mul3A_810 : f32 to vector<16xf32>
        %mul3A_812 = arith.mulf %mul3A_811, %max3A_794 : vector<16xf32>
        %mul3A_813 = arith.mulf %mul3A_812, %mul3A_809 : vector<16xf32>
        %mul3A_814 = arith.mulf %mul3A_813, %mul3A_809 : vector<16xf32>
        %sub3A_815 = arith.constant 1.500000e+00 : f32
        %sub3A_816 = vector.broadcast %sub3A_815 : f32 to vector<16xf32>
        %sub3A_817 = arith.subf %sub3A_816, %mul3A_814 : vector<16xf32>
        %mul3A_818 = arith.mulf %mul3A_809, %sub3A_817 : vector<16xf32>
        %mul3A_819 = arith.constant 5.000000e-01 : f32
        %mul3A_820 = vector.broadcast %mul3A_819 : f32 to vector<16xf32>
        %mul3A_821 = arith.mulf %mul3A_820, %max3A_794 : vector<16xf32>
        %mul3A_822 = arith.mulf %mul3A_821, %mul3A_818 : vector<16xf32>
        %mul3A_823 = arith.mulf %mul3A_822, %mul3A_818 : vector<16xf32>
        %sub3A_824 = arith.constant 1.500000e+00 : f32
        %sub3A_825 = vector.broadcast %sub3A_824 : f32 to vector<16xf32>
        %sub3A_826 = arith.subf %sub3A_825, %mul3A_823 : vector<16xf32>
        %mul3A_827 = arith.mulf %mul3A_818, %sub3A_826 : vector<16xf32>
        %mul3A_828 = arith.mulf %max3A_794, %mul3A_827 : vector<16xf32>
        %sub3A_829 = arith.subf %add3A_792, %mul3A_828 : vector<16xf32>
        %add3A_830 = arith.addf %scan3A_706, %sub3A_829 : vector<16xf32>
        scf.yield %add3A_830 : vector<16xf32>
      }
      %scan3A_479 = arith.constant 104 : i32
      %mul3A_480 = arith.constant 2 : i32
      %mul3A_481 = arith.muli %mul3A_480, %scan3A_256 : i32
      %add3A_482 = arith.constant 1 : i32
      %add3A_483 = arith.addi %mul3A_481, %add3A_482 : i32
      %add3A_484 = arith.constant 1 : i32
      %add3A_485 = arith.addi %add3A_483, %add3A_484 : i32
      %lt3A_486 = arith.constant 30 : i32
      %lt3A_487 = arith.cmpi slt, %add3A_485, %lt3A_486 : i32
      %convert_element_type3A_488 = arith.extui %lt3A_487 : i1 to i32
      %cond3A_489 = arith.constant 0 : i32
      %cond3A_490 = arith.cmpi ne, %convert_element_type3A_488, %cond3A_489 : i32
      scf.if %cond3A_490 {
        %add3A_705 = arith.constant 1 : i32
        %add3A_706 = arith.addi %add3A_483, %add3A_705 : i32
        %mul3A_707 = arith.constant 1664 : i32
        %mul3A_708 = arith.muli %add3A_706, %mul3A_707 : i32
        %add3A_709 = arith.addi %mul3A_2, %mul3A_708 : i32
        "tpu.region"() ({
          %run_scoped3A = tpu.sem_alloc : memref<!tpu.dma_semaphore, #tpu.memory_space<semaphore_mem>>
          %dma_start3A_918 = arith.constant 0 : i32
          %dma_start3A_919 = tpu.memref_slice %arg7[%dma_start3A_918] : memref<1664xi32, #tpu.memory_space<vmem>> -> memref<1664xi32, #tpu.memory_space<vmem>>
          %dma_start3A_920 = tpu.memref_slice %arg4[%add3A_709] : memref<1600000xi32, #tpu.memory_space<hbm>> -> memref<1664xi32, #tpu.memory_space<hbm>>
          %dma_start3A_921 = arith.constant 0 : i32
          %dma_start3A_922 = tpu.memref_slice %arg7[%dma_start3A_921] : memref<1664xi32, #tpu.memory_space<vmem>> -> memref<1664xi32, #tpu.memory_space<vmem>>
          %dma_start3A_923 = tpu.memref_slice %arg4[%add3A_709] : memref<1600000xi32, #tpu.memory_space<hbm>> -> memref<1664xi32, #tpu.memory_space<hbm>>
          tpu.enqueue_dma source(%dma_start3A_923 : memref<1664xi32, #tpu.memory_space<hbm>>) target(%dma_start3A_922 : memref<1664xi32, #tpu.memory_space<vmem>>) target_semaphore(%run_scoped3A : memref<!tpu.dma_semaphore, #tpu.memory_space<semaphore_mem>>)
          %dma_wait3A_924 = arith.constant 0 : i32
          %dma_wait3A_925 = tpu.memref_slice %arg7[%dma_wait3A_924] : memref<1664xi32, #tpu.memory_space<vmem>> -> memref<1664xi32, #tpu.memory_space<vmem>>
          %dma_wait3A_926 = tpu.memref_slice %arg4[%add3A_709] : memref<1600000xi32, #tpu.memory_space<hbm>> -> memref<1664xi32, #tpu.memory_space<hbm>>
          %dma_wait3A_927 = arith.constant 0 : i32
          %dma_wait3A_928 = tpu.memref_slice %arg7[%dma_wait3A_927] : memref<1664xi32, #tpu.memory_space<vmem>> -> memref<1664xi32, #tpu.memory_space<vmem>>
          %dma_wait3A_929 = tpu.memref_slice %arg4[%add3A_709] : memref<1600000xi32, #tpu.memory_space<hbm>> -> memref<1664xi32, #tpu.memory_space<hbm>>
          tpu.wait_dma2 semaphore(%run_scoped3A : memref<!tpu.dma_semaphore, #tpu.memory_space<semaphore_mem>>) src(%dma_wait3A_929 : memref<1664xi32, #tpu.memory_space<hbm>>) dst(%dma_wait3A_928 : memref<1664xi32, #tpu.memory_space<vmem>>)
          tpu.yield
        }) : () -> ()
        "tpu.region"() ({
          %run_scoped3A = tpu.sem_alloc : memref<!tpu.dma_semaphore, #tpu.memory_space<semaphore_mem>>
          %dma_start3A_918 = arith.constant 0 : i32
          %dma_start3A_919 = tpu.memref_slice %arg8[%dma_start3A_918] : memref<1664xi32, #tpu.memory_space<vmem>> -> memref<1664xi32, #tpu.memory_space<vmem>>
          %dma_start3A_920 = tpu.memref_slice %arg5[%add3A_709] : memref<1600000xi32, #tpu.memory_space<hbm>> -> memref<1664xi32, #tpu.memory_space<hbm>>
          %dma_start3A_921 = arith.constant 0 : i32
          %dma_start3A_922 = tpu.memref_slice %arg8[%dma_start3A_921] : memref<1664xi32, #tpu.memory_space<vmem>> -> memref<1664xi32, #tpu.memory_space<vmem>>
          %dma_start3A_923 = tpu.memref_slice %arg5[%add3A_709] : memref<1600000xi32, #tpu.memory_space<hbm>> -> memref<1664xi32, #tpu.memory_space<hbm>>
          tpu.enqueue_dma source(%dma_start3A_923 : memref<1664xi32, #tpu.memory_space<hbm>>) target(%dma_start3A_922 : memref<1664xi32, #tpu.memory_space<vmem>>) target_semaphore(%run_scoped3A : memref<!tpu.dma_semaphore, #tpu.memory_space<semaphore_mem>>)
          %dma_wait3A_924 = arith.constant 0 : i32
          %dma_wait3A_925 = tpu.memref_slice %arg8[%dma_wait3A_924] : memref<1664xi32, #tpu.memory_space<vmem>> -> memref<1664xi32, #tpu.memory_space<vmem>>
          %dma_wait3A_926 = tpu.memref_slice %arg5[%add3A_709] : memref<1600000xi32, #tpu.memory_space<hbm>> -> memref<1664xi32, #tpu.memory_space<hbm>>
          %dma_wait3A_927 = arith.constant 0 : i32
          %dma_wait3A_928 = tpu.memref_slice %arg8[%dma_wait3A_927] : memref<1664xi32, #tpu.memory_space<vmem>> -> memref<1664xi32, #tpu.memory_space<vmem>>
          %dma_wait3A_929 = tpu.memref_slice %arg5[%add3A_709] : memref<1600000xi32, #tpu.memory_space<hbm>> -> memref<1664xi32, #tpu.memory_space<hbm>>
          tpu.wait_dma2 semaphore(%run_scoped3A : memref<!tpu.dma_semaphore, #tpu.memory_space<semaphore_mem>>) src(%dma_wait3A_929 : memref<1664xi32, #tpu.memory_space<hbm>>) dst(%dma_wait3A_928 : memref<1664xi32, #tpu.memory_space<vmem>>)
          tpu.yield
        }) : () -> ()
        %dma_start3A_710 = arith.constant 0 : i32
        %dma_start3A_711 = arith.constant 0 : i32
        %dma_start3A_712 = tpu.memref_slice %arg9[%dma_start3A_710, %dma_start3A_711] : memref<1664x16xf32, #tpu.memory_space<vmem>> -> memref<128x16xf32, #tpu.memory_space<vmem>>
        %dma_start3A_713 = arith.constant 0 : i32
        %dma_start3A_714 = tpu.memref_slice %arg7[%dma_start3A_713] : memref<1664xi32, #tpu.memory_space<vmem>> -> memref<128xi32, #tpu.memory_space<vmem>>
        %dma_start3A_715 = arith.constant 0 : i32
        %dma_start3A_716 = arith.constant 0 : i32
        %dma_start3A_717 = tpu.memref_slice %arg2[%dma_start3A_715, %dma_start3A_716] : memref<100000x16xf32, #tpu.memory_space<hbm>> -> memref<100000x16xf32, #tpu.memory_space<hbm>>
        tpu.enqueue_indirect_dma source(%dma_start3A_717 : memref<100000x16xf32, #tpu.memory_space<hbm>>) target(%dma_start3A_712 : memref<128x16xf32, #tpu.memory_space<vmem>>) offsets(%dma_start3A_714 : memref<128xi32, #tpu.memory_space<vmem>>) semaphore(%arg16 : memref<!tpu.dma_semaphore, #tpu.memory_space<semaphore_mem>>)
        %dma_start3A_718 = arith.constant 0 : i32
        %dma_start3A_719 = arith.constant 0 : i32
        %dma_start3A_720 = tpu.memref_slice %arg10[%dma_start3A_718, %dma_start3A_719] : memref<1664x16xf32, #tpu.memory_space<vmem>> -> memref<128x16xf32, #tpu.memory_space<vmem>>
        %dma_start3A_721 = arith.constant 0 : i32
        %dma_start3A_722 = tpu.memref_slice %arg8[%dma_start3A_721] : memref<1664xi32, #tpu.memory_space<vmem>> -> memref<128xi32, #tpu.memory_space<vmem>>
        %dma_start3A_723 = arith.constant 0 : i32
        %dma_start3A_724 = arith.constant 0 : i32
        %dma_start3A_725 = tpu.memref_slice %arg3[%dma_start3A_723, %dma_start3A_724] : memref<100000x16xf32, #tpu.memory_space<hbm>> -> memref<100000x16xf32, #tpu.memory_space<hbm>>
        tpu.enqueue_indirect_dma source(%dma_start3A_725 : memref<100000x16xf32, #tpu.memory_space<hbm>>) target(%dma_start3A_720 : memref<128x16xf32, #tpu.memory_space<vmem>>) offsets(%dma_start3A_722 : memref<128xi32, #tpu.memory_space<vmem>>) semaphore(%arg17 : memref<!tpu.dma_semaphore, #tpu.memory_space<semaphore_mem>>)
        %dma_start3A_726 = arith.constant 128 : i32
        %dma_start3A_727 = arith.constant 0 : i32
        %dma_start3A_728 = tpu.memref_slice %arg9[%dma_start3A_726, %dma_start3A_727] : memref<1664x16xf32, #tpu.memory_space<vmem>> -> memref<128x16xf32, #tpu.memory_space<vmem>>
        %dma_start3A_729 = arith.constant 128 : i32
        %dma_start3A_730 = tpu.memref_slice %arg7[%dma_start3A_729] : memref<1664xi32, #tpu.memory_space<vmem>> -> memref<128xi32, #tpu.memory_space<vmem>>
        %dma_start3A_731 = arith.constant 0 : i32
        %dma_start3A_732 = arith.constant 0 : i32
        %dma_start3A_733 = tpu.memref_slice %arg2[%dma_start3A_731, %dma_start3A_732] : memref<100000x16xf32, #tpu.memory_space<hbm>> -> memref<100000x16xf32, #tpu.memory_space<hbm>>
        tpu.enqueue_indirect_dma source(%dma_start3A_733 : memref<100000x16xf32, #tpu.memory_space<hbm>>) target(%dma_start3A_728 : memref<128x16xf32, #tpu.memory_space<vmem>>) offsets(%dma_start3A_730 : memref<128xi32, #tpu.memory_space<vmem>>) semaphore(%arg16 : memref<!tpu.dma_semaphore, #tpu.memory_space<semaphore_mem>>)
        %dma_start3A_734 = arith.constant 128 : i32
        %dma_start3A_735 = arith.constant 0 : i32
        %dma_start3A_736 = tpu.memref_slice %arg10[%dma_start3A_734, %dma_start3A_735] : memref<1664x16xf32, #tpu.memory_space<vmem>> -> memref<128x16xf32, #tpu.memory_space<vmem>>
        %dma_start3A_737 = arith.constant 128 : i32
        %dma_start3A_738 = tpu.memref_slice %arg8[%dma_start3A_737] : memref<1664xi32, #tpu.memory_space<vmem>> -> memref<128xi32, #tpu.memory_space<vmem>>
        %dma_start3A_739 = arith.constant 0 : i32
        %dma_start3A_740 = arith.constant 0 : i32
        %dma_start3A_741 = tpu.memref_slice %arg3[%dma_start3A_739, %dma_start3A_740] : memref<100000x16xf32, #tpu.memory_space<hbm>> -> memref<100000x16xf32, #tpu.memory_space<hbm>>
        tpu.enqueue_indirect_dma source(%dma_start3A_741 : memref<100000x16xf32, #tpu.memory_space<hbm>>) target(%dma_start3A_736 : memref<128x16xf32, #tpu.memory_space<vmem>>) offsets(%dma_start3A_738 : memref<128xi32, #tpu.memory_space<vmem>>) semaphore(%arg17 : memref<!tpu.dma_semaphore, #tpu.memory_space<semaphore_mem>>)
        %dma_start3A_742 = arith.constant 256 : i32
        %dma_start3A_743 = arith.constant 0 : i32
        %dma_start3A_744 = tpu.memref_slice %arg9[%dma_start3A_742, %dma_start3A_743] : memref<1664x16xf32, #tpu.memory_space<vmem>> -> memref<128x16xf32, #tpu.memory_space<vmem>>
        %dma_start3A_745 = arith.constant 256 : i32
        %dma_start3A_746 = tpu.memref_slice %arg7[%dma_start3A_745] : memref<1664xi32, #tpu.memory_space<vmem>> -> memref<128xi32, #tpu.memory_space<vmem>>
        %dma_start3A_747 = arith.constant 0 : i32
        %dma_start3A_748 = arith.constant 0 : i32
        %dma_start3A_749 = tpu.memref_slice %arg2[%dma_start3A_747, %dma_start3A_748] : memref<100000x16xf32, #tpu.memory_space<hbm>> -> memref<100000x16xf32, #tpu.memory_space<hbm>>
        tpu.enqueue_indirect_dma source(%dma_start3A_749 : memref<100000x16xf32, #tpu.memory_space<hbm>>) target(%dma_start3A_744 : memref<128x16xf32, #tpu.memory_space<vmem>>) offsets(%dma_start3A_746 : memref<128xi32, #tpu.memory_space<vmem>>) semaphore(%arg16 : memref<!tpu.dma_semaphore, #tpu.memory_space<semaphore_mem>>)
        %dma_start3A_750 = arith.constant 256 : i32
        %dma_start3A_751 = arith.constant 0 : i32
        %dma_start3A_752 = tpu.memref_slice %arg10[%dma_start3A_750, %dma_start3A_751] : memref<1664x16xf32, #tpu.memory_space<vmem>> -> memref<128x16xf32, #tpu.memory_space<vmem>>
        %dma_start3A_753 = arith.constant 256 : i32
        %dma_start3A_754 = tpu.memref_slice %arg8[%dma_start3A_753] : memref<1664xi32, #tpu.memory_space<vmem>> -> memref<128xi32, #tpu.memory_space<vmem>>
        %dma_start3A_755 = arith.constant 0 : i32
        %dma_start3A_756 = arith.constant 0 : i32
        %dma_start3A_757 = tpu.memref_slice %arg3[%dma_start3A_755, %dma_start3A_756] : memref<100000x16xf32, #tpu.memory_space<hbm>> -> memref<100000x16xf32, #tpu.memory_space<hbm>>
        tpu.enqueue_indirect_dma source(%dma_start3A_757 : memref<100000x16xf32, #tpu.memory_space<hbm>>) target(%dma_start3A_752 : memref<128x16xf32, #tpu.memory_space<vmem>>) offsets(%dma_start3A_754 : memref<128xi32, #tpu.memory_space<vmem>>) semaphore(%arg17 : memref<!tpu.dma_semaphore, #tpu.memory_space<semaphore_mem>>)
        %dma_start3A_758 = arith.constant 384 : i32
        %dma_start3A_759 = arith.constant 0 : i32
        %dma_start3A_760 = tpu.memref_slice %arg9[%dma_start3A_758, %dma_start3A_759] : memref<1664x16xf32, #tpu.memory_space<vmem>> -> memref<128x16xf32, #tpu.memory_space<vmem>>
        %dma_start3A_761 = arith.constant 384 : i32
        %dma_start3A_762 = tpu.memref_slice %arg7[%dma_start3A_761] : memref<1664xi32, #tpu.memory_space<vmem>> -> memref<128xi32, #tpu.memory_space<vmem>>
        %dma_start3A_763 = arith.constant 0 : i32
        %dma_start3A_764 = arith.constant 0 : i32
        %dma_start3A_765 = tpu.memref_slice %arg2[%dma_start3A_763, %dma_start3A_764] : memref<100000x16xf32, #tpu.memory_space<hbm>> -> memref<100000x16xf32, #tpu.memory_space<hbm>>
        tpu.enqueue_indirect_dma source(%dma_start3A_765 : memref<100000x16xf32, #tpu.memory_space<hbm>>) target(%dma_start3A_760 : memref<128x16xf32, #tpu.memory_space<vmem>>) offsets(%dma_start3A_762 : memref<128xi32, #tpu.memory_space<vmem>>) semaphore(%arg16 : memref<!tpu.dma_semaphore, #tpu.memory_space<semaphore_mem>>)
        %dma_start3A_766 = arith.constant 384 : i32
        %dma_start3A_767 = arith.constant 0 : i32
        %dma_start3A_768 = tpu.memref_slice %arg10[%dma_start3A_766, %dma_start3A_767] : memref<1664x16xf32, #tpu.memory_space<vmem>> -> memref<128x16xf32, #tpu.memory_space<vmem>>
        %dma_start3A_769 = arith.constant 384 : i32
        %dma_start3A_770 = tpu.memref_slice %arg8[%dma_start3A_769] : memref<1664xi32, #tpu.memory_space<vmem>> -> memref<128xi32, #tpu.memory_space<vmem>>
        %dma_start3A_771 = arith.constant 0 : i32
        %dma_start3A_772 = arith.constant 0 : i32
        %dma_start3A_773 = tpu.memref_slice %arg3[%dma_start3A_771, %dma_start3A_772] : memref<100000x16xf32, #tpu.memory_space<hbm>> -> memref<100000x16xf32, #tpu.memory_space<hbm>>
        tpu.enqueue_indirect_dma source(%dma_start3A_773 : memref<100000x16xf32, #tpu.memory_space<hbm>>) target(%dma_start3A_768 : memref<128x16xf32, #tpu.memory_space<vmem>>) offsets(%dma_start3A_770 : memref<128xi32, #tpu.memory_space<vmem>>) semaphore(%arg17 : memref<!tpu.dma_semaphore, #tpu.memory_space<semaphore_mem>>)
        %dma_start3A_774 = arith.constant 512 : i32
        %dma_start3A_775 = arith.constant 0 : i32
        %dma_start3A_776 = tpu.memref_slice %arg9[%dma_start3A_774, %dma_start3A_775] : memref<1664x16xf32, #tpu.memory_space<vmem>> -> memref<128x16xf32, #tpu.memory_space<vmem>>
        %dma_start3A_777 = arith.constant 512 : i32
        %dma_start3A_778 = tpu.memref_slice %arg7[%dma_start3A_777] : memref<1664xi32, #tpu.memory_space<vmem>> -> memref<128xi32, #tpu.memory_space<vmem>>
        %dma_start3A_779 = arith.constant 0 : i32
        %dma_start3A_780 = arith.constant 0 : i32
        %dma_start3A_781 = tpu.memref_slice %arg2[%dma_start3A_779, %dma_start3A_780] : memref<100000x16xf32, #tpu.memory_space<hbm>> -> memref<100000x16xf32, #tpu.memory_space<hbm>>
        tpu.enqueue_indirect_dma source(%dma_start3A_781 : memref<100000x16xf32, #tpu.memory_space<hbm>>) target(%dma_start3A_776 : memref<128x16xf32, #tpu.memory_space<vmem>>) offsets(%dma_start3A_778 : memref<128xi32, #tpu.memory_space<vmem>>) semaphore(%arg16 : memref<!tpu.dma_semaphore, #tpu.memory_space<semaphore_mem>>)
        %dma_start3A_782 = arith.constant 512 : i32
        %dma_start3A_783 = arith.constant 0 : i32
        %dma_start3A_784 = tpu.memref_slice %arg10[%dma_start3A_782, %dma_start3A_783] : memref<1664x16xf32, #tpu.memory_space<vmem>> -> memref<128x16xf32, #tpu.memory_space<vmem>>
        %dma_start3A_785 = arith.constant 512 : i32
        %dma_start3A_786 = tpu.memref_slice %arg8[%dma_start3A_785] : memref<1664xi32, #tpu.memory_space<vmem>> -> memref<128xi32, #tpu.memory_space<vmem>>
        %dma_start3A_787 = arith.constant 0 : i32
        %dma_start3A_788 = arith.constant 0 : i32
        %dma_start3A_789 = tpu.memref_slice %arg3[%dma_start3A_787, %dma_start3A_788] : memref<100000x16xf32, #tpu.memory_space<hbm>> -> memref<100000x16xf32, #tpu.memory_space<hbm>>
        tpu.enqueue_indirect_dma source(%dma_start3A_789 : memref<100000x16xf32, #tpu.memory_space<hbm>>) target(%dma_start3A_784 : memref<128x16xf32, #tpu.memory_space<vmem>>) offsets(%dma_start3A_786 : memref<128xi32, #tpu.memory_space<vmem>>) semaphore(%arg17 : memref<!tpu.dma_semaphore, #tpu.memory_space<semaphore_mem>>)
        %dma_start3A_790 = arith.constant 640 : i32
        %dma_start3A_791 = arith.constant 0 : i32
        %dma_start3A_792 = tpu.memref_slice %arg9[%dma_start3A_790, %dma_start3A_791] : memref<1664x16xf32, #tpu.memory_space<vmem>> -> memref<128x16xf32, #tpu.memory_space<vmem>>
        %dma_start3A_793 = arith.constant 640 : i32
        %dma_start3A_794 = tpu.memref_slice %arg7[%dma_start3A_793] : memref<1664xi32, #tpu.memory_space<vmem>> -> memref<128xi32, #tpu.memory_space<vmem>>
        %dma_start3A_795 = arith.constant 0 : i32
        %dma_start3A_796 = arith.constant 0 : i32
        %dma_start3A_797 = tpu.memref_slice %arg2[%dma_start3A_795, %dma_start3A_796] : memref<100000x16xf32, #tpu.memory_space<hbm>> -> memref<100000x16xf32, #tpu.memory_space<hbm>>
        tpu.enqueue_indirect_dma source(%dma_start3A_797 : memref<100000x16xf32, #tpu.memory_space<hbm>>) target(%dma_start3A_792 : memref<128x16xf32, #tpu.memory_space<vmem>>) offsets(%dma_start3A_794 : memref<128xi32, #tpu.memory_space<vmem>>) semaphore(%arg16 : memref<!tpu.dma_semaphore, #tpu.memory_space<semaphore_mem>>)
        %dma_start3A_798 = arith.constant 640 : i32
        %dma_start3A_799 = arith.constant 0 : i32
        %dma_start3A_800 = tpu.memref_slice %arg10[%dma_start3A_798, %dma_start3A_799] : memref<1664x16xf32, #tpu.memory_space<vmem>> -> memref<128x16xf32, #tpu.memory_space<vmem>>
        %dma_start3A_801 = arith.constant 640 : i32
        %dma_start3A_802 = tpu.memref_slice %arg8[%dma_start3A_801] : memref<1664xi32, #tpu.memory_space<vmem>> -> memref<128xi32, #tpu.memory_space<vmem>>
        %dma_start3A_803 = arith.constant 0 : i32
        %dma_start3A_804 = arith.constant 0 : i32
        %dma_start3A_805 = tpu.memref_slice %arg3[%dma_start3A_803, %dma_start3A_804] : memref<100000x16xf32, #tpu.memory_space<hbm>> -> memref<100000x16xf32, #tpu.memory_space<hbm>>
        tpu.enqueue_indirect_dma source(%dma_start3A_805 : memref<100000x16xf32, #tpu.memory_space<hbm>>) target(%dma_start3A_800 : memref<128x16xf32, #tpu.memory_space<vmem>>) offsets(%dma_start3A_802 : memref<128xi32, #tpu.memory_space<vmem>>) semaphore(%arg17 : memref<!tpu.dma_semaphore, #tpu.memory_space<semaphore_mem>>)
        %dma_start3A_806 = arith.constant 768 : i32
        %dma_start3A_807 = arith.constant 0 : i32
        %dma_start3A_808 = tpu.memref_slice %arg9[%dma_start3A_806, %dma_start3A_807] : memref<1664x16xf32, #tpu.memory_space<vmem>> -> memref<128x16xf32, #tpu.memory_space<vmem>>
        %dma_start3A_809 = arith.constant 768 : i32
        %dma_start3A_810 = tpu.memref_slice %arg7[%dma_start3A_809] : memref<1664xi32, #tpu.memory_space<vmem>> -> memref<128xi32, #tpu.memory_space<vmem>>
        %dma_start3A_811 = arith.constant 0 : i32
        %dma_start3A_812 = arith.constant 0 : i32
        %dma_start3A_813 = tpu.memref_slice %arg2[%dma_start3A_811, %dma_start3A_812] : memref<100000x16xf32, #tpu.memory_space<hbm>> -> memref<100000x16xf32, #tpu.memory_space<hbm>>
        tpu.enqueue_indirect_dma source(%dma_start3A_813 : memref<100000x16xf32, #tpu.memory_space<hbm>>) target(%dma_start3A_808 : memref<128x16xf32, #tpu.memory_space<vmem>>) offsets(%dma_start3A_810 : memref<128xi32, #tpu.memory_space<vmem>>) semaphore(%arg16 : memref<!tpu.dma_semaphore, #tpu.memory_space<semaphore_mem>>)
        %dma_start3A_814 = arith.constant 768 : i32
        %dma_start3A_815 = arith.constant 0 : i32
        %dma_start3A_816 = tpu.memref_slice %arg10[%dma_start3A_814, %dma_start3A_815] : memref<1664x16xf32, #tpu.memory_space<vmem>> -> memref<128x16xf32, #tpu.memory_space<vmem>>
        %dma_start3A_817 = arith.constant 768 : i32
        %dma_start3A_818 = tpu.memref_slice %arg8[%dma_start3A_817] : memref<1664xi32, #tpu.memory_space<vmem>> -> memref<128xi32, #tpu.memory_space<vmem>>
        %dma_start3A_819 = arith.constant 0 : i32
        %dma_start3A_820 = arith.constant 0 : i32
        %dma_start3A_821 = tpu.memref_slice %arg3[%dma_start3A_819, %dma_start3A_820] : memref<100000x16xf32, #tpu.memory_space<hbm>> -> memref<100000x16xf32, #tpu.memory_space<hbm>>
        tpu.enqueue_indirect_dma source(%dma_start3A_821 : memref<100000x16xf32, #tpu.memory_space<hbm>>) target(%dma_start3A_816 : memref<128x16xf32, #tpu.memory_space<vmem>>) offsets(%dma_start3A_818 : memref<128xi32, #tpu.memory_space<vmem>>) semaphore(%arg17 : memref<!tpu.dma_semaphore, #tpu.memory_space<semaphore_mem>>)
        %dma_start3A_822 = arith.constant 896 : i32
        %dma_start3A_823 = arith.constant 0 : i32
        %dma_start3A_824 = tpu.memref_slice %arg9[%dma_start3A_822, %dma_start3A_823] : memref<1664x16xf32, #tpu.memory_space<vmem>> -> memref<128x16xf32, #tpu.memory_space<vmem>>
        %dma_start3A_825 = arith.constant 896 : i32
        %dma_start3A_826 = tpu.memref_slice %arg7[%dma_start3A_825] : memref<1664xi32, #tpu.memory_space<vmem>> -> memref<128xi32, #tpu.memory_space<vmem>>
        %dma_start3A_827 = arith.constant 0 : i32
        %dma_start3A_828 = arith.constant 0 : i32
        %dma_start3A_829 = tpu.memref_slice %arg2[%dma_start3A_827, %dma_start3A_828] : memref<100000x16xf32, #tpu.memory_space<hbm>> -> memref<100000x16xf32, #tpu.memory_space<hbm>>
        tpu.enqueue_indirect_dma source(%dma_start3A_829 : memref<100000x16xf32, #tpu.memory_space<hbm>>) target(%dma_start3A_824 : memref<128x16xf32, #tpu.memory_space<vmem>>) offsets(%dma_start3A_826 : memref<128xi32, #tpu.memory_space<vmem>>) semaphore(%arg16 : memref<!tpu.dma_semaphore, #tpu.memory_space<semaphore_mem>>)
        %dma_start3A_830 = arith.constant 896 : i32
        %dma_start3A_831 = arith.constant 0 : i32
        %dma_start3A_832 = tpu.memref_slice %arg10[%dma_start3A_830, %dma_start3A_831] : memref<1664x16xf32, #tpu.memory_space<vmem>> -> memref<128x16xf32, #tpu.memory_space<vmem>>
        %dma_start3A_833 = arith.constant 896 : i32
        %dma_start3A_834 = tpu.memref_slice %arg8[%dma_start3A_833] : memref<1664xi32, #tpu.memory_space<vmem>> -> memref<128xi32, #tpu.memory_space<vmem>>
        %dma_start3A_835 = arith.constant 0 : i32
        %dma_start3A_836 = arith.constant 0 : i32
        %dma_start3A_837 = tpu.memref_slice %arg3[%dma_start3A_835, %dma_start3A_836] : memref<100000x16xf32, #tpu.memory_space<hbm>> -> memref<100000x16xf32, #tpu.memory_space<hbm>>
        tpu.enqueue_indirect_dma source(%dma_start3A_837 : memref<100000x16xf32, #tpu.memory_space<hbm>>) target(%dma_start3A_832 : memref<128x16xf32, #tpu.memory_space<vmem>>) offsets(%dma_start3A_834 : memref<128xi32, #tpu.memory_space<vmem>>) semaphore(%arg17 : memref<!tpu.dma_semaphore, #tpu.memory_space<semaphore_mem>>)
        %dma_start3A_838 = arith.constant 1024 : i32
        %dma_start3A_839 = arith.constant 0 : i32
        %dma_start3A_840 = tpu.memref_slice %arg9[%dma_start3A_838, %dma_start3A_839] : memref<1664x16xf32, #tpu.memory_space<vmem>> -> memref<128x16xf32, #tpu.memory_space<vmem>>
        %dma_start3A_841 = arith.constant 1024 : i32
        %dma_start3A_842 = tpu.memref_slice %arg7[%dma_start3A_841] : memref<1664xi32, #tpu.memory_space<vmem>> -> memref<128xi32, #tpu.memory_space<vmem>>
        %dma_start3A_843 = arith.constant 0 : i32
        %dma_start3A_844 = arith.constant 0 : i32
        %dma_start3A_845 = tpu.memref_slice %arg2[%dma_start3A_843, %dma_start3A_844] : memref<100000x16xf32, #tpu.memory_space<hbm>> -> memref<100000x16xf32, #tpu.memory_space<hbm>>
        tpu.enqueue_indirect_dma source(%dma_start3A_845 : memref<100000x16xf32, #tpu.memory_space<hbm>>) target(%dma_start3A_840 : memref<128x16xf32, #tpu.memory_space<vmem>>) offsets(%dma_start3A_842 : memref<128xi32, #tpu.memory_space<vmem>>) semaphore(%arg16 : memref<!tpu.dma_semaphore, #tpu.memory_space<semaphore_mem>>)
        %dma_start3A_846 = arith.constant 1024 : i32
        %dma_start3A_847 = arith.constant 0 : i32
        %dma_start3A_848 = tpu.memref_slice %arg10[%dma_start3A_846, %dma_start3A_847] : memref<1664x16xf32, #tpu.memory_space<vmem>> -> memref<128x16xf32, #tpu.memory_space<vmem>>
        %dma_start3A_849 = arith.constant 1024 : i32
        %dma_start3A_850 = tpu.memref_slice %arg8[%dma_start3A_849] : memref<1664xi32, #tpu.memory_space<vmem>> -> memref<128xi32, #tpu.memory_space<vmem>>
        %dma_start3A_851 = arith.constant 0 : i32
        %dma_start3A_852 = arith.constant 0 : i32
        %dma_start3A_853 = tpu.memref_slice %arg3[%dma_start3A_851, %dma_start3A_852] : memref<100000x16xf32, #tpu.memory_space<hbm>> -> memref<100000x16xf32, #tpu.memory_space<hbm>>
        tpu.enqueue_indirect_dma source(%dma_start3A_853 : memref<100000x16xf32, #tpu.memory_space<hbm>>) target(%dma_start3A_848 : memref<128x16xf32, #tpu.memory_space<vmem>>) offsets(%dma_start3A_850 : memref<128xi32, #tpu.memory_space<vmem>>) semaphore(%arg17 : memref<!tpu.dma_semaphore, #tpu.memory_space<semaphore_mem>>)
        %dma_start3A_854 = arith.constant 1152 : i32
        %dma_start3A_855 = arith.constant 0 : i32
        %dma_start3A_856 = tpu.memref_slice %arg9[%dma_start3A_854, %dma_start3A_855] : memref<1664x16xf32, #tpu.memory_space<vmem>> -> memref<128x16xf32, #tpu.memory_space<vmem>>
        %dma_start3A_857 = arith.constant 1152 : i32
        %dma_start3A_858 = tpu.memref_slice %arg7[%dma_start3A_857] : memref<1664xi32, #tpu.memory_space<vmem>> -> memref<128xi32, #tpu.memory_space<vmem>>
        %dma_start3A_859 = arith.constant 0 : i32
        %dma_start3A_860 = arith.constant 0 : i32
        %dma_start3A_861 = tpu.memref_slice %arg2[%dma_start3A_859, %dma_start3A_860] : memref<100000x16xf32, #tpu.memory_space<hbm>> -> memref<100000x16xf32, #tpu.memory_space<hbm>>
        tpu.enqueue_indirect_dma source(%dma_start3A_861 : memref<100000x16xf32, #tpu.memory_space<hbm>>) target(%dma_start3A_856 : memref<128x16xf32, #tpu.memory_space<vmem>>) offsets(%dma_start3A_858 : memref<128xi32, #tpu.memory_space<vmem>>) semaphore(%arg16 : memref<!tpu.dma_semaphore, #tpu.memory_space<semaphore_mem>>)
        %dma_start3A_862 = arith.constant 1152 : i32
        %dma_start3A_863 = arith.constant 0 : i32
        %dma_start3A_864 = tpu.memref_slice %arg10[%dma_start3A_862, %dma_start3A_863] : memref<1664x16xf32, #tpu.memory_space<vmem>> -> memref<128x16xf32, #tpu.memory_space<vmem>>
        %dma_start3A_865 = arith.constant 1152 : i32
        %dma_start3A_866 = tpu.memref_slice %arg8[%dma_start3A_865] : memref<1664xi32, #tpu.memory_space<vmem>> -> memref<128xi32, #tpu.memory_space<vmem>>
        %dma_start3A_867 = arith.constant 0 : i32
        %dma_start3A_868 = arith.constant 0 : i32
        %dma_start3A_869 = tpu.memref_slice %arg3[%dma_start3A_867, %dma_start3A_868] : memref<100000x16xf32, #tpu.memory_space<hbm>> -> memref<100000x16xf32, #tpu.memory_space<hbm>>
        tpu.enqueue_indirect_dma source(%dma_start3A_869 : memref<100000x16xf32, #tpu.memory_space<hbm>>) target(%dma_start3A_864 : memref<128x16xf32, #tpu.memory_space<vmem>>) offsets(%dma_start3A_866 : memref<128xi32, #tpu.memory_space<vmem>>) semaphore(%arg17 : memref<!tpu.dma_semaphore, #tpu.memory_space<semaphore_mem>>)
        %dma_start3A_870 = arith.constant 1280 : i32
        %dma_start3A_871 = arith.constant 0 : i32
        %dma_start3A_872 = tpu.memref_slice %arg9[%dma_start3A_870, %dma_start3A_871] : memref<1664x16xf32, #tpu.memory_space<vmem>> -> memref<128x16xf32, #tpu.memory_space<vmem>>
        %dma_start3A_873 = arith.constant 1280 : i32
        %dma_start3A_874 = tpu.memref_slice %arg7[%dma_start3A_873] : memref<1664xi32, #tpu.memory_space<vmem>> -> memref<128xi32, #tpu.memory_space<vmem>>
        %dma_start3A_875 = arith.constant 0 : i32
        %dma_start3A_876 = arith.constant 0 : i32
        %dma_start3A_877 = tpu.memref_slice %arg2[%dma_start3A_875, %dma_start3A_876] : memref<100000x16xf32, #tpu.memory_space<hbm>> -> memref<100000x16xf32, #tpu.memory_space<hbm>>
        tpu.enqueue_indirect_dma source(%dma_start3A_877 : memref<100000x16xf32, #tpu.memory_space<hbm>>) target(%dma_start3A_872 : memref<128x16xf32, #tpu.memory_space<vmem>>) offsets(%dma_start3A_874 : memref<128xi32, #tpu.memory_space<vmem>>) semaphore(%arg16 : memref<!tpu.dma_semaphore, #tpu.memory_space<semaphore_mem>>)
        %dma_start3A_878 = arith.constant 1280 : i32
        %dma_start3A_879 = arith.constant 0 : i32
        %dma_start3A_880 = tpu.memref_slice %arg10[%dma_start3A_878, %dma_start3A_879] : memref<1664x16xf32, #tpu.memory_space<vmem>> -> memref<128x16xf32, #tpu.memory_space<vmem>>
        %dma_start3A_881 = arith.constant 1280 : i32
        %dma_start3A_882 = tpu.memref_slice %arg8[%dma_start3A_881] : memref<1664xi32, #tpu.memory_space<vmem>> -> memref<128xi32, #tpu.memory_space<vmem>>
        %dma_start3A_883 = arith.constant 0 : i32
        %dma_start3A_884 = arith.constant 0 : i32
        %dma_start3A_885 = tpu.memref_slice %arg3[%dma_start3A_883, %dma_start3A_884] : memref<100000x16xf32, #tpu.memory_space<hbm>> -> memref<100000x16xf32, #tpu.memory_space<hbm>>
        tpu.enqueue_indirect_dma source(%dma_start3A_885 : memref<100000x16xf32, #tpu.memory_space<hbm>>) target(%dma_start3A_880 : memref<128x16xf32, #tpu.memory_space<vmem>>) offsets(%dma_start3A_882 : memref<128xi32, #tpu.memory_space<vmem>>) semaphore(%arg17 : memref<!tpu.dma_semaphore, #tpu.memory_space<semaphore_mem>>)
        %dma_start3A_886 = arith.constant 1408 : i32
        %dma_start3A_887 = arith.constant 0 : i32
        %dma_start3A_888 = tpu.memref_slice %arg9[%dma_start3A_886, %dma_start3A_887] : memref<1664x16xf32, #tpu.memory_space<vmem>> -> memref<128x16xf32, #tpu.memory_space<vmem>>
        %dma_start3A_889 = arith.constant 1408 : i32
        %dma_start3A_890 = tpu.memref_slice %arg7[%dma_start3A_889] : memref<1664xi32, #tpu.memory_space<vmem>> -> memref<128xi32, #tpu.memory_space<vmem>>
        %dma_start3A_891 = arith.constant 0 : i32
        %dma_start3A_892 = arith.constant 0 : i32
        %dma_start3A_893 = tpu.memref_slice %arg2[%dma_start3A_891, %dma_start3A_892] : memref<100000x16xf32, #tpu.memory_space<hbm>> -> memref<100000x16xf32, #tpu.memory_space<hbm>>
        tpu.enqueue_indirect_dma source(%dma_start3A_893 : memref<100000x16xf32, #tpu.memory_space<hbm>>) target(%dma_start3A_888 : memref<128x16xf32, #tpu.memory_space<vmem>>) offsets(%dma_start3A_890 : memref<128xi32, #tpu.memory_space<vmem>>) semaphore(%arg16 : memref<!tpu.dma_semaphore, #tpu.memory_space<semaphore_mem>>)
        %dma_start3A_894 = arith.constant 1408 : i32
        %dma_start3A_895 = arith.constant 0 : i32
        %dma_start3A_896 = tpu.memref_slice %arg10[%dma_start3A_894, %dma_start3A_895] : memref<1664x16xf32, #tpu.memory_space<vmem>> -> memref<128x16xf32, #tpu.memory_space<vmem>>
        %dma_start3A_897 = arith.constant 1408 : i32
        %dma_start3A_898 = tpu.memref_slice %arg8[%dma_start3A_897] : memref<1664xi32, #tpu.memory_space<vmem>> -> memref<128xi32, #tpu.memory_space<vmem>>
        %dma_start3A_899 = arith.constant 0 : i32
        %dma_start3A_900 = arith.constant 0 : i32
        %dma_start3A_901 = tpu.memref_slice %arg3[%dma_start3A_899, %dma_start3A_900] : memref<100000x16xf32, #tpu.memory_space<hbm>> -> memref<100000x16xf32, #tpu.memory_space<hbm>>
        tpu.enqueue_indirect_dma source(%dma_start3A_901 : memref<100000x16xf32, #tpu.memory_space<hbm>>) target(%dma_start3A_896 : memref<128x16xf32, #tpu.memory_space<vmem>>) offsets(%dma_start3A_898 : memref<128xi32, #tpu.memory_space<vmem>>) semaphore(%arg17 : memref<!tpu.dma_semaphore, #tpu.memory_space<semaphore_mem>>)
        %dma_start3A_902 = arith.constant 1536 : i32
        %dma_start3A_903 = arith.constant 0 : i32
        %dma_start3A_904 = tpu.memref_slice %arg9[%dma_start3A_902, %dma_start3A_903] : memref<1664x16xf32, #tpu.memory_space<vmem>> -> memref<128x16xf32, #tpu.memory_space<vmem>>
        %dma_start3A_905 = arith.constant 1536 : i32
        %dma_start3A_906 = tpu.memref_slice %arg7[%dma_start3A_905] : memref<1664xi32, #tpu.memory_space<vmem>> -> memref<128xi32, #tpu.memory_space<vmem>>
        %dma_start3A_907 = arith.constant 0 : i32
        %dma_start3A_908 = arith.constant 0 : i32
        %dma_start3A_909 = tpu.memref_slice %arg2[%dma_start3A_907, %dma_start3A_908] : memref<100000x16xf32, #tpu.memory_space<hbm>> -> memref<100000x16xf32, #tpu.memory_space<hbm>>
        tpu.enqueue_indirect_dma source(%dma_start3A_909 : memref<100000x16xf32, #tpu.memory_space<hbm>>) target(%dma_start3A_904 : memref<128x16xf32, #tpu.memory_space<vmem>>) offsets(%dma_start3A_906 : memref<128xi32, #tpu.memory_space<vmem>>) semaphore(%arg16 : memref<!tpu.dma_semaphore, #tpu.memory_space<semaphore_mem>>)
        %dma_start3A_910 = arith.constant 1536 : i32
        %dma_start3A_911 = arith.constant 0 : i32
        %dma_start3A_912 = tpu.memref_slice %arg10[%dma_start3A_910, %dma_start3A_911] : memref<1664x16xf32, #tpu.memory_space<vmem>> -> memref<128x16xf32, #tpu.memory_space<vmem>>
        %dma_start3A_913 = arith.constant 1536 : i32
        %dma_start3A_914 = tpu.memref_slice %arg8[%dma_start3A_913] : memref<1664xi32, #tpu.memory_space<vmem>> -> memref<128xi32, #tpu.memory_space<vmem>>
        %dma_start3A_915 = arith.constant 0 : i32
        %dma_start3A_916 = arith.constant 0 : i32
        %dma_start3A_917 = tpu.memref_slice %arg3[%dma_start3A_915, %dma_start3A_916] : memref<100000x16xf32, #tpu.memory_space<hbm>> -> memref<100000x16xf32, #tpu.memory_space<hbm>>
        tpu.enqueue_indirect_dma source(%dma_start3A_917 : memref<100000x16xf32, #tpu.memory_space<hbm>>) target(%dma_start3A_912 : memref<128x16xf32, #tpu.memory_space<vmem>>) offsets(%dma_start3A_914 : memref<128xi32, #tpu.memory_space<vmem>>) semaphore(%arg17 : memref<!tpu.dma_semaphore, #tpu.memory_space<semaphore_mem>>)
      } else {
      }
      %dma_wait3A_491 = arith.constant 0 : i32
      %dma_wait3A_492 = arith.constant 0 : i32
      %dma_wait3A_493 = tpu.memref_slice %arg13[%dma_wait3A_491, %dma_wait3A_492] : memref<1664x16xf32, #tpu.memory_space<vmem>> -> memref<128x16xf32, #tpu.memory_space<vmem>>
      %dma_wait3A_494 = arith.constant 0 : i32
      %dma_wait3A_495 = tpu.memref_slice %arg11[%dma_wait3A_494] : memref<1664xi32, #tpu.memory_space<vmem>> -> memref<128xi32, #tpu.memory_space<vmem>>
      %dma_wait3A_496 = arith.constant 0 : i32
      %dma_wait3A_497 = arith.constant 0 : i32
      %dma_wait3A_498 = tpu.memref_slice %arg2[%dma_wait3A_496, %dma_wait3A_497] : memref<100000x16xf32, #tpu.memory_space<hbm>> -> memref<100000x16xf32, #tpu.memory_space<hbm>>
      tpu.wait_indirect_dma semaphore(%arg18 : memref<!tpu.dma_semaphore, #tpu.memory_space<semaphore_mem>>) src(%dma_wait3A_498 : memref<100000x16xf32, #tpu.memory_space<hbm>>) dst(%dma_wait3A_493 : memref<128x16xf32, #tpu.memory_space<vmem>>)
      %dma_wait3A_499 = arith.constant 0 : i32
      %dma_wait3A_500 = arith.constant 0 : i32
      %dma_wait3A_501 = tpu.memref_slice %arg14[%dma_wait3A_499, %dma_wait3A_500] : memref<1664x16xf32, #tpu.memory_space<vmem>> -> memref<128x16xf32, #tpu.memory_space<vmem>>
      %dma_wait3A_502 = arith.constant 0 : i32
      %dma_wait3A_503 = tpu.memref_slice %arg12[%dma_wait3A_502] : memref<1664xi32, #tpu.memory_space<vmem>> -> memref<128xi32, #tpu.memory_space<vmem>>
      %dma_wait3A_504 = arith.constant 0 : i32
      %dma_wait3A_505 = arith.constant 0 : i32
      %dma_wait3A_506 = tpu.memref_slice %arg3[%dma_wait3A_504, %dma_wait3A_505] : memref<100000x16xf32, #tpu.memory_space<hbm>> -> memref<100000x16xf32, #tpu.memory_space<hbm>>
      tpu.wait_indirect_dma semaphore(%arg19 : memref<!tpu.dma_semaphore, #tpu.memory_space<semaphore_mem>>) src(%dma_wait3A_506 : memref<100000x16xf32, #tpu.memory_space<hbm>>) dst(%dma_wait3A_501 : memref<128x16xf32, #tpu.memory_space<vmem>>)
      %dma_wait3A_507 = arith.constant 128 : i32
      %dma_wait3A_508 = arith.constant 0 : i32
      %dma_wait3A_509 = tpu.memref_slice %arg13[%dma_wait3A_507, %dma_wait3A_508] : memref<1664x16xf32, #tpu.memory_space<vmem>> -> memref<128x16xf32, #tpu.memory_space<vmem>>
      %dma_wait3A_510 = arith.constant 128 : i32
      %dma_wait3A_511 = tpu.memref_slice %arg11[%dma_wait3A_510] : memref<1664xi32, #tpu.memory_space<vmem>> -> memref<128xi32, #tpu.memory_space<vmem>>
      %dma_wait3A_512 = arith.constant 0 : i32
      %dma_wait3A_513 = arith.constant 0 : i32
      %dma_wait3A_514 = tpu.memref_slice %arg2[%dma_wait3A_512, %dma_wait3A_513] : memref<100000x16xf32, #tpu.memory_space<hbm>> -> memref<100000x16xf32, #tpu.memory_space<hbm>>
      tpu.wait_indirect_dma semaphore(%arg18 : memref<!tpu.dma_semaphore, #tpu.memory_space<semaphore_mem>>) src(%dma_wait3A_514 : memref<100000x16xf32, #tpu.memory_space<hbm>>) dst(%dma_wait3A_509 : memref<128x16xf32, #tpu.memory_space<vmem>>)
      %dma_wait3A_515 = arith.constant 128 : i32
      %dma_wait3A_516 = arith.constant 0 : i32
      %dma_wait3A_517 = tpu.memref_slice %arg14[%dma_wait3A_515, %dma_wait3A_516] : memref<1664x16xf32, #tpu.memory_space<vmem>> -> memref<128x16xf32, #tpu.memory_space<vmem>>
      %dma_wait3A_518 = arith.constant 128 : i32
      %dma_wait3A_519 = tpu.memref_slice %arg12[%dma_wait3A_518] : memref<1664xi32, #tpu.memory_space<vmem>> -> memref<128xi32, #tpu.memory_space<vmem>>
      %dma_wait3A_520 = arith.constant 0 : i32
      %dma_wait3A_521 = arith.constant 0 : i32
      %dma_wait3A_522 = tpu.memref_slice %arg3[%dma_wait3A_520, %dma_wait3A_521] : memref<100000x16xf32, #tpu.memory_space<hbm>> -> memref<100000x16xf32, #tpu.memory_space<hbm>>
      tpu.wait_indirect_dma semaphore(%arg19 : memref<!tpu.dma_semaphore, #tpu.memory_space<semaphore_mem>>) src(%dma_wait3A_522 : memref<100000x16xf32, #tpu.memory_space<hbm>>) dst(%dma_wait3A_517 : memref<128x16xf32, #tpu.memory_space<vmem>>)
      %dma_wait3A_523 = arith.constant 256 : i32
      %dma_wait3A_524 = arith.constant 0 : i32
      %dma_wait3A_525 = tpu.memref_slice %arg13[%dma_wait3A_523, %dma_wait3A_524] : memref<1664x16xf32, #tpu.memory_space<vmem>> -> memref<128x16xf32, #tpu.memory_space<vmem>>
      %dma_wait3A_526 = arith.constant 256 : i32
      %dma_wait3A_527 = tpu.memref_slice %arg11[%dma_wait3A_526] : memref<1664xi32, #tpu.memory_space<vmem>> -> memref<128xi32, #tpu.memory_space<vmem>>
      %dma_wait3A_528 = arith.constant 0 : i32
      %dma_wait3A_529 = arith.constant 0 : i32
      %dma_wait3A_530 = tpu.memref_slice %arg2[%dma_wait3A_528, %dma_wait3A_529] : memref<100000x16xf32, #tpu.memory_space<hbm>> -> memref<100000x16xf32, #tpu.memory_space<hbm>>
      tpu.wait_indirect_dma semaphore(%arg18 : memref<!tpu.dma_semaphore, #tpu.memory_space<semaphore_mem>>) src(%dma_wait3A_530 : memref<100000x16xf32, #tpu.memory_space<hbm>>) dst(%dma_wait3A_525 : memref<128x16xf32, #tpu.memory_space<vmem>>)
      %dma_wait3A_531 = arith.constant 256 : i32
      %dma_wait3A_532 = arith.constant 0 : i32
      %dma_wait3A_533 = tpu.memref_slice %arg14[%dma_wait3A_531, %dma_wait3A_532] : memref<1664x16xf32, #tpu.memory_space<vmem>> -> memref<128x16xf32, #tpu.memory_space<vmem>>
      %dma_wait3A_534 = arith.constant 256 : i32
      %dma_wait3A_535 = tpu.memref_slice %arg12[%dma_wait3A_534] : memref<1664xi32, #tpu.memory_space<vmem>> -> memref<128xi32, #tpu.memory_space<vmem>>
      %dma_wait3A_536 = arith.constant 0 : i32
      %dma_wait3A_537 = arith.constant 0 : i32
      %dma_wait3A_538 = tpu.memref_slice %arg3[%dma_wait3A_536, %dma_wait3A_537] : memref<100000x16xf32, #tpu.memory_space<hbm>> -> memref<100000x16xf32, #tpu.memory_space<hbm>>
      tpu.wait_indirect_dma semaphore(%arg19 : memref<!tpu.dma_semaphore, #tpu.memory_space<semaphore_mem>>) src(%dma_wait3A_538 : memref<100000x16xf32, #tpu.memory_space<hbm>>) dst(%dma_wait3A_533 : memref<128x16xf32, #tpu.memory_space<vmem>>)
      %dma_wait3A_539 = arith.constant 384 : i32
      %dma_wait3A_540 = arith.constant 0 : i32
      %dma_wait3A_541 = tpu.memref_slice %arg13[%dma_wait3A_539, %dma_wait3A_540] : memref<1664x16xf32, #tpu.memory_space<vmem>> -> memref<128x16xf32, #tpu.memory_space<vmem>>
      %dma_wait3A_542 = arith.constant 384 : i32
      %dma_wait3A_543 = tpu.memref_slice %arg11[%dma_wait3A_542] : memref<1664xi32, #tpu.memory_space<vmem>> -> memref<128xi32, #tpu.memory_space<vmem>>
      %dma_wait3A_544 = arith.constant 0 : i32
      %dma_wait3A_545 = arith.constant 0 : i32
      %dma_wait3A_546 = tpu.memref_slice %arg2[%dma_wait3A_544, %dma_wait3A_545] : memref<100000x16xf32, #tpu.memory_space<hbm>> -> memref<100000x16xf32, #tpu.memory_space<hbm>>
      tpu.wait_indirect_dma semaphore(%arg18 : memref<!tpu.dma_semaphore, #tpu.memory_space<semaphore_mem>>) src(%dma_wait3A_546 : memref<100000x16xf32, #tpu.memory_space<hbm>>) dst(%dma_wait3A_541 : memref<128x16xf32, #tpu.memory_space<vmem>>)
      %dma_wait3A_547 = arith.constant 384 : i32
      %dma_wait3A_548 = arith.constant 0 : i32
      %dma_wait3A_549 = tpu.memref_slice %arg14[%dma_wait3A_547, %dma_wait3A_548] : memref<1664x16xf32, #tpu.memory_space<vmem>> -> memref<128x16xf32, #tpu.memory_space<vmem>>
      %dma_wait3A_550 = arith.constant 384 : i32
      %dma_wait3A_551 = tpu.memref_slice %arg12[%dma_wait3A_550] : memref<1664xi32, #tpu.memory_space<vmem>> -> memref<128xi32, #tpu.memory_space<vmem>>
      %dma_wait3A_552 = arith.constant 0 : i32
      %dma_wait3A_553 = arith.constant 0 : i32
      %dma_wait3A_554 = tpu.memref_slice %arg3[%dma_wait3A_552, %dma_wait3A_553] : memref<100000x16xf32, #tpu.memory_space<hbm>> -> memref<100000x16xf32, #tpu.memory_space<hbm>>
      tpu.wait_indirect_dma semaphore(%arg19 : memref<!tpu.dma_semaphore, #tpu.memory_space<semaphore_mem>>) src(%dma_wait3A_554 : memref<100000x16xf32, #tpu.memory_space<hbm>>) dst(%dma_wait3A_549 : memref<128x16xf32, #tpu.memory_space<vmem>>)
      %dma_wait3A_555 = arith.constant 512 : i32
      %dma_wait3A_556 = arith.constant 0 : i32
      %dma_wait3A_557 = tpu.memref_slice %arg13[%dma_wait3A_555, %dma_wait3A_556] : memref<1664x16xf32, #tpu.memory_space<vmem>> -> memref<128x16xf32, #tpu.memory_space<vmem>>
      %dma_wait3A_558 = arith.constant 512 : i32
      %dma_wait3A_559 = tpu.memref_slice %arg11[%dma_wait3A_558] : memref<1664xi32, #tpu.memory_space<vmem>> -> memref<128xi32, #tpu.memory_space<vmem>>
      %dma_wait3A_560 = arith.constant 0 : i32
      %dma_wait3A_561 = arith.constant 0 : i32
      %dma_wait3A_562 = tpu.memref_slice %arg2[%dma_wait3A_560, %dma_wait3A_561] : memref<100000x16xf32, #tpu.memory_space<hbm>> -> memref<100000x16xf32, #tpu.memory_space<hbm>>
      tpu.wait_indirect_dma semaphore(%arg18 : memref<!tpu.dma_semaphore, #tpu.memory_space<semaphore_mem>>) src(%dma_wait3A_562 : memref<100000x16xf32, #tpu.memory_space<hbm>>) dst(%dma_wait3A_557 : memref<128x16xf32, #tpu.memory_space<vmem>>)
      %dma_wait3A_563 = arith.constant 512 : i32
      %dma_wait3A_564 = arith.constant 0 : i32
      %dma_wait3A_565 = tpu.memref_slice %arg14[%dma_wait3A_563, %dma_wait3A_564] : memref<1664x16xf32, #tpu.memory_space<vmem>> -> memref<128x16xf32, #tpu.memory_space<vmem>>
      %dma_wait3A_566 = arith.constant 512 : i32
      %dma_wait3A_567 = tpu.memref_slice %arg12[%dma_wait3A_566] : memref<1664xi32, #tpu.memory_space<vmem>> -> memref<128xi32, #tpu.memory_space<vmem>>
      %dma_wait3A_568 = arith.constant 0 : i32
      %dma_wait3A_569 = arith.constant 0 : i32
      %dma_wait3A_570 = tpu.memref_slice %arg3[%dma_wait3A_568, %dma_wait3A_569] : memref<100000x16xf32, #tpu.memory_space<hbm>> -> memref<100000x16xf32, #tpu.memory_space<hbm>>
      tpu.wait_indirect_dma semaphore(%arg19 : memref<!tpu.dma_semaphore, #tpu.memory_space<semaphore_mem>>) src(%dma_wait3A_570 : memref<100000x16xf32, #tpu.memory_space<hbm>>) dst(%dma_wait3A_565 : memref<128x16xf32, #tpu.memory_space<vmem>>)
      %dma_wait3A_571 = arith.constant 640 : i32
      %dma_wait3A_572 = arith.constant 0 : i32
      %dma_wait3A_573 = tpu.memref_slice %arg13[%dma_wait3A_571, %dma_wait3A_572] : memref<1664x16xf32, #tpu.memory_space<vmem>> -> memref<128x16xf32, #tpu.memory_space<vmem>>
      %dma_wait3A_574 = arith.constant 640 : i32
      %dma_wait3A_575 = tpu.memref_slice %arg11[%dma_wait3A_574] : memref<1664xi32, #tpu.memory_space<vmem>> -> memref<128xi32, #tpu.memory_space<vmem>>
      %dma_wait3A_576 = arith.constant 0 : i32
      %dma_wait3A_577 = arith.constant 0 : i32
      %dma_wait3A_578 = tpu.memref_slice %arg2[%dma_wait3A_576, %dma_wait3A_577] : memref<100000x16xf32, #tpu.memory_space<hbm>> -> memref<100000x16xf32, #tpu.memory_space<hbm>>
      tpu.wait_indirect_dma semaphore(%arg18 : memref<!tpu.dma_semaphore, #tpu.memory_space<semaphore_mem>>) src(%dma_wait3A_578 : memref<100000x16xf32, #tpu.memory_space<hbm>>) dst(%dma_wait3A_573 : memref<128x16xf32, #tpu.memory_space<vmem>>)
      %dma_wait3A_579 = arith.constant 640 : i32
      %dma_wait3A_580 = arith.constant 0 : i32
      %dma_wait3A_581 = tpu.memref_slice %arg14[%dma_wait3A_579, %dma_wait3A_580] : memref<1664x16xf32, #tpu.memory_space<vmem>> -> memref<128x16xf32, #tpu.memory_space<vmem>>
      %dma_wait3A_582 = arith.constant 640 : i32
      %dma_wait3A_583 = tpu.memref_slice %arg12[%dma_wait3A_582] : memref<1664xi32, #tpu.memory_space<vmem>> -> memref<128xi32, #tpu.memory_space<vmem>>
      %dma_wait3A_584 = arith.constant 0 : i32
      %dma_wait3A_585 = arith.constant 0 : i32
      %dma_wait3A_586 = tpu.memref_slice %arg3[%dma_wait3A_584, %dma_wait3A_585] : memref<100000x16xf32, #tpu.memory_space<hbm>> -> memref<100000x16xf32, #tpu.memory_space<hbm>>
      tpu.wait_indirect_dma semaphore(%arg19 : memref<!tpu.dma_semaphore, #tpu.memory_space<semaphore_mem>>) src(%dma_wait3A_586 : memref<100000x16xf32, #tpu.memory_space<hbm>>) dst(%dma_wait3A_581 : memref<128x16xf32, #tpu.memory_space<vmem>>)
      %dma_wait3A_587 = arith.constant 768 : i32
      %dma_wait3A_588 = arith.constant 0 : i32
      %dma_wait3A_589 = tpu.memref_slice %arg13[%dma_wait3A_587, %dma_wait3A_588] : memref<1664x16xf32, #tpu.memory_space<vmem>> -> memref<128x16xf32, #tpu.memory_space<vmem>>
      %dma_wait3A_590 = arith.constant 768 : i32
      %dma_wait3A_591 = tpu.memref_slice %arg11[%dma_wait3A_590] : memref<1664xi32, #tpu.memory_space<vmem>> -> memref<128xi32, #tpu.memory_space<vmem>>
      %dma_wait3A_592 = arith.constant 0 : i32
      %dma_wait3A_593 = arith.constant 0 : i32
      %dma_wait3A_594 = tpu.memref_slice %arg2[%dma_wait3A_592, %dma_wait3A_593] : memref<100000x16xf32, #tpu.memory_space<hbm>> -> memref<100000x16xf32, #tpu.memory_space<hbm>>
      tpu.wait_indirect_dma semaphore(%arg18 : memref<!tpu.dma_semaphore, #tpu.memory_space<semaphore_mem>>) src(%dma_wait3A_594 : memref<100000x16xf32, #tpu.memory_space<hbm>>) dst(%dma_wait3A_589 : memref<128x16xf32, #tpu.memory_space<vmem>>)
      %dma_wait3A_595 = arith.constant 768 : i32
      %dma_wait3A_596 = arith.constant 0 : i32
      %dma_wait3A_597 = tpu.memref_slice %arg14[%dma_wait3A_595, %dma_wait3A_596] : memref<1664x16xf32, #tpu.memory_space<vmem>> -> memref<128x16xf32, #tpu.memory_space<vmem>>
      %dma_wait3A_598 = arith.constant 768 : i32
      %dma_wait3A_599 = tpu.memref_slice %arg12[%dma_wait3A_598] : memref<1664xi32, #tpu.memory_space<vmem>> -> memref<128xi32, #tpu.memory_space<vmem>>
      %dma_wait3A_600 = arith.constant 0 : i32
      %dma_wait3A_601 = arith.constant 0 : i32
      %dma_wait3A_602 = tpu.memref_slice %arg3[%dma_wait3A_600, %dma_wait3A_601] : memref<100000x16xf32, #tpu.memory_space<hbm>> -> memref<100000x16xf32, #tpu.memory_space<hbm>>
      tpu.wait_indirect_dma semaphore(%arg19 : memref<!tpu.dma_semaphore, #tpu.memory_space<semaphore_mem>>) src(%dma_wait3A_602 : memref<100000x16xf32, #tpu.memory_space<hbm>>) dst(%dma_wait3A_597 : memref<128x16xf32, #tpu.memory_space<vmem>>)
      %dma_wait3A_603 = arith.constant 896 : i32
      %dma_wait3A_604 = arith.constant 0 : i32
      %dma_wait3A_605 = tpu.memref_slice %arg13[%dma_wait3A_603, %dma_wait3A_604] : memref<1664x16xf32, #tpu.memory_space<vmem>> -> memref<128x16xf32, #tpu.memory_space<vmem>>
      %dma_wait3A_606 = arith.constant 896 : i32
      %dma_wait3A_607 = tpu.memref_slice %arg11[%dma_wait3A_606] : memref<1664xi32, #tpu.memory_space<vmem>> -> memref<128xi32, #tpu.memory_space<vmem>>
      %dma_wait3A_608 = arith.constant 0 : i32
      %dma_wait3A_609 = arith.constant 0 : i32
      %dma_wait3A_610 = tpu.memref_slice %arg2[%dma_wait3A_608, %dma_wait3A_609] : memref<100000x16xf32, #tpu.memory_space<hbm>> -> memref<100000x16xf32, #tpu.memory_space<hbm>>
      tpu.wait_indirect_dma semaphore(%arg18 : memref<!tpu.dma_semaphore, #tpu.memory_space<semaphore_mem>>) src(%dma_wait3A_610 : memref<100000x16xf32, #tpu.memory_space<hbm>>) dst(%dma_wait3A_605 : memref<128x16xf32, #tpu.memory_space<vmem>>)
      %dma_wait3A_611 = arith.constant 896 : i32
      %dma_wait3A_612 = arith.constant 0 : i32
      %dma_wait3A_613 = tpu.memref_slice %arg14[%dma_wait3A_611, %dma_wait3A_612] : memref<1664x16xf32, #tpu.memory_space<vmem>> -> memref<128x16xf32, #tpu.memory_space<vmem>>
      %dma_wait3A_614 = arith.constant 896 : i32
      %dma_wait3A_615 = tpu.memref_slice %arg12[%dma_wait3A_614] : memref<1664xi32, #tpu.memory_space<vmem>> -> memref<128xi32, #tpu.memory_space<vmem>>
      %dma_wait3A_616 = arith.constant 0 : i32
      %dma_wait3A_617 = arith.constant 0 : i32
      %dma_wait3A_618 = tpu.memref_slice %arg3[%dma_wait3A_616, %dma_wait3A_617] : memref<100000x16xf32, #tpu.memory_space<hbm>> -> memref<100000x16xf32, #tpu.memory_space<hbm>>
      tpu.wait_indirect_dma semaphore(%arg19 : memref<!tpu.dma_semaphore, #tpu.memory_space<semaphore_mem>>) src(%dma_wait3A_618 : memref<100000x16xf32, #tpu.memory_space<hbm>>) dst(%dma_wait3A_613 : memref<128x16xf32, #tpu.memory_space<vmem>>)
      %dma_wait3A_619 = arith.constant 1024 : i32
      %dma_wait3A_620 = arith.constant 0 : i32
      %dma_wait3A_621 = tpu.memref_slice %arg13[%dma_wait3A_619, %dma_wait3A_620] : memref<1664x16xf32, #tpu.memory_space<vmem>> -> memref<128x16xf32, #tpu.memory_space<vmem>>
      %dma_wait3A_622 = arith.constant 1024 : i32
      %dma_wait3A_623 = tpu.memref_slice %arg11[%dma_wait3A_622] : memref<1664xi32, #tpu.memory_space<vmem>> -> memref<128xi32, #tpu.memory_space<vmem>>
      %dma_wait3A_624 = arith.constant 0 : i32
      %dma_wait3A_625 = arith.constant 0 : i32
      %dma_wait3A_626 = tpu.memref_slice %arg2[%dma_wait3A_624, %dma_wait3A_625] : memref<100000x16xf32, #tpu.memory_space<hbm>> -> memref<100000x16xf32, #tpu.memory_space<hbm>>
      tpu.wait_indirect_dma semaphore(%arg18 : memref<!tpu.dma_semaphore, #tpu.memory_space<semaphore_mem>>) src(%dma_wait3A_626 : memref<100000x16xf32, #tpu.memory_space<hbm>>) dst(%dma_wait3A_621 : memref<128x16xf32, #tpu.memory_space<vmem>>)
      %dma_wait3A_627 = arith.constant 1024 : i32
      %dma_wait3A_628 = arith.constant 0 : i32
      %dma_wait3A_629 = tpu.memref_slice %arg14[%dma_wait3A_627, %dma_wait3A_628] : memref<1664x16xf32, #tpu.memory_space<vmem>> -> memref<128x16xf32, #tpu.memory_space<vmem>>
      %dma_wait3A_630 = arith.constant 1024 : i32
      %dma_wait3A_631 = tpu.memref_slice %arg12[%dma_wait3A_630] : memref<1664xi32, #tpu.memory_space<vmem>> -> memref<128xi32, #tpu.memory_space<vmem>>
      %dma_wait3A_632 = arith.constant 0 : i32
      %dma_wait3A_633 = arith.constant 0 : i32
      %dma_wait3A_634 = tpu.memref_slice %arg3[%dma_wait3A_632, %dma_wait3A_633] : memref<100000x16xf32, #tpu.memory_space<hbm>> -> memref<100000x16xf32, #tpu.memory_space<hbm>>
      tpu.wait_indirect_dma semaphore(%arg19 : memref<!tpu.dma_semaphore, #tpu.memory_space<semaphore_mem>>) src(%dma_wait3A_634 : memref<100000x16xf32, #tpu.memory_space<hbm>>) dst(%dma_wait3A_629 : memref<128x16xf32, #tpu.memory_space<vmem>>)
      %dma_wait3A_635 = arith.constant 1152 : i32
      %dma_wait3A_636 = arith.constant 0 : i32
      %dma_wait3A_637 = tpu.memref_slice %arg13[%dma_wait3A_635, %dma_wait3A_636] : memref<1664x16xf32, #tpu.memory_space<vmem>> -> memref<128x16xf32, #tpu.memory_space<vmem>>
      %dma_wait3A_638 = arith.constant 1152 : i32
      %dma_wait3A_639 = tpu.memref_slice %arg11[%dma_wait3A_638] : memref<1664xi32, #tpu.memory_space<vmem>> -> memref<128xi32, #tpu.memory_space<vmem>>
      %dma_wait3A_640 = arith.constant 0 : i32
      %dma_wait3A_641 = arith.constant 0 : i32
      %dma_wait3A_642 = tpu.memref_slice %arg2[%dma_wait3A_640, %dma_wait3A_641] : memref<100000x16xf32, #tpu.memory_space<hbm>> -> memref<100000x16xf32, #tpu.memory_space<hbm>>
      tpu.wait_indirect_dma semaphore(%arg18 : memref<!tpu.dma_semaphore, #tpu.memory_space<semaphore_mem>>) src(%dma_wait3A_642 : memref<100000x16xf32, #tpu.memory_space<hbm>>) dst(%dma_wait3A_637 : memref<128x16xf32, #tpu.memory_space<vmem>>)
      %dma_wait3A_643 = arith.constant 1152 : i32
      %dma_wait3A_644 = arith.constant 0 : i32
      %dma_wait3A_645 = tpu.memref_slice %arg14[%dma_wait3A_643, %dma_wait3A_644] : memref<1664x16xf32, #tpu.memory_space<vmem>> -> memref<128x16xf32, #tpu.memory_space<vmem>>
      %dma_wait3A_646 = arith.constant 1152 : i32
      %dma_wait3A_647 = tpu.memref_slice %arg12[%dma_wait3A_646] : memref<1664xi32, #tpu.memory_space<vmem>> -> memref<128xi32, #tpu.memory_space<vmem>>
      %dma_wait3A_648 = arith.constant 0 : i32
      %dma_wait3A_649 = arith.constant 0 : i32
      %dma_wait3A_650 = tpu.memref_slice %arg3[%dma_wait3A_648, %dma_wait3A_649] : memref<100000x16xf32, #tpu.memory_space<hbm>> -> memref<100000x16xf32, #tpu.memory_space<hbm>>
      tpu.wait_indirect_dma semaphore(%arg19 : memref<!tpu.dma_semaphore, #tpu.memory_space<semaphore_mem>>) src(%dma_wait3A_650 : memref<100000x16xf32, #tpu.memory_space<hbm>>) dst(%dma_wait3A_645 : memref<128x16xf32, #tpu.memory_space<vmem>>)
      %dma_wait3A_651 = arith.constant 1280 : i32
      %dma_wait3A_652 = arith.constant 0 : i32
      %dma_wait3A_653 = tpu.memref_slice %arg13[%dma_wait3A_651, %dma_wait3A_652] : memref<1664x16xf32, #tpu.memory_space<vmem>> -> memref<128x16xf32, #tpu.memory_space<vmem>>
      %dma_wait3A_654 = arith.constant 1280 : i32
      %dma_wait3A_655 = tpu.memref_slice %arg11[%dma_wait3A_654] : memref<1664xi32, #tpu.memory_space<vmem>> -> memref<128xi32, #tpu.memory_space<vmem>>
      %dma_wait3A_656 = arith.constant 0 : i32
      %dma_wait3A_657 = arith.constant 0 : i32
      %dma_wait3A_658 = tpu.memref_slice %arg2[%dma_wait3A_656, %dma_wait3A_657] : memref<100000x16xf32, #tpu.memory_space<hbm>> -> memref<100000x16xf32, #tpu.memory_space<hbm>>
      tpu.wait_indirect_dma semaphore(%arg18 : memref<!tpu.dma_semaphore, #tpu.memory_space<semaphore_mem>>) src(%dma_wait3A_658 : memref<100000x16xf32, #tpu.memory_space<hbm>>) dst(%dma_wait3A_653 : memref<128x16xf32, #tpu.memory_space<vmem>>)
      %dma_wait3A_659 = arith.constant 1280 : i32
      %dma_wait3A_660 = arith.constant 0 : i32
      %dma_wait3A_661 = tpu.memref_slice %arg14[%dma_wait3A_659, %dma_wait3A_660] : memref<1664x16xf32, #tpu.memory_space<vmem>> -> memref<128x16xf32, #tpu.memory_space<vmem>>
      %dma_wait3A_662 = arith.constant 1280 : i32
      %dma_wait3A_663 = tpu.memref_slice %arg12[%dma_wait3A_662] : memref<1664xi32, #tpu.memory_space<vmem>> -> memref<128xi32, #tpu.memory_space<vmem>>
      %dma_wait3A_664 = arith.constant 0 : i32
      %dma_wait3A_665 = arith.constant 0 : i32
      %dma_wait3A_666 = tpu.memref_slice %arg3[%dma_wait3A_664, %dma_wait3A_665] : memref<100000x16xf32, #tpu.memory_space<hbm>> -> memref<100000x16xf32, #tpu.memory_space<hbm>>
      tpu.wait_indirect_dma semaphore(%arg19 : memref<!tpu.dma_semaphore, #tpu.memory_space<semaphore_mem>>) src(%dma_wait3A_666 : memref<100000x16xf32, #tpu.memory_space<hbm>>) dst(%dma_wait3A_661 : memref<128x16xf32, #tpu.memory_space<vmem>>)
      %dma_wait3A_667 = arith.constant 1408 : i32
      %dma_wait3A_668 = arith.constant 0 : i32
      %dma_wait3A_669 = tpu.memref_slice %arg13[%dma_wait3A_667, %dma_wait3A_668] : memref<1664x16xf32, #tpu.memory_space<vmem>> -> memref<128x16xf32, #tpu.memory_space<vmem>>
      %dma_wait3A_670 = arith.constant 1408 : i32
      %dma_wait3A_671 = tpu.memref_slice %arg11[%dma_wait3A_670] : memref<1664xi32, #tpu.memory_space<vmem>> -> memref<128xi32, #tpu.memory_space<vmem>>
      %dma_wait3A_672 = arith.constant 0 : i32
      %dma_wait3A_673 = arith.constant 0 : i32
      %dma_wait3A_674 = tpu.memref_slice %arg2[%dma_wait3A_672, %dma_wait3A_673] : memref<100000x16xf32, #tpu.memory_space<hbm>> -> memref<100000x16xf32, #tpu.memory_space<hbm>>
      tpu.wait_indirect_dma semaphore(%arg18 : memref<!tpu.dma_semaphore, #tpu.memory_space<semaphore_mem>>) src(%dma_wait3A_674 : memref<100000x16xf32, #tpu.memory_space<hbm>>) dst(%dma_wait3A_669 : memref<128x16xf32, #tpu.memory_space<vmem>>)
      %dma_wait3A_675 = arith.constant 1408 : i32
      %dma_wait3A_676 = arith.constant 0 : i32
      %dma_wait3A_677 = tpu.memref_slice %arg14[%dma_wait3A_675, %dma_wait3A_676] : memref<1664x16xf32, #tpu.memory_space<vmem>> -> memref<128x16xf32, #tpu.memory_space<vmem>>
      %dma_wait3A_678 = arith.constant 1408 : i32
      %dma_wait3A_679 = tpu.memref_slice %arg12[%dma_wait3A_678] : memref<1664xi32, #tpu.memory_space<vmem>> -> memref<128xi32, #tpu.memory_space<vmem>>
      %dma_wait3A_680 = arith.constant 0 : i32
      %dma_wait3A_681 = arith.constant 0 : i32
      %dma_wait3A_682 = tpu.memref_slice %arg3[%dma_wait3A_680, %dma_wait3A_681] : memref<100000x16xf32, #tpu.memory_space<hbm>> -> memref<100000x16xf32, #tpu.memory_space<hbm>>
      tpu.wait_indirect_dma semaphore(%arg19 : memref<!tpu.dma_semaphore, #tpu.memory_space<semaphore_mem>>) src(%dma_wait3A_682 : memref<100000x16xf32, #tpu.memory_space<hbm>>) dst(%dma_wait3A_677 : memref<128x16xf32, #tpu.memory_space<vmem>>)
      %dma_wait3A_683 = arith.constant 1536 : i32
      %dma_wait3A_684 = arith.constant 0 : i32
      %dma_wait3A_685 = tpu.memref_slice %arg13[%dma_wait3A_683, %dma_wait3A_684] : memref<1664x16xf32, #tpu.memory_space<vmem>> -> memref<128x16xf32, #tpu.memory_space<vmem>>
      %dma_wait3A_686 = arith.constant 1536 : i32
      %dma_wait3A_687 = tpu.memref_slice %arg11[%dma_wait3A_686] : memref<1664xi32, #tpu.memory_space<vmem>> -> memref<128xi32, #tpu.memory_space<vmem>>
      %dma_wait3A_688 = arith.constant 0 : i32
      %dma_wait3A_689 = arith.constant 0 : i32
      %dma_wait3A_690 = tpu.memref_slice %arg2[%dma_wait3A_688, %dma_wait3A_689] : memref<100000x16xf32, #tpu.memory_space<hbm>> -> memref<100000x16xf32, #tpu.memory_space<hbm>>
      tpu.wait_indirect_dma semaphore(%arg18 : memref<!tpu.dma_semaphore, #tpu.memory_space<semaphore_mem>>) src(%dma_wait3A_690 : memref<100000x16xf32, #tpu.memory_space<hbm>>) dst(%dma_wait3A_685 : memref<128x16xf32, #tpu.memory_space<vmem>>)
      %dma_wait3A_691 = arith.constant 1536 : i32
      %dma_wait3A_692 = arith.constant 0 : i32
      %dma_wait3A_693 = tpu.memref_slice %arg14[%dma_wait3A_691, %dma_wait3A_692] : memref<1664x16xf32, #tpu.memory_space<vmem>> -> memref<128x16xf32, #tpu.memory_space<vmem>>
      %dma_wait3A_694 = arith.constant 1536 : i32
      %dma_wait3A_695 = tpu.memref_slice %arg12[%dma_wait3A_694] : memref<1664xi32, #tpu.memory_space<vmem>> -> memref<128xi32, #tpu.memory_space<vmem>>
      %dma_wait3A_696 = arith.constant 0 : i32
      %dma_wait3A_697 = arith.constant 0 : i32
      %dma_wait3A_698 = tpu.memref_slice %arg3[%dma_wait3A_696, %dma_wait3A_697] : memref<100000x16xf32, #tpu.memory_space<hbm>> -> memref<100000x16xf32, #tpu.memory_space<hbm>>
      tpu.wait_indirect_dma semaphore(%arg19 : memref<!tpu.dma_semaphore, #tpu.memory_space<semaphore_mem>>) src(%dma_wait3A_698 : memref<100000x16xf32, #tpu.memory_space<hbm>>) dst(%dma_wait3A_693 : memref<128x16xf32, #tpu.memory_space<vmem>>)
      %scan3A_699 = arith.constant 0 : i32
      %scan3A_700 = arith.constant 104 : i32
      %scan3A_701 = arith.addi %scan3A_699, %scan3A_700 : i32
      %scan3A_702 = arith.constant 1 : i32
      %scan3A_703 = scf.for %scan3A_705 = %scan3A_699 to %scan3A_701 step %scan3A_702 iter_args(%scan3A_706 = %scan3A_478) -> (vector<16xf32>)  : i32 {
        %mul3A_707 = arith.constant 16 : i32
        %mul3A_708 = arith.muli %scan3A_705, %mul3A_707 : i32
        %add3A_709 = vector.broadcast %mul3A_708 : i32 to vector<16xi32>
        %add3A_710 = arith.addi %add3A_709, %iota3A : vector<16xi32>
        %broadcast_in_dim3A_711 = arith.constant 0 : i32
        %broadcast_in_dim3A_712 = vector.broadcast %broadcast_in_dim3A_711 : i32 to vector<16xi32>
        %gather3A = tpu.vector_load_idx %arg13[%add3A_710, %broadcast_in_dim3A_712] : memref<1664x16xf32, #tpu.memory_space<vmem>>[vector<16xi32>, vector<16xi32>], vector<16xf32>,
        %gather3A_713 = tpu.vector_load_idx %arg14[%add3A_710, %broadcast_in_dim3A_712] : memref<1664x16xf32, #tpu.memory_space<vmem>>[vector<16xi32>, vector<16xi32>], vector<16xf32>,
        %sub3A = arith.subf %gather3A, %gather3A_713 : vector<16xf32>
        %add3A_714 = arith.constant 9.99999997E-7 : f32
        %add3A_715 = vector.broadcast %add3A_714 : f32 to vector<16xf32>
        %add3A_716 = arith.addf %sub3A, %add3A_715 : vector<16xf32>
        %mul3A_717 = arith.mulf %add3A_716, %add3A_716 : vector<16xf32>
        %broadcast_in_dim3A_718 = arith.constant 1 : i32
        %broadcast_in_dim3A_719 = vector.broadcast %broadcast_in_dim3A_718 : i32 to vector<16xi32>
        %gather3A_720 = tpu.vector_load_idx %arg13[%add3A_710, %broadcast_in_dim3A_719] : memref<1664x16xf32, #tpu.memory_space<vmem>>[vector<16xi32>, vector<16xi32>], vector<16xf32>,
        %gather3A_721 = tpu.vector_load_idx %arg14[%add3A_710, %broadcast_in_dim3A_719] : memref<1664x16xf32, #tpu.memory_space<vmem>>[vector<16xi32>, vector<16xi32>], vector<16xf32>,
        %sub3A_722 = arith.subf %gather3A_720, %gather3A_721 : vector<16xf32>
        %add3A_723 = arith.constant 9.99999997E-7 : f32
        %add3A_724 = vector.broadcast %add3A_723 : f32 to vector<16xf32>
        %add3A_725 = arith.addf %sub3A_722, %add3A_724 : vector<16xf32>
        %mul3A_726 = arith.mulf %add3A_725, %add3A_725 : vector<16xf32>
        %broadcast_in_dim3A_727 = arith.constant 2 : i32
        %broadcast_in_dim3A_728 = vector.broadcast %broadcast_in_dim3A_727 : i32 to vector<16xi32>
        %gather3A_729 = tpu.vector_load_idx %arg13[%add3A_710, %broadcast_in_dim3A_728] : memref<1664x16xf32, #tpu.memory_space<vmem>>[vector<16xi32>, vector<16xi32>], vector<16xf32>,
        %gather3A_730 = tpu.vector_load_idx %arg14[%add3A_710, %broadcast_in_dim3A_728] : memref<1664x16xf32, #tpu.memory_space<vmem>>[vector<16xi32>, vector<16xi32>], vector<16xf32>,
        %sub3A_731 = arith.subf %gather3A_729, %gather3A_730 : vector<16xf32>
        %add3A_732 = arith.constant 9.99999997E-7 : f32
        %add3A_733 = vector.broadcast %add3A_732 : f32 to vector<16xf32>
        %add3A_734 = arith.addf %sub3A_731, %add3A_733 : vector<16xf32>
        %mul3A_735 = arith.mulf %add3A_734, %add3A_734 : vector<16xf32>
        %broadcast_in_dim3A_736 = arith.constant 3 : i32
        %broadcast_in_dim3A_737 = vector.broadcast %broadcast_in_dim3A_736 : i32 to vector<16xi32>
        %gather3A_738 = tpu.vector_load_idx %arg13[%add3A_710, %broadcast_in_dim3A_737] : memref<1664x16xf32, #tpu.memory_space<vmem>>[vector<16xi32>, vector<16xi32>], vector<16xf32>,
        %gather3A_739 = tpu.vector_load_idx %arg14[%add3A_710, %broadcast_in_dim3A_737] : memref<1664x16xf32, #tpu.memory_space<vmem>>[vector<16xi32>, vector<16xi32>], vector<16xf32>,
        %sub3A_740 = arith.subf %gather3A_738, %gather3A_739 : vector<16xf32>
        %add3A_741 = arith.constant 9.99999997E-7 : f32
        %add3A_742 = vector.broadcast %add3A_741 : f32 to vector<16xf32>
        %add3A_743 = arith.addf %sub3A_740, %add3A_742 : vector<16xf32>
        %mul3A_744 = arith.mulf %add3A_743, %add3A_743 : vector<16xf32>
        %broadcast_in_dim3A_745 = arith.constant 4 : i32
        %broadcast_in_dim3A_746 = vector.broadcast %broadcast_in_dim3A_745 : i32 to vector<16xi32>
        %gather3A_747 = tpu.vector_load_idx %arg13[%add3A_710, %broadcast_in_dim3A_746] : memref<1664x16xf32, #tpu.memory_space<vmem>>[vector<16xi32>, vector<16xi32>], vector<16xf32>,
        %gather3A_748 = tpu.vector_load_idx %arg14[%add3A_710, %broadcast_in_dim3A_746] : memref<1664x16xf32, #tpu.memory_space<vmem>>[vector<16xi32>, vector<16xi32>], vector<16xf32>,
        %sub3A_749 = arith.subf %gather3A_747, %gather3A_748 : vector<16xf32>
        %add3A_750 = arith.constant 9.99999997E-7 : f32
        %add3A_751 = vector.broadcast %add3A_750 : f32 to vector<16xf32>
        %add3A_752 = arith.addf %sub3A_749, %add3A_751 : vector<16xf32>
        %mul3A_753 = arith.mulf %add3A_752, %add3A_752 : vector<16xf32>
        %broadcast_in_dim3A_754 = arith.constant 5 : i32
        %broadcast_in_dim3A_755 = vector.broadcast %broadcast_in_dim3A_754 : i32 to vector<16xi32>
        %gather3A_756 = tpu.vector_load_idx %arg13[%add3A_710, %broadcast_in_dim3A_755] : memref<1664x16xf32, #tpu.memory_space<vmem>>[vector<16xi32>, vector<16xi32>], vector<16xf32>,
        %gather3A_757 = tpu.vector_load_idx %arg14[%add3A_710, %broadcast_in_dim3A_755] : memref<1664x16xf32, #tpu.memory_space<vmem>>[vector<16xi32>, vector<16xi32>], vector<16xf32>,
        %sub3A_758 = arith.subf %gather3A_756, %gather3A_757 : vector<16xf32>
        %add3A_759 = arith.constant 9.99999997E-7 : f32
        %add3A_760 = vector.broadcast %add3A_759 : f32 to vector<16xf32>
        %add3A_761 = arith.addf %sub3A_758, %add3A_760 : vector<16xf32>
        %mul3A_762 = arith.mulf %add3A_761, %add3A_761 : vector<16xf32>
        %broadcast_in_dim3A_763 = arith.constant 6 : i32
        %broadcast_in_dim3A_764 = vector.broadcast %broadcast_in_dim3A_763 : i32 to vector<16xi32>
        %gather3A_765 = tpu.vector_load_idx %arg13[%add3A_710, %broadcast_in_dim3A_764] : memref<1664x16xf32, #tpu.memory_space<vmem>>[vector<16xi32>, vector<16xi32>], vector<16xf32>,
        %gather3A_766 = tpu.vector_load_idx %arg14[%add3A_710, %broadcast_in_dim3A_764] : memref<1664x16xf32, #tpu.memory_space<vmem>>[vector<16xi32>, vector<16xi32>], vector<16xf32>,
        %sub3A_767 = arith.subf %gather3A_765, %gather3A_766 : vector<16xf32>
        %add3A_768 = arith.constant 9.99999997E-7 : f32
        %add3A_769 = vector.broadcast %add3A_768 : f32 to vector<16xf32>
        %add3A_770 = arith.addf %sub3A_767, %add3A_769 : vector<16xf32>
        %mul3A_771 = arith.mulf %add3A_770, %add3A_770 : vector<16xf32>
        %broadcast_in_dim3A_772 = arith.constant 7 : i32
        %broadcast_in_dim3A_773 = vector.broadcast %broadcast_in_dim3A_772 : i32 to vector<16xi32>
        %gather3A_774 = tpu.vector_load_idx %arg13[%add3A_710, %broadcast_in_dim3A_773] : memref<1664x16xf32, #tpu.memory_space<vmem>>[vector<16xi32>, vector<16xi32>], vector<16xf32>,
        %gather3A_775 = tpu.vector_load_idx %arg14[%add3A_710, %broadcast_in_dim3A_773] : memref<1664x16xf32, #tpu.memory_space<vmem>>[vector<16xi32>, vector<16xi32>], vector<16xf32>,
        %sub3A_776 = arith.subf %gather3A_774, %gather3A_775 : vector<16xf32>
        %add3A_777 = arith.constant 9.99999997E-7 : f32
        %add3A_778 = vector.broadcast %add3A_777 : f32 to vector<16xf32>
        %add3A_779 = arith.addf %sub3A_776, %add3A_778 : vector<16xf32>
        %mul3A_780 = arith.mulf %add3A_779, %add3A_779 : vector<16xf32>
        %add3A_781 = arith.addf %mul3A_717, %mul3A_726 : vector<16xf32>
        %add3A_782 = arith.addf %mul3A_735, %mul3A_744 : vector<16xf32>
        %add3A_783 = arith.addf %add3A_781, %add3A_782 : vector<16xf32>
        %add3A_784 = arith.addf %mul3A_753, %mul3A_762 : vector<16xf32>
        %add3A_785 = arith.addf %mul3A_771, %mul3A_780 : vector<16xf32>
        %add3A_786 = arith.addf %add3A_784, %add3A_785 : vector<16xf32>
        %add3A_787 = arith.addf %add3A_783, %add3A_786 : vector<16xf32>
        %broadcast_in_dim3A_788 = arith.constant 8 : i32
        %broadcast_in_dim3A_789 = vector.broadcast %broadcast_in_dim3A_788 : i32 to vector<16xi32>
        %gather3A_790 = tpu.vector_load_idx %arg13[%add3A_710, %broadcast_in_dim3A_789] : memref<1664x16xf32, #tpu.memory_space<vmem>>[vector<16xi32>, vector<16xi32>], vector<16xf32>,
        %gather3A_791 = tpu.vector_load_idx %arg14[%add3A_710, %broadcast_in_dim3A_789] : memref<1664x16xf32, #tpu.memory_space<vmem>>[vector<16xi32>, vector<16xi32>], vector<16xf32>,
        %add3A_792 = arith.addf %gather3A_790, %gather3A_791 : vector<16xf32>
        %max3A = arith.constant 1.000000e-24 : f32
        %max3A_793 = vector.broadcast %max3A : f32 to vector<16xf32>
        %max3A_794 = arith.maximumf %add3A_787, %max3A_793 : vector<16xf32>
        %bitcast3A = vector.bitcast %max3A_794 : vector<16xf32> to vector<16xi32>
        %shift_right_logical3A = arith.constant 1 : i32
        %shift_right_logical3A_795 = vector.broadcast %shift_right_logical3A : i32 to vector<16xi32>
        %shift_right_logical3A_796 = arith.shrui %bitcast3A, %shift_right_logical3A_795 : vector<16xi32>
        %sub3A_797 = arith.constant 1597463007 : i32
        %sub3A_798 = vector.broadcast %sub3A_797 : i32 to vector<16xi32>
        %sub3A_799 = arith.subi %sub3A_798, %shift_right_logical3A_796 : vector<16xi32>
        %bitcast3A_800 = vector.bitcast %sub3A_799 : vector<16xi32> to vector<16xf32>
        %mul3A_801 = arith.constant 5.000000e-01 : f32
        %mul3A_802 = vector.broadcast %mul3A_801 : f32 to vector<16xf32>
        %mul3A_803 = arith.mulf %mul3A_802, %max3A_794 : vector<16xf32>
        %mul3A_804 = arith.mulf %mul3A_803, %bitcast3A_800 : vector<16xf32>
        %mul3A_805 = arith.mulf %mul3A_804, %bitcast3A_800 : vector<16xf32>
        %sub3A_806 = arith.constant 1.500000e+00 : f32
        %sub3A_807 = vector.broadcast %sub3A_806 : f32 to vector<16xf32>
        %sub3A_808 = arith.subf %sub3A_807, %mul3A_805 : vector<16xf32>
        %mul3A_809 = arith.mulf %bitcast3A_800, %sub3A_808 : vector<16xf32>
        %mul3A_810 = arith.constant 5.000000e-01 : f32
        %mul3A_811 = vector.broadcast %mul3A_810 : f32 to vector<16xf32>
        %mul3A_812 = arith.mulf %mul3A_811, %max3A_794 : vector<16xf32>
        %mul3A_813 = arith.mulf %mul3A_812, %mul3A_809 : vector<16xf32>
        %mul3A_814 = arith.mulf %mul3A_813, %mul3A_809 : vector<16xf32>
        %sub3A_815 = arith.constant 1.500000e+00 : f32
        %sub3A_816 = vector.broadcast %sub3A_815 : f32 to vector<16xf32>
        %sub3A_817 = arith.subf %sub3A_816, %mul3A_814 : vector<16xf32>
        %mul3A_818 = arith.mulf %mul3A_809, %sub3A_817 : vector<16xf32>
        %mul3A_819 = arith.constant 5.000000e-01 : f32
        %mul3A_820 = vector.broadcast %mul3A_819 : f32 to vector<16xf32>
        %mul3A_821 = arith.mulf %mul3A_820, %max3A_794 : vector<16xf32>
        %mul3A_822 = arith.mulf %mul3A_821, %mul3A_818 : vector<16xf32>
        %mul3A_823 = arith.mulf %mul3A_822, %mul3A_818 : vector<16xf32>
        %sub3A_824 = arith.constant 1.500000e+00 : f32
        %sub3A_825 = vector.broadcast %sub3A_824 : f32 to vector<16xf32>
        %sub3A_826 = arith.subf %sub3A_825, %mul3A_823 : vector<16xf32>
        %mul3A_827 = arith.mulf %mul3A_818, %sub3A_826 : vector<16xf32>
        %mul3A_828 = arith.mulf %max3A_794, %mul3A_827 : vector<16xf32>
        %sub3A_829 = arith.subf %add3A_792, %mul3A_828 : vector<16xf32>
        %add3A_830 = arith.addf %scan3A_706, %sub3A_829 : vector<16xf32>
        scf.yield %add3A_830 : vector<16xf32>
      }
      %scan3A_704 = arith.constant 104 : i32
      scf.yield %scan3A_703 : vector<16xf32>
    }
    %scan3A_215 = arith.constant 15 : i32
    %add3A_216 = arith.constant 49920 : i32
    %add3A_217 = arith.addi %mul3A_2, %add3A_216 : i32
    "tpu.region"() ({
      %run_scoped3A = tpu.sem_alloc : memref<!tpu.dma_semaphore, #tpu.memory_space<semaphore_mem>>
      %dma_start3A_256 = arith.constant 0 : i32
      %dma_start3A_257 = tpu.memref_slice %arg7[%dma_start3A_256] : memref<1664xi32, #tpu.memory_space<vmem>> -> memref<80xi32, #tpu.memory_space<vmem>>
      %dma_start3A_258 = tpu.memref_slice %arg4[%add3A_217] : memref<1600000xi32, #tpu.memory_space<hbm>> -> memref<80xi32, #tpu.memory_space<hbm>>
      %dma_start3A_259 = arith.constant 0 : i32
      %dma_start3A_260 = tpu.memref_slice %arg7[%dma_start3A_259] : memref<1664xi32, #tpu.memory_space<vmem>> -> memref<80xi32, #tpu.memory_space<vmem>>
      %dma_start3A_261 = tpu.memref_slice %arg4[%add3A_217] : memref<1600000xi32, #tpu.memory_space<hbm>> -> memref<80xi32, #tpu.memory_space<hbm>>
      tpu.enqueue_dma source(%dma_start3A_261 : memref<80xi32, #tpu.memory_space<hbm>>) target(%dma_start3A_260 : memref<80xi32, #tpu.memory_space<vmem>>) target_semaphore(%run_scoped3A : memref<!tpu.dma_semaphore, #tpu.memory_space<semaphore_mem>>)
      %dma_wait3A_262 = arith.constant 0 : i32
      %dma_wait3A_263 = tpu.memref_slice %arg7[%dma_wait3A_262] : memref<1664xi32, #tpu.memory_space<vmem>> -> memref<80xi32, #tpu.memory_space<vmem>>
      %dma_wait3A_264 = tpu.memref_slice %arg4[%add3A_217] : memref<1600000xi32, #tpu.memory_space<hbm>> -> memref<80xi32, #tpu.memory_space<hbm>>
      %dma_wait3A_265 = arith.constant 0 : i32
      %dma_wait3A_266 = tpu.memref_slice %arg7[%dma_wait3A_265] : memref<1664xi32, #tpu.memory_space<vmem>> -> memref<80xi32, #tpu.memory_space<vmem>>
      %dma_wait3A_267 = tpu.memref_slice %arg4[%add3A_217] : memref<1600000xi32, #tpu.memory_space<hbm>> -> memref<80xi32, #tpu.memory_space<hbm>>
      tpu.wait_dma2 semaphore(%run_scoped3A : memref<!tpu.dma_semaphore, #tpu.memory_space<semaphore_mem>>) src(%dma_wait3A_267 : memref<80xi32, #tpu.memory_space<hbm>>) dst(%dma_wait3A_266 : memref<80xi32, #tpu.memory_space<vmem>>)
      tpu.yield
    }) : () -> ()
    "tpu.region"() ({
      %run_scoped3A = tpu.sem_alloc : memref<!tpu.dma_semaphore, #tpu.memory_space<semaphore_mem>>
      %dma_start3A_256 = arith.constant 0 : i32
      %dma_start3A_257 = tpu.memref_slice %arg8[%dma_start3A_256] : memref<1664xi32, #tpu.memory_space<vmem>> -> memref<80xi32, #tpu.memory_space<vmem>>
      %dma_start3A_258 = tpu.memref_slice %arg5[%add3A_217] : memref<1600000xi32, #tpu.memory_space<hbm>> -> memref<80xi32, #tpu.memory_space<hbm>>
      %dma_start3A_259 = arith.constant 0 : i32
      %dma_start3A_260 = tpu.memref_slice %arg8[%dma_start3A_259] : memref<1664xi32, #tpu.memory_space<vmem>> -> memref<80xi32, #tpu.memory_space<vmem>>
      %dma_start3A_261 = tpu.memref_slice %arg5[%add3A_217] : memref<1600000xi32, #tpu.memory_space<hbm>> -> memref<80xi32, #tpu.memory_space<hbm>>
      tpu.enqueue_dma source(%dma_start3A_261 : memref<80xi32, #tpu.memory_space<hbm>>) target(%dma_start3A_260 : memref<80xi32, #tpu.memory_space<vmem>>) target_semaphore(%run_scoped3A : memref<!tpu.dma_semaphore, #tpu.memory_space<semaphore_mem>>)
      %dma_wait3A_262 = arith.constant 0 : i32
      %dma_wait3A_263 = tpu.memref_slice %arg8[%dma_wait3A_262] : memref<1664xi32, #tpu.memory_space<vmem>> -> memref<80xi32, #tpu.memory_space<vmem>>
      %dma_wait3A_264 = tpu.memref_slice %arg5[%add3A_217] : memref<1600000xi32, #tpu.memory_space<hbm>> -> memref<80xi32, #tpu.memory_space<hbm>>
      %dma_wait3A_265 = arith.constant 0 : i32
      %dma_wait3A_266 = tpu.memref_slice %arg8[%dma_wait3A_265] : memref<1664xi32, #tpu.memory_space<vmem>> -> memref<80xi32, #tpu.memory_space<vmem>>
      %dma_wait3A_267 = tpu.memref_slice %arg5[%add3A_217] : memref<1600000xi32, #tpu.memory_space<hbm>> -> memref<80xi32, #tpu.memory_space<hbm>>
      tpu.wait_dma2 semaphore(%run_scoped3A : memref<!tpu.dma_semaphore, #tpu.memory_space<semaphore_mem>>) src(%dma_wait3A_267 : memref<80xi32, #tpu.memory_space<hbm>>) dst(%dma_wait3A_266 : memref<80xi32, #tpu.memory_space<vmem>>)
      tpu.yield
    }) : () -> ()
    %dma_start3A_218 = arith.constant 0 : i32
    %dma_start3A_219 = arith.constant 0 : i32
    %dma_start3A_220 = tpu.memref_slice %arg9[%dma_start3A_218, %dma_start3A_219] : memref<1664x16xf32, #tpu.memory_space<vmem>> -> memref<80x16xf32, #tpu.memory_space<vmem>>
    %dma_start3A_221 = arith.constant 0 : i32
    %dma_start3A_222 = tpu.memref_slice %arg7[%dma_start3A_221] : memref<1664xi32, #tpu.memory_space<vmem>> -> memref<80xi32, #tpu.memory_space<vmem>>
    %dma_start3A_223 = arith.constant 0 : i32
    %dma_start3A_224 = arith.constant 0 : i32
    %dma_start3A_225 = tpu.memref_slice %arg2[%dma_start3A_223, %dma_start3A_224] : memref<100000x16xf32, #tpu.memory_space<hbm>> -> memref<100000x16xf32, #tpu.memory_space<hbm>>
    tpu.enqueue_indirect_dma source(%dma_start3A_225 : memref<100000x16xf32, #tpu.memory_space<hbm>>) target(%dma_start3A_220 : memref<80x16xf32, #tpu.memory_space<vmem>>) offsets(%dma_start3A_222 : memref<80xi32, #tpu.memory_space<vmem>>) semaphore(%arg16 : memref<!tpu.dma_semaphore, #tpu.memory_space<semaphore_mem>>)
    %dma_start3A_226 = arith.constant 0 : i32
    %dma_start3A_227 = arith.constant 0 : i32
    %dma_start3A_228 = tpu.memref_slice %arg10[%dma_start3A_226, %dma_start3A_227] : memref<1664x16xf32, #tpu.memory_space<vmem>> -> memref<80x16xf32, #tpu.memory_space<vmem>>
    %dma_start3A_229 = arith.constant 0 : i32
    %dma_start3A_230 = tpu.memref_slice %arg8[%dma_start3A_229] : memref<1664xi32, #tpu.memory_space<vmem>> -> memref<80xi32, #tpu.memory_space<vmem>>
    %dma_start3A_231 = arith.constant 0 : i32
    %dma_start3A_232 = arith.constant 0 : i32
    %dma_start3A_233 = tpu.memref_slice %arg3[%dma_start3A_231, %dma_start3A_232] : memref<100000x16xf32, #tpu.memory_space<hbm>> -> memref<100000x16xf32, #tpu.memory_space<hbm>>
    tpu.enqueue_indirect_dma source(%dma_start3A_233 : memref<100000x16xf32, #tpu.memory_space<hbm>>) target(%dma_start3A_228 : memref<80x16xf32, #tpu.memory_space<vmem>>) offsets(%dma_start3A_230 : memref<80xi32, #tpu.memory_space<vmem>>) semaphore(%arg17 : memref<!tpu.dma_semaphore, #tpu.memory_space<semaphore_mem>>)
    %dma_wait3A = arith.constant 0 : i32
    %dma_wait3A_234 = arith.constant 0 : i32
    %dma_wait3A_235 = tpu.memref_slice %arg9[%dma_wait3A, %dma_wait3A_234] : memref<1664x16xf32, #tpu.memory_space<vmem>> -> memref<80x16xf32, #tpu.memory_space<vmem>>
    %dma_wait3A_236 = arith.constant 0 : i32
    %dma_wait3A_237 = tpu.memref_slice %arg7[%dma_wait3A_236] : memref<1664xi32, #tpu.memory_space<vmem>> -> memref<80xi32, #tpu.memory_space<vmem>>
    %dma_wait3A_238 = arith.constant 0 : i32
    %dma_wait3A_239 = arith.constant 0 : i32
    %dma_wait3A_240 = tpu.memref_slice %arg2[%dma_wait3A_238, %dma_wait3A_239] : memref<100000x16xf32, #tpu.memory_space<hbm>> -> memref<100000x16xf32, #tpu.memory_space<hbm>>
    tpu.wait_indirect_dma semaphore(%arg16 : memref<!tpu.dma_semaphore, #tpu.memory_space<semaphore_mem>>) src(%dma_wait3A_240 : memref<100000x16xf32, #tpu.memory_space<hbm>>) dst(%dma_wait3A_235 : memref<80x16xf32, #tpu.memory_space<vmem>>)
    %dma_wait3A_241 = arith.constant 0 : i32
    %dma_wait3A_242 = arith.constant 0 : i32
    %dma_wait3A_243 = tpu.memref_slice %arg10[%dma_wait3A_241, %dma_wait3A_242] : memref<1664x16xf32, #tpu.memory_space<vmem>> -> memref<80x16xf32, #tpu.memory_space<vmem>>
    %dma_wait3A_244 = arith.constant 0 : i32
    %dma_wait3A_245 = tpu.memref_slice %arg8[%dma_wait3A_244] : memref<1664xi32, #tpu.memory_space<vmem>> -> memref<80xi32, #tpu.memory_space<vmem>>
    %dma_wait3A_246 = arith.constant 0 : i32
    %dma_wait3A_247 = arith.constant 0 : i32
    %dma_wait3A_248 = tpu.memref_slice %arg3[%dma_wait3A_246, %dma_wait3A_247] : memref<100000x16xf32, #tpu.memory_space<hbm>> -> memref<100000x16xf32, #tpu.memory_space<hbm>>
    tpu.wait_indirect_dma semaphore(%arg17 : memref<!tpu.dma_semaphore, #tpu.memory_space<semaphore_mem>>) src(%dma_wait3A_248 : memref<100000x16xf32, #tpu.memory_space<hbm>>) dst(%dma_wait3A_243 : memref<80x16xf32, #tpu.memory_space<vmem>>)
    %scan3A_249 = arith.constant 0 : i32
    %scan3A_250 = arith.constant 5 : i32
    %scan3A_251 = arith.addi %scan3A_249, %scan3A_250 : i32
    %scan3A_252 = arith.constant 1 : i32
    %scan3A_253 = scf.for %scan3A_256 = %scan3A_249 to %scan3A_251 step %scan3A_252 iter_args(%scan3A_257 = %scan3A_214) -> (vector<16xf32>)  : i32 {
      %mul3A_258 = arith.constant 16 : i32
      %mul3A_259 = arith.muli %scan3A_256, %mul3A_258 : i32
      %add3A_260 = vector.broadcast %mul3A_259 : i32 to vector<16xi32>
      %add3A_261 = arith.addi %add3A_260, %iota3A : vector<16xi32>
      %broadcast_in_dim3A_262 = arith.constant 0 : i32
      %broadcast_in_dim3A_263 = vector.broadcast %broadcast_in_dim3A_262 : i32 to vector<16xi32>
      %gather3A = tpu.vector_load_idx %arg9[%add3A_261, %broadcast_in_dim3A_263] : memref<1664x16xf32, #tpu.memory_space<vmem>>[vector<16xi32>, vector<16xi32>], vector<16xf32>,
      %gather3A_264 = tpu.vector_load_idx %arg10[%add3A_261, %broadcast_in_dim3A_263] : memref<1664x16xf32, #tpu.memory_space<vmem>>[vector<16xi32>, vector<16xi32>], vector<16xf32>,
      %sub3A = arith.subf %gather3A, %gather3A_264 : vector<16xf32>
      %add3A_265 = arith.constant 9.99999997E-7 : f32
      %add3A_266 = vector.broadcast %add3A_265 : f32 to vector<16xf32>
      %add3A_267 = arith.addf %sub3A, %add3A_266 : vector<16xf32>
      %mul3A_268 = arith.mulf %add3A_267, %add3A_267 : vector<16xf32>
      %broadcast_in_dim3A_269 = arith.constant 1 : i32
      %broadcast_in_dim3A_270 = vector.broadcast %broadcast_in_dim3A_269 : i32 to vector<16xi32>
      %gather3A_271 = tpu.vector_load_idx %arg9[%add3A_261, %broadcast_in_dim3A_270] : memref<1664x16xf32, #tpu.memory_space<vmem>>[vector<16xi32>, vector<16xi32>], vector<16xf32>,
      %gather3A_272 = tpu.vector_load_idx %arg10[%add3A_261, %broadcast_in_dim3A_270] : memref<1664x16xf32, #tpu.memory_space<vmem>>[vector<16xi32>, vector<16xi32>], vector<16xf32>,
      %sub3A_273 = arith.subf %gather3A_271, %gather3A_272 : vector<16xf32>
      %add3A_274 = arith.constant 9.99999997E-7 : f32
      %add3A_275 = vector.broadcast %add3A_274 : f32 to vector<16xf32>
      %add3A_276 = arith.addf %sub3A_273, %add3A_275 : vector<16xf32>
      %mul3A_277 = arith.mulf %add3A_276, %add3A_276 : vector<16xf32>
      %broadcast_in_dim3A_278 = arith.constant 2 : i32
      %broadcast_in_dim3A_279 = vector.broadcast %broadcast_in_dim3A_278 : i32 to vector<16xi32>
      %gather3A_280 = tpu.vector_load_idx %arg9[%add3A_261, %broadcast_in_dim3A_279] : memref<1664x16xf32, #tpu.memory_space<vmem>>[vector<16xi32>, vector<16xi32>], vector<16xf32>,
      %gather3A_281 = tpu.vector_load_idx %arg10[%add3A_261, %broadcast_in_dim3A_279] : memref<1664x16xf32, #tpu.memory_space<vmem>>[vector<16xi32>, vector<16xi32>], vector<16xf32>,
      %sub3A_282 = arith.subf %gather3A_280, %gather3A_281 : vector<16xf32>
      %add3A_283 = arith.constant 9.99999997E-7 : f32
      %add3A_284 = vector.broadcast %add3A_283 : f32 to vector<16xf32>
      %add3A_285 = arith.addf %sub3A_282, %add3A_284 : vector<16xf32>
      %mul3A_286 = arith.mulf %add3A_285, %add3A_285 : vector<16xf32>
      %broadcast_in_dim3A_287 = arith.constant 3 : i32
      %broadcast_in_dim3A_288 = vector.broadcast %broadcast_in_dim3A_287 : i32 to vector<16xi32>
      %gather3A_289 = tpu.vector_load_idx %arg9[%add3A_261, %broadcast_in_dim3A_288] : memref<1664x16xf32, #tpu.memory_space<vmem>>[vector<16xi32>, vector<16xi32>], vector<16xf32>,
      %gather3A_290 = tpu.vector_load_idx %arg10[%add3A_261, %broadcast_in_dim3A_288] : memref<1664x16xf32, #tpu.memory_space<vmem>>[vector<16xi32>, vector<16xi32>], vector<16xf32>,
      %sub3A_291 = arith.subf %gather3A_289, %gather3A_290 : vector<16xf32>
      %add3A_292 = arith.constant 9.99999997E-7 : f32
      %add3A_293 = vector.broadcast %add3A_292 : f32 to vector<16xf32>
      %add3A_294 = arith.addf %sub3A_291, %add3A_293 : vector<16xf32>
      %mul3A_295 = arith.mulf %add3A_294, %add3A_294 : vector<16xf32>
      %broadcast_in_dim3A_296 = arith.constant 4 : i32
      %broadcast_in_dim3A_297 = vector.broadcast %broadcast_in_dim3A_296 : i32 to vector<16xi32>
      %gather3A_298 = tpu.vector_load_idx %arg9[%add3A_261, %broadcast_in_dim3A_297] : memref<1664x16xf32, #tpu.memory_space<vmem>>[vector<16xi32>, vector<16xi32>], vector<16xf32>,
      %gather3A_299 = tpu.vector_load_idx %arg10[%add3A_261, %broadcast_in_dim3A_297] : memref<1664x16xf32, #tpu.memory_space<vmem>>[vector<16xi32>, vector<16xi32>], vector<16xf32>,
      %sub3A_300 = arith.subf %gather3A_298, %gather3A_299 : vector<16xf32>
      %add3A_301 = arith.constant 9.99999997E-7 : f32
      %add3A_302 = vector.broadcast %add3A_301 : f32 to vector<16xf32>
      %add3A_303 = arith.addf %sub3A_300, %add3A_302 : vector<16xf32>
      %mul3A_304 = arith.mulf %add3A_303, %add3A_303 : vector<16xf32>
      %broadcast_in_dim3A_305 = arith.constant 5 : i32
      %broadcast_in_dim3A_306 = vector.broadcast %broadcast_in_dim3A_305 : i32 to vector<16xi32>
      %gather3A_307 = tpu.vector_load_idx %arg9[%add3A_261, %broadcast_in_dim3A_306] : memref<1664x16xf32, #tpu.memory_space<vmem>>[vector<16xi32>, vector<16xi32>], vector<16xf32>,
      %gather3A_308 = tpu.vector_load_idx %arg10[%add3A_261, %broadcast_in_dim3A_306] : memref<1664x16xf32, #tpu.memory_space<vmem>>[vector<16xi32>, vector<16xi32>], vector<16xf32>,
      %sub3A_309 = arith.subf %gather3A_307, %gather3A_308 : vector<16xf32>
      %add3A_310 = arith.constant 9.99999997E-7 : f32
      %add3A_311 = vector.broadcast %add3A_310 : f32 to vector<16xf32>
      %add3A_312 = arith.addf %sub3A_309, %add3A_311 : vector<16xf32>
      %mul3A_313 = arith.mulf %add3A_312, %add3A_312 : vector<16xf32>
      %broadcast_in_dim3A_314 = arith.constant 6 : i32
      %broadcast_in_dim3A_315 = vector.broadcast %broadcast_in_dim3A_314 : i32 to vector<16xi32>
      %gather3A_316 = tpu.vector_load_idx %arg9[%add3A_261, %broadcast_in_dim3A_315] : memref<1664x16xf32, #tpu.memory_space<vmem>>[vector<16xi32>, vector<16xi32>], vector<16xf32>,
      %gather3A_317 = tpu.vector_load_idx %arg10[%add3A_261, %broadcast_in_dim3A_315] : memref<1664x16xf32, #tpu.memory_space<vmem>>[vector<16xi32>, vector<16xi32>], vector<16xf32>,
      %sub3A_318 = arith.subf %gather3A_316, %gather3A_317 : vector<16xf32>
      %add3A_319 = arith.constant 9.99999997E-7 : f32
      %add3A_320 = vector.broadcast %add3A_319 : f32 to vector<16xf32>
      %add3A_321 = arith.addf %sub3A_318, %add3A_320 : vector<16xf32>
      %mul3A_322 = arith.mulf %add3A_321, %add3A_321 : vector<16xf32>
      %broadcast_in_dim3A_323 = arith.constant 7 : i32
      %broadcast_in_dim3A_324 = vector.broadcast %broadcast_in_dim3A_323 : i32 to vector<16xi32>
      %gather3A_325 = tpu.vector_load_idx %arg9[%add3A_261, %broadcast_in_dim3A_324] : memref<1664x16xf32, #tpu.memory_space<vmem>>[vector<16xi32>, vector<16xi32>], vector<16xf32>,
      %gather3A_326 = tpu.vector_load_idx %arg10[%add3A_261, %broadcast_in_dim3A_324] : memref<1664x16xf32, #tpu.memory_space<vmem>>[vector<16xi32>, vector<16xi32>], vector<16xf32>,
      %sub3A_327 = arith.subf %gather3A_325, %gather3A_326 : vector<16xf32>
      %add3A_328 = arith.constant 9.99999997E-7 : f32
      %add3A_329 = vector.broadcast %add3A_328 : f32 to vector<16xf32>
      %add3A_330 = arith.addf %sub3A_327, %add3A_329 : vector<16xf32>
      %mul3A_331 = arith.mulf %add3A_330, %add3A_330 : vector<16xf32>
      %add3A_332 = arith.addf %mul3A_268, %mul3A_277 : vector<16xf32>
      %add3A_333 = arith.addf %mul3A_286, %mul3A_295 : vector<16xf32>
      %add3A_334 = arith.addf %add3A_332, %add3A_333 : vector<16xf32>
      %add3A_335 = arith.addf %mul3A_304, %mul3A_313 : vector<16xf32>
      %add3A_336 = arith.addf %mul3A_322, %mul3A_331 : vector<16xf32>
      %add3A_337 = arith.addf %add3A_335, %add3A_336 : vector<16xf32>
      %add3A_338 = arith.addf %add3A_334, %add3A_337 : vector<16xf32>
      %broadcast_in_dim3A_339 = arith.constant 8 : i32
      %broadcast_in_dim3A_340 = vector.broadcast %broadcast_in_dim3A_339 : i32 to vector<16xi32>
      %gather3A_341 = tpu.vector_load_idx %arg9[%add3A_261, %broadcast_in_dim3A_340] : memref<1664x16xf32, #tpu.memory_space<vmem>>[vector<16xi32>, vector<16xi32>], vector<16xf32>,
      %gather3A_342 = tpu.vector_load_idx %arg10[%add3A_261, %broadcast_in_dim3A_340] : memref<1664x16xf32, #tpu.memory_space<vmem>>[vector<16xi32>, vector<16xi32>], vector<16xf32>,
      %add3A_343 = arith.addf %gather3A_341, %gather3A_342 : vector<16xf32>
      %max3A = arith.constant 1.000000e-24 : f32
      %max3A_344 = vector.broadcast %max3A : f32 to vector<16xf32>
      %max3A_345 = arith.maximumf %add3A_338, %max3A_344 : vector<16xf32>
      %bitcast3A = vector.bitcast %max3A_345 : vector<16xf32> to vector<16xi32>
      %shift_right_logical3A = arith.constant 1 : i32
      %shift_right_logical3A_346 = vector.broadcast %shift_right_logical3A : i32 to vector<16xi32>
      %shift_right_logical3A_347 = arith.shrui %bitcast3A, %shift_right_logical3A_346 : vector<16xi32>
      %sub3A_348 = arith.constant 1597463007 : i32
      %sub3A_349 = vector.broadcast %sub3A_348 : i32 to vector<16xi32>
      %sub3A_350 = arith.subi %sub3A_349, %shift_right_logical3A_347 : vector<16xi32>
      %bitcast3A_351 = vector.bitcast %sub3A_350 : vector<16xi32> to vector<16xf32>
      %mul3A_352 = arith.constant 5.000000e-01 : f32
      %mul3A_353 = vector.broadcast %mul3A_352 : f32 to vector<16xf32>
      %mul3A_354 = arith.mulf %mul3A_353, %max3A_345 : vector<16xf32>
      %mul3A_355 = arith.mulf %mul3A_354, %bitcast3A_351 : vector<16xf32>
      %mul3A_356 = arith.mulf %mul3A_355, %bitcast3A_351 : vector<16xf32>
      %sub3A_357 = arith.constant 1.500000e+00 : f32
      %sub3A_358 = vector.broadcast %sub3A_357 : f32 to vector<16xf32>
      %sub3A_359 = arith.subf %sub3A_358, %mul3A_356 : vector<16xf32>
      %mul3A_360 = arith.mulf %bitcast3A_351, %sub3A_359 : vector<16xf32>
      %mul3A_361 = arith.constant 5.000000e-01 : f32
      %mul3A_362 = vector.broadcast %mul3A_361 : f32 to vector<16xf32>
      %mul3A_363 = arith.mulf %mul3A_362, %max3A_345 : vector<16xf32>
      %mul3A_364 = arith.mulf %mul3A_363, %mul3A_360 : vector<16xf32>
      %mul3A_365 = arith.mulf %mul3A_364, %mul3A_360 : vector<16xf32>
      %sub3A_366 = arith.constant 1.500000e+00 : f32
      %sub3A_367 = vector.broadcast %sub3A_366 : f32 to vector<16xf32>
      %sub3A_368 = arith.subf %sub3A_367, %mul3A_365 : vector<16xf32>
      %mul3A_369 = arith.mulf %mul3A_360, %sub3A_368 : vector<16xf32>
      %mul3A_370 = arith.constant 5.000000e-01 : f32
      %mul3A_371 = vector.broadcast %mul3A_370 : f32 to vector<16xf32>
      %mul3A_372 = arith.mulf %mul3A_371, %max3A_345 : vector<16xf32>
      %mul3A_373 = arith.mulf %mul3A_372, %mul3A_369 : vector<16xf32>
      %mul3A_374 = arith.mulf %mul3A_373, %mul3A_369 : vector<16xf32>
      %sub3A_375 = arith.constant 1.500000e+00 : f32
      %sub3A_376 = vector.broadcast %sub3A_375 : f32 to vector<16xf32>
      %sub3A_377 = arith.subf %sub3A_376, %mul3A_374 : vector<16xf32>
      %mul3A_378 = arith.mulf %mul3A_369, %sub3A_377 : vector<16xf32>
      %mul3A_379 = arith.mulf %max3A_345, %mul3A_378 : vector<16xf32>
      %sub3A_380 = arith.subf %add3A_343, %mul3A_379 : vector<16xf32>
      %add3A_381 = arith.addf %scan3A_257, %sub3A_380 : vector<16xf32>
      scf.yield %add3A_381 : vector<16xf32>
    }
    %scan3A_254 = arith.constant 5 : i32
    %swap3A = arith.constant 0 : index
    %swap3A_255 = tpu.vector_load %arg15[%swap3A] {strides = array<i32>} : memref<16xf32, #tpu.memory_space<vmem>>, vector<16xf32>,
    tpu.vector_store %arg15[%swap3A], %scan3A_253 {strides = array<i32>} : memref<16xf32, #tpu.memory_space<vmem>>, vector<16xf32>,
    "tpu.region"() ({
      %run_scoped3A = tpu.sem_alloc : memref<!tpu.dma_semaphore, #tpu.memory_space<semaphore_mem>>
      %dma_start3A_256 = arith.constant 0 : i32
      %dma_start3A_257 = tpu.memref_slice %arg6[%add3A, %dma_start3A_256] : memref<32x16xf32, #tpu.memory_space<hbm>> -> memref<1x16xf32, #tpu.memory_space<hbm>>
      %dma_start3A_258 = tpu.memref_squeeze %dma_start3A_257 : memref<1x16xf32, #tpu.memory_space<hbm>> -> memref<16xf32, #tpu.memory_space<hbm>>
      %dma_start3A_259 = arith.constant 0 : i32
      %dma_start3A_260 = tpu.memref_slice %arg6[%add3A, %dma_start3A_259] : memref<32x16xf32, #tpu.memory_space<hbm>> -> memref<1x16xf32, #tpu.memory_space<hbm>>
      %dma_start3A_261 = tpu.memref_squeeze %dma_start3A_260 : memref<1x16xf32, #tpu.memory_space<hbm>> -> memref<16xf32, #tpu.memory_space<hbm>>
      tpu.enqueue_dma source(%arg15 : memref<16xf32, #tpu.memory_space<vmem>>) target(%dma_start3A_261 : memref<16xf32, #tpu.memory_space<hbm>>) target_semaphore(%run_scoped3A : memref<!tpu.dma_semaphore, #tpu.memory_space<semaphore_mem>>)
      %dma_wait3A_262 = arith.constant 0 : i32
      %dma_wait3A_263 = tpu.memref_slice %arg6[%add3A, %dma_wait3A_262] : memref<32x16xf32, #tpu.memory_space<hbm>> -> memref<1x16xf32, #tpu.memory_space<hbm>>
      %dma_wait3A_264 = tpu.memref_squeeze %dma_wait3A_263 : memref<1x16xf32, #tpu.memory_space<hbm>> -> memref<16xf32, #tpu.memory_space<hbm>>
      %dma_wait3A_265 = arith.constant 0 : i32
      %dma_wait3A_266 = tpu.memref_slice %arg6[%add3A, %dma_wait3A_265] : memref<32x16xf32, #tpu.memory_space<hbm>> -> memref<1x16xf32, #tpu.memory_space<hbm>>
      %dma_wait3A_267 = tpu.memref_squeeze %dma_wait3A_266 : memref<1x16xf32, #tpu.memory_space<hbm>> -> memref<16xf32, #tpu.memory_space<hbm>>
      tpu.wait_dma2 semaphore(%run_scoped3A : memref<!tpu.dma_semaphore, #tpu.memory_space<semaphore_mem>>) src(%arg15 : memref<16xf32, #tpu.memory_space<vmem>>) dst(%dma_wait3A_267 : memref<16xf32, #tpu.memory_space<hbm>>)
      tpu.yield
    }) : () -> ()
    return
  }
}

module attributes {stable_mosaic.version = 14 : i64} {
  func.func @_dense_body(%arg0: i32, %arg1: memref<256x16xf32, #tpu.memory_space<vmem>>, %arg2: memref<3072x16xf32, #tpu.memory_space<vmem>>, %arg3: memref<1x1xf32, #tpu.memory_space<vmem>>) attributes {dimension_semantics = [#tpu.dimension_semantics<arbitrary>], iteration_bounds = array<i64: 12>, scalar_prefetch = 0 : i64, scratch_operands = 0 : i64, tpu.core_type = #tpu.core_type<tc>, window_params = [{transform_indices = @transform_0, window_bounds = array<i64: 256, 16>}, {pipeline_mode = #tpu.pipeline_mode<synchronous>, transform_indices = @transform_1, window_bounds = array<i64: 3072, 16>}, {pipeline_mode = #tpu.pipeline_mode<synchronous>, transform_indices = @transform_2, window_bounds = array<i64: 1, 1>}]} {
    %get3A = arith.constant 0 : index
    %get3A_0 = arith.constant 0 : index
    %get3A_1 = vector.load %arg1[%get3A, %get3A_0] : memref<256x16xf32, #tpu.memory_space<vmem>>, vector<256x16xf32>
    %get3A_2 = arith.constant 0 : index
    %get3A_3 = arith.constant 0 : index
    %get3A_4 = vector.load %arg2[%get3A_2, %get3A_3] : memref<3072x16xf32, #tpu.memory_space<vmem>>, vector<3072x16xf32>
    %slice3A = vector.extract_strided_slice %get3A_1 {offsets = [0, 0], sizes = [256, 8], strides = [1, 1]} : vector<256x16xf32> to vector<256x8xf32>
    %add3A = arith.constant 9.99999997E-7 : f32
    %add3A_5 = vector.broadcast %add3A : f32 to vector<256x8xf32>
    %add3A_6 = arith.addf %slice3A, %add3A_5 : vector<256x8xf32>
    %slice3A_7 = vector.extract_strided_slice %get3A_4 {offsets = [0, 0], sizes = [3072, 8], strides = [1, 1]} : vector<3072x16xf32> to vector<3072x8xf32>
    %mul3A = arith.mulf %add3A_6, %add3A_6 : vector<256x8xf32>
    %reduce_sum3A = arith.constant dense<0.000000e+00> : vector<256xf32>
    %reduce_sum3A_8 = vector.multi_reduction <add>, %mul3A, %reduce_sum3A [1] : vector<256x8xf32> to vector<256xf32>
    %broadcast_in_dim3A = vector.shape_cast %reduce_sum3A_8 : vector<256xf32> to vector<256x1xf32>
    %mul3A_9 = arith.mulf %slice3A_7, %slice3A_7 : vector<3072x8xf32>
    %reduce_sum3A_10 = arith.constant dense<0.000000e+00> : vector<3072xf32>
    %reduce_sum3A_11 = vector.multi_reduction <add>, %mul3A_9, %reduce_sum3A_10 [1] : vector<3072x8xf32> to vector<3072xf32>
    %broadcast_in_dim3A_12 = vector.shape_cast %reduce_sum3A_11 : vector<3072xf32> to vector<1x3072xf32>
    %dot_general3A = arith.constant dense<0.000000e+00> : vector<256x3072xf32>
    %dot_general3A_13 = tpu.matmul %add3A_6, %slice3A_7, %dot_general3A {dimension_numbers = #tpu.dot_dimension_numbers<[1], [1], [0], [0], [0, 0, 1, 0], [], []>, transpose_lhs_hint = false} : vector<256x8xf32>, vector<3072x8xf32>, vector<256x3072xf32> -> vector<256x3072xf32>
    %add3A_14 = vector.broadcast %broadcast_in_dim3A : vector<256x1xf32> to vector<256x3072xf32>
    %add3A_15 = vector.broadcast %broadcast_in_dim3A_12 : vector<1x3072xf32> to vector<256x3072xf32>
    %add3A_16 = arith.addf %add3A_14, %add3A_15 : vector<256x3072xf32>
    %mul3A_17 = arith.constant 2.000000e+00 : f32
    %mul3A_18 = vector.broadcast %mul3A_17 : f32 to vector<256x3072xf32>
    %mul3A_19 = arith.mulf %mul3A_18, %dot_general3A_13 : vector<256x3072xf32>
    %sub3A = arith.subf %add3A_16, %mul3A_19 : vector<256x3072xf32>
    %max3A = arith.constant 0.000000e+00 : f32
    %max3A_20 = vector.broadcast %max3A : f32 to vector<256x3072xf32>
    %max3A_21 = arith.maximumf %sub3A, %max3A_20 : vector<256x3072xf32>
    %slice3A_22 = vector.extract_strided_slice %get3A_1 {offsets = [0, 8], sizes = [256, 1], strides = [1, 1]} : vector<256x16xf32> to vector<256x1xf32>
    %squeeze3A = vector.shape_cast %slice3A_22 : vector<256x1xf32> to vector<256xf32>
    %broadcast_in_dim3A_23 = vector.shape_cast %squeeze3A : vector<256xf32> to vector<256x1xf32>
    %slice3A_24 = vector.extract_strided_slice %get3A_4 {offsets = [0, 8], sizes = [3072, 1], strides = [1, 1]} : vector<3072x16xf32> to vector<3072x1xf32>
    %squeeze3A_25 = vector.shape_cast %slice3A_24 : vector<3072x1xf32> to vector<3072xf32>
    %broadcast_in_dim3A_26 = vector.shape_cast %squeeze3A_25 : vector<3072xf32> to vector<1x3072xf32>
    %add3A_27 = vector.broadcast %broadcast_in_dim3A_23 : vector<256x1xf32> to vector<256x3072xf32>
    %add3A_28 = vector.broadcast %broadcast_in_dim3A_26 : vector<1x3072xf32> to vector<256x3072xf32>
    %add3A_29 = arith.addf %add3A_27, %add3A_28 : vector<256x3072xf32>
    %sqrt3A = math.sqrt %max3A_21 : vector<256x3072xf32>
    %sub3A_30 = arith.subf %add3A_29, %sqrt3A : vector<256x3072xf32>
    %mul3A_31 = arith.constant 256 : i32
    %mul3A_32 = arith.muli %arg0, %mul3A_31 : i32
    %iota3A = tpu.iota {dimensions = array<i32: 0>} : vector<256x3072xi32>
    %add3A_33 = vector.broadcast %mul3A_32 : i32 to vector<256x3072xi32>
    %add3A_34 = arith.addi %add3A_33, %iota3A : vector<256x3072xi32>
    %iota3A_35 = tpu.iota {dimensions = array<i32: 1>} : vector<256x3072xi32>
    %lt3A = arith.constant 3000 : i32
    %lt3A_36 = vector.broadcast %lt3A : i32 to vector<256x3072xi32>
    %lt3A_37 = arith.cmpi slt, %add3A_34, %lt3A_36 : vector<256x3072xi32>
    %lt3A_38 = arith.constant 3000 : i32
    %lt3A_39 = vector.broadcast %lt3A_38 : i32 to vector<256x3072xi32>
    %lt3A_40 = arith.cmpi slt, %iota3A_35, %lt3A_39 : vector<256x3072xi32>
    %and3A = arith.andi %lt3A_37, %lt3A_40 : vector<256x3072xi1>
    %exp3A = math.exp %sub3A_30 : vector<256x3072xf32>
    %jit3A = arith.constant 0.000000e+00 : f32
    %broadcast_in_dim3A_41 = vector.broadcast %jit3A : f32 to vector<256x3072xf32>
    %select_n3A = arith.select %and3A, %exp3A, %broadcast_in_dim3A_41 : vector<256x3072xi1>, vector<256x3072xf32>
    %reduce_sum3A_42 = vector.shape_cast %select_n3A : vector<256x3072xf32> to vector<1x256x3072xf32>
    %reduce_sum3A_43 = arith.constant dense<0.000000e+00> : vector<1xf32>
    %reduce_sum3A_44 = vector.multi_reduction <add>, %reduce_sum3A_42, %reduce_sum3A_43 [1, 2] : vector<1x256x3072xf32> to vector<1xf32>
    %reduce_sum3A_45 = vector.shape_cast %reduce_sum3A_44 : vector<1xf32> to vector<1x1x1xf32>
    %reduce_sum3A_46 = vector.extract %reduce_sum3A_45[0, 0, 0] : f32 from vector<1x1x1xf32>
    %eq3A = arith.constant 0 : i32
    %eq3A_47 = arith.cmpi eq, %arg0, %eq3A : i32
    %convert_element_type3A = arith.extui %eq3A_47 : i1 to i32
    %cond3A = arith.constant 0 : i32
    %cond3A_48 = arith.cmpi ne, %convert_element_type3A, %cond3A : i32
    scf.if %cond3A_48 {
      %broadcast_in_dim3A_56 = arith.constant 0.000000e+00 : f32
      %broadcast_in_dim3A_57 = vector.broadcast %broadcast_in_dim3A_56 : f32 to vector<1x1xf32>
      %swap3A_58 = arith.constant 0 : index
      %swap3A_59 = arith.constant 0 : index
      %swap3A_60 = vector.load %arg3[%swap3A_58, %swap3A_59] : memref<1x1xf32, #tpu.memory_space<vmem>>, vector<1x1xf32>
      tpu.vector_store %arg3[%swap3A_58, %swap3A_59], %broadcast_in_dim3A_57 {strides = array<i32>} : memref<1x1xf32, #tpu.memory_space<vmem>>, vector<1x1xf32>,
    } else {
    }
    %get3A_49 = arith.constant 0 : index
    %get3A_50 = arith.constant 0 : index
    %get3A_51 = vector.load %arg3[%get3A_49, %get3A_50] : memref<1x1xf32, #tpu.memory_space<vmem>>, vector<1x1xf32>
    %add3A_52 = vector.broadcast %reduce_sum3A_46 : f32 to vector<1x1xf32>
    %add3A_53 = arith.addf %get3A_51, %add3A_52 : vector<1x1xf32>
    %swap3A = arith.constant 0 : index
    %swap3A_54 = arith.constant 0 : index
    %swap3A_55 = vector.load %arg3[%swap3A, %swap3A_54] : memref<1x1xf32, #tpu.memory_space<vmem>>, vector<1x1xf32>
    tpu.vector_store %arg3[%swap3A, %swap3A_54], %add3A_53 {strides = array<i32>} : memref<1x1xf32, #tpu.memory_space<vmem>>, vector<1x1xf32>,
    return
  }
  func.func @transform_0(%arg0: i32) -> (i32, i32) {
    %c0_i32 = arith.constant 0 : i32
    %c0_i32_0 = arith.constant 0 : i32
    return %arg0, %c0_i32 : i32, i32
  }
  func.func @transform_1(%arg0: i32) -> (i32, i32) {
    %c0_i32 = arith.constant 0 : i32
    %c0_i32_0 = arith.constant 0 : i32
    %c0_i32_1 = arith.constant 0 : i32
    return %c0_i32, %c0_i32_0 : i32, i32
  }
  func.func @transform_2(%arg0: i32) -> (i32, i32) {
    %c0_i32 = arith.constant 0 : i32
    %c0_i32_0 = arith.constant 0 : i32
    %c0_i32_1 = arith.constant 0 : i32
    return %c0_i32, %c0_i32_0 : i32, i32
  }
}

</mosaic_0001>

<sc_bundles>
// kernel: kernel.5.cloned.1.call-start
scs
__scs_entry_jumppad:
0x0: {  	(pc) =	sbr.rel $0x88, $3  }
0x1: {  	(tag) =	ssettag $0x0;
	lr =	simm.s32 $0x1  }
0x2: {  	[smem:$0x3F99] =	sst lr;
	_ =	strace $0xD0000000  }
0x3: {  	_ = 	snop  }
0x4: {  	_ = 	snop  }
0x5: {  	_ = 	snop  }
0x6: {  	_ = 	snop  }
0x7: {  	_ = 	snop  }
__scs_overlays_trampoline_lowered:
0x8: {  	[smem:$0x3FA8] =	sst s0  }
0x9: {  	[smem:$0x3FA9] =	sst s1  }
0xa: {  	[smem:$0x3FAA] =	sst s2  }
0xb: {  	[smem:$0x3FAB] =	sst s3  }
0xc: {  	[smem:$0x3FAC] =	sst s4  }
0xd: {  	[smem:$0x3FAD] =	sst s5  }
0xe: {  	[smem:$0x3FAE] =	sst s6  }
0xf: {  	[smem:$0x3FAF] =	sst s7  }
0x10: {  	[smem:$0x3FB0] =	sst s8  }
0x11: {  	[smem:$0x3FB1] =	sst s9;
	s0 =	simm.s32 @!p0 $0x0  }
0x12: {  	s1 =	sld [smem:$0x3F97];
	s0 =	simm.s32 @p0 $0x1  }
0x13: {  	[smem:$0x3FB2] =	sst s0;
	s0 =	simm.s32 @!p1 $0x0  }
0x14: {  	s2 =	sld [smem:$0x3F96];
	s0 =	simm.s32 @p1 $0x1  }
0x15: {  	[smem:$0x3FB3] =	sst s0;
	s0 =	simm.s32 @!p2 $0x0  }
0x16: {  	s3 =	sld [smem:$0x3FDB];
	s0 =	simm.s32 @p2 $0x1  }
0x17: {  	s4 =	simm.s32 $0x1BF5;
	[smem:$0x3FB5] =	sst s0  }
0x18: {  	s0 =	sld [smem:$0x3F98];
	_ =	swait.ge [sflag:s4], $0x0  }
0x19: {  	s7 =	sld [smem:$0x3F99]  }
0x1a: {  	s8 =	sadd.s32 $0xFFFFE003, lr  }
0x1b: {  	s9 =	sadd.s32 $0xFFFFFEF7, lr;
	s5 =	simm.s32 $0xFFFFFFFF;
	p2 =	slt.u32 s8, $0xFFFFF086  }
0x1c: {  	p1 =	slt.u32 s9, $0xF7A;
	s5 =	simm.s32 @!p2 $0x0  }
0x1d: {  	s5 =	simm.s32 @p1 $0x1;
	p0 =	seq.s32 s7, s2  }
0x1e: {  	s7 =	smul.u32 @!p0 $0xF7A, s2;
	p2 =	seq.s32 @!p0 s5, $0x0  }
0x1f: {  	s9 =	smul.u32 $0xF7A, s1;
	s8 =	simm.s32 @!p0 $0x1BF5;
	p2 =	por !p2, p0  }
0x20: {  	[sflag:s8] =	ssyncset.s32 @!p0 $0xFFFFF086;
	s6 =	sadd.s32 @!p0 s3, s7;
	s7 =	simm.s32 @!p0 $0x108  }
0x21: {  	s3 =	sadd.s32 s3, s9;
	s6 =	sadd.s32 @!p0 $0x88, s6;
	s7 =	simm.s32 @p2 $0x1082  }
0x22: {  	[simem:s7], [sflag:s8] =	dma.local @!p0 [hbm:s6], $0xF7A  }
0x23: {  	s9 =	sor.u32 $0xD0000000, s2;
	s6 =	simm.s32 $0x108;
	_ =	swait.ge @!p0 [sflag:s8], $0x0  }
0x24: {  	s3 =	sadd.s32 $0x88, s3;
	s6 =	simm.s32 @!p1 $0x1082;
	[sflag:s4] =	ssyncset.s32 $0xFFFFF086  }
0x25: {  	[simem:s6], [sflag:s4] =	dma.local [hbm:s3], $0xF7A  }
0x26: {  	[smem:$0x3F99] =	sst s1;
	(tag) =	ssettag s2;
	_ =	strace s9  }
0x27: {  	s1 =	sld [smem:$0x3FA9]  }
0x28: {  	s2 =	sld [smem:$0x3FAA]  }
0x29: {  	s4 =	sld [smem:$0x3FAC]  }
0x2a: {  	p0 =	seq.s32 s5, $0x0;
	s5 =	sld [smem:$0x3FAD]  }
0x2b: {  	s6 =	sld [smem:$0x3FAE]  }
0x2c: {  	s7 =	sld [smem:$0x3FAF]  }
0x2d: {  	s3 =	simm.s32 $0x108;
	s8 =	sld [smem:$0x3FB0]  }
0x2e: {  	s3 =	simm.s32 @!p0 $0x1082;
	s9 =	sld [smem:$0x3FB1]  }
0x2f: {  	lr =	sadd.s32 s0, s3;
	s0 =	sld [smem:$0x3FA8]  }
0x30: {  	s3 =	sld [smem:$0x3FAB]  }
0x31: {  	[smem:$0x3FB4] =	sst s10  }
0x32: {  	s10 =	sld [smem:$0x3FB2];
	_ =	sdelay $0x3  }
0x33: {  	p0 =	seq.s32 s10, $0x1;
	s10 =	sld [smem:$0x3FB4];
	_ =	sdelay $0x3  }
0x34: {  	[smem:$0x3FB4] =	sst s10  }
0x35: {  	s10 =	sld [smem:$0x3FB3];
	_ =	sdelay $0x3  }
0x36: {  	p1 =	seq.s32 s10, $0x1;
	s10 =	sld [smem:$0x3FB4];
	_ =	sdelay $0x3  }
0x37: {  	[smem:$0x3FB4] =	sst s10  }
0x38: {  	s10 =	sld [smem:$0x3FB5]  }
0x39: {  	_ = 	snop;
	(pc) =	sbr.ind lr, $3  }
0x3a: {  	_ = 	snop  }
0x3b: {  	_ = 	snop  }
0x3c: {  	p2 =	seq.s32 s10, $0x1;
	s10 =	sld [smem:$0x3FB4]  }
0x3d: {  	_ =	shalt  }
0x3e: {  	_ =	shalt  }
0x3f: {  	_ =	shalt  }
0x40: {  	_ =	shalt  }
0x41: {  	_ =	shalt  }
0x42: {  	_ =	shalt  }
0x43: {  	_ =	shalt  }
0x44: {  	_ =	shalt  }
0x45: {  	_ =	shalt  }
0x46: {  	_ =	shalt  }
0x47: {  	_ =	shalt  }
0x48: {  	_ =	shalt  }
0x49: {  	_ =	shalt  }
0x4a: {  	_ =	shalt  }
0x4b: {  	_ =	shalt  }
0x4c: {  	_ =	shalt  }
0x4d: {  	_ =	shalt  }
0x4e: {  	_ =	shalt  }
0x4f: {  	_ =	shalt  }
0x50: {  	_ =	shalt  }
0x51: {  	_ =	shalt  }
0x52: {  	_ =	shalt  }
0x53: {  	_ =	shalt  }
0x54: {  	_ =	shalt  }
0x55: {  	_ =	shalt  }
0x56: {  	_ =	shalt  }
0x57: {  	_ =	shalt  }
0x58: {  	_ =	shalt  }
0x59: {  	_ =	shalt  }
0x5a: {  	_ =	shalt  }
0x5b: {  	_ =	shalt  }
0x5c: {  	_ =	shalt  }
0x5d: {  	_ =	shalt  }
0x5e: {  	_ =	shalt  }
0x5f: {  	_ =	shalt  }
0x60: {  	_ =	shalt  }
0x61: {  	_ =	shalt  }
0x62: {  	_ =	shalt  }
0x63: {  	_ =	shalt  }
0x64: {  	_ =	shalt  }
0x65: {  	_ =	shalt  }
0x66: {  	_ =	shalt  }
0x67: {  	_ =	shalt  }
0x68: {  	_ =	shalt  }
0x69: {  	_ =	shalt  }
0x6a: {  	_ =	shalt  }
0x6b: {  	_ =	shalt  }
0x6c: {  	_ =	shalt  }
0x6d: {  	_ =	shalt  }
0x6e: {  	_ =	shalt  }
0x6f: {  	_ =	shalt  }
0x70: {  	_ =	shalt  }
0x71: {  	_ =	shalt  }
0x72: {  	_ =	shalt  }
0x73: {  	_ =	shalt  }
0x74: {  	_ =	shalt  }
0x75: {  	_ =	shalt  }
0x76: {  	_ =	shalt  }
0x77: {  	_ =	shalt  }
0x78: {  	_ =	shalt  }
0x79: {  	_ =	shalt  }
0x7a: {  	_ =	shalt  }
0x7b: {  	_ =	shalt  }
0x7c: {  	_ =	shalt  }
0x7d: {  	_ =	shalt  }
0x7e: {  	_ =	shalt  }
0x7f: {  	_ =	shalt  }
0x80: {  	_ =	shalt  }
0x81: {  	_ =	shalt  }
0x82: {  	_ =	shalt  }
0x83: {  	_ =	shalt  }
0x84: {  	_ =	shalt  }
0x85: {  	_ =	shalt  }
0x86: {  	_ =	shalt  }
0x87: {  	_ =	shalt  }
.Lfunc_end0:
.L_simem_size_0:
called_computation_lowered:
.L_overlay_start_0:
0x88: {  	s2 =	sld [smem:$0x3FD9]  }
0x89: {  	s3 =	sld [smem:$0x3FFE];
	_ =	sdelay $0x1  }
0x8a: {  	s1 =	srdreg.scid  }
0x8b: {  	s0 =	sand.u32 $0x1, s1  }
0x8c: {  	s16 =	sshll.u32 s0, $0xA;
	s2 =	sadd.s32 s3, s2  }
0x8d: {  	s2 =	sadd.s32 s2, s16  }
0x8e: {  	[smem:$0x3FC0] =	sst s2  }
0x8f: {  	_ = 	snop  }
0x90: {  	(tm) =	ssettm $0x1  }
0x91: {  	s17 =	sld [smem:$0x3FFB];
	_ =	sdelay $0x3  }
0x92: {  	_ =	strace s17  }
0x93: {  	s2 =	sld [smem:$0x3FFC];
	_ =	sdelay $0x3  }
0x94: {  	_ =	strace s2  }
0x95: {  	s2 =	sld [smem:$0x3FFD];
	_ =	sdelay $0x3  }
0x96: {  	_ =	strace s2  }
0x97: {  	_ =	strace $0x8FFFFFFF  }
0x98: {  	s18 =	sld [smem:$0x3FDB];
	_ =	sdelay $0x1  }
0x99: {  	s19 =	simm.s32 $_scs_section_size  }
0x9a: {  	s4 =	simm.s32 $_size__tile_overlayer_lowered;
	s5 =	simm.s32 $_tile_overlayer_lowered  }
0x9b: {  	s22 =	simm.s32 $0x1BFF;
	s21 =	sshll.u32 s5, $0x1;
	s2 =	sadd.s32 s19, s18  }
0x9c: {  	s6 =	simm.s32 $0x0;
	s20 =	sshll.u32 s4, $0x1;
	s4 =	sadd.s32 s21, s2  }
0x9d: {  	[timem:s6], [sflag:s22] =	dma.local [hbm:s4], s20  }
0x9e: {  	_ =	swait.ge [sflag:s22], s20  }
0x9f: {  	s3 =	ssub.s32 $0x0, s20;
	[sflag:s22] =	ssyncset.done $0x0  }
0xa0: {  	[sflag:s22] =	ssyncadd.s32 s3;
	_ =	sdelay $0x1  }
0xa1: {  	s23 =	simm.s32 $0x1B8B  }
0xa2: {  	_ =	swait.ge [sflag:s23], $0x1  }
0xa3: {  	[sflag:s23] =	ssyncset.done $0x0  }
0xa4: {  	s25 =	simm.s32 $0x1B8E;
	s24 =	sld [smem:$0x3FFE];
	[sflag:s23] =	ssyncadd.s32 $0xFFFFFFFF  }
0xa5: {  	s26 =	simm.s32 $execute0_lowered;
	[smem:$0x3FD2] =	sst s25  }
0xa6: {  	s4 =	sshll.u32 s26, $0x1;
	_ =	strace $0x80000046;
	[dreg:$0x1] =	wrdreg $0xFFFFFFFF  }
0xa7: {  	s28 =	simm.s32 $_size_execute0_lowered;
	s2 =	sadd.s32 s2, s4;
	[dreg:$0x0] =	wrdreg $0x0  }
0xa8: {  	s4 =	sshll.u32 s28, $0x1;
	[dreg:$0x2] =	wrdreg s2  }
0xa9: {  	[dreg:$0x3] =	wrdreg s4  }
0xaa: {  	[dreg:$0x4] =	wrdreg $0xC0  }
0xab: {  	_ =	task [dreg:s6], $0x5FFFF  }
0xac: {  	[dreg:$0x1] =	wrdreg $0xFFFFFFFF  }
0xad: {  	[dreg:$0x0] =	wrdreg $0x60  }
0xae: {  	[dreg:$0x2] =	wrdreg s24  }
0xaf: {  	[dreg:$0x3] =	wrdreg $0x9  }
0xb0: {  	_ =	task.clear_ibuf [dreg:s6], $0x4FFFF;
	_ =	strace $0x90000046  }
0xb1: {  	s29 =	simm.s32 $0x9;
	_ =	strace $0x80000048  }
0xb2: {  	_ =	swait.ge [sflag:s29], $0x1  }
0xb3: {  	[sflag:s29] =	ssyncadd.s32 $0xFFFFFFFF  }
0xb4: {  	_ =	strace $0x90000048  }
0xb5: {  	_ =	sfence  }
0xb6: {  	s30 =	sld [smem:$0x0];
	_ =	sdelay $0x2  }
0xb7: {  	s31 =	sshll.u32 s1, $0xD;
	s1 =	sshrl.u32 s1, $0x2  }
0xb8: {  	s3 =	sand.u32 $0x4000, s31;
	s1 =	sadd.s32 s1, s30  }
0xb9: {  	s0 =	sor.u32 s3, s0;
	s1 =	sshll.u32 s1, $0x11  }
0xba: {  	s0 =	sor.u32 s1, s0  }
0xbb: {  	s0 =	sadd.s32 $0x8F2B, s0  }
0xbc: {  	[sflag:s0] =	ssyncadd.remote.s32 $0x1  }
0xbd: {  	_ =	sfence.sel $0xFFFF  }
0xbe: {  	[dreg:$0x0] =	wrdreg $0xFFFFFFFF;
	(pc) =	sbr.abs _section_cstart, $3  }
0xbf: {  	[dreg:$0x1] =	wrdreg $0xFFFFFFFF  }
0xc0: {  	_ =	task.clear_ibuf [dreg:s6], $0x2FFFF;
	_ =	strace $0x9FFFFFFF  }
0xc1: {  	(tm) =	ssettm $0x7FFFFFFF  }
tec
execute0_lowered:
.L_overlay_start_1:
0x0: {  	(tag) =	ssettag $0x1  }
0x1: {  	s1 =	srdreg.scid;
	s0 =	stileid.u32  }
0x2: {  	s11 =	sand.u32 $0x1, s1;
	s30 =	sshll.u32 s0, $0x1  }
0x3: {  	s6 =	sor.u32 s11, s30  }
0x4: {  	s10 =	rddreg [dreg:$0x0];
	s3 =	smul.u32 $0xC, s6  }
0x5: {  	s2 =	simm.s32 $0x0;
	s1 =	rddreg [dreg:$0x1]  }
0x6: {  	[smem:$0x7FF] =	sst s2;
	s9 =	sadd.s32 s3, s10  }
0x7: {  	_ =	strace $0x80000047;
	s3 =	simm.s32 $0x2;
	s4 =	sadd.s32 $0x1000, s9  }
0x8: {  	[tilespmem:s2], [sflag:$0x2] =	stream.linear.gather [hbm4b:s4+s2], $0x60, $0x38;
	[tilespmem:$0x660] =	vst v63  }
0x9: {  	_ =	swait.ge [sflag:s3], $0x60  }
0xa: {  	s7 =	simm.s32 $0x1;
	s5 =	sadd.s32 $0x187800, s10;
	[sflag:s3] =	ssyncset.done $0x0  }
0xb: {  	s8 =	smul.u32 $0xC0, s6;
	s6 =	simm.s32 $0x60;
	[sflag:s3] =	ssyncadd.s32 $0xFFFFFFA0  }
0xc: {  	[tilespmem:s6], [sflag:$0x1] =	stream.indirect.gather [hbm4b:s5+s6], $0x10, s2, s6, $0xb8;
	[tilespmem:$0x660] =	vst v63  }
0xd: {  	_ =	swait.ge [sflag:s7], $0x600  }
0xe: {  	s12 =	sadd.s32 s8, s10;
	[sflag:s7] =	ssyncset.done $0x0  }
0xf: {  	s8 =	sadd.s32 $0x2A00, s12;
	[sflag:s7] =	ssyncadd.s32 $0xFFFFFA00  }
0x10: {  	[hbm4b:s8+s2] =	stream.linear.scatter [tilespmem:s6], [sflag:$0x2], $0x600, $0x38;
	[tilespmem:$0x660] =	vst v63  }
0x11: {  	_ =	swait.ge [sflag:s3], $0x600  }
0x12: {  	[sflag:s3] =	ssyncset.done $0x0  }
0x13: {  	s11 =	ssub.s32 $0x2, s11;
	s9 =	sadd.s32 $0xE00, s9;
	[sflag:s3] =	ssyncadd.s32 $0xFFFFFA00  }
0x14: {  	[tilespmem:s2], [sflag:$0x2] =	stream.linear.gather [hbm4b:s9+s2], $0x60, $0x38;
	[tilespmem:$0x660] =	vst v63  }
0x15: {  	s13 =	sshrl.u32 s11, $0x1;
	_ =	swait.ge [sflag:s3], $0x60  }
0x16: {  	s13 =	ssub.s32 s11, s13;
	[sflag:s3] =	ssyncset.done $0x0  }
0x17: {  	s10 =	sadd.s32 $0x1B8600, s10;
	s31 =	smax.u32 s13, $0x1;
	[sflag:s3] =	ssyncadd.s32 $0xFFFFFFA0  }
0x18: {  	[tilespmem:s6], [sflag:$0x1] =	stream.indirect.gather [hbm4b:s10+s6], $0x10, s2, s6, $0xb8;
	[tilespmem:$0x660] =	vst v63  }
0x19: {  	p0 =	sne.s32 s31, $0x1;
	_ =	swait.ge [sflag:s7], $0x600  }
.Ltmp0:
0x1a: {  	[sflag:s7] =	ssyncset.done $0x0;
	(pc) =	sbr.rel @!p0 .LBB2_2-.Ltmp0, $4  }
0x1b: {  	s11 =	sadd.s32 $0x1200, s12;
	[sflag:s7] =	ssyncadd.s32 $0xFFFFFA00  }
0x1c: {  	[hbm4b:s11+s2] =	stream.linear.scatter [tilespmem:s6], [sflag:$0x2], $0x600, $0x38;
	[tilespmem:$0x660] =	vst v63  }
0x1d: {  	_ =	swait.ge [sflag:s3], $0x600  }
0x1e: {  	s12 =	sadd.s32 $0xFFFFFFFF, s31;
	[sflag:s3] =	ssyncset.done $0x0  }
.LBB2_1:
0x1f: {  	p0 =	sne.s32 s12, $0x1;
	s12 =	sadd.s32 $0xFFFFFFFF, s12;
	[sflag:s3] =	ssyncadd.s32 $0xFFFFFA00  }
0x20: {  	[tilespmem:s2], [sflag:$0x2] =	stream.linear.gather [hbm4b:s4+s2], $0x60, $0x38;
	[tilespmem:$0x660] =	vst v63  }
0x21: {  	_ =	swait.ge [sflag:s3], $0x60  }
0x22: {  	[sflag:s3] =	ssyncset.done $0x0  }
0x23: {  	[sflag:s3] =	ssyncadd.s32 $0xFFFFFFA0  }
0x24: {  	[tilespmem:s6], [sflag:$0x1] =	stream.indirect.gather [hbm4b:s5+s6], $0x10, s2, s6, $0xb8;
	[tilespmem:$0x660] =	vst v63  }
0x25: {  	_ =	swait.ge [sflag:s7], $0x600  }
0x26: {  	[sflag:s7] =	ssyncset.done $0x0  }
0x27: {  	[sflag:s7] =	ssyncadd.s32 $0xFFFFFA00  }
0x28: {  	[hbm4b:s8+s2] =	stream.linear.scatter [tilespmem:s6], [sflag:$0x2], $0x600, $0x38;
	[tilespmem:$0x660] =	vst v63  }
0x29: {  	_ =	swait.ge [sflag:s3], $0x600  }
0x2a: {  	[sflag:s3] =	ssyncset.done $0x0  }
0x2b: {  	[sflag:s3] =	ssyncadd.s32 $0xFFFFFA00  }
0x2c: {  	[tilespmem:s2], [sflag:$0x2] =	stream.linear.gather [hbm4b:s9+s2], $0x60, $0x38;
	[tilespmem:$0x660] =	vst v63  }
0x2d: {  	_ =	swait.ge [sflag:s3], $0x60  }
0x2e: {  	[sflag:s3] =	ssyncset.done $0x0  }
0x2f: {  	[sflag:s3] =	ssyncadd.s32 $0xFFFFFFA0  }
0x30: {  	[tilespmem:s6], [sflag:$0x1] =	stream.indirect.gather [hbm4b:s10+s6], $0x10, s2, s6, $0xb8;
	[tilespmem:$0x660] =	vst v63  }
0x31: {  	_ =	swait.ge [sflag:s7], $0x600  }
.Ltmp1:
0x32: {  	[sflag:s7] =	ssyncset.done $0x0;
	(pc) =	sbr.rel @p0 .LBB2_1-.Ltmp1, $4  }
0x33: {  	[sflag:s7] =	ssyncadd.s32 $0xFFFFFA00  }
0x34: {  	[hbm4b:s11+s2] =	stream.linear.scatter [tilespmem:s6], [sflag:$0x2], $0x600, $0x38;
	[tilespmem:$0x660] =	vst v63  }
0x35: {  	_ =	swait.ge [sflag:s3], $0x600  }
0x36: {  	[sflag:s3] =	ssyncset.done $0x0  }
.LBB2_2:
0x37: {  	[sflag:s3] =	ssyncadd.s32 $0xFFFFFA00  }
0x38: {  	_ =	sfence.sel $0x180000  }
0x39: {  	[bflag:$0x0] =	sbarrier.arrive $0xFFFF  }
0x3a: {  	p0 =	sne.s32 s0, $0x0;
	_ =	strace $0x90000047  }
0x3b: {  	s0 =	sadd.s32 @!p0 $0x100000, s1;
	[bflag:$0x2] =	sbarrier.arrive $0xFFFF  }
0x3c: {  	[sflag:s0] =	ssyncadd.tile.s32 @!p0 $0x1;
	_ =	shalt  }
.Lfunc_end2:
_tile_overlayer_lowered:
.L_overlay_start_2:
0x3d: {  	(tag) =	ssettag $0x2  }
0x3e: {  	s0 =	rddreg [dreg:$0x0];
	s2 =	stileid.u32  }
0x3f: {  	s1 =	rddreg [dreg:$0x1];
	p0 =	sne.s32 s2, $0x0  }
0x40: {  	s3 =	rddreg [dreg:$0x2];
	[bflag:$0x3] =	sbarrier.arrive $0xFFFF;
	s2 =	simm.s32 @!p0 $0x1C02  }
0x41: {  	[timem:s3], [sflag:s2] =	dma.local @!p0 [hbm:s0], s1  }
0x42: {  	s0 =	simm.s32 @!p0 $0x2  }
0x43: {  	_ =	swait.ge @!p0 [sflag:s0], s1  }
0x44: {  	s1 =	ssub.s32 @!p0 $0x0, s1;
	[sflag:s0] =	ssyncset.done @!p0 $0x0  }
0x45: {  	[sflag:s0] =	ssyncadd.s32 @!p0 s1  }
0x46: {  	[bflag:$0x3] =	sbarrier.arrive $0xFFFF  }
0x47: {  	_ =	shalt  }

// kernel: kernel.8.cloned.1.call-start
scs
__scs_entry_jumppad:
0x0: {  	(pc) =	sbr.rel $0x88, $3  }
0x1: {  	(tag) =	ssettag $0x0;
	lr =	simm.s32 $0x1  }
0x2: {  	[smem:$0x3F99] =	sst lr;
	_ =	strace $0xD0000000  }
0x3: {  	_ = 	snop  }
0x4: {  	_ = 	snop  }
0x5: {  	_ = 	snop  }
0x6: {  	_ = 	snop  }
0x7: {  	_ = 	snop  }
__scs_overlays_trampoline_lowered:
0x8: {  	[smem:$0x3FA8] =	sst s0  }
0x9: {  	[smem:$0x3FA9] =	sst s1  }
0xa: {  	[smem:$0x3FAA] =	sst s2  }
0xb: {  	[smem:$0x3FAB] =	sst s3  }
0xc: {  	[smem:$0x3FAC] =	sst s4  }
0xd: {  	[smem:$0x3FAD] =	sst s5  }
0xe: {  	[smem:$0x3FAE] =	sst s6  }
0xf: {  	[smem:$0x3FAF] =	sst s7  }
0x10: {  	[smem:$0x3FB0] =	sst s8  }
0x11: {  	[smem:$0x3FB1] =	sst s9;
	s0 =	simm.s32 @!p0 $0x0  }
0x12: {  	s1 =	sld [smem:$0x3F97];
	s0 =	simm.s32 @p0 $0x1  }
0x13: {  	[smem:$0x3FB2] =	sst s0;
	s0 =	simm.s32 @!p1 $0x0  }
0x14: {  	s2 =	sld [smem:$0x3F96];
	s0 =	simm.s32 @p1 $0x1  }
0x15: {  	[smem:$0x3FB3] =	sst s0;
	s0 =	simm.s32 @!p2 $0x0  }
0x16: {  	s3 =	sld [smem:$0x3FDB];
	s0 =	simm.s32 @p2 $0x1  }
0x17: {  	s4 =	simm.s32 $0x1BF5;
	[smem:$0x3FB5] =	sst s0  }
0x18: {  	s0 =	sld [smem:$0x3F98];
	_ =	swait.ge [sflag:s4], $0x0  }
0x19: {  	s7 =	sld [smem:$0x3F99]  }
0x1a: {  	s8 =	sadd.s32 $0xFFFFE003, lr  }
0x1b: {  	s9 =	sadd.s32 $0xFFFFFEF7, lr;
	s5 =	simm.s32 $0xFFFFFFFF;
	p2 =	slt.u32 s8, $0xFFFFF086  }
0x1c: {  	p1 =	slt.u32 s9, $0xF7A;
	s5 =	simm.s32 @!p2 $0x0  }
0x1d: {  	s5 =	simm.s32 @p1 $0x1;
	p0 =	seq.s32 s7, s2  }
0x1e: {  	s7 =	smul.u32 @!p0 $0xF7A, s2;
	p2 =	seq.s32 @!p0 s5, $0x0  }
0x1f: {  	s9 =	smul.u32 $0xF7A, s1;
	s8 =	simm.s32 @!p0 $0x1BF5;
	p2 =	por !p2, p0  }
0x20: {  	[sflag:s8] =	ssyncset.s32 @!p0 $0xFFFFF086;
	s6 =	sadd.s32 @!p0 s3, s7;
	s7 =	simm.s32 @!p0 $0x108  }
0x21: {  	s3 =	sadd.s32 s3, s9;
	s6 =	sadd.s32 @!p0 $0x88, s6;
	s7 =	simm.s32 @p2 $0x1082  }
0x22: {  	[simem:s7], [sflag:s8] =	dma.local @!p0 [hbm:s6], $0xF7A  }
0x23: {  	s9 =	sor.u32 $0xD0000000, s2;
	s6 =	simm.s32 $0x108;
	_ =	swait.ge @!p0 [sflag:s8], $0x0  }
0x24: {  	s3 =	sadd.s32 $0x88, s3;
	s6 =	simm.s32 @!p1 $0x1082;
	[sflag:s4] =	ssyncset.s32 $0xFFFFF086  }
0x25: {  	[simem:s6], [sflag:s4] =	dma.local [hbm:s3], $0xF7A  }
0x26: {  	[smem:$0x3F99] =	sst s1;
	(tag) =	ssettag s2;
	_ =	strace s9  }
0x27: {  	s1 =	sld [smem:$0x3FA9]  }
0x28: {  	s2 =	sld [smem:$0x3FAA]  }
0x29: {  	s4 =	sld [smem:$0x3FAC]  }
0x2a: {  	p0 =	seq.s32 s5, $0x0;
	s5 =	sld [smem:$0x3FAD]  }
0x2b: {  	s6 =	sld [smem:$0x3FAE]  }
0x2c: {  	s7 =	sld [smem:$0x3FAF]  }
0x2d: {  	s3 =	simm.s32 $0x108;
	s8 =	sld [smem:$0x3FB0]  }
0x2e: {  	s3 =	simm.s32 @!p0 $0x1082;
	s9 =	sld [smem:$0x3FB1]  }
0x2f: {  	lr =	sadd.s32 s0, s3;
	s0 =	sld [smem:$0x3FA8]  }
0x30: {  	s3 =	sld [smem:$0x3FAB]  }
0x31: {  	[smem:$0x3FB4] =	sst s10  }
0x32: {  	s10 =	sld [smem:$0x3FB2];
	_ =	sdelay $0x3  }
0x33: {  	p0 =	seq.s32 s10, $0x1;
	s10 =	sld [smem:$0x3FB4];
	_ =	sdelay $0x3  }
0x34: {  	[smem:$0x3FB4] =	sst s10  }
0x35: {  	s10 =	sld [smem:$0x3FB3];
	_ =	sdelay $0x3  }
0x36: {  	p1 =	seq.s32 s10, $0x1;
	s10 =	sld [smem:$0x3FB4];
	_ =	sdelay $0x3  }
0x37: {  	[smem:$0x3FB4] =	sst s10  }
0x38: {  	s10 =	sld [smem:$0x3FB5]  }
0x39: {  	_ = 	snop;
	(pc) =	sbr.ind lr, $3  }
0x3a: {  	_ = 	snop  }
0x3b: {  	_ = 	snop  }
0x3c: {  	p2 =	seq.s32 s10, $0x1;
	s10 =	sld [smem:$0x3FB4]  }
0x3d: {  	_ =	shalt  }
0x3e: {  	_ =	shalt  }
0x3f: {  	_ =	shalt  }
0x40: {  	_ =	shalt  }
0x41: {  	_ =	shalt  }
0x42: {  	_ =	shalt  }
0x43: {  	_ =	shalt  }
0x44: {  	_ =	shalt  }
0x45: {  	_ =	shalt  }
0x46: {  	_ =	shalt  }
0x47: {  	_ =	shalt  }
0x48: {  	_ =	shalt  }
0x49: {  	_ =	shalt  }
0x4a: {  	_ =	shalt  }
0x4b: {  	_ =	shalt  }
0x4c: {  	_ =	shalt  }
0x4d: {  	_ =	shalt  }
0x4e: {  	_ =	shalt  }
0x4f: {  	_ =	shalt  }
0x50: {  	_ =	shalt  }
0x51: {  	_ =	shalt  }
0x52: {  	_ =	shalt  }
0x53: {  	_ =	shalt  }
0x54: {  	_ =	shalt  }
0x55: {  	_ =	shalt  }
0x56: {  	_ =	shalt  }
0x57: {  	_ =	shalt  }
0x58: {  	_ =	shalt  }
0x59: {  	_ =	shalt  }
0x5a: {  	_ =	shalt  }
0x5b: {  	_ =	shalt  }
0x5c: {  	_ =	shalt  }
0x5d: {  	_ =	shalt  }
0x5e: {  	_ =	shalt  }
0x5f: {  	_ =	shalt  }
0x60: {  	_ =	shalt  }
0x61: {  	_ =	shalt  }
0x62: {  	_ =	shalt  }
0x63: {  	_ =	shalt  }
0x64: {  	_ =	shalt  }
0x65: {  	_ =	shalt  }
0x66: {  	_ =	shalt  }
0x67: {  	_ =	shalt  }
0x68: {  	_ =	shalt  }
0x69: {  	_ =	shalt  }
0x6a: {  	_ =	shalt  }
0x6b: {  	_ =	shalt  }
0x6c: {  	_ =	shalt  }
0x6d: {  	_ =	shalt  }
0x6e: {  	_ =	shalt  }
0x6f: {  	_ =	shalt  }
0x70: {  	_ =	shalt  }
0x71: {  	_ =	shalt  }
0x72: {  	_ =	shalt  }
0x73: {  	_ =	shalt  }
0x74: {  	_ =	shalt  }
0x75: {  	_ =	shalt  }
0x76: {  	_ =	shalt  }
0x77: {  	_ =	shalt  }
0x78: {  	_ =	shalt  }
0x79: {  	_ =	shalt  }
0x7a: {  	_ =	shalt  }
0x7b: {  	_ =	shalt  }
0x7c: {  	_ =	shalt  }
0x7d: {  	_ =	shalt  }
0x7e: {  	_ =	shalt  }
0x7f: {  	_ =	shalt  }
0x80: {  	_ =	shalt  }
0x81: {  	_ =	shalt  }
0x82: {  	_ =	shalt  }
0x83: {  	_ =	shalt  }
0x84: {  	_ =	shalt  }
0x85: {  	_ =	shalt  }
0x86: {  	_ =	shalt  }
0x87: {  	_ =	shalt  }
.Lfunc_end0:
.L_simem_size_0:
called_computation.1_lowered:
.L_overlay_start_0:
0x88: {  	s2 =	sld [smem:$0x3FD9]  }
0x89: {  	s3 =	sld [smem:$0x3FFE];
	_ =	sdelay $0x1  }
0x8a: {  	s1 =	srdreg.scid  }
0x8b: {  	s0 =	sand.u32 $0x1, s1  }
0x8c: {  	s17 =	sshll.u32 s0, $0xA;
	s2 =	sadd.s32 s3, s2  }
0x8d: {  	s2 =	sadd.s32 s2, s17  }
0x8e: {  	[smem:$0x3FC0] =	sst s2  }
0x8f: {  	_ = 	snop  }
0x90: {  	s18 =	sld [smem:$0x3FC3]  }
0x91: {  	s4 =	sld [smem:$0x3FC2];
	(tm) =	ssettm $0x1  }
0x92: {  	s19 =	sld [smem:$0x3FFB];
	_ =	sdelay $0x3  }
0x93: {  	_ =	strace s19  }
0x94: {  	s2 =	sld [smem:$0x3FFC];
	_ =	sdelay $0x3  }
0x95: {  	_ =	strace s2  }
0x96: {  	s2 =	sld [smem:$0x3FFD];
	_ =	sdelay $0x3  }
0x97: {  	_ =	strace s2  }
0x98: {  	_ =	strace $0x8FFFFFFF  }
0x99: {  	s20 =	sld [smem:$0x3FDB];
	_ =	sdelay $0x1  }
0x9a: {  	s5 =	simm.s32 $_scs_section_size  }
0x9b: {  	s6 =	simm.s32 $_size__tile_overlayer_lowered;
	s7 =	simm.s32 $_tile_overlayer_lowered  }
0x9c: {  	s8 =	simm.s32 $0x1BFF;
	s21 =	sshll.u32 s7, $0x1;
	s5 =	sadd.s32 s5, s20  }
0x9d: {  	s22 =	simm.s32 $0x0;
	s6 =	sshll.u32 s6, $0x1;
	s7 =	sadd.s32 s21, s5  }
0x9e: {  	[timem:s22], [sflag:s8] =	dma.local [hbm:s7], s6  }
0x9f: {  	_ =	swait.ge [sflag:s8], s6  }
0xa0: {  	s6 =	ssub.s32 $0x0, s6;
	[sflag:s8] =	ssyncset.done $0x0  }
0xa1: {  	[sflag:s8] =	ssyncadd.s32 s6;
	_ =	sdelay $0x1  }
0xa2: {  	s23 =	simm.s32 $0x1B8B  }
0xa3: {  	_ =	swait.ge [sflag:s23], $0x1  }
0xa4: {  	[sflag:s23] =	ssyncset.done $0x0  }
0xa5: {  	[sflag:s23] =	ssyncadd.s32 $0xFFFFFFFF  }
0xa6: {  	s6 =	sld [smem:$0x0]  }
0xa7: {  	s7 =	sand.u32 $0xFFFFFFFE, s1  }
0xa8: {  	p0 =	sne.s32 s1, s7  }
0xa9: {  	s7 =	sshll.u32 @p0 s7, $0xE  }
0xaa: {  	s7 =	sadd.s32 @p0 $0x11B8D, s7;
	s8 =	sshll.u32 @p0 s6, $0x11  }
0xab: {  	s7 =	sor.u32 @p0 s8, s7  }
0xac: {  	[sflag:s7] =	ssyncadd.remote.s32 @p0 $0x1;
	_ =	sdelay $0x1  }
0xad: {  	s7 =	simm.s32 @p0 $0x1B8D  }
0xae: {  	_ =	swait.eq @p0 [sflag:s7], $0x1  }
0xaf: {  	[sflag:s7] =	ssyncadd.s32 @p0 $0xFFFFFFFF  }
0xb0: {  	s8 =	sshll.u32 @!p0 s1, $0xE  }
0xb1: {  	s8 =	sor.u32 @!p0 $0x4000, s8;
	s7 =	simm.s32 @!p0 $0x1B8D  }
0xb2: {  	s6 =	sshll.u32 @!p0 s6, $0x11;
	s8 =	sadd.s32 @!p0 $0x11B8D, s8;
	_ =	swait.eq @!p0 [sflag:s7], $0x1  }
0xb3: {  	s6 =	sor.u32 @!p0 s6, s8;
	[sflag:s7] =	ssyncadd.s32 @!p0 $0xFFFFFFFF  }
0xb4: {  	s25 =	simm.s32 $0x1B8E;
	s24 =	sld [smem:$0x3FFE];
	[sflag:s6] =	ssyncadd.remote.s32 @!p0 $0x1  }
0xb5: {  	s26 =	simm.s32 $execute0_lowered;
	[smem:$0x3FD2] =	sst s25  }
0xb6: {  	s7 =	sshll.u32 s26, $0x1;
	_ =	strace $0x80000049;
	[dreg:$0x1] =	wrdreg $0xFFFFFFFF  }
0xb7: {  	s28 =	simm.s32 $_size_execute0_lowered;
	s5 =	sadd.s32 s5, s7;
	[dreg:$0x0] =	wrdreg $0x0  }
0xb8: {  	s7 =	sshll.u32 s28, $0x1;
	[dreg:$0x2] =	wrdreg s5  }
0xb9: {  	[dreg:$0x3] =	wrdreg s7  }
0xba: {  	[dreg:$0x4] =	wrdreg $0xC0  }
0xbb: {  	_ =	task [dreg:s22], $0x5FFFF  }
0xbc: {  	[dreg:$0x1] =	wrdreg $0xFFFFFFFF  }
0xbd: {  	[dreg:$0x0] =	wrdreg $0x60  }
0xbe: {  	[dreg:$0x2] =	wrdreg s24  }
0xbf: {  	[dreg:$0x3] =	wrdreg s18  }
0xc0: {  	[dreg:$0x4] =	wrdreg s4  }
0xc1: {  	[dreg:$0x5] =	wrdreg $0xA  }
0xc2: {  	_ =	task.clear_ibuf [dreg:s22], $0x6FFFF;
	_ =	strace $0x90000049  }
0xc3: {  	s29 =	simm.s32 $0xA;
	_ =	strace $0x8000004B  }
0xc4: {  	_ =	swait.ge [sflag:s29], $0x1  }
0xc5: {  	[sflag:s29] =	ssyncadd.s32 $0xFFFFFFFF  }
0xc6: {  	_ =	strace $0x9000004B  }
0xc7: {  	_ =	sfence  }
0xc8: {  	s30 =	sld [smem:$0x0];
	_ =	sdelay $0x2  }
0xc9: {  	s31 =	sshll.u32 s1, $0xD;
	s1 =	sshrl.u32 s1, $0x2  }
0xca: {  	s4 =	sand.u32 $0x4000, s31;
	s1 =	sadd.s32 s1, s30  }
0xcb: {  	s0 =	sor.u32 s4, s0;
	s1 =	sshll.u32 s1, $0x11  }
0xcc: {  	s0 =	sor.u32 s1, s0  }
0xcd: {  	s0 =	sadd.s32 $0x8F2B, s0  }
0xce: {  	[sflag:s0] =	ssyncadd.remote.s32 $0x1  }
0xcf: {  	_ =	sfence.sel $0xFFFF  }
0xd0: {  	[dreg:$0x0] =	wrdreg $0xFFFFFFFF;
	(pc) =	sbr.abs _section_cstart, $3  }
0xd1: {  	[dreg:$0x1] =	wrdreg $0xFFFFFFFF  }
0xd2: {  	_ =	task.clear_ibuf [dreg:s22], $0x2FFFF;
	_ =	strace $0x9FFFFFFF  }
0xd3: {  	(tm) =	ssettm $0x7FFFFFFF  }
tec
execute0_lowered:
.L_overlay_start_1:
0x0: {  	(tag) =	ssettag $0x1  }
0x1: {  	s0 =	rddreg [dreg:$0x0]  }
0x2: {  	s1 =	rddreg [dreg:$0x1]  }
0x3: {  	s3 =	rddreg [dreg:$0x2]  }
0x4: {  	s4 =	simm.s32 $0x0;
	s2 =	srdreg.scid;
	s5 =	stileid.u32  }
0x5: {  	s15 =	simm.s32 $0x5;
	s16 =	simm.s32 $0x680;
	s17 =	simm.s32 $0x80  }
0x6: {  	s18 =	simm.s32 $0xD00;
	s19 =	simm.s32 $0x7500;
	s30 =	simm.s32 $0xDD00  }
0x7: {  	s31 =	simm.s32 $0xE380;
	s28 =	simm.s32 $0x14A00;
	s29 =	simm.s32 $0xE980  }
0x8: {  	s10 =	simm.s32 $0x1B200;
	s11 =	simm.s32 $0x3;
	s12 =	simm.s32 $0x4  }
0x9: {  	s14 =	simm.s32 $0x0;
	s2 =	sand.u32 $0x1, s2;
	s5 =	sshll.u32 s5, $0x1  }
0xa: {  	[smem:$0x7FF] =	sst s4;
	s6 =	sadd.s32 $0x1B8600, s0;
	s7 =	sor.u32 s2, s5  }
0xb: {  	_ =	strace $0x8000004A;
	s2 =	ssub.s32 $0x2, s2;
	s8 =	smul.u32 $0xC350, s7  }
0xc: {  	s5 =	sadd.s32 $0x187800, s0;
	s7 =	sshll.u32 s7, $0x1;
	s9 =	sshrl.u32 s2, $0x1  }
0xd: {  	s0 =	sadd.s32 s7, s0;
	s2 =	ssub.s32 s2, s9;
	s22 =	sshrl.u32 s8, $0x3  }
0xe: {  	s9 =	sadd.s32 $0x680, s8;
	s8 =	sadd.s32 $0xD00, s8;
	s0 =	sadd.s32 $0x4200, s0  }
0xf: {  	s26 =	smax.u32 s2, $0x1;
	s2 =	simm.s32 $0x15200;
	[dreg:$0x6] =	wrdreg s8  }
0x10: {  	s23 =	sadd.s32 s1, s22;
	s24 =	sadd.s32 s3, s22;
	[dreg:$0x9] =	wrdreg s0  }
0x11: {  	s7 =	sadd.s32 $0x1860, s22;
	[dreg:$0xa] =	wrdreg s26;
	s0 =	simm.s32 $0xEA00  }
0x12: {  	s26 =	simm.s32 $0xE300;
	s8 =	simm.s32 $0x2;
	[dreg:$0x4] =	wrdreg s23  }
0x13: {  	[dreg:$0x5] =	wrdreg s24;
	s25 =	sadd.s32 s1, s7;
	s7 =	sadd.s32 s3, s7  }
0x14: {  	v0 =	vlaneseq.u32;
	s23 =	simm.s32 $0x14200;
	s24 =	simm.s32 $0xE900;
	[dreg:$0x7] =	wrdreg s25  }
0x15: {  	v0 =	vmul.u32 $0x10, v0;
	[dreg:$0x8] =	wrdreg s7;
	s25 =	simm.s32 $0x1AA00;
	s7 =	simm.s32 $0x1  }
.LBB2_1:
0x16: {  	[dreg:$0xb] =	wrdreg s14  }
0x17: {  	s13 =	rddreg [dreg:$0x4]  }
0x18: {  	[tilespmem:s4], [sflag:$0x5] =	stream.linear.gather [hbm4b:s13+s4], $0x680, $0x38;
	[tilespmem:$0x1BA10] =	vst v63  }
0x19: {  	_ =	swait.ge [sflag:s15], $0x680  }
0x1a: {  	[sflag:s15] =	ssyncset.done $0x0  }
0x1b: {  	s14 =	rddreg [dreg:$0x5];
	[sflag:s15] =	ssyncadd.s32 $0xFFFFF980  }
0x1c: {  	[tilespmem:s16], [sflag:$0x5] =	stream.linear.gather [hbm4b:s14+s4], $0x680, $0x38;
	[tilespmem:$0x1BA10] =	vst v63  }
0x1d: {  	_ =	swait.ge [sflag:s15], $0x680  }
0x1e: {  	[sflag:s15] =	ssyncset.done $0x0  }
0x1f: {  	[sflag:s15] =	ssyncadd.s32 $0xFFFFF980  }
0x20: {  	[tilespmem:s18], [sflag:$0x1] =	stream.indirect.gather [hbm4b:s5+s17], $0x10, s4, s17, $0xb8;
	[tilespmem:$0x1BA10] =	vst v63  }
0x21: {  	_ = 	snop  }
0x22: {  	[tilespmem:s19], [sflag:$0x2] =	stream.indirect.gather [hbm4b:s6+s17], $0x10, s16, s17, $0xb8;
	[tilespmem:$0x1BA10] =	vst v63  }
0x23: {  	s20 =	simm.s32 $0x1500  }
0x24: {  	[tilespmem:s20], [sflag:$0x1] =	stream.indirect.gather [hbm4b:s5+s17], $0x10, s17, s17, $0xb8;
	[tilespmem:$0x1BA10] =	vst v63  }
0x25: {  	s21 =	simm.s32 $0x700;
	s22 =	simm.s32 $0x7D00  }
0x26: {  	[tilespmem:s22], [sflag:$0x2] =	stream.indirect.gather [hbm4b:s6+s17], $0x10, s21, s17, $0xb8;
	[tilespmem:$0x1BA10] =	vst v63  }
0x27: {  	s14 =	simm.s32 $0x100;
	s20 =	simm.s32 $0x1D00  }
0x28: {  	[tilespmem:s20], [sflag:$0x1] =	stream.indirect.gather [hbm4b:s5+s17], $0x10, s14, s17, $0xb8;
	[tilespmem:$0x1BA10] =	vst v63  }
0x29: {  	s21 =	simm.s32 $0x780;
	s22 =	simm.s32 $0x8500  }
0x2a: {  	[tilespmem:s22], [sflag:$0x2] =	stream.indirect.gather [hbm4b:s6+s17], $0x10, s21, s17, $0xb8;
	[tilespmem:$0x1BA10] =	vst v63  }
0x2b: {  	s14 =	simm.s32 $0x180;
	s20 =	simm.s32 $0x2500  }
0x2c: {  	[tilespmem:s20], [sflag:$0x1] =	stream.indirect.gather [hbm4b:s5+s17], $0x10, s14, s17, $0xb8;
	[tilespmem:$0x1BA10] =	vst v63  }
0x2d: {  	s21 =	simm.s32 $0x800;
	s22 =	simm.s32 $0x8D00  }
0x2e: {  	[tilespmem:s22], [sflag:$0x2] =	stream.indirect.gather [hbm4b:s6+s17], $0x10, s21, s17, $0xb8;
	[tilespmem:$0x1BA10] =	vst v63  }
0x2f: {  	s14 =	simm.s32 $0x200;
	s20 =	simm.s32 $0x2D00  }
0x30: {  	[tilespmem:s20], [sflag:$0x1] =	stream.indirect.gather [hbm4b:s5+s17], $0x10, s14, s17, $0xb8;
	[tilespmem:$0x1BA10] =	vst v63  }
0x31: {  	s21 =	simm.s32 $0x880;
	s22 =	simm.s32 $0x9500  }
0x32: {  	[tilespmem:s22], [sflag:$0x2] =	stream.indirect.gather [hbm4b:s6+s17], $0x10, s21, s17, $0xb8;
	[tilespmem:$0x1BA10] =	vst v63  }
0x33: {  	s14 =	simm.s32 $0x280;
	s20 =	simm.s32 $0x3500  }
0x34: {  	[tilespmem:s20], [sflag:$0x1] =	stream.indirect.gather [hbm4b:s5+s17], $0x10, s14, s17, $0xb8;
	[tilespmem:$0x1BA10] =	vst v63  }
0x35: {  	s21 =	simm.s32 $0x900;
	s22 =	simm.s32 $0x9D00  }
0x36: {  	[tilespmem:s22], [sflag:$0x2] =	stream.indirect.gather [hbm4b:s6+s17], $0x10, s21, s17, $0xb8;
	[tilespmem:$0x1BA10] =	vst v63  }
0x37: {  	s14 =	simm.s32 $0x300;
	s20 =	simm.s32 $0x3D00  }
0x38: {  	[tilespmem:s20], [sflag:$0x1] =	stream.indirect.gather [hbm4b:s5+s17], $0x10, s14, s17, $0xb8;
	[tilespmem:$0x1BA10] =	vst v63  }
0x39: {  	s21 =	simm.s32 $0x980;
	s22 =	simm.s32 $0xA500  }
0x3a: {  	[tilespmem:s22], [sflag:$0x2] =	stream.indirect.gather [hbm4b:s6+s17], $0x10, s21, s17, $0xb8;
	[tilespmem:$0x1BA10] =	vst v63  }
0x3b: {  	s14 =	simm.s32 $0x380;
	s20 =	simm.s32 $0x4500  }
0x3c: {  	[tilespmem:s20], [sflag:$0x1] =	stream.indirect.gather [hbm4b:s5+s17], $0x10, s14, s17, $0xb8;
	[tilespmem:$0x1BA10] =	vst v63  }
0x3d: {  	s21 =	simm.s32 $0xA00;
	s22 =	simm.s32 $0xAD00  }
0x3e: {  	[tilespmem:s22], [sflag:$0x2] =	stream.indirect.gather [hbm4b:s6+s17], $0x10, s21, s17, $0xb8;
	[tilespmem:$0x1BA10] =	vst v63  }
0x3f: {  	s14 =	simm.s32 $0x400;
	s20 =	simm.s32 $0x4D00  }
0x40: {  	[tilespmem:s20], [sflag:$0x1] =	stream.indirect.gather [hbm4b:s5+s17], $0x10, s14, s17, $0xb8;
	[tilespmem:$0x1BA10] =	vst v63  }
0x41: {  	s21 =	simm.s32 $0xA80;
	s22 =	simm.s32 $0xB500  }
0x42: {  	[tilespmem:s22], [sflag:$0x2] =	stream.indirect.gather [hbm4b:s6+s17], $0x10, s21, s17, $0xb8;
	[tilespmem:$0x1BA10] =	vst v63  }
0x43: {  	s14 =	simm.s32 $0x480;
	s20 =	simm.s32 $0x5500  }
0x44: {  	[tilespmem:s20], [sflag:$0x1] =	stream.indirect.gather [hbm4b:s5+s17], $0x10, s14, s17, $0xb8;
	[tilespmem:$0x1BA10] =	vst v63  }
0x45: {  	s21 =	simm.s32 $0xB00;
	s22 =	simm.s32 $0xBD00  }
0x46: {  	[tilespmem:s22], [sflag:$0x2] =	stream.indirect.gather [hbm4b:s6+s17], $0x10, s21, s17, $0xb8;
	[tilespmem:$0x1BA10] =	vst v63  }
0x47: {  	s14 =	simm.s32 $0x500;
	s20 =	simm.s32 $0x5D00  }
0x48: {  	[tilespmem:s20], [sflag:$0x1] =	stream.indirect.gather [hbm4b:s5+s17], $0x10, s14, s17, $0xb8;
	[tilespmem:$0x1BA10] =	vst v63  }
0x49: {  	s21 =	simm.s32 $0xB80;
	s22 =	simm.s32 $0xC500  }
0x4a: {  	[tilespmem:s22], [sflag:$0x2] =	stream.indirect.gather [hbm4b:s6+s17], $0x10, s21, s17, $0xb8;
	[tilespmem:$0x1BA10] =	vst v63  }
0x4b: {  	s14 =	simm.s32 $0x580;
	s20 =	simm.s32 $0x6500  }
0x4c: {  	[tilespmem:s20], [sflag:$0x1] =	stream.indirect.gather [hbm4b:s5+s17], $0x10, s14, s17, $0xb8;
	[tilespmem:$0x1BA10] =	vst v63  }
0x4d: {  	s21 =	simm.s32 $0xC00;
	s22 =	simm.s32 $0xCD00  }
0x4e: {  	[tilespmem:s22], [sflag:$0x2] =	stream.indirect.gather [hbm4b:s6+s17], $0x10, s21, s17, $0xb8;
	[tilespmem:$0x1BA10] =	vst v63  }
0x4f: {  	s14 =	simm.s32 $0x600;
	s20 =	simm.s32 $0x6D00  }
0x50: {  	[tilespmem:s20], [sflag:$0x1] =	stream.indirect.gather [hbm4b:s5+s17], $0x10, s14, s17, $0xb8;
	[tilespmem:$0x1BA10] =	vst v63  }
0x51: {  	s13 =	simm.s32 $0x0;
	s21 =	simm.s32 $0xC80;
	s22 =	simm.s32 $0xD500  }
0x52: {  	v1 =	vimm.f32 $0.0e+00;
	[tilespmem:s22], [sflag:$0x2] =	stream.indirect.gather [hbm4b:s6+s17], $0x10, s21, s17, $0xb8;
	[tilespmem:$0x1BA10] =	vst v63  }
.LBB2_2:
0x53: {  	s14 =	smul.u32 $0xD00, s13;
	_ =	sdelay $0x1  }
0x54: {  	s20 =	sadd.s32 s14, s9  }
0x55: {  	s21 =	sshrl.u32 s20, $0x3  }
0x56: {  	s20 =	simm.s32 $0x0;
	s22 =	sadd.s32 s1, s21  }
0x57: {  	[tilespmem:s30], [sflag:$0x5] =	stream.linear.gather [hbm4b:s22+s20], $0x680, $0x38;
	[tilespmem:$0x1BA10] =	vst v63  }
0x58: {  	_ =	swait.ge [sflag:s15], $0x680  }
0x59: {  	[sflag:s15] =	ssyncset.done $0x0  }
0x5a: {  	s21 =	sadd.s32 s3, s21;
	[sflag:s15] =	ssyncadd.s32 $0xFFFFF980  }
0x5b: {  	[tilespmem:s31], [sflag:$0x5] =	stream.linear.gather [hbm4b:s21+s20], $0x680, $0x38;
	[tilespmem:$0x1BA10] =	vst v63  }
0x5c: {  	_ =	swait.ge [sflag:s15], $0x680  }
0x5d: {  	[sflag:s15] =	ssyncset.done $0x0  }
0x5e: {  	[sflag:s15] =	ssyncadd.s32 $0xFFFFF980  }
0x5f: {  	[tilespmem:s0], [sflag:$0x3] =	stream.indirect.gather [hbm4b:s5+s17], $0x10, s30, s17, $0xb8;
	[tilespmem:$0x1BA10] =	vst v63  }
0x60: {  	_ = 	snop  }
0x61: {  	[tilespmem:s2], [sflag:$0x4] =	stream.indirect.gather [hbm4b:s6+s17], $0x10, s31, s17, $0xb8;
	[tilespmem:$0x1BA10] =	vst v63  }
0x62: {  	s22 =	simm.s32 $0xF200;
	s21 =	simm.s32 $0xDD80  }
0x63: {  	[tilespmem:s22], [sflag:$0x3] =	stream.indirect.gather [hbm4b:s5+s17], $0x10, s21, s17, $0xb8;
	[tilespmem:$0x1BA10] =	vst v63  }
0x64: {  	s21 =	simm.s32 $0xE400;
	s22 =	simm.s32 $0x15A00  }
0x65: {  	[tilespmem:s22], [sflag:$0x4] =	stream.indirect.gather [hbm4b:s6+s17], $0x10, s21, s17, $0xb8;
	[tilespmem:$0x1BA10] =	vst v63  }
0x66: {  	s21 =	simm.s32 $0xDE00;
	s22 =	simm.s32 $0xFA00  }
0x67: {  	[tilespmem:s22], [sflag:$0x3] =	stream.indirect.gather [hbm4b:s5+s17], $0x10, s21, s17, $0xb8;
	[tilespmem:$0x1BA10] =	vst v63  }
0x68: {  	s21 =	simm.s32 $0xE480;
	s22 =	simm.s32 $0x16200  }
0x69: {  	[tilespmem:s22], [sflag:$0x4] =	stream.indirect.gather [hbm4b:s6+s17], $0x10, s21, s17, $0xb8;
	[tilespmem:$0x1BA10] =	vst v63  }
0x6a: {  	s21 =	simm.s32 $0xDE80;
	s22 =	simm.s32 $0x10200  }
0x6b: {  	[tilespmem:s22], [sflag:$0x3] =	stream.indirect.gather [hbm4b:s5+s17], $0x10, s21, s17, $0xb8;
	[tilespmem:$0x1BA10] =	vst v63  }
0x6c: {  	s21 =	simm.s32 $0xE500;
	s22 =	simm.s32 $0x16A00  }
0x6d: {  	[tilespmem:s22], [sflag:$0x4] =	stream.indirect.gather [hbm4b:s6+s17], $0x10, s21, s17, $0xb8;
	[tilespmem:$0x1BA10] =	vst v63  }
0x6e: {  	s21 =	simm.s32 $0xDF00;
	s22 =	simm.s32 $0x10A00  }
0x6f: {  	[tilespmem:s22], [sflag:$0x3] =	stream.indirect.gather [hbm4b:s5+s17], $0x10, s21, s17, $0xb8;
	[tilespmem:$0x1BA10] =	vst v63  }
0x70: {  	s21 =	simm.s32 $0xE580;
	s22 =	simm.s32 $0x17200  }
0x71: {  	[tilespmem:s22], [sflag:$0x4] =	stream.indirect.gather [hbm4b:s6+s17], $0x10, s21, s17, $0xb8;
	[tilespmem:$0x1BA10] =	vst v63  }
0x72: {  	s21 =	simm.s32 $0xDF80;
	s22 =	simm.s32 $0x11200  }
0x73: {  	[tilespmem:s22], [sflag:$0x3] =	stream.indirect.gather [hbm4b:s5+s17], $0x10, s21, s17, $0xb8;
	[tilespmem:$0x1BA10] =	vst v63  }
0x74: {  	s21 =	simm.s32 $0xE600;
	s22 =	simm.s32 $0x17A00  }
0x75: {  	[tilespmem:s22], [sflag:$0x4] =	stream.indirect.gather [hbm4b:s6+s17], $0x10, s21, s17, $0xb8;
	[tilespmem:$0x1BA10] =	vst v63  }
0x76: {  	s21 =	simm.s32 $0xE000;
	s22 =	simm.s32 $0x11A00  }
0x77: {  	[tilespmem:s22], [sflag:$0x3] =	stream.indirect.gather [hbm4b:s5+s17], $0x10, s21, s17, $0xb8;
	[tilespmem:$0x1BA10] =	vst v63  }
0x78: {  	s21 =	simm.s32 $0xE680;
	s22 =	simm.s32 $0x18200  }
0x79: {  	[tilespmem:s22], [sflag:$0x4] =	stream.indirect.gather [hbm4b:s6+s17], $0x10, s21, s17, $0xb8;
	[tilespmem:$0x1BA10] =	vst v63  }
0x7a: {  	s21 =	simm.s32 $0xE080;
	s22 =	simm.s32 $0x12200  }
0x7b: {  	[tilespmem:s22], [sflag:$0x3] =	stream.indirect.gather [hbm4b:s5+s17], $0x10, s21, s17, $0xb8;
	[tilespmem:$0x1BA10] =	vst v63  }
0x7c: {  	s21 =	simm.s32 $0xE700;
	s22 =	simm.s32 $0x18A00  }
0x7d: {  	[tilespmem:s22], [sflag:$0x4] =	stream.indirect.gather [hbm4b:s6+s17], $0x10, s21, s17, $0xb8;
	[tilespmem:$0x1BA10] =	vst v63  }
0x7e: {  	s21 =	simm.s32 $0xE100;
	s22 =	simm.s32 $0x12A00  }
0x7f: {  	[tilespmem:s22], [sflag:$0x3] =	stream.indirect.gather [hbm4b:s5+s17], $0x10, s21, s17, $0xb8;
	[tilespmem:$0x1BA10] =	vst v63  }
0x80: {  	s21 =	simm.s32 $0xE780;
	s22 =	simm.s32 $0x19200  }
0x81: {  	[tilespmem:s22], [sflag:$0x4] =	stream.indirect.gather [hbm4b:s6+s17], $0x10, s21, s17, $0xb8;
	[tilespmem:$0x1BA10] =	vst v63  }
0x82: {  	s21 =	simm.s32 $0xE180;
	s22 =	simm.s32 $0x13200  }
0x83: {  	[tilespmem:s22], [sflag:$0x3] =	stream.indirect.gather [hbm4b:s5+s17], $0x10, s21, s17, $0xb8;
	[tilespmem:$0x1BA10] =	vst v63  }
0x84: {  	s21 =	simm.s32 $0xE800;
	s22 =	simm.s32 $0x19A00  }
0x85: {  	[tilespmem:s22], [sflag:$0x4] =	stream.indirect.gather [hbm4b:s6+s17], $0x10, s21, s17, $0xb8;
	[tilespmem:$0x1BA10] =	vst v63  }
0x86: {  	s21 =	simm.s32 $0xE200;
	s22 =	simm.s32 $0x13A00  }
0x87: {  	[tilespmem:s22], [sflag:$0x3] =	stream.indirect.gather [hbm4b:s5+s17], $0x10, s21, s17, $0xb8;
	[tilespmem:$0x1BA10] =	vst v63  }
0x88: {  	s21 =	simm.s32 $0xE880;
	s22 =	simm.s32 $0x1A200  }
0x89: {  	[tilespmem:s22], [sflag:$0x4] =	stream.indirect.gather [hbm4b:s6+s17], $0x10, s21, s17, $0xb8;
	[tilespmem:$0x1BA10] =	vst v63  }
0x8a: {  	s22 =	simm.s32 $0xE280  }
0x8b: {  	[tilespmem:s23], [sflag:$0x3] =	stream.indirect.gather [hbm4b:s5+s17], $0x10, s22, s17, $0xb8;
	[tilespmem:$0x1BA10] =	vst v63  }
0x8c: {  	_ = 	snop  }
0x8d: {  	[tilespmem:s25], [sflag:$0x4] =	stream.indirect.gather [hbm4b:s6+s17], $0x10, s24, s17, $0xb8;
	[tilespmem:$0x1BA10] =	vst v63  }
0x8e: {  	_ = 	snop  }
0x8f: {  	[tilespmem:s28], [sflag:$0x3] =	stream.indirect.gather [hbm4b:s5+s17], $0x10, s26, s17, $0xb8;
	[tilespmem:$0x1BA10] =	vst v63  }
0x90: {  	_ = 	snop  }
0x91: {  	[tilespmem:s10], [sflag:$0x4] =	stream.indirect.gather [hbm4b:s6+s17], $0x10, s29, s17, $0xb8;
	[tilespmem:$0x1BA10] =	vst v63  }
0x92: {  	_ =	swait.ge [sflag:s7], $0x800  }
0x93: {  	[sflag:s7] =	ssyncset.done $0x0  }
0x94: {  	[sflag:s7] =	ssyncadd.s32 $0xFFFFF800  }
0x95: {  	_ =	swait.ge [sflag:s8], $0x800  }
0x96: {  	[sflag:s8] =	ssyncset.done $0x0  }
0x97: {  	[sflag:s8] =	ssyncadd.s32 $0xFFFFF800  }
0x98: {  	_ =	swait.ge [sflag:s7], $0x800  }
0x99: {  	[sflag:s7] =	ssyncset.done $0x0  }
0x9a: {  	[sflag:s7] =	ssyncadd.s32 $0xFFFFF800  }
0x9b: {  	_ =	swait.ge [sflag:s8], $0x800  }
0x9c: {  	[sflag:s8] =	ssyncset.done $0x0  }
0x9d: {  	[sflag:s8] =	ssyncadd.s32 $0xFFFFF800  }
0x9e: {  	_ =	swait.ge [sflag:s7], $0x800  }
0x9f: {  	[sflag:s7] =	ssyncset.done $0x0  }
0xa0: {  	[sflag:s7] =	ssyncadd.s32 $0xFFFFF800  }
0xa1: {  	_ =	swait.ge [sflag:s8], $0x800  }
0xa2: {  	[sflag:s8] =	ssyncset.done $0x0  }
0xa3: {  	[sflag:s8] =	ssyncadd.s32 $0xFFFFF800  }
0xa4: {  	_ =	swait.ge [sflag:s7], $0x800  }
0xa5: {  	[sflag:s7] =	ssyncset.done $0x0  }
0xa6: {  	[sflag:s7] =	ssyncadd.s32 $0xFFFFF800  }
0xa7: {  	_ =	swait.ge [sflag:s8], $0x800  }
0xa8: {  	[sflag:s8] =	ssyncset.done $0x0  }
0xa9: {  	[sflag:s8] =	ssyncadd.s32 $0xFFFFF800  }
0xaa: {  	_ =	swait.ge [sflag:s7], $0x800  }
0xab: {  	[sflag:s7] =	ssyncset.done $0x0  }
0xac: {  	[sflag:s7] =	ssyncadd.s32 $0xFFFFF800  }
0xad: {  	_ =	swait.ge [sflag:s8], $0x800  }
0xae: {  	[sflag:s8] =	ssyncset.done $0x0  }
0xaf: {  	[sflag:s8] =	ssyncadd.s32 $0xFFFFF800  }
0xb0: {  	_ =	swait.ge [sflag:s7], $0x800  }
0xb1: {  	[sflag:s7] =	ssyncset.done $0x0  }
0xb2: {  	[sflag:s7] =	ssyncadd.s32 $0xFFFFF800  }
0xb3: {  	_ =	swait.ge [sflag:s8], $0x800  }
0xb4: {  	[sflag:s8] =	ssyncset.done $0x0  }
0xb5: {  	[sflag:s8] =	ssyncadd.s32 $0xFFFFF800  }
0xb6: {  	_ =	swait.ge [sflag:s7], $0x800  }
0xb7: {  	[sflag:s7] =	ssyncset.done $0x0  }
0xb8: {  	[sflag:s7] =	ssyncadd.s32 $0xFFFFF800  }
0xb9: {  	_ =	swait.ge [sflag:s8], $0x800  }
0xba: {  	[sflag:s8] =	ssyncset.done $0x0  }
0xbb: {  	[sflag:s8] =	ssyncadd.s32 $0xFFFFF800  }
0xbc: {  	_ =	swait.ge [sflag:s7], $0x800  }
0xbd: {  	[sflag:s7] =	ssyncset.done $0x0  }
0xbe: {  	[sflag:s7] =	ssyncadd.s32 $0xFFFFF800  }
0xbf: {  	_ =	swait.ge [sflag:s8], $0x800  }
0xc0: {  	[sflag:s8] =	ssyncset.done $0x0  }
0xc1: {  	[sflag:s8] =	ssyncadd.s32 $0xFFFFF800  }
0xc2: {  	_ =	swait.ge [sflag:s7], $0x800  }
0xc3: {  	[sflag:s7] =	ssyncset.done $0x0  }
0xc4: {  	[sflag:s7] =	ssyncadd.s32 $0xFFFFF800  }
0xc5: {  	_ =	swait.ge [sflag:s8], $0x800  }
0xc6: {  	[sflag:s8] =	ssyncset.done $0x0  }
0xc7: {  	[sflag:s8] =	ssyncadd.s32 $0xFFFFF800  }
0xc8: {  	_ =	swait.ge [sflag:s7], $0x800  }
0xc9: {  	[sflag:s7] =	ssyncset.done $0x0  }
0xca: {  	[sflag:s7] =	ssyncadd.s32 $0xFFFFF800  }
0xcb: {  	_ =	swait.ge [sflag:s8], $0x800  }
0xcc: {  	[sflag:s8] =	ssyncset.done $0x0  }
0xcd: {  	[sflag:s8] =	ssyncadd.s32 $0xFFFFF800  }
0xce: {  	_ =	swait.ge [sflag:s7], $0x800  }
0xcf: {  	[sflag:s7] =	ssyncset.done $0x0  }
0xd0: {  	[sflag:s7] =	ssyncadd.s32 $0xFFFFF800  }
0xd1: {  	_ =	swait.ge [sflag:s8], $0x800  }
0xd2: {  	[sflag:s8] =	ssyncset.done $0x0  }
0xd3: {  	[sflag:s8] =	ssyncadd.s32 $0xFFFFF800  }
0xd4: {  	_ =	swait.ge [sflag:s7], $0x800  }
0xd5: {  	[sflag:s7] =	ssyncset.done $0x0  }
0xd6: {  	[sflag:s7] =	ssyncadd.s32 $0xFFFFF800  }
0xd7: {  	_ =	swait.ge [sflag:s8], $0x800  }
0xd8: {  	[sflag:s8] =	ssyncset.done $0x0  }
0xd9: {  	v2 =	vmov s20;
	[sflag:s8] =	ssyncadd.s32 $0xFFFFF800  }
0xda: {  	v2 =	vshll.u32 v2, $0x4;
	_ =	swait.ge [sflag:s7], $0x800  }
0xdb: {  	v2 =	vor.u32 v0, v2;
	[sflag:s7] =	ssyncset.done $0x0  }
0xdc: {  	v3 =	vor.u32 $0x1, v2;
	[sflag:s7] =	ssyncadd.s32 $0xFFFFF800  }
0xdd: {  	v4 =	vor.u32 $0x2, v2;
	_ =	swait.ge [sflag:s8], $0x800  }
0xde: {  	v5 =	vor.u32 $0x5, v2;
	[sflag:s8] =	ssyncset.done $0x0  }
0xdf: {  	v6 =	vor.u32 $0x3, v2;
	[sflag:s8] =	ssyncadd.s32 $0xFFFFF800  }
0xe0: {  	v7 =	vld.idx.msk [tilespmem:v2+s18+$0x0], $0xffff  }
0xe1: {  	v8 =	vor.u32 $0x6, v2;
	v9 =	vld.idx.msk [tilespmem:v3+s18+$0x0], $0xffff  }
0xe2: {  	v10 =	vld.idx.msk [tilespmem:v4+s19+$0x0], $0xffff  }
0xe3: {  	v11 =	vld.idx.msk [tilespmem:v5+s19+$0x0], $0xffff  }
0xe4: {  	v12 =	vld.idx.msk [tilespmem:v6+s19+$0x0], $0xffff  }
0xe5: {  	v13 =	vld.idx.msk [tilespmem:v2+s19+$0x0], $0xffff  }
0xe6: {  	v14 =	vor.u32 $0x4, v2;
	v15 =	vld.idx.msk [tilespmem:v8+s18+$0x0], $0xffff  }
0xe7: {  	v16 =	vor.u32 $0x7, v2;
	v3 =	vld.idx.msk [tilespmem:v3+s19+$0x0], $0xffff  }
0xe8: {  	s22 =	simm.s32 $0x10;
	v8 =	vld.idx.msk [tilespmem:v8+s19+$0x0], $0xffff  }
0xe9: {  	v18 =	vmov s22;
	v4 =	vld.idx.msk [tilespmem:v4+s18+$0x0], $0xffff  }
0xea: {  	v18 =	vshll.u32 v18, $0x4;
	v6 =	vld.idx.msk [tilespmem:v6+s18+$0x0], $0xffff  }
0xeb: {  	v18 =	vor.u32 v0, v18;
	v17 =	vld.idx.msk [tilespmem:v14+s18+$0x0], $0xffff  }
0xec: {  	v21 =	vor.u32 $0x1, v18;
	v19 =	vld.idx.msk [tilespmem:v16+s18+$0x0], $0xffff  }
0xed: {  	v22 =	vor.u32 $0x2, v18;
	v16 =	vld.idx.msk [tilespmem:v16+s19+$0x0], $0xffff  }
0xee: {  	v23 =	vor.u32 $0x5, v18;
	v14 =	vld.idx.msk [tilespmem:v14+s19+$0x0], $0xffff  }
0xef: {  	v24 =	vor.u32 $0x3, v18;
	v5 =	vld.idx.msk [tilespmem:v5+s18+$0x0], $0xffff  }
0xf0: {  	v25 =	vld.idx.msk [tilespmem:v18+s18+$0x0], $0xffff  }
0xf1: {  	v26 =	vor.u32 $0x6, v18;
	v27 =	vld.idx.msk [tilespmem:v21+s18+$0x0], $0xffff  }
0xf2: {  	s21 =	simm.s32 $0x20;
	v28 =	vld.idx.msk [tilespmem:v22+s19+$0x0], $0xffff  }
0xf3: {  	v35 =	vmov s21;
	v29 =	vld.idx.msk [tilespmem:v23+s19+$0x0], $0xffff  }
0xf4: {  	v35 =	vshll.u32 v35, $0x4;
	v30 =	vld.idx.msk [tilespmem:v24+s19+$0x0], $0xffff  }
0xf5: {  	v35 =	vor.u32 v0, v35;
	v31 =	vld.idx.msk [tilespmem:v18+s19+$0x0], $0xffff  }
0xf6: {  	v52 =	vor.u32 $0x1, v35;
	v33 =	vld.idx.msk [tilespmem:v26+s18+$0x0], $0xffff  }
0xf7: {  	v21 =	vld.idx.msk [tilespmem:v21+s19+$0x0], $0xffff  }
0xf8: {  	v2 =	vor.u32 $0x8, v2;
	v26 =	vld.idx.msk [tilespmem:v26+s19+$0x0], $0xffff  }
0xf9: {  	v22 =	vld.idx.msk [tilespmem:v22+s18+$0x0], $0xffff  }
0xfa: {  	v32 =	vor.u32 $0x4, v18;
	v24 =	vld.idx.msk [tilespmem:v24+s18+$0x0], $0xffff  }
0xfb: {  	v34 =	vor.u32 $0x7, v18;
	v37 =	vld.idx.msk [tilespmem:v52+s18+$0x0], $0xffff  }
0xfc: {  	v18 =	vor.u32 $0x8, v18;
	v54 =	vld.idx.msk [tilespmem:v52+s19+$0x0], $0xffff  }
0xfd: {  	v20 =	vld.idx.msk [tilespmem:v2+s19+$0x0], $0xffff  }
0xfe: {  	v2 =	vld.idx.msk [tilespmem:v2+s18+$0x0], $0xffff  }
0xff: {  	v7 =	vsub.f32 v7, v13;
	v13 =	vld.idx.msk [tilespmem:v32+s18+$0x0], $0xffff;
	v4 =	vsub.f32 v4, v10  }
0x100: {  	v10 =	vld.idx.msk [tilespmem:v34+s18+$0x0], $0xffff;
	v8 =	vsub.f32 v15, v8;
	v16 =	vsub.f32 v19, v16  }
0x101: {  	v15 =	vld.idx.msk [tilespmem:v18+s19+$0x0], $0xffff;
	v6 =	vsub.f32 v6, v12;
	v3 =	vsub.f32 v9, v3  }
0x102: {  	v36 =	vor.u32 $0x6, v35;
	v19 =	vld.idx.msk [tilespmem:v34+s19+$0x0], $0xffff;
	v5 =	vsub.f32 v5, v11;
	v14 =	vsub.f32 v17, v14  }
0x103: {  	v9 =	vld.idx.msk [tilespmem:v18+s18+$0x0], $0xffff;
	v12 =	vor.u32 $0x2, v35;
	v26 =	vsub.f32 v33, v26;
	v24 =	vsub.f32 v24, v30  }
0x104: {  	v18 =	vld.idx.msk [tilespmem:v32+s19+$0x0], $0xffff;
	v21 =	vsub.f32 v27, v21;
	v58 =	vsub.f32 v37, v54  }
0x105: {  	v53 =	vor.u32 $0x5, v35;
	v11 =	vld.idx.msk [tilespmem:v23+s18+$0x0], $0xffff;
	v7 =	vadd.f32 $9.999999970e-07, v7;
	v4 =	vadd.f32 $9.999999970e-07, v4  }
0x106: {  	v55 =	vor.u32 $0x8, v35;
	v17 =	vld.idx.msk [tilespmem:v35+s18+$0x0], $0xffff;
	v16 =	vadd.f32 $9.999999970e-07, v16;
	v6 =	vadd.f32 $9.999999970e-07, v6  }
0x107: {  	v23 =	vor.u32 $0x3, v35;
	v30 =	vld.idx.msk [tilespmem:v36+s19+$0x0], $0xffff;
	v8 =	vadd.f32 $9.999999970e-07, v8;
	v3 =	vadd.f32 $9.999999970e-07, v3  }
0x108: {  	v5 =	vadd.f32 $9.999999970e-07, v5;
	v14 =	vadd.f32 $9.999999970e-07, v14;
	v4 =	vmul.f32 v4, v4;
	v38 =	vld.idx.msk [tilespmem:v12+s19+$0x0], $0xffff  }
0x109: {  	v16 =	vmul.f32 v16, v16;
	v2 =	vadd.f32 v20, v2;
	v20 =	vsub.f32 v22, v28;
	v22 =	vld.idx.msk [tilespmem:v35+s19+$0x0], $0xffff  }
0x10a: {  	v6 =	vmul.f32 v6, v6;
	v8 =	vmul.f32 v8, v8;
	v10 =	vsub.f32 v10, v19;
	v19 =	vld.idx.msk [tilespmem:v36+s18+$0x0], $0xffff  }
0x10b: {  	v24 =	vadd.f32 $9.999999970e-07, v24;
	v7 =	vmul.f32 v7, v7;
	v3 =	vmul.f32 v3, v3;
	v12 =	vld.idx.msk [tilespmem:v12+s18+$0x0], $0xffff  }
0x10c: {  	v28 =	vor.u32 $0x4, v35;
	v4 =	vadd.f32 v6, v4;
	v6 =	vsub.f32 v25, v31;
	v25 =	vld.idx.msk [tilespmem:v53+s19+$0x0], $0xffff  }
0x10d: {  	v21 =	vadd.f32 $9.999999970e-07, v21;
	v8 =	vadd.f32 v16, v8;
	v16 =	vld.idx.msk [tilespmem:v23+s19+$0x0], $0xffff  }
0x10e: {  	s22 =	simm.s32 $0x30;
	v26 =	vadd.f32 $9.999999970e-07, v26;
	v31 =	vor.u32 $0x7, v35;
	v23 =	vld.idx.msk [tilespmem:v23+s18+$0x0], $0xffff;
	v7 =	vadd.f32 v3, v7  }
0x10f: {  	v32 =	vadd.f32 $9.999999970e-07, v58;
	v11 =	vsub.f32 v11, v29;
	v29 =	vmov s22;
	v35 =	vld.idx.msk [tilespmem:v55+s19+$0x0], $0xffff  }
0x110: {  	v5 =	vmul.f32 v5, v5;
	v29 =	vshll.u32 v29, $0x4;
	v7 =	vadd.f32 v4, v7;
	v4 =	vld.idx.msk [tilespmem:v53+s18+$0x0], $0xffff  }
0x111: {  	v24 =	vmul.f32 v24, v24;
	v20 =	vadd.f32 $9.999999970e-07, v20;
	v29 =	vor.u32 v0, v29;
	v27 =	vld.idx.msk [tilespmem:v28+s18+$0x0], $0xffff  }
0x112: {  	v26 =	vmul.f32 v26, v26;
	v3 =	vadd.f32 v15, v9;
	v10 =	vadd.f32 $9.999999970e-07, v10;
	v15 =	vld.idx.msk [tilespmem:v28+s19+$0x0], $0xffff  }
0x113: {  	v13 =	vsub.f32 v13, v18;
	v56 =	vor.u32 $0x1, v29;
	v20 =	vmul.f32 v20, v20;
	v18 =	vld.idx.msk [tilespmem:v31+s18+$0x0], $0xffff  }
0x114: {  	v14 =	vmul.f32 v14, v14;
	v59 =	vor.u32 $0x7, v29;
	v10 =	vmul.f32 v10, v10;
	v31 =	vld.idx.msk [tilespmem:v31+s19+$0x0], $0xffff  }
0x115: {  	v9 =	vsub.f32 v17, v22;
	v17 =	vor.u32 $0x5, v29;
	v20 =	vadd.f32 v24, v20;
	v24 =	vld.idx.msk [tilespmem:v55+s18+$0x0], $0xffff  }
0x116: {  	v5 =	vadd.f32 v5, v14;
	v28 =	vor.u32 $0x6, v29;
	v10 =	vadd.f32 v10, v26;
	v26 =	vld.idx.msk [tilespmem:v29+s18+$0x0], $0xffff  }
0x117: {  	v11 =	vadd.f32 $9.999999970e-07, v11;
	v13 =	vadd.f32 $9.999999970e-07, v13;
	v61 =	vld.idx.msk [tilespmem:v29+s19+$0x0], $0xffff  }
0x118: {  	v57 =	vor.u32 $0x2, v29;
	v19 =	vsub.f32 v19, v30;
	v16 =	vsub.f32 v23, v16;
	v30 =	vld.idx.msk [tilespmem:v56+s18+$0x0], $0xffff  }
0x119: {  	v5 =	vadd.f32 v8, v5;
	v4 =	vsub.f32 v4, v25;
	v8 =	vld.idx.msk [tilespmem:v59+s18+$0x0], $0xffff  }
0x11a: {  	v6 =	vadd.f32 $9.999999970e-07, v6;
	v22 =	vor.u32 $0x3, v29;
	v16 =	vadd.f32 $9.999999970e-07, v16;
	v60 =	vld.idx.msk [tilespmem:v17+s19+$0x0], $0xffff  }
0x11b: {  	v12 =	vsub.f32 v12, v38;
	v39 =	vadd.f32 $9.999999970e-07, v4;
	v40 =	vld.idx.msk [tilespmem:v28+s18+$0x0], $0xffff  }
0x11c: {  	v4 =	vsub.f32 v27, v15;
	v15 =	vmul.f32 v16, v16;
	v16 =	vadd.f32 $9.999999970e-07, v19;
	v19 =	vld.idx.msk [tilespmem:v28+s19+$0x0], $0xffff  }
0x11d: {  	v21 =	vmul.f32 v21, v21;
	v6 =	vmul.f32 v6, v6;
	v12 =	vadd.f32 $9.999999970e-07, v12;
	v28 =	vld.idx.msk [tilespmem:v57+s18+$0x0], $0xffff  }
0x11e: {  	v11 =	vmul.f32 v11, v11;
	v13 =	vmul.f32 v13, v13;
	v18 =	vsub.f32 v18, v31;
	v31 =	vld.idx.msk [tilespmem:v57+s19+$0x0], $0xffff  }
0x11f: {  	v23 =	vor.u32 $0x4, v29;
	v6 =	vadd.f32 v21, v6;
	v12 =	vmul.f32 v12, v12;
	v25 =	vld.idx.msk [tilespmem:v22+s19+$0x0], $0xffff  }
0x120: {  	s21 =	simm.s32 $0x40;
	v27 =	vor.u32 $0x8, v29;
	v29 =	vadd.f32 $9.999999970e-07, v4;
	v14 =	vmul.f32 v16, v16;
	v16 =	vld.idx.msk [tilespmem:v22+s18+$0x0], $0xffff  }
0x121: {  	v17 =	vld.idx.msk [tilespmem:v17+s18+$0x0], $0xffff;
	v4 =	vadd.f32 v35, v24;
	v24 =	vadd.f32 v20, v6;
	v6 =	vmov s21  }
0x122: {  	v5 =	vadd.f32 v5, v7;
	v22 =	vadd.f32 v15, v12;
	v12 =	vld.idx.msk [tilespmem:v56+s19+$0x0], $0xffff;
	v6 =	vshll.u32 v6, $0x4  }
0x123: {  	v9 =	vadd.f32 $9.999999970e-07, v9;
	v20 =	vld.idx.msk [tilespmem:v59+s19+$0x0], $0xffff;
	v28 =	vsub.f32 v28, v31;
	v31 =	vor.u32 v0, v6  }
0x124: {  	v11 =	vadd.f32 v11, v13;
	v15 =	vsub.f32 v26, v61;
	v26 =	vld.idx.msk [tilespmem:v23+s18+$0x0], $0xffff  }
0x125: {  	v9 =	vmul.f32 v9, v9;
	v62 =	vld.idx.msk [tilespmem:v27+s19+$0x0], $0xffff;
	v16 =	vsub.f32 v16, v25;
	v25 =	vor.u32 $0x1, v31  }
0x126: {  	v21 =	vmul.f32 v39, v39;
	v18 =	vadd.f32 $9.999999970e-07, v18;
	v27 =	vld.idx.msk [tilespmem:v27+s18+$0x0], $0xffff;
	v7 =	vor.u32 $0x2, v31  }
0x127: {  	v6 =	vmax.f32 v5, $1.000000020e-24;
	v5 =	vld.idx.msk [tilespmem:v23+s19+$0x0], $0xffff;
	v49 =	vor.u32 $0x5, v31;
	v12 =	vsub.f32 v30, v12  }
0x128: {  	v15 =	vadd.f32 $9.999999970e-07, v15;
	v18 =	vmul.f32 v18, v18;
	v63 =	vor.u32 $0x3, v31;
	v30 =	vld.idx.msk [tilespmem:v31+s18+$0x0], $0xffff  }
0x129: {  	v19 =	vsub.f32 v40, v19;
	v50 =	vor.u32 $0x6, v31;
	v43 =	vadd.f32 $9.999999970e-07, v12;
	v12 =	vld.idx.msk [tilespmem:v31+s19+$0x0], $0xffff  }
0x12a: {  	v8 =	vsub.f32 v8, v20;
	v20 =	vshrl.u32 v6, $0x1;
	v23 =	vmul.f32 $5.000000000e-01, v6;
	v52 =	vld.idx.msk [tilespmem:v25+s18+$0x0], $0xffff  }
0x12b: {  	v37 =	vsub.f32 v17, v60;
	v17 =	vmul.f32 v15, v15;
	v20 =	vsub.s32 $0x5F3759DF, v20;
	v41 =	vld.idx.msk [tilespmem:v7+s19+$0x0], $0xffff  }
0x12c: {  	v14 =	vadd.f32 v18, v14;
	v18 =	vmul.f32 v32, v32;
	v53 =	vmul.f32 v20, v23;
	v42 =	vld.idx.msk [tilespmem:v49+s19+$0x0], $0xffff  }
0x12d: {  	v48 =	vor.u32 $0x4, v31;
	v51 =	vor.u32 $0x7, v31;
	v19 =	vadd.f32 $9.999999970e-07, v19;
	v54 =	vld.idx.msk [tilespmem:v63+s19+$0x0], $0xffff  }
0x12e: {  	v28 =	vadd.f32 $9.999999970e-07, v28;
	v8 =	vadd.f32 $9.999999970e-07, v8;
	v40 =	vmul.f32 v20, v53;
	v55 =	vld.idx.msk [tilespmem:v50+s18+$0x0], $0xffff  }
0x12f: {  	v13 =	vor.u32 $0x8, v31;
	v16 =	vadd.f32 $9.999999970e-07, v16;
	v9 =	vadd.f32 v18, v9;
	v31 =	vld.idx.msk [tilespmem:v50+s19+$0x0], $0xffff  }
0x130: {  	v18 =	vmul.f32 v19, v19;
	v5 =	vsub.f32 v26, v5;
	v7 =	vld.idx.msk [tilespmem:v7+s18+$0x0], $0xffff;
	v26 =	vsub.f32 $1.500000000e+00, v40  }
0x131: {  	v28 =	vmul.f32 v28, v28;
	v44 =	vmul.f32 v16, v16;
	v56 =	vld.idx.msk [tilespmem:v25+s19+$0x0], $0xffff  }
0x132: {  	v15 =	vadd.f32 $9.999999970e-07, v37;
	v8 =	vmul.f32 v8, v8;
	v59 =	vld.idx.msk [tilespmem:v48+s18+$0x0], $0xffff;
	v20 =	vmul.f32 v20, v26  }
0x133: {  	v25 =	vmul.f32 v43, v43;
	v60 =	vld.idx.msk [tilespmem:v49+s18+$0x0], $0xffff;
	v16 =	vadd.f32 $9.999999970e-07, v5;
	v19 =	vadd.f32 v44, v28  }
0x134: {  	v47 =	vld.idx.msk [tilespmem:v48+s19+$0x0], $0xffff;
	v5 =	vadd.f32 v62, v27;
	v28 =	vadd.f32 v10, v11;
	v10 =	vmul.f32 v20, v23  }
0x135: {  	s22 =	simm.s32 $0x50;
	v48 =	vmul.f32 v29, v29;
	v26 =	vld.idx.msk [tilespmem:v63+s18+$0x0], $0xffff;
	v27 =	vsub.f32 v30, v12;
	v12 =	vadd.f32 v8, v18  }
0x136: {  	v18 =	vadd.f32 v22, v9;
	v9 =	vld.idx.msk [tilespmem:v51+s18+$0x0], $0xffff;
	v8 =	vmul.f32 v10, v20;
	v10 =	vmov s22  }
0x137: {  	v43 =	vadd.f32 v21, v48;
	v22 =	vld.idx.msk [tilespmem:v51+s19+$0x0], $0xffff;
	v58 =	vsub.f32 v55, v31;
	v10 =	vshll.u32 v10, $0x4  }
0x138: {  	v31 =	vsub.f32 v7, v41;
	v42 =	vsub.f32 v60, v42;
	v11 =	vor.u32 v0, v10  }
0x139: {  	v15 =	vmul.f32 v15, v15;
	v32 =	vsub.f32 v52, v56;
	v57 =	vadd.f32 $9.999999970e-07, v27  }
0x13a: {  	v7 =	vld.idx.msk [tilespmem:v13+s19+$0x0], $0xffff;
	v31 =	vadd.f32 $9.999999970e-07, v31;
	v50 =	vadd.f32 $9.999999970e-07, v42;
	v46 =	vor.u32 $0x1, v11  }
0x13b: {  	v30 =	vsub.f32 $1.500000000e+00, v8;
	v8 =	vld.idx.msk [tilespmem:v13+s18+$0x0], $0xffff;
	v13 =	vadd.f32 v28, v24;
	v27 =	vor.u32 $0x2, v11  }
0x13c: {  	v26 =	vsub.f32 v26, v54;
	v22 =	vsub.f32 v9, v22;
	v24 =	vor.u32 $0x5, v11  }
0x13d: {  	v35 =	vor.u32 $0x6, v11;
	v10 =	vmul.f32 v30, v20;
	v9 =	vmax.f32 v13, $1.000000020e-24;
	v33 =	vld.idx.msk [tilespmem:v11+s18+$0x0], $0xffff  }
0x13e: {  	v34 =	vmul.f32 v57, v57;
	v62 =	vshrl.u32 v9, $0x1;
	v13 =	vmul.f32 $5.000000000e-01, v9;
	v41 =	vld.idx.msk [tilespmem:v11+s19+$0x0], $0xffff  }
0x13f: {  	v30 =	vor.u32 $0x3, v11;
	v61 =	vmul.f32 v10, v23;
	v39 =	vsub.s32 $0x5F3759DF, v62;
	v23 =	vld.idx.msk [tilespmem:v46+s18+$0x0], $0xffff  }
0x140: {  	v36 =	vadd.f32 $9.999999970e-07, v32;
	v38 =	vmul.f32 v31, v31;
	v49 =	vmul.f32 v39, v13;
	v29 =	vld.idx.msk [tilespmem:v27+s19+$0x0], $0xffff  }
0x141: {  	v21 =	vmul.f32 v50, v50;
	v45 =	vadd.f32 $9.999999970e-07, v26;
	v63 =	vadd.f32 $9.999999970e-07, v22;
	v22 =	vld.idx.msk [tilespmem:v24+s19+$0x0], $0xffff  }
0x142: {  	v28 =	vor.u32 $0x7, v11;
	v20 =	vor.u32 $0x4, v11;
	v40 =	vld.idx.msk [tilespmem:v35+s18+$0x0], $0xffff;
	v49 =	vmul.f32 v39, v49  }
0x143: {  	v42 =	vmul.f32 v45, v45;
	v45 =	vadd.f32 $9.999999970e-07, v58;
	v26 =	vmul.f32 v61, v10;
	v32 =	vld.idx.msk [tilespmem:v46+s19+$0x0], $0xffff  }
0x144: {  	s20 =	simm.s32 $0x60;
	v37 =	vmul.f32 v63, v63;
	v46 =	vsub.f32 v59, v47;
	v31 =	vld.idx.msk [tilespmem:v30+s19+$0x0], $0xffff;
	v44 =	vsub.f32 $1.500000000e+00, v49  }
.LBB2_3:
0x145: {  	p0 =	sne.s32 s20, $0x670;
	v35 =	vld.idx.msk [tilespmem:v35+s19+$0x0], $0xffff;
	v11 =	vor.u32 $0x8, v11;
	v45 =	vmul.f32 v45, v45;
	v26 =	vsub.f32 $1.500000000e+00, v26;
	s21 =	smov.u32 s20;
	s20 =	sadd.s32 $0x10, s20  }
0x146: {  	v25 =	vadd.f32 v25, v17;
	v17 =	vmovc v34;
	v27 =	vld.idx.msk [tilespmem:v27+s18+$0x0], $0xffff;
	v46 =	vadd.f32 $9.999999970e-07, v46;
	v39 =	vmul.f32 v39, v44  }
0x147: {  	v34 =	vadd.f32 v42, v38;
	v38 =	vadd.f32 v7, v8;
	v30 =	vld.idx.msk [tilespmem:v30+s18+$0x0], $0xffff;
	v7 =	vmul.f32 v26, v10  }
0x148: {  	v8 =	vsub.f32 v33, v41;
	v26 =	vadd.f32 v14, v43;
	v44 =	vld.idx.msk [tilespmem:v20+s18+$0x0], $0xffff;
	v10 =	vmul.f32 v39, v13  }
0x149: {  	v37 =	vadd.f32 v37, v45;
	v41 =	vadd.f32 v19, v25;
	v33 =	vld.idx.msk [tilespmem:v28+s18+$0x0], $0xffff;
	v6 =	vmul.f32 v7, v6  }
0x14a: {  	v25 =	vmul.f32 v36, v36;
	v19 =	vmovc v34;
	v42 =	vadd.f32 $9.999999970e-07, v8;
	v7 =	vld.idx.msk [tilespmem:v11+s19+$0x0], $0xffff;
	v10 =	vmul.f32 v10, v39  }
0x14b: {  	v8 =	vmov s21;
	v43 =	vsub.f32 v40, v35;
	v28 =	vld.idx.msk [tilespmem:v28+s19+$0x0], $0xffff;
	v6 =	vsub.f32 v2, v6;
	v2 =	vmovc v3;
	v3 =	vmovc v4  }
0x14c: {  	v35 =	vshll.u32 v8, $0x4;
	v29 =	vsub.f32 v27, v29;
	v4 =	vmovc v5;
	v5 =	vmovc v38;
	v8 =	vld.idx.msk [tilespmem:v11+s18+$0x0], $0xffff;
	v10 =	vsub.f32 $1.500000000e+00, v10  }
0x14d: {  	v11 =	vor.u32 v0, v35;
	v31 =	vsub.f32 v30, v31;
	v47 =	vld.idx.msk [tilespmem:v20+s19+$0x0], $0xffff;
	v1 =	vadd.f32 v6, v1  }
0x14e: {  	v14 =	vmovc v12;
	v12 =	vmovc v37;
	v48 =	vor.u32 $0x1, v11;
	v27 =	vor.u32 $0x2, v11;
	v34 =	vld.idx.msk [tilespmem:v24+s18+$0x0], $0xffff;
	v10 =	vmul.f32 v10, v39  }
0x14f: {  	v26 =	vadd.f32 v26, v18;
	v18 =	vmovc v41;
	v30 =	vor.u32 $0x3, v11;
	v20 =	vor.u32 $0x4, v11;
	v6 =	vmovc v9  }
0x150: {  	v35 =	vor.u32 $0x6, v11;
	v24 =	vor.u32 $0x5, v11;
	v40 =	vmul.f32 v10, v13  }
0x151: {  	v32 =	vsub.f32 v23, v32;
	v9 =	vmax.f32 v26, $1.000000020e-24;
	v13 =	vsub.f32 v33, v28  }
0x152: {  	v26 =	vadd.f32 $9.999999970e-07, v29;
	v28 =	vor.u32 $0x7, v11;
	v36 =	vshrl.u32 v9, $0x1;
	v33 =	vld.idx.msk [tilespmem:v11+s18+$0x0], $0xffff  }
0x153: {  	v49 =	vmul.f32 v16, v16;
	v16 =	vmovc v46;
	v37 =	vadd.f32 $9.999999970e-07, v13;
	v13 =	vmul.f32 $5.000000000e-01, v9;
	v23 =	vld.idx.msk [tilespmem:v48+s18+$0x0], $0xffff  }
0x154: {  	v45 =	vadd.f32 $9.999999970e-07, v31;
	v38 =	vmul.f32 v26, v26;
	v39 =	vsub.s32 $0x5F3759DF, v36;
	v29 =	vld.idx.msk [tilespmem:v27+s19+$0x0], $0xffff  }
.Ltmp0:
0x155: {  	v46 =	vsub.f32 v34, v22;
	v37 =	vmul.f32 v37, v37;
	v50 =	vmul.f32 v39, v13;
	v22 =	vld.idx.msk [tilespmem:v24+s19+$0x0], $0xffff;
	(pc) =	sbr.rel @p0 .LBB2_3-.Ltmp0, $4  }
0x156: {  	v36 =	vadd.f32 $9.999999970e-07, v32;
	v26 =	vmul.f32 v40, v10;
	v34 =	vmul.f32 v42, v42;
	v31 =	vld.idx.msk [tilespmem:v30+s19+$0x0], $0xffff  }
0x157: {  	v42 =	vmul.f32 v45, v45;
	v51 =	vadd.f32 $9.999999970e-07, v46;
	v50 =	vmul.f32 v39, v50;
	v41 =	vld.idx.msk [tilespmem:v11+s19+$0x0], $0xffff  }
0x158: {  	v45 =	vadd.f32 $9.999999970e-07, v43;
	v43 =	vadd.f32 v15, v49;
	v15 =	vmov v21;
	v40 =	vld.idx.msk [tilespmem:v35+s18+$0x0], $0xffff  }
0x159: {  	v46 =	vsub.f32 v44, v47;
	v21 =	vmul.f32 v51, v51;
	v44 =	vsub.f32 $1.500000000e+00, v50;
	v32 =	vld.idx.msk [tilespmem:v48+s19+$0x0], $0xffff  }
0x15a: {  	_ =	sdelay $0x3  }
0x15b: {  	v35 =	vld.idx.msk [tilespmem:v35+s19+$0x0], $0xffff  }
0x15c: {  	v27 =	vld.idx.msk [tilespmem:v27+s18+$0x0], $0xffff  }
0x15d: {  	v30 =	vld.idx.msk [tilespmem:v30+s18+$0x0], $0xffff;
	v17 =	vadd.f32 v25, v17  }
0x15e: {  	v53 =	vld.idx.msk [tilespmem:v28+s18+$0x0], $0xffff;
	v45 =	vmul.f32 v45, v45;
	v38 =	vadd.f32 v42, v38;
	v14 =	vadd.f32 v14, v43  }
0x15f: {  	v54 =	vld.idx.msk [tilespmem:v28+s19+$0x0], $0xffff;
	v16 =	vmul.f32 v16, v16;
	v46 =	vadd.f32 $9.999999970e-07, v46;
	v33 =	vsub.f32 v33, v41  }
0x160: {  	v55 =	vld.idx.msk [tilespmem:v24+s18+$0x0], $0xffff;
	v60 =	vmul.f32 v36, v36;
	v37 =	vadd.f32 v37, v45;
	v17 =	vadd.f32 v19, v17  }
0x161: {  	v58 =	vld.idx.msk [tilespmem:v20+s18+$0x0], $0xffff;
	v14 =	vadd.f32 v14, v18;
	v15 =	vadd.f32 v15, v16  }
0x162: {  	v62 =	vld.idx.msk [tilespmem:v20+s19+$0x0], $0xffff;
	v39 =	vmul.f32 v39, v44;
	v18 =	vadd.f32 v60, v34;
	v56 =	vadd.f32 $9.999999970e-07, v33  }
0x163: {  	v23 =	vsub.f32 v23, v32;
	v12 =	vadd.f32 v12, v15  }
0x164: {  	v59 =	vmul.f32 v39, v13;
	v18 =	vadd.f32 v38, v18;
	v57 =	vsub.f32 v40, v35  }
0x165: {  	v43 =	vmul.f32 v46, v46;
	v27 =	vsub.f32 v27, v29;
	v61 =	vsub.f32 v30, v31  }
0x166: {  	v14 =	vmax.f32 v14, $1.000000020e-24;
	v25 =	vsub.f32 v53, v54;
	v19 =	vsub.f32 v55, v22  }
0x167: {  	v63 =	vshrl.u32 v14, $0x1;
	v20 =	vsub.f32 v58, v62;
	v15 =	vadd.f32 v21, v43  }
0x168: {  	v28 =	vmul.f32 $5.000000000e-01, v14;
	v23 =	vadd.f32 $9.999999970e-07, v23;
	v27 =	vadd.f32 $9.999999970e-07, v27  }
0x169: {  	v24 =	vmul.f32 v56, v56;
	v25 =	vadd.f32 $9.999999970e-07, v25;
	v29 =	vadd.f32 $9.999999970e-07, v61  }
0x16a: {  	v19 =	vadd.f32 $9.999999970e-07, v19;
	v36 =	vadd.f32 $9.999999970e-07, v57;
	v23 =	vmul.f32 v23, v23  }
0x16b: {  	v20 =	vadd.f32 $9.999999970e-07, v20;
	v27 =	vmul.f32 v27, v27;
	v25 =	vmul.f32 v25, v25  }
0x16c: {  	v12 =	vadd.f32 v12, v17;
	v29 =	vmul.f32 v29, v29;
	v41 =	vmul.f32 v19, v19  }
0x16d: {  	v15 =	vadd.f32 v37, v15;
	v42 =	vmul.f32 v36, v36;
	v44 =	vmul.f32 v20, v20  }
0x16e: {  	v45 =	vsub.s32 $0x5F3759DF, v63;
	v46 =	vadd.f32 v23, v24;
	v27 =	vadd.f32 v29, v27  }
0x16f: {  	v12 =	vmax.f32 v12, $1.000000020e-24;
	v19 =	vadd.f32 v25, v42;
	v16 =	vadd.f32 v41, v44  }
0x170: {  	v47 =	vmul.f32 v45, v28;
	v48 =	vshrl.u32 v12, $0x1;
	v15 =	vadd.f32 v15, v18  }
0x171: {  	v49 =	vmul.f32 $5.000000000e-01, v12;
	v21 =	vadd.f32 v27, v46;
	v16 =	vadd.f32 v19, v16  }
0x172: {  	v50 =	vmul.f32 v59, v39;
	v17 =	vmul.f32 v45, v47;
	v51 =	vsub.s32 $0x5F3759DF, v48  }
0x173: {  	v22 =	vmul.f32 v51, v49;
	v15 =	vmax.f32 v15, $1.000000020e-24;
	v16 =	vadd.f32 v16, v21  }
0x174: {  	v17 =	vsub.f32 $1.500000000e+00, v17;
	v52 =	vshrl.u32 v15, $0x1;
	v53 =	vmul.f32 $5.000000000e-01, v15  }
0x175: {  	v22 =	vmul.f32 v51, v22;
	v21 =	vsub.s32 $0x5F3759DF, v52;
	v16 =	vmax.f32 v16, $1.000000020e-24  }
0x176: {  	v54 =	vmul.f32 v21, v53;
	v55 =	vshrl.u32 v16, $0x1;
	v56 =	vmul.f32 $5.000000000e-01, v16  }
0x177: {  	v17 =	vmul.f32 v45, v17;
	v57 =	vsub.f32 $1.500000000e+00, v22;
	v58 =	vsub.s32 $0x5F3759DF, v55  }
0x178: {  	v18 =	vsub.f32 $1.500000000e+00, v50;
	v25 =	vmul.f32 v21, v54;
	v27 =	vmul.f32 v58, v56  }
0x179: {  	v59 =	vmul.f32 v17, v28;
	v19 =	vmul.f32 v51, v57  }
0x17a: {  	v18 =	vmul.f32 v18, v39;
	v60 =	vsub.f32 $1.500000000e+00, v25;
	v61 =	vmul.f32 v58, v27  }
0x17b: {  	v62 =	vmul.f32 v59, v17;
	v63 =	vmul.f32 v19, v49  }
0x17c: {  	v20 =	vmul.f32 v21, v60;
	v33 =	vsub.f32 $1.500000000e+00, v61  }
0x17d: {  	v34 =	vmul.f32 v18, v13;
	v35 =	vsub.f32 $1.500000000e+00, v62;
	v36 =	vmul.f32 v63, v19  }
0x17e: {  	v37 =	vmul.f32 v20, v53;
	v21 =	vmul.f32 v58, v33  }
0x17f: {  	v13 =	vmul.f32 v34, v18;
	v17 =	vmul.f32 v35, v17;
	v38 =	vsub.f32 $1.500000000e+00, v36  }
0x180: {  	v39 =	vsub.f32 $1.500000000e+00, v26;
	v40 =	vmul.f32 v37, v20;
	v41 =	vmul.f32 v21, v56  }
0x181: {  	v11 =	vor.u32 $0x8, v11;
	v28 =	vmul.f32 v17, v28;
	v19 =	vmul.f32 v38, v19  }
0x182: {  	v10 =	vmul.f32 v39, v10;
	v42 =	vsub.f32 $1.500000000e+00, v40;
	v43 =	vmul.f32 v41, v21  }
0x183: {  	v13 =	vsub.f32 $1.500000000e+00, v13;
	v44 =	vmul.f32 v28, v17;
	v23 =	vmul.f32 v19, v49  }
0x184: {  	v6 =	vmul.f32 v10, v6;
	v45 =	vmul.f32 v42, v20;
	v46 =	vsub.f32 $1.500000000e+00, v43  }
0x185: {  	v13 =	vmul.f32 v13, v18;
	v47 =	vsub.f32 $1.500000000e+00, v44;
	v48 =	vmul.f32 v23, v19  }
0x186: {  	v2 =	vsub.f32 v2, v6;
	v49 =	vmul.f32 v45, v53;
	v20 =	vmul.f32 v46, v21  }
0x187: {  	v50 =	vmul.f32 v13, v9;
	v51 =	vmul.f32 v47, v17;
	v52 =	vsub.f32 $1.500000000e+00, v48  }
0x188: {  	v1 =	vadd.f32 v2, v1;
	v53 =	vmul.f32 v49, v45;
	v54 =	vmul.f32 v20, v56  }
0x189: {  	v2 =	vsub.f32 v3, v50;
	v3 =	vmul.f32 v51, v14;
	v57 =	vmul.f32 v52, v19  }
0x18a: {  	v55 =	vld.idx.msk [tilespmem:v11+s19+$0x0], $0xffff;
	v58 =	vsub.f32 $1.500000000e+00, v53;
	v59 =	vmul.f32 v54, v20  }
0x18b: {  	v1 =	vadd.f32 v2, v1;
	v2 =	vsub.f32 v4, v3;
	v3 =	vmul.f32 v57, v12;
	v56 =	vld.idx.msk [tilespmem:v11+s18+$0x0], $0xffff  }
0x18c: {  	v60 =	vmul.f32 v58, v45;
	v61 =	vsub.f32 $1.500000000e+00, v59  }
0x18d: {  	v1 =	vadd.f32 v2, v1;
	v2 =	vsub.f32 v5, v3  }
0x18e: {  	v7 =	vadd.f32 v7, v8;
	v3 =	vmul.f32 v60, v15;
	v62 =	vmul.f32 v61, v20  }
0x18f: {  	p0 =	seq.s32 s13, $0xE;
	v1 =	vadd.f32 v2, v1  }
.Ltmp1:
0x190: {  	v63 =	vadd.f32 v55, v56;
	v2 =	vsub.f32 v7, v3;
	v3 =	vmul.f32 v62, v16;
	(pc) =	sbr.rel @p0 .LBB2_6-.Ltmp1, $3  }
0x191: {  	_ = 	snop  }
0x192: {  	v1 =	vadd.f32 v2, v1;
	v2 =	vsub.f32 v63, v3;
	_ =	sdelay $0x1  }
0x193: {  	v1 =	vadd.f32 v2, v1  }
0x194: {  	s20 =	rddreg [dreg:$0x6]  }
0x195: {  	s14 =	sadd.s32 s14, s20  }
0x196: {  	s14 =	sshrl.u32 s14, $0x3  }
0x197: {  	s22 =	sadd.s32 s1, s14  }
0x198: {  	[tilespmem:s4], [sflag:$0x5] =	stream.linear.gather [hbm4b:s22+s4], $0x680, $0x38;
	[tilespmem:$0x1BA10] =	vst v63  }
0x199: {  	_ =	swait.ge [sflag:s15], $0x680  }
0x19a: {  	[sflag:s15] =	ssyncset.done $0x0  }
0x19b: {  	s14 =	sadd.s32 s3, s14;
	[sflag:s15] =	ssyncadd.s32 $0xFFFFF980  }
0x19c: {  	[tilespmem:s16], [sflag:$0x5] =	stream.linear.gather [hbm4b:s14+s4], $0x680, $0x38;
	[tilespmem:$0x1BA10] =	vst v63  }
0x19d: {  	_ =	swait.ge [sflag:s15], $0x680  }
0x19e: {  	[sflag:s15] =	ssyncset.done $0x0  }
0x19f: {  	[sflag:s15] =	ssyncadd.s32 $0xFFFFF980  }
0x1a0: {  	[tilespmem:s18], [sflag:$0x1] =	stream.indirect.gather [hbm4b:s5+s17], $0x10, s4, s17, $0xb8;
	[tilespmem:$0x1BA10] =	vst v63  }
0x1a1: {  	_ = 	snop  }
0x1a2: {  	[tilespmem:s19], [sflag:$0x2] =	stream.indirect.gather [hbm4b:s6+s17], $0x10, s16, s17, $0xb8;
	[tilespmem:$0x1BA10] =	vst v63  }
0x1a3: {  	s20 =	simm.s32 $0x1500  }
0x1a4: {  	[tilespmem:s20], [sflag:$0x1] =	stream.indirect.gather [hbm4b:s5+s17], $0x10, s17, s17, $0xb8;
	[tilespmem:$0x1BA10] =	vst v63  }
0x1a5: {  	s21 =	simm.s32 $0x700;
	s22 =	simm.s32 $0x7D00  }
0x1a6: {  	[tilespmem:s22], [sflag:$0x2] =	stream.indirect.gather [hbm4b:s6+s17], $0x10, s21, s17, $0xb8;
	[tilespmem:$0x1BA10] =	vst v63  }
0x1a7: {  	s21 =	simm.s32 $0x100;
	s22 =	simm.s32 $0x1D00  }
0x1a8: {  	[tilespmem:s22], [sflag:$0x1] =	stream.indirect.gather [hbm4b:s5+s17], $0x10, s21, s17, $0xb8;
	[tilespmem:$0x1BA10] =	vst v63  }
0x1a9: {  	s21 =	simm.s32 $0x780;
	s22 =	simm.s32 $0x8500  }
0x1aa: {  	[tilespmem:s22], [sflag:$0x2] =	stream.indirect.gather [hbm4b:s6+s17], $0x10, s21, s17, $0xb8;
	[tilespmem:$0x1BA10] =	vst v63  }
0x1ab: {  	s21 =	simm.s32 $0x180;
	s22 =	simm.s32 $0x2500  }
0x1ac: {  	[tilespmem:s22], [sflag:$0x1] =	stream.indirect.gather [hbm4b:s5+s17], $0x10, s21, s17, $0xb8;
	[tilespmem:$0x1BA10] =	vst v63  }
0x1ad: {  	s21 =	simm.s32 $0x800;
	s22 =	simm.s32 $0x8D00  }
0x1ae: {  	[tilespmem:s22], [sflag:$0x2] =	stream.indirect.gather [hbm4b:s6+s17], $0x10, s21, s17, $0xb8;
	[tilespmem:$0x1BA10] =	vst v63  }
0x1af: {  	s21 =	simm.s32 $0x200;
	s22 =	simm.s32 $0x2D00  }
0x1b0: {  	[tilespmem:s22], [sflag:$0x1] =	stream.indirect.gather [hbm4b:s5+s17], $0x10, s21, s17, $0xb8;
	[tilespmem:$0x1BA10] =	vst v63  }
0x1b1: {  	s21 =	simm.s32 $0x880;
	s22 =	simm.s32 $0x9500  }
0x1b2: {  	[tilespmem:s22], [sflag:$0x2] =	stream.indirect.gather [hbm4b:s6+s17], $0x10, s21, s17, $0xb8;
	[tilespmem:$0x1BA10] =	vst v63  }
0x1b3: {  	s21 =	simm.s32 $0x280;
	s22 =	simm.s32 $0x3500  }
0x1b4: {  	[tilespmem:s22], [sflag:$0x1] =	stream.indirect.gather [hbm4b:s5+s17], $0x10, s21, s17, $0xb8;
	[tilespmem:$0x1BA10] =	vst v63  }
0x1b5: {  	s21 =	simm.s32 $0x900;
	s22 =	simm.s32 $0x9D00  }
0x1b6: {  	[tilespmem:s22], [sflag:$0x2] =	stream.indirect.gather [hbm4b:s6+s17], $0x10, s21, s17, $0xb8;
	[tilespmem:$0x1BA10] =	vst v63  }
0x1b7: {  	s21 =	simm.s32 $0x300;
	s22 =	simm.s32 $0x3D00  }
0x1b8: {  	[tilespmem:s22], [sflag:$0x1] =	stream.indirect.gather [hbm4b:s5+s17], $0x10, s21, s17, $0xb8;
	[tilespmem:$0x1BA10] =	vst v63  }
0x1b9: {  	s21 =	simm.s32 $0x980;
	s22 =	simm.s32 $0xA500  }
0x1ba: {  	[tilespmem:s22], [sflag:$0x2] =	stream.indirect.gather [hbm4b:s6+s17], $0x10, s21, s17, $0xb8;
	[tilespmem:$0x1BA10] =	vst v63  }
0x1bb: {  	s21 =	simm.s32 $0x380;
	s22 =	simm.s32 $0x4500  }
0x1bc: {  	[tilespmem:s22], [sflag:$0x1] =	stream.indirect.gather [hbm4b:s5+s17], $0x10, s21, s17, $0xb8;
	[tilespmem:$0x1BA10] =	vst v63  }
0x1bd: {  	s21 =	simm.s32 $0xA00;
	s22 =	simm.s32 $0xAD00  }
0x1be: {  	[tilespmem:s22], [sflag:$0x2] =	stream.indirect.gather [hbm4b:s6+s17], $0x10, s21, s17, $0xb8;
	[tilespmem:$0x1BA10] =	vst v63  }
0x1bf: {  	s21 =	simm.s32 $0x400;
	s22 =	simm.s32 $0x4D00  }
0x1c0: {  	[tilespmem:s22], [sflag:$0x1] =	stream.indirect.gather [hbm4b:s5+s17], $0x10, s21, s17, $0xb8;
	[tilespmem:$0x1BA10] =	vst v63  }
0x1c1: {  	s21 =	simm.s32 $0xA80;
	s22 =	simm.s32 $0xB500  }
0x1c2: {  	[tilespmem:s22], [sflag:$0x2] =	stream.indirect.gather [hbm4b:s6+s17], $0x10, s21, s17, $0xb8;
	[tilespmem:$0x1BA10] =	vst v63  }
0x1c3: {  	s21 =	simm.s32 $0x480;
	s22 =	simm.s32 $0x5500  }
0x1c4: {  	[tilespmem:s22], [sflag:$0x1] =	stream.indirect.gather [hbm4b:s5+s17], $0x10, s21, s17, $0xb8;
	[tilespmem:$0x1BA10] =	vst v63  }
0x1c5: {  	s21 =	simm.s32 $0xB00;
	s22 =	simm.s32 $0xBD00  }
0x1c6: {  	[tilespmem:s22], [sflag:$0x2] =	stream.indirect.gather [hbm4b:s6+s17], $0x10, s21, s17, $0xb8;
	[tilespmem:$0x1BA10] =	vst v63  }
0x1c7: {  	s21 =	simm.s32 $0x500;
	s22 =	simm.s32 $0x5D00  }
0x1c8: {  	[tilespmem:s22], [sflag:$0x1] =	stream.indirect.gather [hbm4b:s5+s17], $0x10, s21, s17, $0xb8;
	[tilespmem:$0x1BA10] =	vst v63  }
0x1c9: {  	s21 =	simm.s32 $0xB80;
	s22 =	simm.s32 $0xC500  }
0x1ca: {  	[tilespmem:s22], [sflag:$0x2] =	stream.indirect.gather [hbm4b:s6+s17], $0x10, s21, s17, $0xb8;
	[tilespmem:$0x1BA10] =	vst v63  }
0x1cb: {  	s21 =	simm.s32 $0x580;
	s22 =	simm.s32 $0x6500  }
0x1cc: {  	[tilespmem:s22], [sflag:$0x1] =	stream.indirect.gather [hbm4b:s5+s17], $0x10, s21, s17, $0xb8;
	[tilespmem:$0x1BA10] =	vst v63  }
0x1cd: {  	s21 =	simm.s32 $0xC00;
	s22 =	simm.s32 $0xCD00  }
0x1ce: {  	[tilespmem:s22], [sflag:$0x2] =	stream.indirect.gather [hbm4b:s6+s17], $0x10, s21, s17, $0xb8;
	[tilespmem:$0x1BA10] =	vst v63  }
0x1cf: {  	s21 =	simm.s32 $0x600;
	s22 =	simm.s32 $0x6D00  }
0x1d0: {  	[tilespmem:s22], [sflag:$0x1] =	stream.indirect.gather [hbm4b:s5+s17], $0x10, s21, s17, $0xb8;
	[tilespmem:$0x1BA10] =	vst v63  }
0x1d1: {  	s21 =	simm.s32 $0xC80;
	s22 =	simm.s32 $0xD500  }
0x1d2: {  	[tilespmem:s22], [sflag:$0x2] =	stream.indirect.gather [hbm4b:s6+s17], $0x10, s21, s17, $0xb8;
	[tilespmem:$0x1BA10] =	vst v63  }
.LBB2_6:
0x1d3: {  	_ =	swait.ge [sflag:s11], $0x800  }
0x1d4: {  	[sflag:s11] =	ssyncset.done $0x0  }
0x1d5: {  	[sflag:s11] =	ssyncadd.s32 $0xFFFFF800  }
0x1d6: {  	_ =	swait.ge [sflag:s12], $0x800  }
0x1d7: {  	[sflag:s12] =	ssyncset.done $0x0  }
0x1d8: {  	[sflag:s12] =	ssyncadd.s32 $0xFFFFF800  }
0x1d9: {  	_ =	swait.ge [sflag:s11], $0x800  }
0x1da: {  	[sflag:s11] =	ssyncset.done $0x0  }
0x1db: {  	[sflag:s11] =	ssyncadd.s32 $0xFFFFF800  }
0x1dc: {  	_ =	swait.ge [sflag:s12], $0x800  }
0x1dd: {  	[sflag:s12] =	ssyncset.done $0x0  }
0x1de: {  	[sflag:s12] =	ssyncadd.s32 $0xFFFFF800  }
0x1df: {  	_ =	swait.ge [sflag:s11], $0x800  }
0x1e0: {  	[sflag:s11] =	ssyncset.done $0x0  }
0x1e1: {  	[sflag:s11] =	ssyncadd.s32 $0xFFFFF800  }
0x1e2: {  	_ =	swait.ge [sflag:s12], $0x800  }
0x1e3: {  	[sflag:s12] =	ssyncset.done $0x0  }
0x1e4: {  	[sflag:s12] =	ssyncadd.s32 $0xFFFFF800  }
0x1e5: {  	_ =	swait.ge [sflag:s11], $0x800  }
0x1e6: {  	[sflag:s11] =	ssyncset.done $0x0  }
0x1e7: {  	[sflag:s11] =	ssyncadd.s32 $0xFFFFF800  }
0x1e8: {  	_ =	swait.ge [sflag:s12], $0x800  }
0x1e9: {  	[sflag:s12] =	ssyncset.done $0x0  }
0x1ea: {  	[sflag:s12] =	ssyncadd.s32 $0xFFFFF800  }
0x1eb: {  	_ =	swait.ge [sflag:s11], $0x800  }
0x1ec: {  	[sflag:s11] =	ssyncset.done $0x0  }
0x1ed: {  	[sflag:s11] =	ssyncadd.s32 $0xFFFFF800  }
0x1ee: {  	_ =	swait.ge [sflag:s12], $0x800  }
0x1ef: {  	[sflag:s12] =	ssyncset.done $0x0  }
0x1f0: {  	[sflag:s12] =	ssyncadd.s32 $0xFFFFF800  }
0x1f1: {  	_ =	swait.ge [sflag:s11], $0x800  }
0x1f2: {  	[sflag:s11] =	ssyncset.done $0x0  }
0x1f3: {  	[sflag:s11] =	ssyncadd.s32 $0xFFFFF800  }
0x1f4: {  	_ =	swait.ge [sflag:s12], $0x800  }
0x1f5: {  	[sflag:s12] =	ssyncset.done $0x0  }
0x1f6: {  	[sflag:s12] =	ssyncadd.s32 $0xFFFFF800  }
0x1f7: {  	_ =	swait.ge [sflag:s11], $0x800  }
0x1f8: {  	[sflag:s11] =	ssyncset.done $0x0  }
0x1f9: {  	[sflag:s11] =	ssyncadd.s32 $0xFFFFF800  }
0x1fa: {  	_ =	swait.ge [sflag:s12], $0x800  }
0x1fb: {  	[sflag:s12] =	ssyncset.done $0x0  }
0x1fc: {  	[sflag:s12] =	ssyncadd.s32 $0xFFFFF800  }
0x1fd: {  	_ =	swait.ge [sflag:s11], $0x800  }
0x1fe: {  	[sflag:s11] =	ssyncset.done $0x0  }
0x1ff: {  	[sflag:s11] =	ssyncadd.s32 $0xFFFFF800  }
0x200: {  	_ =	swait.ge [sflag:s12], $0x800  }
0x201: {  	[sflag:s12] =	ssyncset.done $0x0  }
0x202: {  	[sflag:s12] =	ssyncadd.s32 $0xFFFFF800  }
0x203: {  	_ =	swait.ge [sflag:s11], $0x800  }
0x204: {  	[sflag:s11] =	ssyncset.done $0x0  }
0x205: {  	[sflag:s11] =	ssyncadd.s32 $0xFFFFF800  }
0x206: {  	_ =	swait.ge [sflag:s12], $0x800  }
0x207: {  	[sflag:s12] =	ssyncset.done $0x0  }
0x208: {  	[sflag:s12] =	ssyncadd.s32 $0xFFFFF800  }
0x209: {  	_ =	swait.ge [sflag:s11], $0x800  }
0x20a: {  	[sflag:s11] =	ssyncset.done $0x0  }
0x20b: {  	[sflag:s11] =	ssyncadd.s32 $0xFFFFF800  }
0x20c: {  	_ =	swait.ge [sflag:s12], $0x800  }
0x20d: {  	[sflag:s12] =	ssyncset.done $0x0  }
0x20e: {  	[sflag:s12] =	ssyncadd.s32 $0xFFFFF800  }
0x20f: {  	_ =	swait.ge [sflag:s11], $0x800  }
0x210: {  	[sflag:s11] =	ssyncset.done $0x0  }
0x211: {  	[sflag:s11] =	ssyncadd.s32 $0xFFFFF800  }
0x212: {  	_ =	swait.ge [sflag:s12], $0x800  }
0x213: {  	[sflag:s12] =	ssyncset.done $0x0  }
0x214: {  	[sflag:s12] =	ssyncadd.s32 $0xFFFFF800  }
0x215: {  	_ =	swait.ge [sflag:s11], $0x800  }
0x216: {  	[sflag:s11] =	ssyncset.done $0x0  }
0x217: {  	[sflag:s11] =	ssyncadd.s32 $0xFFFFF800  }
0x218: {  	_ =	swait.ge [sflag:s12], $0x800  }
0x219: {  	s14 =	simm.s32 $0x0;
	[sflag:s12] =	ssyncset.done $0x0  }
0x21a: {  	v2 =	vmov s14;
	[sflag:s12] =	ssyncadd.s32 $0xFFFFF800  }
0x21b: {  	v2 =	vshll.u32 v2, $0x4;
	_ =	swait.ge [sflag:s11], $0x800  }
0x21c: {  	v2 =	vor.u32 v0, v2;
	[sflag:s11] =	ssyncset.done $0x0  }
0x21d: {  	v3 =	vor.u32 $0x1, v2;
	[sflag:s11] =	ssyncadd.s32 $0xFFFFF800  }
0x21e: {  	v4 =	vor.u32 $0x2, v2;
	_ =	swait.ge [sflag:s12], $0x800  }
0x21f: {  	v5 =	vor.u32 $0x5, v2;
	[sflag:s12] =	ssyncset.done $0x0  }
0x220: {  	v6 =	vor.u32 $0x3, v2;
	[sflag:s12] =	ssyncadd.s32 $0xFFFFF800  }
0x221: {  	v7 =	vld.idx.msk [tilespmem:v2+s0+$0x0], $0xffff  }
0x222: {  	v8 =	vor.u32 $0x6, v2;
	v9 =	vld.idx.msk [tilespmem:v3+s0+$0x0], $0xffff  }
0x223: {  	v10 =	vld.idx.msk [tilespmem:v4+s2+$0x0], $0xffff  }
0x224: {  	v11 =	vld.idx.msk [tilespmem:v5+s2+$0x0], $0xffff  }
0x225: {  	v12 =	vld.idx.msk [tilespmem:v6+s2+$0x0], $0xffff  }
0x226: {  	v13 =	vld.idx.msk [tilespmem:v2+s2+$0x0], $0xffff  }
0x227: {  	v14 =	vor.u32 $0x4, v2;
	v15 =	vld.idx.msk [tilespmem:v8+s0+$0x0], $0xffff  }
0x228: {  	v16 =	vor.u32 $0x7, v2;
	v3 =	vld.idx.msk [tilespmem:v3+s2+$0x0], $0xffff  }
0x229: {  	s21 =	simm.s32 $0x10;
	v8 =	vld.idx.msk [tilespmem:v8+s2+$0x0], $0xffff  }
0x22a: {  	v18 =	vmov s21;
	v4 =	vld.idx.msk [tilespmem:v4+s0+$0x0], $0xffff  }
0x22b: {  	v18 =	vshll.u32 v18, $0x4;
	v6 =	vld.idx.msk [tilespmem:v6+s0+$0x0], $0xffff  }
0x22c: {  	v18 =	vor.u32 v0, v18;
	v17 =	vld.idx.msk [tilespmem:v14+s0+$0x0], $0xffff  }
0x22d: {  	v21 =	vor.u32 $0x1, v18;
	v19 =	vld.idx.msk [tilespmem:v16+s0+$0x0], $0xffff  }
0x22e: {  	v22 =	vor.u32 $0x2, v18;
	v16 =	vld.idx.msk [tilespmem:v16+s2+$0x0], $0xffff  }
0x22f: {  	v23 =	vor.u32 $0x5, v18;
	v14 =	vld.idx.msk [tilespmem:v14+s2+$0x0], $0xffff  }
0x230: {  	v24 =	vor.u32 $0x3, v18;
	v5 =	vld.idx.msk [tilespmem:v5+s0+$0x0], $0xffff  }
0x231: {  	v25 =	vld.idx.msk [tilespmem:v18+s0+$0x0], $0xffff  }
0x232: {  	v26 =	vor.u32 $0x6, v18;
	v27 =	vld.idx.msk [tilespmem:v21+s0+$0x0], $0xffff  }
0x233: {  	s22 =	simm.s32 $0x20;
	v28 =	vld.idx.msk [tilespmem:v22+s2+$0x0], $0xffff  }
0x234: {  	v35 =	vmov s22;
	v29 =	vld.idx.msk [tilespmem:v23+s2+$0x0], $0xffff  }
0x235: {  	v35 =	vshll.u32 v35, $0x4;
	v30 =	vld.idx.msk [tilespmem:v24+s2+$0x0], $0xffff  }
0x236: {  	v35 =	vor.u32 v0, v35;
	v31 =	vld.idx.msk [tilespmem:v18+s2+$0x0], $0xffff  }
0x237: {  	v52 =	vor.u32 $0x1, v35;
	v33 =	vld.idx.msk [tilespmem:v26+s0+$0x0], $0xffff  }
0x238: {  	v21 =	vld.idx.msk [tilespmem:v21+s2+$0x0], $0xffff  }
0x239: {  	v2 =	vor.u32 $0x8, v2;
	v26 =	vld.idx.msk [tilespmem:v26+s2+$0x0], $0xffff  }
0x23a: {  	v22 =	vld.idx.msk [tilespmem:v22+s0+$0x0], $0xffff  }
0x23b: {  	v32 =	vor.u32 $0x4, v18;
	v24 =	vld.idx.msk [tilespmem:v24+s0+$0x0], $0xffff  }
0x23c: {  	v34 =	vor.u32 $0x7, v18;
	v37 =	vld.idx.msk [tilespmem:v52+s0+$0x0], $0xffff  }
0x23d: {  	v18 =	vor.u32 $0x8, v18;
	v54 =	vld.idx.msk [tilespmem:v52+s2+$0x0], $0xffff  }
0x23e: {  	v20 =	vld.idx.msk [tilespmem:v2+s2+$0x0], $0xffff  }
0x23f: {  	v2 =	vld.idx.msk [tilespmem:v2+s0+$0x0], $0xffff  }
0x240: {  	v7 =	vsub.f32 v7, v13;
	v13 =	vld.idx.msk [tilespmem:v32+s0+$0x0], $0xffff;
	v4 =	vsub.f32 v4, v10  }
0x241: {  	v10 =	vld.idx.msk [tilespmem:v34+s0+$0x0], $0xffff;
	v8 =	vsub.f32 v15, v8;
	v16 =	vsub.f32 v19, v16  }
0x242: {  	v15 =	vld.idx.msk [tilespmem:v18+s2+$0x0], $0xffff;
	v6 =	vsub.f32 v6, v12;
	v3 =	vsub.f32 v9, v3  }
0x243: {  	v36 =	vor.u32 $0x6, v35;
	v19 =	vld.idx.msk [tilespmem:v34+s2+$0x0], $0xffff;
	v5 =	vsub.f32 v5, v11;
	v14 =	vsub.f32 v17, v14  }
0x244: {  	v9 =	vld.idx.msk [tilespmem:v18+s0+$0x0], $0xffff;
	v12 =	vor.u32 $0x2, v35;
	v26 =	vsub.f32 v33, v26;
	v24 =	vsub.f32 v24, v30  }
0x245: {  	v18 =	vld.idx.msk [tilespmem:v32+s2+$0x0], $0xffff;
	v21 =	vsub.f32 v27, v21;
	v58 =	vsub.f32 v37, v54  }
0x246: {  	v53 =	vor.u32 $0x5, v35;
	v11 =	vld.idx.msk [tilespmem:v23+s0+$0x0], $0xffff;
	v7 =	vadd.f32 $9.999999970e-07, v7;
	v4 =	vadd.f32 $9.999999970e-07, v4  }
0x247: {  	v55 =	vor.u32 $0x8, v35;
	v17 =	vld.idx.msk [tilespmem:v35+s0+$0x0], $0xffff;
	v16 =	vadd.f32 $9.999999970e-07, v16;
	v6 =	vadd.f32 $9.999999970e-07, v6  }
0x248: {  	v23 =	vor.u32 $0x3, v35;
	v30 =	vld.idx.msk [tilespmem:v36+s2+$0x0], $0xffff;
	v8 =	vadd.f32 $9.999999970e-07, v8;
	v3 =	vadd.f32 $9.999999970e-07, v3  }
0x249: {  	v5 =	vadd.f32 $9.999999970e-07, v5;
	v14 =	vadd.f32 $9.999999970e-07, v14;
	v4 =	vmul.f32 v4, v4;
	v38 =	vld.idx.msk [tilespmem:v12+s2+$0x0], $0xffff  }
0x24a: {  	v16 =	vmul.f32 v16, v16;
	v2 =	vadd.f32 v20, v2;
	v20 =	vsub.f32 v22, v28;
	v22 =	vld.idx.msk [tilespmem:v35+s2+$0x0], $0xffff  }
0x24b: {  	v6 =	vmul.f32 v6, v6;
	v8 =	vmul.f32 v8, v8;
	v10 =	vsub.f32 v10, v19;
	v19 =	vld.idx.msk [tilespmem:v36+s0+$0x0], $0xffff  }
0x24c: {  	v24 =	vadd.f32 $9.999999970e-07, v24;
	v7 =	vmul.f32 v7, v7;
	v3 =	vmul.f32 v3, v3;
	v12 =	vld.idx.msk [tilespmem:v12+s0+$0x0], $0xffff  }
0x24d: {  	v28 =	vor.u32 $0x4, v35;
	v4 =	vadd.f32 v6, v4;
	v6 =	vsub.f32 v25, v31;
	v25 =	vld.idx.msk [tilespmem:v53+s2+$0x0], $0xffff  }
0x24e: {  	v21 =	vadd.f32 $9.999999970e-07, v21;
	v8 =	vadd.f32 v16, v8;
	v16 =	vld.idx.msk [tilespmem:v23+s2+$0x0], $0xffff  }
0x24f: {  	s20 =	simm.s32 $0x30;
	v26 =	vadd.f32 $9.999999970e-07, v26;
	v31 =	vor.u32 $0x7, v35;
	v23 =	vld.idx.msk [tilespmem:v23+s0+$0x0], $0xffff;
	v7 =	vadd.f32 v3, v7  }
0x250: {  	v32 =	vadd.f32 $9.999999970e-07, v58;
	v11 =	vsub.f32 v11, v29;
	v29 =	vmov s20;
	v35 =	vld.idx.msk [tilespmem:v55+s2+$0x0], $0xffff  }
0x251: {  	v5 =	vmul.f32 v5, v5;
	v29 =	vshll.u32 v29, $0x4;
	v7 =	vadd.f32 v4, v7;
	v4 =	vld.idx.msk [tilespmem:v53+s0+$0x0], $0xffff  }
0x252: {  	v24 =	vmul.f32 v24, v24;
	v20 =	vadd.f32 $9.999999970e-07, v20;
	v29 =	vor.u32 v0, v29;
	v27 =	vld.idx.msk [tilespmem:v28+s0+$0x0], $0xffff  }
0x253: {  	v26 =	vmul.f32 v26, v26;
	v3 =	vadd.f32 v15, v9;
	v10 =	vadd.f32 $9.999999970e-07, v10;
	v15 =	vld.idx.msk [tilespmem:v28+s2+$0x0], $0xffff  }
0x254: {  	v13 =	vsub.f32 v13, v18;
	v56 =	vor.u32 $0x1, v29;
	v20 =	vmul.f32 v20, v20;
	v18 =	vld.idx.msk [tilespmem:v31+s0+$0x0], $0xffff  }
0x255: {  	v14 =	vmul.f32 v14, v14;
	v59 =	vor.u32 $0x7, v29;
	v10 =	vmul.f32 v10, v10;
	v31 =	vld.idx.msk [tilespmem:v31+s2+$0x0], $0xffff  }
0x256: {  	v9 =	vsub.f32 v17, v22;
	v17 =	vor.u32 $0x5, v29;
	v20 =	vadd.f32 v24, v20;
	v24 =	vld.idx.msk [tilespmem:v55+s0+$0x0], $0xffff  }
0x257: {  	v5 =	vadd.f32 v5, v14;
	v28 =	vor.u32 $0x6, v29;
	v10 =	vadd.f32 v10, v26;
	v26 =	vld.idx.msk [tilespmem:v29+s0+$0x0], $0xffff  }
0x258: {  	v11 =	vadd.f32 $9.999999970e-07, v11;
	v13 =	vadd.f32 $9.999999970e-07, v13;
	v61 =	vld.idx.msk [tilespmem:v29+s2+$0x0], $0xffff  }
0x259: {  	v57 =	vor.u32 $0x2, v29;
	v19 =	vsub.f32 v19, v30;
	v16 =	vsub.f32 v23, v16;
	v30 =	vld.idx.msk [tilespmem:v56+s0+$0x0], $0xffff  }
0x25a: {  	v5 =	vadd.f32 v8, v5;
	v4 =	vsub.f32 v4, v25;
	v8 =	vld.idx.msk [tilespmem:v59+s0+$0x0], $0xffff  }
0x25b: {  	v6 =	vadd.f32 $9.999999970e-07, v6;
	v22 =	vor.u32 $0x3, v29;
	v16 =	vadd.f32 $9.999999970e-07, v16;
	v60 =	vld.idx.msk [tilespmem:v17+s2+$0x0], $0xffff  }
0x25c: {  	v12 =	vsub.f32 v12, v38;
	v39 =	vadd.f32 $9.999999970e-07, v4;
	v40 =	vld.idx.msk [tilespmem:v28+s0+$0x0], $0xffff  }
0x25d: {  	v4 =	vsub.f32 v27, v15;
	v15 =	vmul.f32 v16, v16;
	v16 =	vadd.f32 $9.999999970e-07, v19;
	v19 =	vld.idx.msk [tilespmem:v28+s2+$0x0], $0xffff  }
0x25e: {  	v21 =	vmul.f32 v21, v21;
	v6 =	vmul.f32 v6, v6;
	v12 =	vadd.f32 $9.999999970e-07, v12;
	v28 =	vld.idx.msk [tilespmem:v57+s0+$0x0], $0xffff  }
0x25f: {  	v11 =	vmul.f32 v11, v11;
	v13 =	vmul.f32 v13, v13;
	v18 =	vsub.f32 v18, v31;
	v31 =	vld.idx.msk [tilespmem:v57+s2+$0x0], $0xffff  }
0x260: {  	v23 =	vor.u32 $0x4, v29;
	v6 =	vadd.f32 v21, v6;
	v12 =	vmul.f32 v12, v12;
	v25 =	vld.idx.msk [tilespmem:v22+s2+$0x0], $0xffff  }
0x261: {  	s21 =	simm.s32 $0x40;
	v27 =	vor.u32 $0x8, v29;
	v29 =	vadd.f32 $9.999999970e-07, v4;
	v14 =	vmul.f32 v16, v16;
	v16 =	vld.idx.msk [tilespmem:v22+s0+$0x0], $0xffff  }
0x262: {  	v17 =	vld.idx.msk [tilespmem:v17+s0+$0x0], $0xffff;
	v4 =	vadd.f32 v35, v24;
	v24 =	vadd.f32 v20, v6;
	v6 =	vmov s21  }
0x263: {  	v5 =	vadd.f32 v5, v7;
	v22 =	vadd.f32 v15, v12;
	v12 =	vld.idx.msk [tilespmem:v56+s2+$0x0], $0xffff;
	v6 =	vshll.u32 v6, $0x4  }
0x264: {  	v9 =	vadd.f32 $9.999999970e-07, v9;
	v20 =	vld.idx.msk [tilespmem:v59+s2+$0x0], $0xffff;
	v28 =	vsub.f32 v28, v31;
	v31 =	vor.u32 v0, v6  }
0x265: {  	v11 =	vadd.f32 v11, v13;
	v15 =	vsub.f32 v26, v61;
	v26 =	vld.idx.msk [tilespmem:v23+s0+$0x0], $0xffff  }
0x266: {  	v9 =	vmul.f32 v9, v9;
	v62 =	vld.idx.msk [tilespmem:v27+s2+$0x0], $0xffff;
	v16 =	vsub.f32 v16, v25;
	v25 =	vor.u32 $0x1, v31  }
0x267: {  	v21 =	vmul.f32 v39, v39;
	v18 =	vadd.f32 $9.999999970e-07, v18;
	v27 =	vld.idx.msk [tilespmem:v27+s0+$0x0], $0xffff;
	v7 =	vor.u32 $0x2, v31  }
0x268: {  	v6 =	vmax.f32 v5, $1.000000020e-24;
	v5 =	vld.idx.msk [tilespmem:v23+s2+$0x0], $0xffff;
	v49 =	vor.u32 $0x5, v31;
	v12 =	vsub.f32 v30, v12  }
0x269: {  	v15 =	vadd.f32 $9.999999970e-07, v15;
	v18 =	vmul.f32 v18, v18;
	v63 =	vor.u32 $0x3, v31;
	v30 =	vld.idx.msk [tilespmem:v31+s0+$0x0], $0xffff  }
0x26a: {  	v19 =	vsub.f32 v40, v19;
	v50 =	vor.u32 $0x6, v31;
	v43 =	vadd.f32 $9.999999970e-07, v12;
	v12 =	vld.idx.msk [tilespmem:v31+s2+$0x0], $0xffff  }
0x26b: {  	v8 =	vsub.f32 v8, v20;
	v20 =	vshrl.u32 v6, $0x1;
	v23 =	vmul.f32 $5.000000000e-01, v6;
	v52 =	vld.idx.msk [tilespmem:v25+s0+$0x0], $0xffff  }
0x26c: {  	v37 =	vsub.f32 v17, v60;
	v17 =	vmul.f32 v15, v15;
	v20 =	vsub.s32 $0x5F3759DF, v20;
	v41 =	vld.idx.msk [tilespmem:v7+s2+$0x0], $0xffff  }
0x26d: {  	v14 =	vadd.f32 v18, v14;
	v18 =	vmul.f32 v32, v32;
	v53 =	vmul.f32 v20, v23;
	v42 =	vld.idx.msk [tilespmem:v49+s2+$0x0], $0xffff  }
0x26e: {  	v48 =	vor.u32 $0x4, v31;
	v51 =	vor.u32 $0x7, v31;
	v19 =	vadd.f32 $9.999999970e-07, v19;
	v54 =	vld.idx.msk [tilespmem:v63+s2+$0x0], $0xffff  }
0x26f: {  	v28 =	vadd.f32 $9.999999970e-07, v28;
	v8 =	vadd.f32 $9.999999970e-07, v8;
	v40 =	vmul.f32 v20, v53;
	v55 =	vld.idx.msk [tilespmem:v50+s0+$0x0], $0xffff  }
0x270: {  	v13 =	vor.u32 $0x8, v31;
	v16 =	vadd.f32 $9.999999970e-07, v16;
	v9 =	vadd.f32 v18, v9;
	v31 =	vld.idx.msk [tilespmem:v50+s2+$0x0], $0xffff  }
0x271: {  	v18 =	vmul.f32 v19, v19;
	v5 =	vsub.f32 v26, v5;
	v7 =	vld.idx.msk [tilespmem:v7+s0+$0x0], $0xffff;
	v26 =	vsub.f32 $1.500000000e+00, v40  }
0x272: {  	v28 =	vmul.f32 v28, v28;
	v44 =	vmul.f32 v16, v16;
	v56 =	vld.idx.msk [tilespmem:v25+s2+$0x0], $0xffff  }
0x273: {  	v15 =	vadd.f32 $9.999999970e-07, v37;
	v8 =	vmul.f32 v8, v8;
	v59 =	vld.idx.msk [tilespmem:v48+s0+$0x0], $0xffff;
	v20 =	vmul.f32 v20, v26  }
0x274: {  	v25 =	vmul.f32 v43, v43;
	v60 =	vld.idx.msk [tilespmem:v49+s0+$0x0], $0xffff;
	v16 =	vadd.f32 $9.999999970e-07, v5;
	v19 =	vadd.f32 v44, v28  }
0x275: {  	v47 =	vld.idx.msk [tilespmem:v48+s2+$0x0], $0xffff;
	v5 =	vadd.f32 v62, v27;
	v28 =	vadd.f32 v10, v11;
	v10 =	vmul.f32 v20, v23  }
0x276: {  	s22 =	simm.s32 $0x50;
	v48 =	vmul.f32 v29, v29;
	v26 =	vld.idx.msk [tilespmem:v63+s0+$0x0], $0xffff;
	v27 =	vsub.f32 v30, v12;
	v12 =	vadd.f32 v8, v18  }
0x277: {  	v18 =	vadd.f32 v22, v9;
	v9 =	vld.idx.msk [tilespmem:v51+s0+$0x0], $0xffff;
	v8 =	vmul.f32 v10, v20;
	v10 =	vmov s22  }
0x278: {  	v43 =	vadd.f32 v21, v48;
	v22 =	vld.idx.msk [tilespmem:v51+s2+$0x0], $0xffff;
	v58 =	vsub.f32 v55, v31;
	v10 =	vshll.u32 v10, $0x4  }
0x279: {  	v31 =	vsub.f32 v7, v41;
	v42 =	vsub.f32 v60, v42;
	v11 =	vor.u32 v0, v10  }
0x27a: {  	v15 =	vmul.f32 v15, v15;
	v32 =	vsub.f32 v52, v56;
	v57 =	vadd.f32 $9.999999970e-07, v27  }
0x27b: {  	v7 =	vld.idx.msk [tilespmem:v13+s2+$0x0], $0xffff;
	v31 =	vadd.f32 $9.999999970e-07, v31;
	v50 =	vadd.f32 $9.999999970e-07, v42;
	v46 =	vor.u32 $0x1, v11  }
0x27c: {  	v30 =	vsub.f32 $1.500000000e+00, v8;
	v8 =	vld.idx.msk [tilespmem:v13+s0+$0x0], $0xffff;
	v13 =	vadd.f32 v28, v24;
	v27 =	vor.u32 $0x2, v11  }
0x27d: {  	v26 =	vsub.f32 v26, v54;
	v22 =	vsub.f32 v9, v22;
	v24 =	vor.u32 $0x5, v11  }
0x27e: {  	v35 =	vor.u32 $0x6, v11;
	v10 =	vmul.f32 v30, v20;
	v9 =	vmax.f32 v13, $1.000000020e-24;
	v33 =	vld.idx.msk [tilespmem:v11+s0+$0x0], $0xffff  }
0x27f: {  	v34 =	vmul.f32 v57, v57;
	v62 =	vshrl.u32 v9, $0x1;
	v13 =	vmul.f32 $5.000000000e-01, v9;
	v41 =	vld.idx.msk [tilespmem:v11+s2+$0x0], $0xffff  }
0x280: {  	v30 =	vor.u32 $0x3, v11;
	v61 =	vmul.f32 v10, v23;
	v39 =	vsub.s32 $0x5F3759DF, v62;
	v23 =	vld.idx.msk [tilespmem:v46+s0+$0x0], $0xffff  }
0x281: {  	v36 =	vadd.f32 $9.999999970e-07, v32;
	v38 =	vmul.f32 v31, v31;
	v49 =	vmul.f32 v39, v13;
	v29 =	vld.idx.msk [tilespmem:v27+s2+$0x0], $0xffff  }
0x282: {  	v21 =	vmul.f32 v50, v50;
	v45 =	vadd.f32 $9.999999970e-07, v26;
	v63 =	vadd.f32 $9.999999970e-07, v22;
	v22 =	vld.idx.msk [tilespmem:v24+s2+$0x0], $0xffff  }
0x283: {  	v28 =	vor.u32 $0x7, v11;
	v20 =	vor.u32 $0x4, v11;
	v40 =	vld.idx.msk [tilespmem:v35+s0+$0x0], $0xffff;
	v49 =	vmul.f32 v39, v49  }
0x284: {  	v42 =	vmul.f32 v45, v45;
	v45 =	vadd.f32 $9.999999970e-07, v58;
	v26 =	vmul.f32 v61, v10;
	v32 =	vld.idx.msk [tilespmem:v46+s2+$0x0], $0xffff  }
0x285: {  	s14 =	simm.s32 $0x60;
	v37 =	vmul.f32 v63, v63;
	v46 =	vsub.f32 v59, v47;
	v31 =	vld.idx.msk [tilespmem:v30+s2+$0x0], $0xffff;
	v44 =	vsub.f32 $1.500000000e+00, v49  }
.LBB2_7:
0x286: {  	p0 =	sne.s32 s14, $0x670;
	v35 =	vld.idx.msk [tilespmem:v35+s2+$0x0], $0xffff;
	v11 =	vor.u32 $0x8, v11;
	v45 =	vmul.f32 v45, v45;
	v26 =	vsub.f32 $1.500000000e+00, v26;
	s20 =	smov.u32 s14;
	s14 =	sadd.s32 $0x10, s14  }
0x287: {  	v25 =	vadd.f32 v25, v17;
	v17 =	vmovc v34;
	v27 =	vld.idx.msk [tilespmem:v27+s0+$0x0], $0xffff;
	v46 =	vadd.f32 $9.999999970e-07, v46;
	v39 =	vmul.f32 v39, v44  }
0x288: {  	v34 =	vadd.f32 v42, v38;
	v38 =	vadd.f32 v7, v8;
	v30 =	vld.idx.msk [tilespmem:v30+s0+$0x0], $0xffff;
	v7 =	vmul.f32 v26, v10  }
0x289: {  	v8 =	vsub.f32 v33, v41;
	v26 =	vadd.f32 v14, v43;
	v44 =	vld.idx.msk [tilespmem:v20+s0+$0x0], $0xffff;
	v10 =	vmul.f32 v39, v13  }
0x28a: {  	v37 =	vadd.f32 v37, v45;
	v41 =	vadd.f32 v19, v25;
	v33 =	vld.idx.msk [tilespmem:v28+s0+$0x0], $0xffff;
	v6 =	vmul.f32 v7, v6  }
0x28b: {  	v25 =	vmul.f32 v36, v36;
	v19 =	vmovc v34;
	v42 =	vadd.f32 $9.999999970e-07, v8;
	v7 =	vld.idx.msk [tilespmem:v11+s2+$0x0], $0xffff;
	v10 =	vmul.f32 v10, v39  }
0x28c: {  	v8 =	vmov s20;
	v43 =	vsub.f32 v40, v35;
	v28 =	vld.idx.msk [tilespmem:v28+s2+$0x0], $0xffff;
	v6 =	vsub.f32 v2, v6;
	v2 =	vmovc v3;
	v3 =	vmovc v4  }
0x28d: {  	v35 =	vshll.u32 v8, $0x4;
	v29 =	vsub.f32 v27, v29;
	v4 =	vmovc v5;
	v5 =	vmovc v38;
	v8 =	vld.idx.msk [tilespmem:v11+s0+$0x0], $0xffff;
	v10 =	vsub.f32 $1.500000000e+00, v10  }
0x28e: {  	v11 =	vor.u32 v0, v35;
	v31 =	vsub.f32 v30, v31;
	v47 =	vld.idx.msk [tilespmem:v20+s2+$0x0], $0xffff;
	v1 =	vadd.f32 v6, v1  }
0x28f: {  	v14 =	vmovc v12;
	v12 =	vmovc v37;
	v48 =	vor.u32 $0x1, v11;
	v27 =	vor.u32 $0x2, v11;
	v34 =	vld.idx.msk [tilespmem:v24+s0+$0x0], $0xffff;
	v10 =	vmul.f32 v10, v39  }
0x290: {  	v26 =	vadd.f32 v26, v18;
	v18 =	vmovc v41;
	v30 =	vor.u32 $0x3, v11;
	v20 =	vor.u32 $0x4, v11;
	v6 =	vmovc v9  }
0x291: {  	v35 =	vor.u32 $0x6, v11;
	v24 =	vor.u32 $0x5, v11;
	v40 =	vmul.f32 v10, v13  }
0x292: {  	v32 =	vsub.f32 v23, v32;
	v9 =	vmax.f32 v26, $1.000000020e-24;
	v13 =	vsub.f32 v33, v28  }
0x293: {  	v26 =	vadd.f32 $9.999999970e-07, v29;
	v28 =	vor.u32 $0x7, v11;
	v36 =	vshrl.u32 v9, $0x1;
	v33 =	vld.idx.msk [tilespmem:v11+s0+$0x0], $0xffff  }
0x294: {  	v49 =	vmul.f32 v16, v16;
	v16 =	vmovc v46;
	v37 =	vadd.f32 $9.999999970e-07, v13;
	v13 =	vmul.f32 $5.000000000e-01, v9;
	v23 =	vld.idx.msk [tilespmem:v48+s0+$0x0], $0xffff  }
0x295: {  	v45 =	vadd.f32 $9.999999970e-07, v31;
	v38 =	vmul.f32 v26, v26;
	v39 =	vsub.s32 $0x5F3759DF, v36;
	v29 =	vld.idx.msk [tilespmem:v27+s2+$0x0], $0xffff  }
.Ltmp2:
0x296: {  	v46 =	vsub.f32 v34, v22;
	v37 =	vmul.f32 v37, v37;
	v50 =	vmul.f32 v39, v13;
	v22 =	vld.idx.msk [tilespmem:v24+s2+$0x0], $0xffff;
	(pc) =	sbr.rel @p0 .LBB2_7-.Ltmp2, $4  }
0x297: {  	v36 =	vadd.f32 $9.999999970e-07, v32;
	v26 =	vmul.f32 v40, v10;
	v34 =	vmul.f32 v42, v42;
	v31 =	vld.idx.msk [tilespmem:v30+s2+$0x0], $0xffff  }
0x298: {  	v42 =	vmul.f32 v45, v45;
	v51 =	vadd.f32 $9.999999970e-07, v46;
	v50 =	vmul.f32 v39, v50;
	v41 =	vld.idx.msk [tilespmem:v11+s2+$0x0], $0xffff  }
0x299: {  	v45 =	vadd.f32 $9.999999970e-07, v43;
	v43 =	vadd.f32 v15, v49;
	v15 =	vmov v21;
	v40 =	vld.idx.msk [tilespmem:v35+s0+$0x0], $0xffff  }
0x29a: {  	v46 =	vsub.f32 v44, v47;
	v21 =	vmul.f32 v51, v51;
	v44 =	vsub.f32 $1.500000000e+00, v50;
	v32 =	vld.idx.msk [tilespmem:v48+s2+$0x0], $0xffff  }
0x29b: {  	_ =	sdelay $0x3  }
0x29c: {  	v35 =	vld.idx.msk [tilespmem:v35+s2+$0x0], $0xffff  }
0x29d: {  	v27 =	vld.idx.msk [tilespmem:v27+s0+$0x0], $0xffff  }
0x29e: {  	v30 =	vld.idx.msk [tilespmem:v30+s0+$0x0], $0xffff;
	v17 =	vadd.f32 v25, v17  }
0x29f: {  	v53 =	vld.idx.msk [tilespmem:v28+s0+$0x0], $0xffff;
	v45 =	vmul.f32 v45, v45;
	v38 =	vadd.f32 v42, v38;
	v14 =	vadd.f32 v14, v43  }
0x2a0: {  	v54 =	vld.idx.msk [tilespmem:v28+s2+$0x0], $0xffff;
	v16 =	vmul.f32 v16, v16;
	v46 =	vadd.f32 $9.999999970e-07, v46;
	v33 =	vsub.f32 v33, v41  }
0x2a1: {  	v55 =	vld.idx.msk [tilespmem:v24+s0+$0x0], $0xffff;
	v60 =	vmul.f32 v36, v36;
	v37 =	vadd.f32 v37, v45;
	v17 =	vadd.f32 v19, v17  }
0x2a2: {  	v58 =	vld.idx.msk [tilespmem:v20+s0+$0x0], $0xffff;
	v14 =	vadd.f32 v14, v18;
	v15 =	vadd.f32 v15, v16  }
0x2a3: {  	v62 =	vld.idx.msk [tilespmem:v20+s2+$0x0], $0xffff;
	v39 =	vmul.f32 v39, v44;
	v18 =	vadd.f32 v60, v34;
	v56 =	vadd.f32 $9.999999970e-07, v33  }
0x2a4: {  	v23 =	vsub.f32 v23, v32;
	v12 =	vadd.f32 v12, v15  }
0x2a5: {  	v59 =	vmul.f32 v39, v13;
	v18 =	vadd.f32 v38, v18;
	v57 =	vsub.f32 v40, v35  }
0x2a6: {  	v43 =	vmul.f32 v46, v46;
	v27 =	vsub.f32 v27, v29;
	v61 =	vsub.f32 v30, v31  }
0x2a7: {  	v14 =	vmax.f32 v14, $1.000000020e-24;
	v25 =	vsub.f32 v53, v54;
	v19 =	vsub.f32 v55, v22  }
0x2a8: {  	v63 =	vshrl.u32 v14, $0x1;
	v20 =	vsub.f32 v58, v62;
	v15 =	vadd.f32 v21, v43  }
0x2a9: {  	v28 =	vmul.f32 $5.000000000e-01, v14;
	v23 =	vadd.f32 $9.999999970e-07, v23;
	v27 =	vadd.f32 $9.999999970e-07, v27  }
0x2aa: {  	v24 =	vmul.f32 v56, v56;
	v25 =	vadd.f32 $9.999999970e-07, v25;
	v29 =	vadd.f32 $9.999999970e-07, v61  }
0x2ab: {  	v19 =	vadd.f32 $9.999999970e-07, v19;
	v36 =	vadd.f32 $9.999999970e-07, v57;
	v23 =	vmul.f32 v23, v23  }
0x2ac: {  	v20 =	vadd.f32 $9.999999970e-07, v20;
	v27 =	vmul.f32 v27, v27;
	v25 =	vmul.f32 v25, v25  }
0x2ad: {  	v12 =	vadd.f32 v12, v17;
	v29 =	vmul.f32 v29, v29;
	v41 =	vmul.f32 v19, v19  }
0x2ae: {  	v15 =	vadd.f32 v37, v15;
	v42 =	vmul.f32 v36, v36;
	v44 =	vmul.f32 v20, v20  }
0x2af: {  	v45 =	vsub.s32 $0x5F3759DF, v63;
	v46 =	vadd.f32 v23, v24;
	v27 =	vadd.f32 v29, v27  }
0x2b0: {  	v12 =	vmax.f32 v12, $1.000000020e-24;
	v19 =	vadd.f32 v25, v42;
	v16 =	vadd.f32 v41, v44  }
0x2b1: {  	v47 =	vmul.f32 v45, v28;
	v48 =	vshrl.u32 v12, $0x1;
	v15 =	vadd.f32 v15, v18  }
0x2b2: {  	v49 =	vmul.f32 $5.000000000e-01, v12;
	v21 =	vadd.f32 v27, v46;
	v16 =	vadd.f32 v19, v16  }
0x2b3: {  	v50 =	vmul.f32 v59, v39;
	v17 =	vmul.f32 v45, v47;
	v51 =	vsub.s32 $0x5F3759DF, v48  }
0x2b4: {  	v22 =	vmul.f32 v51, v49;
	v15 =	vmax.f32 v15, $1.000000020e-24;
	v16 =	vadd.f32 v16, v21  }
0x2b5: {  	v17 =	vsub.f32 $1.500000000e+00, v17;
	v52 =	vshrl.u32 v15, $0x1;
	v53 =	vmul.f32 $5.000000000e-01, v15  }
0x2b6: {  	v22 =	vmul.f32 v51, v22;
	v21 =	vsub.s32 $0x5F3759DF, v52;
	v16 =	vmax.f32 v16, $1.000000020e-24  }
0x2b7: {  	v54 =	vmul.f32 v21, v53;
	v55 =	vshrl.u32 v16, $0x1;
	v56 =	vmul.f32 $5.000000000e-01, v16  }
0x2b8: {  	v17 =	vmul.f32 v45, v17;
	v57 =	vsub.f32 $1.500000000e+00, v22;
	v58 =	vsub.s32 $0x5F3759DF, v55  }
0x2b9: {  	v18 =	vsub.f32 $1.500000000e+00, v50;
	v25 =	vmul.f32 v21, v54;
	v27 =	vmul.f32 v58, v56  }
0x2ba: {  	v59 =	vmul.f32 v17, v28;
	v19 =	vmul.f32 v51, v57  }
0x2bb: {  	v18 =	vmul.f32 v18, v39;
	v60 =	vsub.f32 $1.500000000e+00, v25;
	v61 =	vmul.f32 v58, v27  }
0x2bc: {  	v62 =	vmul.f32 v59, v17;
	v63 =	vmul.f32 v19, v49  }
0x2bd: {  	v20 =	vmul.f32 v21, v60;
	v33 =	vsub.f32 $1.500000000e+00, v61  }
0x2be: {  	v34 =	vmul.f32 v18, v13;
	v35 =	vsub.f32 $1.500000000e+00, v62;
	v36 =	vmul.f32 v63, v19  }
0x2bf: {  	v37 =	vmul.f32 v20, v53;
	v21 =	vmul.f32 v58, v33  }
0x2c0: {  	v13 =	vmul.f32 v34, v18;
	v17 =	vmul.f32 v35, v17;
	v38 =	vsub.f32 $1.500000000e+00, v36  }
0x2c1: {  	v39 =	vsub.f32 $1.500000000e+00, v26;
	v40 =	vmul.f32 v37, v20;
	v41 =	vmul.f32 v21, v56  }
0x2c2: {  	v11 =	vor.u32 $0x8, v11;
	v28 =	vmul.f32 v17, v28;
	v19 =	vmul.f32 v38, v19  }
0x2c3: {  	v10 =	vmul.f32 v39, v10;
	v42 =	vsub.f32 $1.500000000e+00, v40;
	v43 =	vmul.f32 v41, v21  }
0x2c4: {  	v13 =	vsub.f32 $1.500000000e+00, v13;
	v44 =	vmul.f32 v28, v17;
	v23 =	vmul.f32 v19, v49  }
0x2c5: {  	v6 =	vmul.f32 v10, v6;
	v45 =	vmul.f32 v42, v20;
	v46 =	vsub.f32 $1.500000000e+00, v43  }
0x2c6: {  	v13 =	vmul.f32 v13, v18;
	v47 =	vsub.f32 $1.500000000e+00, v44;
	v48 =	vmul.f32 v23, v19  }
0x2c7: {  	v2 =	vsub.f32 v2, v6;
	v49 =	vmul.f32 v45, v53;
	v20 =	vmul.f32 v46, v21  }
0x2c8: {  	v50 =	vmul.f32 v13, v9;
	v51 =	vmul.f32 v47, v17;
	v52 =	vsub.f32 $1.500000000e+00, v48  }
0x2c9: {  	v1 =	vadd.f32 v2, v1;
	v53 =	vmul.f32 v49, v45;
	v54 =	vmul.f32 v20, v56  }
0x2ca: {  	v2 =	vsub.f32 v3, v50;
	v3 =	vmul.f32 v51, v14;
	v57 =	vmul.f32 v52, v19  }
0x2cb: {  	v55 =	vld.idx.msk [tilespmem:v11+s2+$0x0], $0xffff;
	v58 =	vsub.f32 $1.500000000e+00, v53;
	v59 =	vmul.f32 v54, v20  }
0x2cc: {  	v1 =	vadd.f32 v2, v1;
	v2 =	vsub.f32 v4, v3;
	v3 =	vmul.f32 v57, v12;
	v56 =	vld.idx.msk [tilespmem:v11+s0+$0x0], $0xffff  }
0x2cd: {  	v60 =	vmul.f32 v58, v45;
	v61 =	vsub.f32 $1.500000000e+00, v59  }
0x2ce: {  	v1 =	vadd.f32 v2, v1;
	v2 =	vsub.f32 v5, v3  }
0x2cf: {  	v7 =	vadd.f32 v7, v8;
	s13 =	sadd.s32 $0x1, s13;
	v3 =	vmul.f32 v60, v15;
	v62 =	vmul.f32 v61, v20  }
0x2d0: {  	p0 =	sne.s32 s13, $0xF;
	v1 =	vadd.f32 v2, v1  }
.Ltmp3:
0x2d1: {  	v63 =	vadd.f32 v55, v56;
	v2 =	vsub.f32 v7, v3;
	v3 =	vmul.f32 v62, v16;
	(pc) =	sbr.rel @p0 .LBB2_2-.Ltmp3, $3  }
0x2d2: {  	_ = 	snop  }
0x2d3: {  	v1 =	vadd.f32 v2, v1;
	v2 =	vsub.f32 v63, v3;
	_ =	sdelay $0x1  }
0x2d4: {  	v1 =	vadd.f32 v2, v1  }
0x2d5: {  	s13 =	simm.s32 $0x0;
	s14 =	rddreg [dreg:$0x7]  }
0x2d6: {  	[tilespmem:s13], [sflag:$0x5] =	stream.linear.gather [hbm4b:s14+s13], $0x50, $0x38;
	[tilespmem:$0x1BA10] =	vst v63  }
0x2d7: {  	_ =	swait.ge [sflag:s15], $0x50  }
0x2d8: {  	[sflag:s15] =	ssyncset.done $0x0  }
0x2d9: {  	s22 =	rddreg [dreg:$0x8];
	[sflag:s15] =	ssyncadd.s32 $0xFFFFFFB0  }
0x2da: {  	[tilespmem:s16], [sflag:$0x5] =	stream.linear.gather [hbm4b:s22+s13], $0x50, $0x38;
	[tilespmem:$0x1BA10] =	vst v63  }
0x2db: {  	_ =	swait.ge [sflag:s15], $0x50  }
0x2dc: {  	[sflag:s15] =	ssyncset.done $0x0  }
0x2dd: {  	s20 =	simm.s32 $0x50;
	[sflag:s15] =	ssyncadd.s32 $0xFFFFFFB0  }
0x2de: {  	[tilespmem:s18], [sflag:$0x1] =	stream.indirect.gather [hbm4b:s5+s20], $0x10, s13, s20, $0xb8;
	[tilespmem:$0x1BA10] =	vst v63  }
0x2df: {  	_ = 	snop  }
0x2e0: {  	v2 =	vmov s13;
	[tilespmem:s19], [sflag:$0x2] =	stream.indirect.gather [hbm4b:s6+s20], $0x10, s16, s20, $0xb8;
	[tilespmem:$0x1BA10] =	vst v63  }
0x2e1: {  	v2 =	vshll.u32 v2, $0x4;
	_ =	swait.ge [sflag:s7], $0x500  }
0x2e2: {  	v5 =	vor.u32 v0, v2;
	[sflag:s7] =	ssyncset.done $0x0  }
0x2e3: {  	[sflag:s7] =	ssyncadd.s32 $0xFFFFFB00  }
0x2e4: {  	v2 =	vor.u32 $0x1, v5;
	_ =	swait.ge [sflag:s8], $0x500  }
0x2e5: {  	[sflag:s8] =	ssyncset.done $0x0  }
0x2e6: {  	v3 =	vor.u32 $0x2, v5;
	[sflag:s8] =	ssyncadd.s32 $0xFFFFFB00  }
0x2e7: {  	v4 =	vld.idx.msk [tilespmem:v5+s18+$0x0], $0xffff  }
0x2e8: {  	v7 =	vor.u32 $0x3, v5;
	v6 =	vld.idx.msk [tilespmem:v5+s19+$0x0], $0xffff  }
0x2e9: {  	v8 =	vld.idx.msk [tilespmem:v2+s18+$0x0], $0xffff  }
0x2ea: {  	v9 =	vor.u32 $0x4, v5;
	v10 =	vld.idx.msk [tilespmem:v2+s19+$0x0], $0xffff  }
0x2eb: {  	v11 =	vld.idx.msk [tilespmem:v3+s18+$0x0], $0xffff  }
0x2ec: {  	v13 =	vor.u32 $0x6, v5;
	v3 =	vld.idx.msk [tilespmem:v3+s19+$0x0], $0xffff  }
0x2ed: {  	v12 =	vld.idx.msk [tilespmem:v7+s18+$0x0], $0xffff  }
0x2ee: {  	v15 =	vor.u32 $0x7, v5;
	v7 =	vld.idx.msk [tilespmem:v7+s19+$0x0], $0xffff  }
0x2ef: {  	v14 =	vld.idx.msk [tilespmem:v9+s18+$0x0], $0xffff  }
0x2f0: {  	v2 =	vor.u32 $0x5, v5;
	v9 =	vld.idx.msk [tilespmem:v9+s19+$0x0], $0xffff  }
0x2f1: {  	v18 =	vld.idx.msk [tilespmem:v13+s18+$0x0], $0xffff  }
0x2f2: {  	v13 =	vld.idx.msk [tilespmem:v13+s19+$0x0], $0xffff  }
0x2f3: {  	v19 =	vld.idx.msk [tilespmem:v15+s18+$0x0], $0xffff  }
0x2f4: {  	v15 =	vld.idx.msk [tilespmem:v15+s19+$0x0], $0xffff  }
0x2f5: {  	s21 =	simm.s32 $0x10;
	v16 =	vld.idx.msk [tilespmem:v2+s18+$0x0], $0xffff  }
0x2f6: {  	v17 =	vld.idx.msk [tilespmem:v2+s19+$0x0], $0xffff;
	v2 =	vmov s21;
	v4 =	vsub.f32 v4, v6  }
0x2f7: {  	v6 =	vsub.f32 v8, v10;
	v3 =	vsub.f32 v11, v3;
	v2 =	vshll.u32 v2, $0x4  }
0x2f8: {  	v7 =	vsub.f32 v12, v7;
	v8 =	vsub.f32 v14, v9;
	v2 =	vor.u32 v0, v2  }
0x2f9: {  	v11 =	vsub.f32 v18, v13;
	v13 =	vsub.f32 v19, v15  }
0x2fa: {  	v4 =	vadd.f32 $9.999999970e-07, v4;
	v6 =	vadd.f32 $9.999999970e-07, v6;
	v9 =	vor.u32 $0x1, v2  }
0x2fb: {  	v3 =	vadd.f32 $9.999999970e-07, v3;
	v7 =	vadd.f32 $9.999999970e-07, v7  }
0x2fc: {  	v8 =	vadd.f32 $9.999999970e-07, v8;
	v11 =	vadd.f32 $9.999999970e-07, v11;
	v12 =	vor.u32 $0x2, v2  }
0x2fd: {  	v13 =	vadd.f32 $9.999999970e-07, v13;
	v10 =	vsub.f32 v16, v17;
	v15 =	vld.idx.msk [tilespmem:v2+s18+$0x0], $0xffff  }
0x2fe: {  	v14 =	vor.u32 $0x3, v2;
	v4 =	vmul.f32 v4, v4;
	v6 =	vmul.f32 v6, v6;
	v17 =	vld.idx.msk [tilespmem:v2+s19+$0x0], $0xffff  }
0x2ff: {  	v3 =	vmul.f32 v3, v3;
	v7 =	vmul.f32 v7, v7;
	v10 =	vadd.f32 $9.999999970e-07, v10;
	v18 =	vld.idx.msk [tilespmem:v9+s18+$0x0], $0xffff  }
0x300: {  	v8 =	vmul.f32 v8, v8;
	v11 =	vmul.f32 v11, v11;
	v16 =	vor.u32 $0x4, v2;
	v9 =	vld.idx.msk [tilespmem:v9+s19+$0x0], $0xffff  }
0x301: {  	v13 =	vmul.f32 v13, v13;
	v19 =	vld.idx.msk [tilespmem:v12+s18+$0x0], $0xffff;
	v10 =	vmul.f32 v10, v10  }
0x302: {  	v20 =	vor.u32 $0x5, v2;
	v4 =	vadd.f32 v6, v4;
	v3 =	vadd.f32 v7, v3;
	v12 =	vld.idx.msk [tilespmem:v12+s19+$0x0], $0xffff  }
0x303: {  	v21 =	vld.idx.msk [tilespmem:v14+s18+$0x0], $0xffff;
	v8 =	vadd.f32 v10, v8;
	v10 =	vadd.f32 v13, v11  }
0x304: {  	v6 =	vld.idx.msk [tilespmem:v14+s19+$0x0], $0xffff;
	v14 =	vor.u32 $0x7, v2  }
0x305: {  	v3 =	vadd.f32 v3, v4;
	v11 =	vld.idx.msk [tilespmem:v16+s18+$0x0], $0xffff;
	v4 =	vadd.f32 v10, v8  }
0x306: {  	v7 =	vor.u32 $0x6, v2;
	v13 =	vld.idx.msk [tilespmem:v16+s19+$0x0], $0xffff  }
0x307: {  	v8 =	vld.idx.msk [tilespmem:v20+s18+$0x0], $0xffff;
	v3 =	vadd.f32 v4, v3  }
0x308: {  	v10 =	vld.idx.msk [tilespmem:v20+s19+$0x0], $0xffff  }
0x309: {  	v23 =	vor.u32 $0x8, v5;
	s22 =	simm.s32 $0x20;
	v5 =	vsub.f32 v15, v17;
	v20 =	vld.idx.msk [tilespmem:v14+s18+$0x0], $0xffff;
	v3 =	vmax.f32 v3, $1.000000020e-24  }
0x30a: {  	v14 =	vld.idx.msk [tilespmem:v14+s19+$0x0], $0xffff;
	v4 =	vmov s22;
	v22 =	vshrl.u32 v3, $0x1;
	v25 =	vmul.f32 $5.000000000e-01, v3  }
0x30b: {  	v16 =	vld.idx.msk [tilespmem:v7+s18+$0x0], $0xffff;
	v9 =	vsub.f32 v18, v9;
	v4 =	vshll.u32 v4, $0x4;
	v22 =	vsub.s32 $0x5F3759DF, v22  }
0x30c: {  	v7 =	vld.idx.msk [tilespmem:v7+s19+$0x0], $0xffff;
	v12 =	vsub.f32 v19, v12;
	v4 =	vor.u32 v0, v4;
	v15 =	vmul.f32 v22, v25  }
0x30d: {  	v17 =	vsub.f32 v21, v6;
	v9 =	vadd.f32 $9.999999970e-07, v9  }
0x30e: {  	v11 =	vsub.f32 v11, v13;
	v13 =	vor.u32 $0x1, v4;
	v6 =	vmul.f32 v22, v15  }
0x30f: {  	v12 =	vadd.f32 $9.999999970e-07, v12;
	v18 =	vor.u32 $0x2, v4;
	v14 =	vsub.f32 v20, v14  }
0x310: {  	v20 =	vadd.f32 $9.999999970e-07, v5;
	v5 =	vld.idx.msk [tilespmem:v23+s18+$0x0], $0xffff;
	v6 =	vsub.f32 $1.500000000e+00, v6  }
0x311: {  	v17 =	vadd.f32 $9.999999970e-07, v17;
	v16 =	vsub.f32 v16, v7;
	v7 =	vld.idx.msk [tilespmem:v4+s18+$0x0], $0xffff  }
0x312: {  	v9 =	vmul.f32 v9, v9;
	v15 =	vsub.f32 v8, v10;
	v8 =	vld.idx.msk [tilespmem:v4+s19+$0x0], $0xffff;
	v21 =	vmul.f32 v22, v6  }
0x313: {  	v26 =	vmul.f32 v12, v12;
	v17 =	vmul.f32 v17, v17;
	v19 =	vor.u32 $0x3, v4;
	v10 =	vld.idx.msk [tilespmem:v13+s18+$0x0], $0xffff  }
0x314: {  	v16 =	vadd.f32 $9.999999970e-07, v16;
	v28 =	vor.u32 $0x5, v4;
	v12 =	vld.idx.msk [tilespmem:v18+s18+$0x0], $0xffff;
	v24 =	vmul.f32 v21, v25  }
0x315: {  	v20 =	vmul.f32 v20, v20;
	v15 =	vadd.f32 $9.999999970e-07, v15;
	v6 =	vld.idx.msk [tilespmem:v23+s19+$0x0], $0xffff;
	v23 =	vadd.f32 $9.999999970e-07, v11  }
0x316: {  	v27 =	vadd.f32 $9.999999970e-07, v14;
	v22 =	vor.u32 $0x4, v4;
	v11 =	vld.idx.msk [tilespmem:v13+s19+$0x0], $0xffff;
	v24 =	vmul.f32 v24, v21  }
0x317: {  	v13 =	vld.idx.msk [tilespmem:v18+s19+$0x0], $0xffff;
	v18 =	vmul.f32 v23, v23;
	v23 =	vmul.f32 v15, v15  }
0x318: {  	v16 =	vmul.f32 v16, v16;
	v27 =	vmul.f32 v27, v27;
	v14 =	vld.idx.msk [tilespmem:v19+s18+$0x0], $0xffff;
	v24 =	vsub.f32 $1.500000000e+00, v24  }
0x319: {  	v26 =	vadd.f32 v17, v26;
	v15 =	vld.idx.msk [tilespmem:v19+s19+$0x0], $0xffff;
	v29 =	vadd.f32 v23, v18;
	v23 =	vor.u32 $0x6, v4  }
0x31a: {  	v20 =	vadd.f32 v9, v20;
	v16 =	vadd.f32 v27, v16;
	v19 =	vld.idx.msk [tilespmem:v28+s18+$0x0], $0xffff;
	v9 =	vmul.f32 v24, v21  }
0x31b: {  	v17 =	vld.idx.msk [tilespmem:v22+s18+$0x0], $0xffff;
	v24 =	vor.u32 $0x7, v4  }
0x31c: {  	v18 =	vld.idx.msk [tilespmem:v22+s19+$0x0], $0xffff;
	v22 =	vadd.f32 v16, v29;
	v21 =	vadd.f32 v26, v20;
	v16 =	vmul.f32 v9, v25  }
0x31d: {  	s13 =	simm.s32 $0x30;
	v20 =	vld.idx.msk [tilespmem:v28+s19+$0x0], $0xffff  }
.LBB2_10:
0x31e: {  	v25 =	vmov s13;
	p0 =	sne.s32 s13, $0x40;
	v26 =	vld.idx.msk [tilespmem:v23+s18+$0x0], $0xffff;
	v21 =	vadd.f32 v22, v21;
	v16 =	vmul.f32 v16, v9  }
0x31f: {  	v22 =	vshll.u32 v25, $0x4;
	v23 =	vld.idx.msk [tilespmem:v23+s19+$0x0], $0xffff  }
0x320: {  	v22 =	vor.u32 v0, v22;
	v25 =	vld.idx.msk [tilespmem:v24+s18+$0x0], $0xffff;
	v21 =	vmax.f32 v21, $1.000000020e-24;
	v16 =	vsub.f32 $1.500000000e+00, v16  }
0x321: {  	v27 =	vor.u32 $0x8, v2;
	v2 =	vmovc v4;
	v24 =	vld.idx.msk [tilespmem:v24+s19+$0x0], $0xffff;
	v28 =	vshrl.u32 v21, $0x1;
	v29 =	vmul.f32 $5.000000000e-01, v21;
	v4 =	vmovc v22  }
0x322: {  	v22 =	vsub.f32 v7, v8;
	v28 =	vsub.s32 $0x5F3759DF, v28;
	v7 =	vmul.f32 v16, v9  }
0x323: {  	v5 =	vadd.f32 v6, v5;
	v9 =	vsub.f32 v10, v11;
	v8 =	vmul.f32 v28, v29  }
0x324: {  	v6 =	vsub.f32 v12, v13;
	v10 =	vsub.f32 v14, v15;
	v7 =	vmul.f32 v7, v3;
	v3 =	vmovc v21  }
0x325: {  	v11 =	vsub.f32 v17, v18;
	v12 =	vsub.f32 v19, v20;
	v8 =	vmul.f32 v28, v8  }
0x326: {  	v13 =	vor.u32 $0x1, v4;
	v14 =	vsub.f32 v26, v23;
	v5 =	vsub.f32 v5, v7  }
0x327: {  	v15 =	vor.u32 $0x2, v4;
	v16 =	vsub.f32 v25, v24;
	v7 =	vld.idx.msk [tilespmem:v4+s18+$0x0], $0xffff;
	v17 =	vsub.f32 $1.500000000e+00, v8  }
0x328: {  	v18 =	vor.u32 $0x3, v4;
	v19 =	vadd.f32 $9.999999970e-07, v22;
	v8 =	vld.idx.msk [tilespmem:v4+s19+$0x0], $0xffff;
	v1 =	vadd.f32 v5, v1  }
0x329: {  	v20 =	vadd.f32 $9.999999970e-07, v6;
	v9 =	vadd.f32 $9.999999970e-07, v9;
	v5 =	vld.idx.msk [tilespmem:v27+s18+$0x0], $0xffff;
	v21 =	vmul.f32 v28, v17  }
0x32a: {  	v22 =	vor.u32 $0x4, v4;
	v23 =	vadd.f32 $9.999999970e-07, v11;
	v17 =	vadd.f32 $9.999999970e-07, v10;
	v6 =	vld.idx.msk [tilespmem:v27+s19+$0x0], $0xffff  }
0x32b: {  	v19 =	vmul.f32 v19, v19;
	v24 =	vadd.f32 $9.999999970e-07, v12;
	v10 =	vld.idx.msk [tilespmem:v13+s18+$0x0], $0xffff;
	v25 =	vmul.f32 v21, v29  }
0x32c: {  	v20 =	vmul.f32 v20, v20;
	v9 =	vmul.f32 v9, v9;
	v26 =	vadd.f32 $9.999999970e-07, v14;
	v11 =	vld.idx.msk [tilespmem:v13+s19+$0x0], $0xffff  }
0x32d: {  	v16 =	vadd.f32 $9.999999970e-07, v16;
	v17 =	vmul.f32 v17, v17;
	v12 =	vld.idx.msk [tilespmem:v15+s18+$0x0], $0xffff;
	v25 =	vmul.f32 v25, v21  }
0x32e: {  	v24 =	vmul.f32 v24, v24;
	v28 =	vmul.f32 v23, v23;
	v27 =	vor.u32 $0x5, v4;
	v13 =	vld.idx.msk [tilespmem:v15+s19+$0x0], $0xffff  }
0x32f: {  	v26 =	vmul.f32 v26, v26;
	v16 =	vmul.f32 v16, v16;
	v14 =	vld.idx.msk [tilespmem:v18+s18+$0x0], $0xffff;
	v25 =	vsub.f32 $1.500000000e+00, v25  }
.Ltmp4:
0x330: {  	v30 =	vadd.f32 v9, v19;
	v23 =	vor.u32 $0x6, v4;
	v20 =	vadd.f32 v17, v20;
	v15 =	vld.idx.msk [tilespmem:v18+s19+$0x0], $0xffff;
	(pc) =	sbr.rel @p0 .LBB2_10-.Ltmp4, $4  }
0x331: {  	v28 =	vadd.f32 v24, v28;
	v16 =	vadd.f32 v16, v26;
	v17 =	vld.idx.msk [tilespmem:v22+s18+$0x0], $0xffff;
	v9 =	vmul.f32 v25, v21  }
0x332: {  	v24 =	vor.u32 $0x7, v4;
	v18 =	vld.idx.msk [tilespmem:v22+s19+$0x0], $0xffff  }
0x333: {  	v21 =	vadd.f32 v20, v30;
	v22 =	vadd.f32 v16, v28;
	v19 =	vld.idx.msk [tilespmem:v27+s18+$0x0], $0xffff;
	v16 =	vmul.f32 v9, v29  }
0x334: {  	s13 =	sadd.s32 $0x10, s13;
	v20 =	vld.idx.msk [tilespmem:v27+s19+$0x0], $0xffff  }
0x335: {  	_ =	sdelay $0x3  }
0x336: {  	v25 =	vld.idx.msk [tilespmem:v23+s18+$0x0], $0xffff  }
0x337: {  	v28 =	vld.idx.msk [tilespmem:v23+s19+$0x0], $0xffff  }
0x338: {  	v26 =	vld.idx.msk [tilespmem:v24+s18+$0x0], $0xffff;
	v7 =	vsub.f32 v7, v8  }
0x339: {  	v29 =	vld.idx.msk [tilespmem:v24+s19+$0x0], $0xffff;
	v30 =	vsub.f32 v10, v11;
	v31 =	vsub.f32 v12, v13  }
0x33a: {  	v32 =	vsub.f32 v14, v15;
	v33 =	vsub.f32 v17, v18  }
0x33b: {  	v7 =	vadd.f32 $9.999999970e-07, v7;
	v8 =	vadd.f32 $9.999999970e-07, v30  }
0x33c: {  	v10 =	vadd.f32 $9.999999970e-07, v31;
	v11 =	vadd.f32 $9.999999970e-07, v32  }
0x33d: {  	v34 =	vsub.f32 v19, v20;
	v12 =	vadd.f32 $9.999999970e-07, v33  }
0x33e: {  	v7 =	vmul.f32 v7, v7;
	v35 =	vsub.f32 v25, v28;
	v36 =	vsub.f32 v26, v29  }
0x33f: {  	v8 =	vmul.f32 v8, v8;
	v10 =	vmul.f32 v10, v10;
	v13 =	vadd.f32 $9.999999970e-07, v34  }
0x340: {  	v11 =	vmul.f32 v11, v11;
	v14 =	vadd.f32 $9.999999970e-07, v35;
	v15 =	vadd.f32 $9.999999970e-07, v36  }
0x341: {  	v12 =	vmul.f32 v12, v12;
	v13 =	vmul.f32 v13, v13  }
0x342: {  	v14 =	vmul.f32 v14, v14;
	v15 =	vmul.f32 v15, v15  }
0x343: {  	v7 =	vadd.f32 v8, v7;
	v37 =	vadd.f32 v11, v10  }
0x344: {  	v38 =	vadd.f32 v13, v12;
	v39 =	vadd.f32 v15, v14  }
0x345: {  	v40 =	vadd.f32 v22, v21  }
0x346: {  	v7 =	vadd.f32 v37, v7;
	v41 =	vadd.f32 v39, v38;
	_ =	sdelay $0x1  }
0x347: {  	v42 =	vmax.f32 v40, $1.000000020e-24;
	v7 =	vadd.f32 v41, v7  }
0x348: {  	v43 =	vshrl.u32 v42, $0x1;
	v44 =	vmul.f32 $5.000000000e-01, v42  }
0x349: {  	v8 =	vsub.s32 $0x5F3759DF, v43;
	v7 =	vmax.f32 v7, $1.000000020e-24  }
0x34a: {  	v45 =	vmul.f32 v8, v44;
	v46 =	vshrl.u32 v7, $0x1;
	v47 =	vmul.f32 $5.000000000e-01, v7  }
0x34b: {  	v13 =	vsub.s32 $0x5F3759DF, v46  }
0x34c: {  	v12 =	vmul.f32 v8, v45;
	v48 =	vmul.f32 v13, v47;
	_ =	sdelay $0x1  }
0x34d: {  	v12 =	vsub.f32 $1.500000000e+00, v12;
	v15 =	vmul.f32 v13, v48;
	_ =	sdelay $0x1  }
0x34e: {  	v8 =	vmul.f32 v8, v12;
	v49 =	vsub.f32 $1.500000000e+00, v15;
	_ =	sdelay $0x1  }
0x34f: {  	v50 =	vmul.f32 v8, v44;
	v12 =	vmul.f32 v13, v49;
	_ =	sdelay $0x1  }
0x350: {  	v51 =	vmul.f32 v50, v8;
	v52 =	vmul.f32 v12, v47;
	_ =	sdelay $0x1  }
0x351: {  	v13 =	vsub.f32 $1.500000000e+00, v51;
	v15 =	vmul.f32 v52, v12  }
0x352: {  	v2 =	vor.u32 $0x8, v2  }
0x353: {  	v8 =	vmul.f32 v13, v8;
	v53 =	vsub.f32 $1.500000000e+00, v15  }
0x354: {  	v54 =	vmul.f32 v16, v9;
	v4 =	vor.u32 $0x8, v4  }
0x355: {  	v11 =	vmul.f32 v8, v44;
	v12 =	vmul.f32 v53, v12  }
0x356: {  	v55 =	vsub.f32 $1.500000000e+00, v54  }
0x357: {  	v56 =	vld.idx.msk [tilespmem:v2+s18+$0x0], $0xffff;
	v11 =	vmul.f32 v11, v8;
	v14 =	vmul.f32 v12, v47  }
0x358: {  	v57 =	vmul.f32 v55, v9;
	v2 =	vld.idx.msk [tilespmem:v2+s19+$0x0], $0xffff  }
0x359: {  	v58 =	vld.idx.msk [tilespmem:v4+s18+$0x0], $0xffff;
	v11 =	vsub.f32 $1.500000000e+00, v11;
	v14 =	vmul.f32 v14, v12  }
0x35a: {  	v5 =	vadd.f32 v6, v5;
	v4 =	vld.idx.msk [tilespmem:v4+s19+$0x0], $0xffff;
	v3 =	vmul.f32 v57, v3  }
0x35b: {  	v59 =	vmul.f32 v11, v8;
	v60 =	vsub.f32 $1.500000000e+00, v14  }
0x35c: {  	v3 =	vsub.f32 v5, v3  }
0x35d: {  	v2 =	vadd.f32 v2, v56;
	v61 =	vmul.f32 v59, v42;
	v62 =	vmul.f32 v60, v12  }
0x35e: {  	v1 =	vadd.f32 v3, v1  }
0x35f: {  	v3 =	vadd.f32 v4, v58;
	v2 =	vsub.f32 v2, v61;
	v63 =	vmul.f32 v62, v7;
	_ =	sdelay $0x1  }
0x360: {  	v1 =	vadd.f32 v2, v1;
	v2 =	vsub.f32 v3, v63;
	_ =	sdelay $0x1  }
0x361: {  	v1 =	vadd.f32 v2, v1;
	_ =	sdelay $0x1  }
0x362: {  	s13 =	rddreg [dreg:$0x9];
	s14 =	simm.s32 $0x1BA00;
	[tilespmem:$0x1BA00] =	vst v1  }
0x363: {  	[hbm4b:s13+s4] =	stream.linear.scatter [tilespmem:s14], [sflag:$0x5], $0x10, $0x38;
	[tilespmem:$0x1BA10] =	vst v63  }
0x364: {  	_ =	swait.ge [sflag:s15], $0x10  }
0x365: {  	s21 =	rddreg [dreg:$0xb]  }
0x366: {  	s22 =	rddreg [dreg:$0xa];
	s14 =	sadd.s32 $0x1, s21  }
0x367: {  	p0 =	sne.s32 s14, s22  }
.Ltmp5:
0x368: {  	_ = 	snop;
	(pc) =	sbr.rel @p0 .LBB2_1-.Ltmp5, $3  }
0x369: {  	_ =	sdelay $0x1  }
0x36a: {  	[sflag:s15] =	ssyncset.done $0x0  }
0x36b: {  	[sflag:s15] =	ssyncadd.s32 $0xFFFFFFF0  }
0x36c: {  	_ =	sfence.sel $0x180000  }
0x36d: {  	[bflag:$0x0] =	sbarrier.arrive $0xFFFF  }
0x36e: {  	_ =	strace $0x9000004A  }
0x36f: {  	s0 =	stileid.u32;
	[bflag:$0x2] =	sbarrier.arrive $0xFFFF  }
0x370: {  	p0 =	sne.s32 s0, $0x0;
	s0 =	rddreg [dreg:$0x3]  }
0x371: {  	s0 =	sadd.s32 @!p0 $0x100000, s0  }
0x372: {  	[sflag:s0] =	ssyncadd.tile.s32 @!p0 $0x1;
	_ =	shalt  }
.Lfunc_end2:
_tile_overlayer_lowered:
.L_overlay_start_2:
0x373: {  	(tag) =	ssettag $0x2  }
0x374: {  	s0 =	rddreg [dreg:$0x0];
	s2 =	stileid.u32  }
0x375: {  	s1 =	rddreg [dreg:$0x1];
	p0 =	sne.s32 s2, $0x0  }
0x376: {  	s3 =	rddreg [dreg:$0x2];
	[bflag:$0x3] =	sbarrier.arrive $0xFFFF;
	s2 =	simm.s32 @!p0 $0x1C05  }
0x377: {  	[timem:s3], [sflag:s2] =	dma.local @!p0 [hbm:s0], s1  }
0x378: {  	s0 =	simm.s32 @!p0 $0x5  }
0x379: {  	_ =	swait.ge @!p0 [sflag:s0], s1  }
0x37a: {  	s1 =	ssub.s32 @!p0 $0x0, s1;
	[sflag:s0] =	ssyncset.done @!p0 $0x0  }
0x37b: {  	[sflag:s0] =	ssyncadd.s32 @!p0 s1  }
0x37c: {  	[bflag:$0x3] =	sbarrier.arrive $0xFFFF  }
0x37d: {  	_ =	shalt  }

</sc_bundles>
